<compile_context>
chip_gen: v7x
topology: tpu7x:2x2x1
jax: 0.10.2.dev20260603
libtpu: 0.0.44.dev20260713+nightly
codegen_flags: <defaults>
</compile_context>

<pallas_src>
import functools

import jax
import jax.numpy as jnp
from jax import lax
from jax.experimental import pallas as pl
from jax.experimental.pallas import tpu as pltpu
from jax.experimental.pallas import tpu_sc as plsc

_L = 16
_B = 128


@functools.partial(jax.jit, static_argnums=(3,))
def _probe_gather(ftab, px, py, planes):
    rows, w = ftab.shape
    h = rows // planes
    p_count = px.shape[0]
    info = plsc.get_sparse_core_info()
    nw = info.num_cores * info.num_subcores
    ppw = p_count // nw
    pchunks = planes // _L
    half = planes // 2

    mesh = plsc.VectorSubcoreMesh(core_axis_name="c", subcore_axis_name="s")

    @functools.partial(
        pl.kernel,
        out_type=jax.ShapeDtypeStruct((p_count, planes), jnp.float32),
        mesh=mesh,
        compiler_params=pltpu.CompilerParams(needs_layout_passes=False),
        scratch_types=[
            pltpu.VMEM((p_count + _L,), jnp.int32),
            pltpu.VMEM((p_count + _L,), jnp.int32),
            pltpu.VMEM((ppw * 2, half), jnp.int32),
            pltpu.VMEM((3 * planes, _B), jnp.float32),
            pltpu.VMEM((ppw, planes), jnp.float32),
            pltpu.SemaphoreType.DMA,
            pltpu.SemaphoreType.DMA,
            pltpu.SemaphoreType.DMA,
        ],
    )
    def k(ftab_hbm, px_hbm, py_hbm, out_hbm, px_v, py_v, ridx_v,
          gran_v, out_v, sem0, sem1, sem2):
        wid = lax.axis_index("s") * info.num_cores + lax.axis_index("c")
        base = wid * ppw
        pltpu.sync_copy(px_hbm, px_v.at[pl.ds(0, p_count)])
        pltpu.sync_copy(py_hbm, py_v.at[pl.ds(0, p_count)])

        lane = lax.iota(jnp.int32, _L)
        sems = [sem0, sem1, sem2]

        def fire(j):
            buf = j % 3
            sx = px_v[pl.ds(base + j, _L)][0]
            sy = py_v[pl.ds(base + j, _L)][0]
            ystart = pl.multiple_of((sy >> 7) << 7, _B)
            hc = pchunks // 2

            def idx_body(c, _, j=j, sx=sx):
                pv = lane + c * _L
                ridx_v[j * 2 + c // hc, pl.ds((c % hc) * _L, _L)] = pv * h + sx
                return 0

            lax.fori_loop(0, pchunks, idx_body, 0)
            cps = []
            for hb in range(2):
                cp = pltpu.make_async_copy(
                    ftab_hbm.at[ridx_v.at[j * 2 + hb], pl.ds(ystart, _B)],
                    gran_v.at[pl.ds((buf * 2 + hb) * half, half)],
                    sems[buf],
                )
                cp.start()
                cps.append(cp)
            return cps

        def select(j, cps):
            buf = j % 3
            for cp in cps:
                cp.wait()
            sy = py_v[pl.ds(base + j, _L)][0]
            off = jnp.full((_L,), sy & (_B - 1), jnp.int32)

            def sel_body(c, _, j=j, buf=buf, off=off):
                rbase = buf * planes + c * _L
                out_v[j, pl.ds(c * _L, _L)] = plsc.load_gather(
                    gran_v, [lane + rbase, off]
                )
                return 0

            lax.fori_loop(0, pchunks, sel_body, 0)

        depth = 3
        pend = [fire(j) for j in range(min(depth, ppw))]
        for j in range(ppw):
            select(j, pend[j])
            if j + depth < ppw:
                pend.append(fire(j + depth))

        pltpu.sync_copy(out_v, out_hbm.at[pl.ds(base, ppw)])

    return k(ftab, px, py)


def kernel(field, probe_x, probe_y):
    b, ch, h, w = field.shape
    p_count = probe_x.shape[0]
    planes = b * ch
    ftab = field.reshape(planes * h, w)
    px = probe_x.astype(jnp.int32)
    py = probe_y.astype(jnp.int32)
    out = _probe_gather(ftab, px, py, planes)
    return out.T.reshape(b, ch, p_count)

# --- scband reference (transcript-rebuilt; emitter-appended) ---
"""Pipeline reference for scband-wave-probe-51032801411831 (READ-ONLY COPY).

The authoritative reference and input builder live on the scoring server;
editing this copy changes nothing except your own understanding.
"""

import jax, jax.numpy as jnp
import numpy as np

P = 128

def setup_inputs(seed: int = 0) -> dict:
    key = jax.random.key(seed)
    field = jax.random.normal(key, (8, 32, 512, 512), dtype=jnp.float32)
    probe_x = (jnp.arange(P, dtype=jnp.int64) * 4).astype(jnp.int64)
    probe_y = (508 - jnp.arange(P, dtype=jnp.int64) * 4).astype(jnp.int64)
    return {"field": field, "probe_x": probe_x, "probe_y": probe_y}

def reference(field, probe_x, probe_y):
    # WaveProbe.forward: x[:, :, self.x, self.y]
    # advanced indexing with two 1-D int arrays -> gather of P probe traces
    return field[:, :, probe_x, probe_y]

if __name__ == "__main__":
    import jax
    _d = setup_inputs()
    print(jax.jit(kernel)(*tuple(_d.values())))

</pallas_src>

<mosaic_0001>
#map = affine_map<(d0, d1) -> (0, 0)>
#map1 = affine_map<(d0, d1) -> (0)>
module attributes {stable_mosaic.version = 14 : i64} {
  func.func @k(%arg0: i32, %arg1: i32, %arg2: memref<131072x512xf32, #tpu.memory_space<hbm>>, %arg3: memref<128xi32, #tpu.memory_space<hbm>>, %arg4: memref<128xi32, #tpu.memory_space<hbm>>, %arg5: memref<128x256xf32, #tpu.memory_space<hbm>>, %arg6: memref<144xi32, #tpu.memory_space<vmem>>, %arg7: memref<144xi32, #tpu.memory_space<vmem>>, %arg8: memref<8x128xi32, #tpu.memory_space<vmem>>, %arg9: memref<768x128xf32, #tpu.memory_space<vmem>>, %arg10: memref<4x256xf32, #tpu.memory_space<vmem>>, %arg11: memref<!tpu.dma_semaphore, #tpu.memory_space<semaphore_mem>>, %arg12: memref<!tpu.dma_semaphore, #tpu.memory_space<semaphore_mem>>, %arg13: memref<!tpu.dma_semaphore, #tpu.memory_space<semaphore_mem>>) attributes {dimension_semantics = [#tpu.dimension_semantics<core_parallel>, #tpu.dimension_semantics<subcore_parallel>], iteration_bounds = array<i64: 2, 16>, scalar_prefetch = 0 : i64, scratch_operands = 8 : i64, tpu.core_type = #tpu.core_type<sc_vector_subcore>, window_params = [{transform_indices = #map}, {transform_indices = #map1}, {transform_indices = #map1}, {transform_indices = #map}]} {
    %mul3A = arith.constant 2 : i32
    %mul3A_0 = arith.muli %arg1, %mul3A : i32
    %add3A = arith.addi %mul3A_0, %arg0 : i32
    %mul3A_1 = arith.constant 4 : i32
    %mul3A_2 = arith.muli %add3A, %mul3A_1 : i32
    "tpu.region"() ({
      %run_scoped3A = tpu.sem_alloc : memref<!tpu.dma_semaphore, #tpu.memory_space<semaphore_mem>>
      %dma_start3A_296 = arith.constant 0 : i32
      %dma_start3A_297 = tpu.memref_slice %arg6[%dma_start3A_296] : memref<144xi32, #tpu.memory_space<vmem>> -> memref<128xi32, #tpu.memory_space<vmem>>
      %dma_start3A_298 = arith.constant 0 : i32
      %dma_start3A_299 = tpu.memref_slice %arg6[%dma_start3A_298] : memref<144xi32, #tpu.memory_space<vmem>> -> memref<128xi32, #tpu.memory_space<vmem>>
      tpu.enqueue_dma source(%arg3 : memref<128xi32, #tpu.memory_space<hbm>>) target(%dma_start3A_299 : memref<128xi32, #tpu.memory_space<vmem>>) target_semaphore(%run_scoped3A : memref<!tpu.dma_semaphore, #tpu.memory_space<semaphore_mem>>)
      %dma_wait3A_300 = arith.constant 0 : i32
      %dma_wait3A_301 = tpu.memref_slice %arg6[%dma_wait3A_300] : memref<144xi32, #tpu.memory_space<vmem>> -> memref<128xi32, #tpu.memory_space<vmem>>
      %dma_wait3A_302 = arith.constant 0 : i32
      %dma_wait3A_303 = tpu.memref_slice %arg6[%dma_wait3A_302] : memref<144xi32, #tpu.memory_space<vmem>> -> memref<128xi32, #tpu.memory_space<vmem>>
      tpu.wait_dma2 semaphore(%run_scoped3A : memref<!tpu.dma_semaphore, #tpu.memory_space<semaphore_mem>>) src(%arg3 : memref<128xi32, #tpu.memory_space<hbm>>) dst(%dma_wait3A_303 : memref<128xi32, #tpu.memory_space<vmem>>)
      tpu.yield
    }) : () -> ()
    "tpu.region"() ({
      %run_scoped3A = tpu.sem_alloc : memref<!tpu.dma_semaphore, #tpu.memory_space<semaphore_mem>>
      %dma_start3A_296 = arith.constant 0 : i32
      %dma_start3A_297 = tpu.memref_slice %arg7[%dma_start3A_296] : memref<144xi32, #tpu.memory_space<vmem>> -> memref<128xi32, #tpu.memory_space<vmem>>
      %dma_start3A_298 = arith.constant 0 : i32
      %dma_start3A_299 = tpu.memref_slice %arg7[%dma_start3A_298] : memref<144xi32, #tpu.memory_space<vmem>> -> memref<128xi32, #tpu.memory_space<vmem>>
      tpu.enqueue_dma source(%arg4 : memref<128xi32, #tpu.memory_space<hbm>>) target(%dma_start3A_299 : memref<128xi32, #tpu.memory_space<vmem>>) target_semaphore(%run_scoped3A : memref<!tpu.dma_semaphore, #tpu.memory_space<semaphore_mem>>)
      %dma_wait3A_300 = arith.constant 0 : i32
      %dma_wait3A_301 = tpu.memref_slice %arg7[%dma_wait3A_300] : memref<144xi32, #tpu.memory_space<vmem>> -> memref<128xi32, #tpu.memory_space<vmem>>
      %dma_wait3A_302 = arith.constant 0 : i32
      %dma_wait3A_303 = tpu.memref_slice %arg7[%dma_wait3A_302] : memref<144xi32, #tpu.memory_space<vmem>> -> memref<128xi32, #tpu.memory_space<vmem>>
      tpu.wait_dma2 semaphore(%run_scoped3A : memref<!tpu.dma_semaphore, #tpu.memory_space<semaphore_mem>>) src(%arg4 : memref<128xi32, #tpu.memory_space<hbm>>) dst(%dma_wait3A_303 : memref<128xi32, #tpu.memory_space<vmem>>)
      tpu.yield
    }) : () -> ()
    %iota3A = tpu.iota {dimensions = array<i32: 0>} : vector<16xi32>
    %add3A_3 = arith.constant 0 : i32
    %add3A_4 = arith.addi %mul3A_2, %add3A_3 : i32
    %get3A = arith.index_cast %add3A_4 : i32 to index
    %get3A_5 = tpu.vector_load %arg6[%get3A] {strides = array<i32>} : memref<144xi32, #tpu.memory_space<vmem>>, vector<16xi32>,
    %slice3A = vector.extract_strided_slice %get3A_5 {offsets = [0], sizes = [1], strides = [1]} : vector<16xi32> to vector<1xi32>
    %squeeze3A = vector.extract %slice3A[0] : i32 from vector<1xi32>
    %add3A_6 = arith.constant 0 : i32
    %add3A_7 = arith.addi %mul3A_2, %add3A_6 : i32
    %get3A_8 = arith.index_cast %add3A_7 : i32 to index
    %get3A_9 = tpu.vector_load %arg7[%get3A_8] {strides = array<i32>} : memref<144xi32, #tpu.memory_space<vmem>>, vector<16xi32>,
    %slice3A_10 = vector.extract_strided_slice %get3A_9 {offsets = [0], sizes = [1], strides = [1]} : vector<16xi32> to vector<1xi32>
    %squeeze3A_11 = vector.extract %slice3A_10[0] : i32 from vector<1xi32>
    %shift_right_arithmetic3A = arith.constant 7 : i32
    %shift_right_arithmetic3A_12 = arith.shrsi %squeeze3A_11, %shift_right_arithmetic3A : i32
    %shift_left3A = arith.constant 7 : i32
    %shift_left3A_13 = arith.shli %shift_right_arithmetic3A_12, %shift_left3A : i32
    %multiple_of3A = tpu.assume_multiple %shift_left3A_13, 128 : i32
    %scan3A = arith.constant 0 : i32
    %scan3A_14 = arith.constant 0 : i32
    %scan3A_15 = arith.constant 16 : i32
    %scan3A_16 = arith.addi %scan3A_14, %scan3A_15 : i32
    %scan3A_17 = arith.constant 1 : i32
    %scan3A_18 = scf.for %scan3A_296 = %scan3A_14 to %scan3A_16 step %scan3A_17 iter_args(%scan3A_297 = %scan3A) -> (i32)  : i32 {
      %mul3A_298 = arith.constant 16 : i32
      %mul3A_299 = arith.muli %scan3A_296, %mul3A_298 : i32
      %add3A_300 = vector.broadcast %mul3A_299 : i32 to vector<16xi32>
      %add3A_301 = arith.addi %iota3A, %add3A_300 : vector<16xi32>
      %mul3A_302 = arith.constant 512 : i32
      %mul3A_303 = vector.broadcast %mul3A_302 : i32 to vector<16xi32>
      %mul3A_304 = arith.muli %add3A_301, %mul3A_303 : vector<16xi32>
      %add3A_305 = vector.broadcast %squeeze3A : i32 to vector<16xi32>
      %add3A_306 = arith.addi %mul3A_304, %add3A_305 : vector<16xi32>
      %jit3A = arith.constant 8 : i32
      %div3A = arith.divsi %scan3A_296, %jit3A : i32
      %sign3A = arith.constant 0 : i32
      %sign3A_307 = arith.cmpi sgt, %scan3A_296, %sign3A : i32
      %sign3A_308 = arith.extui %sign3A_307 : i1 to i32
      %sign3A_309 = arith.constant 0 : i32
      %sign3A_310 = arith.cmpi slt, %scan3A_296, %sign3A_309 : i32
      %sign3A_311 = arith.extui %sign3A_310 : i1 to i32
      %sign3A_312 = arith.subi %sign3A_308, %sign3A_311 : i32
      %sign3A_313 = arith.constant 0 : i32
      %sign3A_314 = arith.cmpi sgt, %jit3A, %sign3A_313 : i32
      %sign3A_315 = arith.extui %sign3A_314 : i1 to i32
      %sign3A_316 = arith.constant 0 : i32
      %sign3A_317 = arith.cmpi slt, %jit3A, %sign3A_316 : i32
      %sign3A_318 = arith.extui %sign3A_317 : i1 to i32
      %sign3A_319 = arith.subi %sign3A_315, %sign3A_318 : i32
      %ne3A = arith.cmpi ne, %sign3A_312, %sign3A_319 : i32
      %rem3A = arith.remsi %scan3A_296, %jit3A : i32
      %ne3A_320 = arith.constant 0 : i32
      %ne3A_321 = arith.cmpi ne, %rem3A, %ne3A_320 : i32
      %and3A_322 = arith.andi %ne3A, %ne3A_321 : i1
      %sub3A = arith.constant 1 : i32
      %sub3A_323 = arith.subi %div3A, %sub3A : i32
      %select_n3A = arith.select %and3A_322, %sub3A_323, %div3A : i32
      %add3A_324 = arith.constant 0 : i32
      %add3A_325 = arith.addi %add3A_324, %select_n3A : i32
      %jit3A_326 = arith.constant 8 : i32
      %eq3A = arith.constant 0 : i32
      %eq3A_327 = arith.cmpi eq, %jit3A_326, %eq3A : i32
      %jit3A_328 = arith.constant 1 : i32
      %select_n3A_329 = arith.select %eq3A_327, %jit3A_328, %jit3A_326 : i32
      %rem3A_330 = arith.remsi %scan3A_296, %select_n3A_329 : i32
      %ne3A_331 = arith.constant 0 : i32
      %ne3A_332 = arith.cmpi ne, %rem3A_330, %ne3A_331 : i32
      %lt3A = arith.constant 0 : i32
      %lt3A_333 = arith.cmpi slt, %rem3A_330, %lt3A : i32
      %lt3A_334 = arith.constant 0 : i32
      %lt3A_335 = arith.cmpi slt, %select_n3A_329, %lt3A_334 : i32
      %ne3A_336 = arith.xori %lt3A_333, %lt3A_335 : i1
      %and3A_337 = arith.andi %ne3A_336, %ne3A_332 : i1
      %add3A_338 = arith.addi %rem3A_330, %select_n3A_329 : i32
      %select_n3A_339 = arith.select %and3A_337, %add3A_338, %rem3A_330 : i32
      %mul3A_340 = arith.constant 16 : i32
      %mul3A_341 = arith.muli %select_n3A_339, %mul3A_340 : i32
      %swap3A = arith.index_cast %add3A_325 : i32 to index
      %swap3A_342 = arith.index_cast %mul3A_341 : i32 to index
      %swap3A_343 = tpu.vector_load %arg8[%swap3A, %swap3A_342] {strides = array<i32>} : memref<8x128xi32, #tpu.memory_space<vmem>>, vector<16xi32>,
      tpu.vector_store %arg8[%swap3A, %swap3A_342], %add3A_306 {strides = array<i32>} : memref<8x128xi32, #tpu.memory_space<vmem>>, vector<16xi32>,
      %scan3A_344 = arith.constant 0 : i32
      scf.yield %scan3A_344 : i32
    }
    %scan3A_19 = arith.constant 16 : i32
    %dma_start3A = arith.constant 0 : i32
    %dma_start3A_20 = arith.constant 0 : i32
    %dma_start3A_21 = arith.constant 0 : i32
    %dma_start3A_22 = tpu.memref_slice %arg9[%dma_start3A_20, %dma_start3A_21] : memref<768x128xf32, #tpu.memory_space<vmem>> -> memref<128x128xf32, #tpu.memory_space<vmem>>
    %dma_start3A_23 = arith.constant 0 : i32
    %dma_start3A_24 = tpu.memref_slice %arg8[%dma_start3A, %dma_start3A_23] : memref<8x128xi32, #tpu.memory_space<vmem>> -> memref<1x128xi32, #tpu.memory_space<vmem>>
    %dma_start3A_25 = tpu.memref_squeeze %dma_start3A_24 : memref<1x128xi32, #tpu.memory_space<vmem>> -> memref<128xi32, #tpu.memory_space<vmem>>
    %dma_start3A_26 = arith.constant 0 : i32
    %dma_start3A_27 = tpu.memref_slice %arg2[%dma_start3A_26, %multiple_of3A] : memref<131072x512xf32, #tpu.memory_space<hbm>> -> memref<131072x128xf32, #tpu.memory_space<hbm>>
    tpu.enqueue_indirect_dma source(%dma_start3A_27 : memref<131072x128xf32, #tpu.memory_space<hbm>>) target(%dma_start3A_22 : memref<128x128xf32, #tpu.memory_space<vmem>>) offsets(%dma_start3A_25 : memref<128xi32, #tpu.memory_space<vmem>>) semaphore(%arg11 : memref<!tpu.dma_semaphore, #tpu.memory_space<semaphore_mem>>)
    %dma_start3A_28 = arith.constant 1 : i32
    %dma_start3A_29 = arith.constant 128 : i32
    %dma_start3A_30 = arith.constant 0 : i32
    %dma_start3A_31 = tpu.memref_slice %arg9[%dma_start3A_29, %dma_start3A_30] : memref<768x128xf32, #tpu.memory_space<vmem>> -> memref<128x128xf32, #tpu.memory_space<vmem>>
    %dma_start3A_32 = arith.constant 0 : i32
    %dma_start3A_33 = tpu.memref_slice %arg8[%dma_start3A_28, %dma_start3A_32] : memref<8x128xi32, #tpu.memory_space<vmem>> -> memref<1x128xi32, #tpu.memory_space<vmem>>
    %dma_start3A_34 = tpu.memref_squeeze %dma_start3A_33 : memref<1x128xi32, #tpu.memory_space<vmem>> -> memref<128xi32, #tpu.memory_space<vmem>>
    %dma_start3A_35 = arith.constant 0 : i32
    %dma_start3A_36 = tpu.memref_slice %arg2[%dma_start3A_35, %multiple_of3A] : memref<131072x512xf32, #tpu.memory_space<hbm>> -> memref<131072x128xf32, #tpu.memory_space<hbm>>
    tpu.enqueue_indirect_dma source(%dma_start3A_36 : memref<131072x128xf32, #tpu.memory_space<hbm>>) target(%dma_start3A_31 : memref<128x128xf32, #tpu.memory_space<vmem>>) offsets(%dma_start3A_34 : memref<128xi32, #tpu.memory_space<vmem>>) semaphore(%arg11 : memref<!tpu.dma_semaphore, #tpu.memory_space<semaphore_mem>>)
    %add3A_37 = arith.constant 1 : i32
    %add3A_38 = arith.addi %mul3A_2, %add3A_37 : i32
    %get3A_39 = arith.index_cast %add3A_38 : i32 to index
    %get3A_40 = tpu.vector_load %arg6[%get3A_39] {strides = array<i32>} : memref<144xi32, #tpu.memory_space<vmem>>, vector<16xi32>,
    %slice3A_41 = vector.extract_strided_slice %get3A_40 {offsets = [0], sizes = [1], strides = [1]} : vector<16xi32> to vector<1xi32>
    %squeeze3A_42 = vector.extract %slice3A_41[0] : i32 from vector<1xi32>
    %add3A_43 = arith.constant 1 : i32
    %add3A_44 = arith.addi %mul3A_2, %add3A_43 : i32
    %get3A_45 = arith.index_cast %add3A_44 : i32 to index
    %get3A_46 = tpu.vector_load %arg7[%get3A_45] {strides = array<i32>} : memref<144xi32, #tpu.memory_space<vmem>>, vector<16xi32>,
    %slice3A_47 = vector.extract_strided_slice %get3A_46 {offsets = [0], sizes = [1], strides = [1]} : vector<16xi32> to vector<1xi32>
    %squeeze3A_48 = vector.extract %slice3A_47[0] : i32 from vector<1xi32>
    %shift_right_arithmetic3A_49 = arith.constant 7 : i32
    %shift_right_arithmetic3A_50 = arith.shrsi %squeeze3A_48, %shift_right_arithmetic3A_49 : i32
    %shift_left3A_51 = arith.constant 7 : i32
    %shift_left3A_52 = arith.shli %shift_right_arithmetic3A_50, %shift_left3A_51 : i32
    %multiple_of3A_53 = tpu.assume_multiple %shift_left3A_52, 128 : i32
    %scan3A_54 = arith.constant 0 : i32
    %scan3A_55 = arith.constant 0 : i32
    %scan3A_56 = arith.constant 16 : i32
    %scan3A_57 = arith.addi %scan3A_55, %scan3A_56 : i32
    %scan3A_58 = arith.constant 1 : i32
    %scan3A_59 = scf.for %scan3A_296 = %scan3A_55 to %scan3A_57 step %scan3A_58 iter_args(%scan3A_297 = %scan3A_54) -> (i32)  : i32 {
      %mul3A_298 = arith.constant 16 : i32
      %mul3A_299 = arith.muli %scan3A_296, %mul3A_298 : i32
      %add3A_300 = vector.broadcast %mul3A_299 : i32 to vector<16xi32>
      %add3A_301 = arith.addi %iota3A, %add3A_300 : vector<16xi32>
      %mul3A_302 = arith.constant 512 : i32
      %mul3A_303 = vector.broadcast %mul3A_302 : i32 to vector<16xi32>
      %mul3A_304 = arith.muli %add3A_301, %mul3A_303 : vector<16xi32>
      %add3A_305 = vector.broadcast %squeeze3A_42 : i32 to vector<16xi32>
      %add3A_306 = arith.addi %mul3A_304, %add3A_305 : vector<16xi32>
      %jit3A = arith.constant 8 : i32
      %div3A = arith.divsi %scan3A_296, %jit3A : i32
      %sign3A = arith.constant 0 : i32
      %sign3A_307 = arith.cmpi sgt, %scan3A_296, %sign3A : i32
      %sign3A_308 = arith.extui %sign3A_307 : i1 to i32
      %sign3A_309 = arith.constant 0 : i32
      %sign3A_310 = arith.cmpi slt, %scan3A_296, %sign3A_309 : i32
      %sign3A_311 = arith.extui %sign3A_310 : i1 to i32
      %sign3A_312 = arith.subi %sign3A_308, %sign3A_311 : i32
      %sign3A_313 = arith.constant 0 : i32
      %sign3A_314 = arith.cmpi sgt, %jit3A, %sign3A_313 : i32
      %sign3A_315 = arith.extui %sign3A_314 : i1 to i32
      %sign3A_316 = arith.constant 0 : i32
      %sign3A_317 = arith.cmpi slt, %jit3A, %sign3A_316 : i32
      %sign3A_318 = arith.extui %sign3A_317 : i1 to i32
      %sign3A_319 = arith.subi %sign3A_315, %sign3A_318 : i32
      %ne3A = arith.cmpi ne, %sign3A_312, %sign3A_319 : i32
      %rem3A = arith.remsi %scan3A_296, %jit3A : i32
      %ne3A_320 = arith.constant 0 : i32
      %ne3A_321 = arith.cmpi ne, %rem3A, %ne3A_320 : i32
      %and3A_322 = arith.andi %ne3A, %ne3A_321 : i1
      %sub3A = arith.constant 1 : i32
      %sub3A_323 = arith.subi %div3A, %sub3A : i32
      %select_n3A = arith.select %and3A_322, %sub3A_323, %div3A : i32
      %add3A_324 = arith.constant 2 : i32
      %add3A_325 = arith.addi %add3A_324, %select_n3A : i32
      %jit3A_326 = arith.constant 8 : i32
      %eq3A = arith.constant 0 : i32
      %eq3A_327 = arith.cmpi eq, %jit3A_326, %eq3A : i32
      %jit3A_328 = arith.constant 1 : i32
      %select_n3A_329 = arith.select %eq3A_327, %jit3A_328, %jit3A_326 : i32
      %rem3A_330 = arith.remsi %scan3A_296, %select_n3A_329 : i32
      %ne3A_331 = arith.constant 0 : i32
      %ne3A_332 = arith.cmpi ne, %rem3A_330, %ne3A_331 : i32
      %lt3A = arith.constant 0 : i32
      %lt3A_333 = arith.cmpi slt, %rem3A_330, %lt3A : i32
      %lt3A_334 = arith.constant 0 : i32
      %lt3A_335 = arith.cmpi slt, %select_n3A_329, %lt3A_334 : i32
      %ne3A_336 = arith.xori %lt3A_333, %lt3A_335 : i1
      %and3A_337 = arith.andi %ne3A_336, %ne3A_332 : i1
      %add3A_338 = arith.addi %rem3A_330, %select_n3A_329 : i32
      %select_n3A_339 = arith.select %and3A_337, %add3A_338, %rem3A_330 : i32
      %mul3A_340 = arith.constant 16 : i32
      %mul3A_341 = arith.muli %select_n3A_339, %mul3A_340 : i32
      %swap3A = arith.index_cast %add3A_325 : i32 to index
      %swap3A_342 = arith.index_cast %mul3A_341 : i32 to index
      %swap3A_343 = tpu.vector_load %arg8[%swap3A, %swap3A_342] {strides = array<i32>} : memref<8x128xi32, #tpu.memory_space<vmem>>, vector<16xi32>,
      tpu.vector_store %arg8[%swap3A, %swap3A_342], %add3A_306 {strides = array<i32>} : memref<8x128xi32, #tpu.memory_space<vmem>>, vector<16xi32>,
      %scan3A_344 = arith.constant 0 : i32
      scf.yield %scan3A_344 : i32
    }
    %scan3A_60 = arith.constant 16 : i32
    %dma_start3A_61 = arith.constant 2 : i32
    %dma_start3A_62 = arith.constant 256 : i32
    %dma_start3A_63 = arith.constant 0 : i32
    %dma_start3A_64 = tpu.memref_slice %arg9[%dma_start3A_62, %dma_start3A_63] : memref<768x128xf32, #tpu.memory_space<vmem>> -> memref<128x128xf32, #tpu.memory_space<vmem>>
    %dma_start3A_65 = arith.constant 0 : i32
    %dma_start3A_66 = tpu.memref_slice %arg8[%dma_start3A_61, %dma_start3A_65] : memref<8x128xi32, #tpu.memory_space<vmem>> -> memref<1x128xi32, #tpu.memory_space<vmem>>
    %dma_start3A_67 = tpu.memref_squeeze %dma_start3A_66 : memref<1x128xi32, #tpu.memory_space<vmem>> -> memref<128xi32, #tpu.memory_space<vmem>>
    %dma_start3A_68 = arith.constant 0 : i32
    %dma_start3A_69 = tpu.memref_slice %arg2[%dma_start3A_68, %multiple_of3A_53] : memref<131072x512xf32, #tpu.memory_space<hbm>> -> memref<131072x128xf32, #tpu.memory_space<hbm>>
    tpu.enqueue_indirect_dma source(%dma_start3A_69 : memref<131072x128xf32, #tpu.memory_space<hbm>>) target(%dma_start3A_64 : memref<128x128xf32, #tpu.memory_space<vmem>>) offsets(%dma_start3A_67 : memref<128xi32, #tpu.memory_space<vmem>>) semaphore(%arg12 : memref<!tpu.dma_semaphore, #tpu.memory_space<semaphore_mem>>)
    %dma_start3A_70 = arith.constant 3 : i32
    %dma_start3A_71 = arith.constant 384 : i32
    %dma_start3A_72 = arith.constant 0 : i32
    %dma_start3A_73 = tpu.memref_slice %arg9[%dma_start3A_71, %dma_start3A_72] : memref<768x128xf32, #tpu.memory_space<vmem>> -> memref<128x128xf32, #tpu.memory_space<vmem>>
    %dma_start3A_74 = arith.constant 0 : i32
    %dma_start3A_75 = tpu.memref_slice %arg8[%dma_start3A_70, %dma_start3A_74] : memref<8x128xi32, #tpu.memory_space<vmem>> -> memref<1x128xi32, #tpu.memory_space<vmem>>
    %dma_start3A_76 = tpu.memref_squeeze %dma_start3A_75 : memref<1x128xi32, #tpu.memory_space<vmem>> -> memref<128xi32, #tpu.memory_space<vmem>>
    %dma_start3A_77 = arith.constant 0 : i32
    %dma_start3A_78 = tpu.memref_slice %arg2[%dma_start3A_77, %multiple_of3A_53] : memref<131072x512xf32, #tpu.memory_space<hbm>> -> memref<131072x128xf32, #tpu.memory_space<hbm>>
    tpu.enqueue_indirect_dma source(%dma_start3A_78 : memref<131072x128xf32, #tpu.memory_space<hbm>>) target(%dma_start3A_73 : memref<128x128xf32, #tpu.memory_space<vmem>>) offsets(%dma_start3A_76 : memref<128xi32, #tpu.memory_space<vmem>>) semaphore(%arg12 : memref<!tpu.dma_semaphore, #tpu.memory_space<semaphore_mem>>)
    %add3A_79 = arith.constant 2 : i32
    %add3A_80 = arith.addi %mul3A_2, %add3A_79 : i32
    %get3A_81 = arith.index_cast %add3A_80 : i32 to index
    %get3A_82 = tpu.vector_load %arg6[%get3A_81] {strides = array<i32>} : memref<144xi32, #tpu.memory_space<vmem>>, vector<16xi32>,
    %slice3A_83 = vector.extract_strided_slice %get3A_82 {offsets = [0], sizes = [1], strides = [1]} : vector<16xi32> to vector<1xi32>
    %squeeze3A_84 = vector.extract %slice3A_83[0] : i32 from vector<1xi32>
    %add3A_85 = arith.constant 2 : i32
    %add3A_86 = arith.addi %mul3A_2, %add3A_85 : i32
    %get3A_87 = arith.index_cast %add3A_86 : i32 to index
    %get3A_88 = tpu.vector_load %arg7[%get3A_87] {strides = array<i32>} : memref<144xi32, #tpu.memory_space<vmem>>, vector<16xi32>,
    %slice3A_89 = vector.extract_strided_slice %get3A_88 {offsets = [0], sizes = [1], strides = [1]} : vector<16xi32> to vector<1xi32>
    %squeeze3A_90 = vector.extract %slice3A_89[0] : i32 from vector<1xi32>
    %shift_right_arithmetic3A_91 = arith.constant 7 : i32
    %shift_right_arithmetic3A_92 = arith.shrsi %squeeze3A_90, %shift_right_arithmetic3A_91 : i32
    %shift_left3A_93 = arith.constant 7 : i32
    %shift_left3A_94 = arith.shli %shift_right_arithmetic3A_92, %shift_left3A_93 : i32
    %multiple_of3A_95 = tpu.assume_multiple %shift_left3A_94, 128 : i32
    %scan3A_96 = arith.constant 0 : i32
    %scan3A_97 = arith.constant 0 : i32
    %scan3A_98 = arith.constant 16 : i32
    %scan3A_99 = arith.addi %scan3A_97, %scan3A_98 : i32
    %scan3A_100 = arith.constant 1 : i32
    %scan3A_101 = scf.for %scan3A_296 = %scan3A_97 to %scan3A_99 step %scan3A_100 iter_args(%scan3A_297 = %scan3A_96) -> (i32)  : i32 {
      %mul3A_298 = arith.constant 16 : i32
      %mul3A_299 = arith.muli %scan3A_296, %mul3A_298 : i32
      %add3A_300 = vector.broadcast %mul3A_299 : i32 to vector<16xi32>
      %add3A_301 = arith.addi %iota3A, %add3A_300 : vector<16xi32>
      %mul3A_302 = arith.constant 512 : i32
      %mul3A_303 = vector.broadcast %mul3A_302 : i32 to vector<16xi32>
      %mul3A_304 = arith.muli %add3A_301, %mul3A_303 : vector<16xi32>
      %add3A_305 = vector.broadcast %squeeze3A_84 : i32 to vector<16xi32>
      %add3A_306 = arith.addi %mul3A_304, %add3A_305 : vector<16xi32>
      %jit3A = arith.constant 8 : i32
      %div3A = arith.divsi %scan3A_296, %jit3A : i32
      %sign3A = arith.constant 0 : i32
      %sign3A_307 = arith.cmpi sgt, %scan3A_296, %sign3A : i32
      %sign3A_308 = arith.extui %sign3A_307 : i1 to i32
      %sign3A_309 = arith.constant 0 : i32
      %sign3A_310 = arith.cmpi slt, %scan3A_296, %sign3A_309 : i32
      %sign3A_311 = arith.extui %sign3A_310 : i1 to i32
      %sign3A_312 = arith.subi %sign3A_308, %sign3A_311 : i32
      %sign3A_313 = arith.constant 0 : i32
      %sign3A_314 = arith.cmpi sgt, %jit3A, %sign3A_313 : i32
      %sign3A_315 = arith.extui %sign3A_314 : i1 to i32
      %sign3A_316 = arith.constant 0 : i32
      %sign3A_317 = arith.cmpi slt, %jit3A, %sign3A_316 : i32
      %sign3A_318 = arith.extui %sign3A_317 : i1 to i32
      %sign3A_319 = arith.subi %sign3A_315, %sign3A_318 : i32
      %ne3A = arith.cmpi ne, %sign3A_312, %sign3A_319 : i32
      %rem3A = arith.remsi %scan3A_296, %jit3A : i32
      %ne3A_320 = arith.constant 0 : i32
      %ne3A_321 = arith.cmpi ne, %rem3A, %ne3A_320 : i32
      %and3A_322 = arith.andi %ne3A, %ne3A_321 : i1
      %sub3A = arith.constant 1 : i32
      %sub3A_323 = arith.subi %div3A, %sub3A : i32
      %select_n3A = arith.select %and3A_322, %sub3A_323, %div3A : i32
      %add3A_324 = arith.constant 4 : i32
      %add3A_325 = arith.addi %add3A_324, %select_n3A : i32
      %jit3A_326 = arith.constant 8 : i32
      %eq3A = arith.constant 0 : i32
      %eq3A_327 = arith.cmpi eq, %jit3A_326, %eq3A : i32
      %jit3A_328 = arith.constant 1 : i32
      %select_n3A_329 = arith.select %eq3A_327, %jit3A_328, %jit3A_326 : i32
      %rem3A_330 = arith.remsi %scan3A_296, %select_n3A_329 : i32
      %ne3A_331 = arith.constant 0 : i32
      %ne3A_332 = arith.cmpi ne, %rem3A_330, %ne3A_331 : i32
      %lt3A = arith.constant 0 : i32
      %lt3A_333 = arith.cmpi slt, %rem3A_330, %lt3A : i32
      %lt3A_334 = arith.constant 0 : i32
      %lt3A_335 = arith.cmpi slt, %select_n3A_329, %lt3A_334 : i32
      %ne3A_336 = arith.xori %lt3A_333, %lt3A_335 : i1
      %and3A_337 = arith.andi %ne3A_336, %ne3A_332 : i1
      %add3A_338 = arith.addi %rem3A_330, %select_n3A_329 : i32
      %select_n3A_339 = arith.select %and3A_337, %add3A_338, %rem3A_330 : i32
      %mul3A_340 = arith.constant 16 : i32
      %mul3A_341 = arith.muli %select_n3A_339, %mul3A_340 : i32
      %swap3A = arith.index_cast %add3A_325 : i32 to index
      %swap3A_342 = arith.index_cast %mul3A_341 : i32 to index
      %swap3A_343 = tpu.vector_load %arg8[%swap3A, %swap3A_342] {strides = array<i32>} : memref<8x128xi32, #tpu.memory_space<vmem>>, vector<16xi32>,
      tpu.vector_store %arg8[%swap3A, %swap3A_342], %add3A_306 {strides = array<i32>} : memref<8x128xi32, #tpu.memory_space<vmem>>, vector<16xi32>,
      %scan3A_344 = arith.constant 0 : i32
      scf.yield %scan3A_344 : i32
    }
    %scan3A_102 = arith.constant 16 : i32
    %dma_start3A_103 = arith.constant 4 : i32
    %dma_start3A_104 = arith.constant 512 : i32
    %dma_start3A_105 = arith.constant 0 : i32
    %dma_start3A_106 = tpu.memref_slice %arg9[%dma_start3A_104, %dma_start3A_105] : memref<768x128xf32, #tpu.memory_space<vmem>> -> memref<128x128xf32, #tpu.memory_space<vmem>>
    %dma_start3A_107 = arith.constant 0 : i32
    %dma_start3A_108 = tpu.memref_slice %arg8[%dma_start3A_103, %dma_start3A_107] : memref<8x128xi32, #tpu.memory_space<vmem>> -> memref<1x128xi32, #tpu.memory_space<vmem>>
    %dma_start3A_109 = tpu.memref_squeeze %dma_start3A_108 : memref<1x128xi32, #tpu.memory_space<vmem>> -> memref<128xi32, #tpu.memory_space<vmem>>
    %dma_start3A_110 = arith.constant 0 : i32
    %dma_start3A_111 = tpu.memref_slice %arg2[%dma_start3A_110, %multiple_of3A_95] : memref<131072x512xf32, #tpu.memory_space<hbm>> -> memref<131072x128xf32, #tpu.memory_space<hbm>>
    tpu.enqueue_indirect_dma source(%dma_start3A_111 : memref<131072x128xf32, #tpu.memory_space<hbm>>) target(%dma_start3A_106 : memref<128x128xf32, #tpu.memory_space<vmem>>) offsets(%dma_start3A_109 : memref<128xi32, #tpu.memory_space<vmem>>) semaphore(%arg13 : memref<!tpu.dma_semaphore, #tpu.memory_space<semaphore_mem>>)
    %dma_start3A_112 = arith.constant 5 : i32
    %dma_start3A_113 = arith.constant 640 : i32
    %dma_start3A_114 = arith.constant 0 : i32
    %dma_start3A_115 = tpu.memref_slice %arg9[%dma_start3A_113, %dma_start3A_114] : memref<768x128xf32, #tpu.memory_space<vmem>> -> memref<128x128xf32, #tpu.memory_space<vmem>>
    %dma_start3A_116 = arith.constant 0 : i32
    %dma_start3A_117 = tpu.memref_slice %arg8[%dma_start3A_112, %dma_start3A_116] : memref<8x128xi32, #tpu.memory_space<vmem>> -> memref<1x128xi32, #tpu.memory_space<vmem>>
    %dma_start3A_118 = tpu.memref_squeeze %dma_start3A_117 : memref<1x128xi32, #tpu.memory_space<vmem>> -> memref<128xi32, #tpu.memory_space<vmem>>
    %dma_start3A_119 = arith.constant 0 : i32
    %dma_start3A_120 = tpu.memref_slice %arg2[%dma_start3A_119, %multiple_of3A_95] : memref<131072x512xf32, #tpu.memory_space<hbm>> -> memref<131072x128xf32, #tpu.memory_space<hbm>>
    tpu.enqueue_indirect_dma source(%dma_start3A_120 : memref<131072x128xf32, #tpu.memory_space<hbm>>) target(%dma_start3A_115 : memref<128x128xf32, #tpu.memory_space<vmem>>) offsets(%dma_start3A_118 : memref<128xi32, #tpu.memory_space<vmem>>) semaphore(%arg13 : memref<!tpu.dma_semaphore, #tpu.memory_space<semaphore_mem>>)
    %dma_wait3A = arith.constant 0 : i32
    %dma_wait3A_121 = arith.constant 0 : i32
    %dma_wait3A_122 = arith.constant 0 : i32
    %dma_wait3A_123 = tpu.memref_slice %arg9[%dma_wait3A_121, %dma_wait3A_122] : memref<768x128xf32, #tpu.memory_space<vmem>> -> memref<128x128xf32, #tpu.memory_space<vmem>>
    %dma_wait3A_124 = arith.constant 0 : i32
    %dma_wait3A_125 = tpu.memref_slice %arg8[%dma_wait3A, %dma_wait3A_124] : memref<8x128xi32, #tpu.memory_space<vmem>> -> memref<1x128xi32, #tpu.memory_space<vmem>>
    %dma_wait3A_126 = tpu.memref_squeeze %dma_wait3A_125 : memref<1x128xi32, #tpu.memory_space<vmem>> -> memref<128xi32, #tpu.memory_space<vmem>>
    %dma_wait3A_127 = arith.constant 0 : i32
    %dma_wait3A_128 = tpu.memref_slice %arg2[%dma_wait3A_127, %multiple_of3A] : memref<131072x512xf32, #tpu.memory_space<hbm>> -> memref<131072x128xf32, #tpu.memory_space<hbm>>
    tpu.wait_indirect_dma semaphore(%arg11 : memref<!tpu.dma_semaphore, #tpu.memory_space<semaphore_mem>>) src(%dma_wait3A_128 : memref<131072x128xf32, #tpu.memory_space<hbm>>) dst(%dma_wait3A_123 : memref<128x128xf32, #tpu.memory_space<vmem>>)
    %dma_wait3A_129 = arith.constant 1 : i32
    %dma_wait3A_130 = arith.constant 128 : i32
    %dma_wait3A_131 = arith.constant 0 : i32
    %dma_wait3A_132 = tpu.memref_slice %arg9[%dma_wait3A_130, %dma_wait3A_131] : memref<768x128xf32, #tpu.memory_space<vmem>> -> memref<128x128xf32, #tpu.memory_space<vmem>>
    %dma_wait3A_133 = arith.constant 0 : i32
    %dma_wait3A_134 = tpu.memref_slice %arg8[%dma_wait3A_129, %dma_wait3A_133] : memref<8x128xi32, #tpu.memory_space<vmem>> -> memref<1x128xi32, #tpu.memory_space<vmem>>
    %dma_wait3A_135 = tpu.memref_squeeze %dma_wait3A_134 : memref<1x128xi32, #tpu.memory_space<vmem>> -> memref<128xi32, #tpu.memory_space<vmem>>
    %dma_wait3A_136 = arith.constant 0 : i32
    %dma_wait3A_137 = tpu.memref_slice %arg2[%dma_wait3A_136, %multiple_of3A] : memref<131072x512xf32, #tpu.memory_space<hbm>> -> memref<131072x128xf32, #tpu.memory_space<hbm>>
    tpu.wait_indirect_dma semaphore(%arg11 : memref<!tpu.dma_semaphore, #tpu.memory_space<semaphore_mem>>) src(%dma_wait3A_137 : memref<131072x128xf32, #tpu.memory_space<hbm>>) dst(%dma_wait3A_132 : memref<128x128xf32, #tpu.memory_space<vmem>>)
    %add3A_138 = arith.constant 0 : i32
    %add3A_139 = arith.addi %mul3A_2, %add3A_138 : i32
    %get3A_140 = arith.index_cast %add3A_139 : i32 to index
    %get3A_141 = tpu.vector_load %arg7[%get3A_140] {strides = array<i32>} : memref<144xi32, #tpu.memory_space<vmem>>, vector<16xi32>,
    %slice3A_142 = vector.extract_strided_slice %get3A_141 {offsets = [0], sizes = [1], strides = [1]} : vector<16xi32> to vector<1xi32>
    %squeeze3A_143 = vector.extract %slice3A_142[0] : i32 from vector<1xi32>
    %and3A = arith.constant 127 : i32
    %and3A_144 = arith.andi %squeeze3A_143, %and3A : i32
    %broadcast_in_dim3A = vector.broadcast %and3A_144 : i32 to vector<16xi32>
    %scan3A_145 = arith.constant 0 : i32
    %scan3A_146 = arith.constant 0 : i32
    %scan3A_147 = arith.constant 16 : i32
    %scan3A_148 = arith.addi %scan3A_146, %scan3A_147 : i32
    %scan3A_149 = arith.constant 1 : i32
    %scan3A_150 = scf.for %scan3A_296 = %scan3A_146 to %scan3A_148 step %scan3A_149 iter_args(%scan3A_297 = %scan3A_145) -> (i32)  : i32 {
      %mul3A_298 = arith.constant 16 : i32
      %mul3A_299 = arith.muli %scan3A_296, %mul3A_298 : i32
      %add3A_300 = arith.constant 0 : i32
      %add3A_301 = arith.addi %add3A_300, %mul3A_299 : i32
      %add3A_302 = vector.broadcast %add3A_301 : i32 to vector<16xi32>
      %add3A_303 = arith.addi %iota3A, %add3A_302 : vector<16xi32>
      %gather3A = tpu.vector_load_idx %arg9[%add3A_303, %broadcast_in_dim3A] : memref<768x128xf32, #tpu.memory_space<vmem>>[vector<16xi32>, vector<16xi32>], vector<16xf32>,
      %mul3A_304 = arith.constant 16 : i32
      %mul3A_305 = arith.muli %scan3A_296, %mul3A_304 : i32
      %swap3A = arith.constant 0 : i32
      %swap3A_306 = arith.index_cast %swap3A : i32 to index
      %swap3A_307 = arith.index_cast %mul3A_305 : i32 to index
      %swap3A_308 = tpu.vector_load %arg10[%swap3A_306, %swap3A_307] {strides = array<i32>} : memref<4x256xf32, #tpu.memory_space<vmem>>, vector<16xf32>,
      tpu.vector_store %arg10[%swap3A_306, %swap3A_307], %gather3A {strides = array<i32>} : memref<4x256xf32, #tpu.memory_space<vmem>>, vector<16xf32>,
      %scan3A_309 = arith.constant 0 : i32
      scf.yield %scan3A_309 : i32
    }
    %scan3A_151 = arith.constant 16 : i32
    %add3A_152 = arith.constant 3 : i32
    %add3A_153 = arith.addi %mul3A_2, %add3A_152 : i32
    %get3A_154 = arith.index_cast %add3A_153 : i32 to index
    %get3A_155 = tpu.vector_load %arg6[%get3A_154] {strides = array<i32>} : memref<144xi32, #tpu.memory_space<vmem>>, vector<16xi32>,
    %slice3A_156 = vector.extract_strided_slice %get3A_155 {offsets = [0], sizes = [1], strides = [1]} : vector<16xi32> to vector<1xi32>
    %squeeze3A_157 = vector.extract %slice3A_156[0] : i32 from vector<1xi32>
    %add3A_158 = arith.constant 3 : i32
    %add3A_159 = arith.addi %mul3A_2, %add3A_158 : i32
    %get3A_160 = arith.index_cast %add3A_159 : i32 to index
    %get3A_161 = tpu.vector_load %arg7[%get3A_160] {strides = array<i32>} : memref<144xi32, #tpu.memory_space<vmem>>, vector<16xi32>,
    %slice3A_162 = vector.extract_strided_slice %get3A_161 {offsets = [0], sizes = [1], strides = [1]} : vector<16xi32> to vector<1xi32>
    %squeeze3A_163 = vector.extract %slice3A_162[0] : i32 from vector<1xi32>
    %shift_right_arithmetic3A_164 = arith.constant 7 : i32
    %shift_right_arithmetic3A_165 = arith.shrsi %squeeze3A_163, %shift_right_arithmetic3A_164 : i32
    %shift_left3A_166 = arith.constant 7 : i32
    %shift_left3A_167 = arith.shli %shift_right_arithmetic3A_165, %shift_left3A_166 : i32
    %multiple_of3A_168 = tpu.assume_multiple %shift_left3A_167, 128 : i32
    %scan3A_169 = arith.constant 0 : i32
    %scan3A_170 = arith.constant 0 : i32
    %scan3A_171 = arith.constant 16 : i32
    %scan3A_172 = arith.addi %scan3A_170, %scan3A_171 : i32
    %scan3A_173 = arith.constant 1 : i32
    %scan3A_174 = scf.for %scan3A_296 = %scan3A_170 to %scan3A_172 step %scan3A_173 iter_args(%scan3A_297 = %scan3A_169) -> (i32)  : i32 {
      %mul3A_298 = arith.constant 16 : i32
      %mul3A_299 = arith.muli %scan3A_296, %mul3A_298 : i32
      %add3A_300 = vector.broadcast %mul3A_299 : i32 to vector<16xi32>
      %add3A_301 = arith.addi %iota3A, %add3A_300 : vector<16xi32>
      %mul3A_302 = arith.constant 512 : i32
      %mul3A_303 = vector.broadcast %mul3A_302 : i32 to vector<16xi32>
      %mul3A_304 = arith.muli %add3A_301, %mul3A_303 : vector<16xi32>
      %add3A_305 = vector.broadcast %squeeze3A_157 : i32 to vector<16xi32>
      %add3A_306 = arith.addi %mul3A_304, %add3A_305 : vector<16xi32>
      %jit3A = arith.constant 8 : i32
      %div3A = arith.divsi %scan3A_296, %jit3A : i32
      %sign3A = arith.constant 0 : i32
      %sign3A_307 = arith.cmpi sgt, %scan3A_296, %sign3A : i32
      %sign3A_308 = arith.extui %sign3A_307 : i1 to i32
      %sign3A_309 = arith.constant 0 : i32
      %sign3A_310 = arith.cmpi slt, %scan3A_296, %sign3A_309 : i32
      %sign3A_311 = arith.extui %sign3A_310 : i1 to i32
      %sign3A_312 = arith.subi %sign3A_308, %sign3A_311 : i32
      %sign3A_313 = arith.constant 0 : i32
      %sign3A_314 = arith.cmpi sgt, %jit3A, %sign3A_313 : i32
      %sign3A_315 = arith.extui %sign3A_314 : i1 to i32
      %sign3A_316 = arith.constant 0 : i32
      %sign3A_317 = arith.cmpi slt, %jit3A, %sign3A_316 : i32
      %sign3A_318 = arith.extui %sign3A_317 : i1 to i32
      %sign3A_319 = arith.subi %sign3A_315, %sign3A_318 : i32
      %ne3A = arith.cmpi ne, %sign3A_312, %sign3A_319 : i32
      %rem3A = arith.remsi %scan3A_296, %jit3A : i32
      %ne3A_320 = arith.constant 0 : i32
      %ne3A_321 = arith.cmpi ne, %rem3A, %ne3A_320 : i32
      %and3A_322 = arith.andi %ne3A, %ne3A_321 : i1
      %sub3A = arith.constant 1 : i32
      %sub3A_323 = arith.subi %div3A, %sub3A : i32
      %select_n3A = arith.select %and3A_322, %sub3A_323, %div3A : i32
      %add3A_324 = arith.constant 6 : i32
      %add3A_325 = arith.addi %add3A_324, %select_n3A : i32
      %jit3A_326 = arith.constant 8 : i32
      %eq3A = arith.constant 0 : i32
      %eq3A_327 = arith.cmpi eq, %jit3A_326, %eq3A : i32
      %jit3A_328 = arith.constant 1 : i32
      %select_n3A_329 = arith.select %eq3A_327, %jit3A_328, %jit3A_326 : i32
      %rem3A_330 = arith.remsi %scan3A_296, %select_n3A_329 : i32
      %ne3A_331 = arith.constant 0 : i32
      %ne3A_332 = arith.cmpi ne, %rem3A_330, %ne3A_331 : i32
      %lt3A = arith.constant 0 : i32
      %lt3A_333 = arith.cmpi slt, %rem3A_330, %lt3A : i32
      %lt3A_334 = arith.constant 0 : i32
      %lt3A_335 = arith.cmpi slt, %select_n3A_329, %lt3A_334 : i32
      %ne3A_336 = arith.xori %lt3A_333, %lt3A_335 : i1
      %and3A_337 = arith.andi %ne3A_336, %ne3A_332 : i1
      %add3A_338 = arith.addi %rem3A_330, %select_n3A_329 : i32
      %select_n3A_339 = arith.select %and3A_337, %add3A_338, %rem3A_330 : i32
      %mul3A_340 = arith.constant 16 : i32
      %mul3A_341 = arith.muli %select_n3A_339, %mul3A_340 : i32
      %swap3A = arith.index_cast %add3A_325 : i32 to index
      %swap3A_342 = arith.index_cast %mul3A_341 : i32 to index
      %swap3A_343 = tpu.vector_load %arg8[%swap3A, %swap3A_342] {strides = array<i32>} : memref<8x128xi32, #tpu.memory_space<vmem>>, vector<16xi32>,
      tpu.vector_store %arg8[%swap3A, %swap3A_342], %add3A_306 {strides = array<i32>} : memref<8x128xi32, #tpu.memory_space<vmem>>, vector<16xi32>,
      %scan3A_344 = arith.constant 0 : i32
      scf.yield %scan3A_344 : i32
    }
    %scan3A_175 = arith.constant 16 : i32
    %dma_start3A_176 = arith.constant 6 : i32
    %dma_start3A_177 = arith.constant 0 : i32
    %dma_start3A_178 = arith.constant 0 : i32
    %dma_start3A_179 = tpu.memref_slice %arg9[%dma_start3A_177, %dma_start3A_178] : memref<768x128xf32, #tpu.memory_space<vmem>> -> memref<128x128xf32, #tpu.memory_space<vmem>>
    %dma_start3A_180 = arith.constant 0 : i32
    %dma_start3A_181 = tpu.memref_slice %arg8[%dma_start3A_176, %dma_start3A_180] : memref<8x128xi32, #tpu.memory_space<vmem>> -> memref<1x128xi32, #tpu.memory_space<vmem>>
    %dma_start3A_182 = tpu.memref_squeeze %dma_start3A_181 : memref<1x128xi32, #tpu.memory_space<vmem>> -> memref<128xi32, #tpu.memory_space<vmem>>
    %dma_start3A_183 = arith.constant 0 : i32
    %dma_start3A_184 = tpu.memref_slice %arg2[%dma_start3A_183, %multiple_of3A_168] : memref<131072x512xf32, #tpu.memory_space<hbm>> -> memref<131072x128xf32, #tpu.memory_space<hbm>>
    tpu.enqueue_indirect_dma source(%dma_start3A_184 : memref<131072x128xf32, #tpu.memory_space<hbm>>) target(%dma_start3A_179 : memref<128x128xf32, #tpu.memory_space<vmem>>) offsets(%dma_start3A_182 : memref<128xi32, #tpu.memory_space<vmem>>) semaphore(%arg11 : memref<!tpu.dma_semaphore, #tpu.memory_space<semaphore_mem>>)
    %dma_start3A_185 = arith.constant 7 : i32
    %dma_start3A_186 = arith.constant 128 : i32
    %dma_start3A_187 = arith.constant 0 : i32
    %dma_start3A_188 = tpu.memref_slice %arg9[%dma_start3A_186, %dma_start3A_187] : memref<768x128xf32, #tpu.memory_space<vmem>> -> memref<128x128xf32, #tpu.memory_space<vmem>>
    %dma_start3A_189 = arith.constant 0 : i32
    %dma_start3A_190 = tpu.memref_slice %arg8[%dma_start3A_185, %dma_start3A_189] : memref<8x128xi32, #tpu.memory_space<vmem>> -> memref<1x128xi32, #tpu.memory_space<vmem>>
    %dma_start3A_191 = tpu.memref_squeeze %dma_start3A_190 : memref<1x128xi32, #tpu.memory_space<vmem>> -> memref<128xi32, #tpu.memory_space<vmem>>
    %dma_start3A_192 = arith.constant 0 : i32
    %dma_start3A_193 = tpu.memref_slice %arg2[%dma_start3A_192, %multiple_of3A_168] : memref<131072x512xf32, #tpu.memory_space<hbm>> -> memref<131072x128xf32, #tpu.memory_space<hbm>>
    tpu.enqueue_indirect_dma source(%dma_start3A_193 : memref<131072x128xf32, #tpu.memory_space<hbm>>) target(%dma_start3A_188 : memref<128x128xf32, #tpu.memory_space<vmem>>) offsets(%dma_start3A_191 : memref<128xi32, #tpu.memory_space<vmem>>) semaphore(%arg11 : memref<!tpu.dma_semaphore, #tpu.memory_space<semaphore_mem>>)
    %dma_wait3A_194 = arith.constant 2 : i32
    %dma_wait3A_195 = arith.constant 256 : i32
    %dma_wait3A_196 = arith.constant 0 : i32
    %dma_wait3A_197 = tpu.memref_slice %arg9[%dma_wait3A_195, %dma_wait3A_196] : memref<768x128xf32, #tpu.memory_space<vmem>> -> memref<128x128xf32, #tpu.memory_space<vmem>>
    %dma_wait3A_198 = arith.constant 0 : i32
    %dma_wait3A_199 = tpu.memref_slice %arg8[%dma_wait3A_194, %dma_wait3A_198] : memref<8x128xi32, #tpu.memory_space<vmem>> -> memref<1x128xi32, #tpu.memory_space<vmem>>
    %dma_wait3A_200 = tpu.memref_squeeze %dma_wait3A_199 : memref<1x128xi32, #tpu.memory_space<vmem>> -> memref<128xi32, #tpu.memory_space<vmem>>
    %dma_wait3A_201 = arith.constant 0 : i32
    %dma_wait3A_202 = tpu.memref_slice %arg2[%dma_wait3A_201, %multiple_of3A_53] : memref<131072x512xf32, #tpu.memory_space<hbm>> -> memref<131072x128xf32, #tpu.memory_space<hbm>>
    tpu.wait_indirect_dma semaphore(%arg12 : memref<!tpu.dma_semaphore, #tpu.memory_space<semaphore_mem>>) src(%dma_wait3A_202 : memref<131072x128xf32, #tpu.memory_space<hbm>>) dst(%dma_wait3A_197 : memref<128x128xf32, #tpu.memory_space<vmem>>)
    %dma_wait3A_203 = arith.constant 3 : i32
    %dma_wait3A_204 = arith.constant 384 : i32
    %dma_wait3A_205 = arith.constant 0 : i32
    %dma_wait3A_206 = tpu.memref_slice %arg9[%dma_wait3A_204, %dma_wait3A_205] : memref<768x128xf32, #tpu.memory_space<vmem>> -> memref<128x128xf32, #tpu.memory_space<vmem>>
    %dma_wait3A_207 = arith.constant 0 : i32
    %dma_wait3A_208 = tpu.memref_slice %arg8[%dma_wait3A_203, %dma_wait3A_207] : memref<8x128xi32, #tpu.memory_space<vmem>> -> memref<1x128xi32, #tpu.memory_space<vmem>>
    %dma_wait3A_209 = tpu.memref_squeeze %dma_wait3A_208 : memref<1x128xi32, #tpu.memory_space<vmem>> -> memref<128xi32, #tpu.memory_space<vmem>>
    %dma_wait3A_210 = arith.constant 0 : i32
    %dma_wait3A_211 = tpu.memref_slice %arg2[%dma_wait3A_210, %multiple_of3A_53] : memref<131072x512xf32, #tpu.memory_space<hbm>> -> memref<131072x128xf32, #tpu.memory_space<hbm>>
    tpu.wait_indirect_dma semaphore(%arg12 : memref<!tpu.dma_semaphore, #tpu.memory_space<semaphore_mem>>) src(%dma_wait3A_211 : memref<131072x128xf32, #tpu.memory_space<hbm>>) dst(%dma_wait3A_206 : memref<128x128xf32, #tpu.memory_space<vmem>>)
    %add3A_212 = arith.constant 1 : i32
    %add3A_213 = arith.addi %mul3A_2, %add3A_212 : i32
    %get3A_214 = arith.index_cast %add3A_213 : i32 to index
    %get3A_215 = tpu.vector_load %arg7[%get3A_214] {strides = array<i32>} : memref<144xi32, #tpu.memory_space<vmem>>, vector<16xi32>,
    %slice3A_216 = vector.extract_strided_slice %get3A_215 {offsets = [0], sizes = [1], strides = [1]} : vector<16xi32> to vector<1xi32>
    %squeeze3A_217 = vector.extract %slice3A_216[0] : i32 from vector<1xi32>
    %and3A_218 = arith.constant 127 : i32
    %and3A_219 = arith.andi %squeeze3A_217, %and3A_218 : i32
    %broadcast_in_dim3A_220 = vector.broadcast %and3A_219 : i32 to vector<16xi32>
    %scan3A_221 = arith.constant 0 : i32
    %scan3A_222 = arith.constant 0 : i32
    %scan3A_223 = arith.constant 16 : i32
    %scan3A_224 = arith.addi %scan3A_222, %scan3A_223 : i32
    %scan3A_225 = arith.constant 1 : i32
    %scan3A_226 = scf.for %scan3A_296 = %scan3A_222 to %scan3A_224 step %scan3A_225 iter_args(%scan3A_297 = %scan3A_221) -> (i32)  : i32 {
      %mul3A_298 = arith.constant 16 : i32
      %mul3A_299 = arith.muli %scan3A_296, %mul3A_298 : i32
      %add3A_300 = arith.constant 256 : i32
      %add3A_301 = arith.addi %add3A_300, %mul3A_299 : i32
      %add3A_302 = vector.broadcast %add3A_301 : i32 to vector<16xi32>
      %add3A_303 = arith.addi %iota3A, %add3A_302 : vector<16xi32>
      %gather3A = tpu.vector_load_idx %arg9[%add3A_303, %broadcast_in_dim3A_220] : memref<768x128xf32, #tpu.memory_space<vmem>>[vector<16xi32>, vector<16xi32>], vector<16xf32>,
      %mul3A_304 = arith.constant 16 : i32
      %mul3A_305 = arith.muli %scan3A_296, %mul3A_304 : i32
      %swap3A = arith.constant 1 : i32
      %swap3A_306 = arith.index_cast %swap3A : i32 to index
      %swap3A_307 = arith.index_cast %mul3A_305 : i32 to index
      %swap3A_308 = tpu.vector_load %arg10[%swap3A_306, %swap3A_307] {strides = array<i32>} : memref<4x256xf32, #tpu.memory_space<vmem>>, vector<16xf32>,
      tpu.vector_store %arg10[%swap3A_306, %swap3A_307], %gather3A {strides = array<i32>} : memref<4x256xf32, #tpu.memory_space<vmem>>, vector<16xf32>,
      %scan3A_309 = arith.constant 0 : i32
      scf.yield %scan3A_309 : i32
    }
    %scan3A_227 = arith.constant 16 : i32
    %dma_wait3A_228 = arith.constant 4 : i32
    %dma_wait3A_229 = arith.constant 512 : i32
    %dma_wait3A_230 = arith.constant 0 : i32
    %dma_wait3A_231 = tpu.memref_slice %arg9[%dma_wait3A_229, %dma_wait3A_230] : memref<768x128xf32, #tpu.memory_space<vmem>> -> memref<128x128xf32, #tpu.memory_space<vmem>>
    %dma_wait3A_232 = arith.constant 0 : i32
    %dma_wait3A_233 = tpu.memref_slice %arg8[%dma_wait3A_228, %dma_wait3A_232] : memref<8x128xi32, #tpu.memory_space<vmem>> -> memref<1x128xi32, #tpu.memory_space<vmem>>
    %dma_wait3A_234 = tpu.memref_squeeze %dma_wait3A_233 : memref<1x128xi32, #tpu.memory_space<vmem>> -> memref<128xi32, #tpu.memory_space<vmem>>
    %dma_wait3A_235 = arith.constant 0 : i32
    %dma_wait3A_236 = tpu.memref_slice %arg2[%dma_wait3A_235, %multiple_of3A_95] : memref<131072x512xf32, #tpu.memory_space<hbm>> -> memref<131072x128xf32, #tpu.memory_space<hbm>>
    tpu.wait_indirect_dma semaphore(%arg13 : memref<!tpu.dma_semaphore, #tpu.memory_space<semaphore_mem>>) src(%dma_wait3A_236 : memref<131072x128xf32, #tpu.memory_space<hbm>>) dst(%dma_wait3A_231 : memref<128x128xf32, #tpu.memory_space<vmem>>)
    %dma_wait3A_237 = arith.constant 5 : i32
    %dma_wait3A_238 = arith.constant 640 : i32
    %dma_wait3A_239 = arith.constant 0 : i32
    %dma_wait3A_240 = tpu.memref_slice %arg9[%dma_wait3A_238, %dma_wait3A_239] : memref<768x128xf32, #tpu.memory_space<vmem>> -> memref<128x128xf32, #tpu.memory_space<vmem>>
    %dma_wait3A_241 = arith.constant 0 : i32
    %dma_wait3A_242 = tpu.memref_slice %arg8[%dma_wait3A_237, %dma_wait3A_241] : memref<8x128xi32, #tpu.memory_space<vmem>> -> memref<1x128xi32, #tpu.memory_space<vmem>>
    %dma_wait3A_243 = tpu.memref_squeeze %dma_wait3A_242 : memref<1x128xi32, #tpu.memory_space<vmem>> -> memref<128xi32, #tpu.memory_space<vmem>>
    %dma_wait3A_244 = arith.constant 0 : i32
    %dma_wait3A_245 = tpu.memref_slice %arg2[%dma_wait3A_244, %multiple_of3A_95] : memref<131072x512xf32, #tpu.memory_space<hbm>> -> memref<131072x128xf32, #tpu.memory_space<hbm>>
    tpu.wait_indirect_dma semaphore(%arg13 : memref<!tpu.dma_semaphore, #tpu.memory_space<semaphore_mem>>) src(%dma_wait3A_245 : memref<131072x128xf32, #tpu.memory_space<hbm>>) dst(%dma_wait3A_240 : memref<128x128xf32, #tpu.memory_space<vmem>>)
    %add3A_246 = arith.constant 2 : i32
    %add3A_247 = arith.addi %mul3A_2, %add3A_246 : i32
    %get3A_248 = arith.index_cast %add3A_247 : i32 to index
    %get3A_249 = tpu.vector_load %arg7[%get3A_248] {strides = array<i32>} : memref<144xi32, #tpu.memory_space<vmem>>, vector<16xi32>,
    %slice3A_250 = vector.extract_strided_slice %get3A_249 {offsets = [0], sizes = [1], strides = [1]} : vector<16xi32> to vector<1xi32>
    %squeeze3A_251 = vector.extract %slice3A_250[0] : i32 from vector<1xi32>
    %and3A_252 = arith.constant 127 : i32
    %and3A_253 = arith.andi %squeeze3A_251, %and3A_252 : i32
    %broadcast_in_dim3A_254 = vector.broadcast %and3A_253 : i32 to vector<16xi32>
    %scan3A_255 = arith.constant 0 : i32
    %scan3A_256 = arith.constant 0 : i32
    %scan3A_257 = arith.constant 16 : i32
    %scan3A_258 = arith.addi %scan3A_256, %scan3A_257 : i32
    %scan3A_259 = arith.constant 1 : i32
    %scan3A_260 = scf.for %scan3A_296 = %scan3A_256 to %scan3A_258 step %scan3A_259 iter_args(%scan3A_297 = %scan3A_255) -> (i32)  : i32 {
      %mul3A_298 = arith.constant 16 : i32
      %mul3A_299 = arith.muli %scan3A_296, %mul3A_298 : i32
      %add3A_300 = arith.constant 512 : i32
      %add3A_301 = arith.addi %add3A_300, %mul3A_299 : i32
      %add3A_302 = vector.broadcast %add3A_301 : i32 to vector<16xi32>
      %add3A_303 = arith.addi %iota3A, %add3A_302 : vector<16xi32>
      %gather3A = tpu.vector_load_idx %arg9[%add3A_303, %broadcast_in_dim3A_254] : memref<768x128xf32, #tpu.memory_space<vmem>>[vector<16xi32>, vector<16xi32>], vector<16xf32>,
      %mul3A_304 = arith.constant 16 : i32
      %mul3A_305 = arith.muli %scan3A_296, %mul3A_304 : i32
      %swap3A = arith.constant 2 : i32
      %swap3A_306 = arith.index_cast %swap3A : i32 to index
      %swap3A_307 = arith.index_cast %mul3A_305 : i32 to index
      %swap3A_308 = tpu.vector_load %arg10[%swap3A_306, %swap3A_307] {strides = array<i32>} : memref<4x256xf32, #tpu.memory_space<vmem>>, vector<16xf32>,
      tpu.vector_store %arg10[%swap3A_306, %swap3A_307], %gather3A {strides = array<i32>} : memref<4x256xf32, #tpu.memory_space<vmem>>, vector<16xf32>,
      %scan3A_309 = arith.constant 0 : i32
      scf.yield %scan3A_309 : i32
    }
    %scan3A_261 = arith.constant 16 : i32
    %dma_wait3A_262 = arith.constant 6 : i32
    %dma_wait3A_263 = arith.constant 0 : i32
    %dma_wait3A_264 = arith.constant 0 : i32
    %dma_wait3A_265 = tpu.memref_slice %arg9[%dma_wait3A_263, %dma_wait3A_264] : memref<768x128xf32, #tpu.memory_space<vmem>> -> memref<128x128xf32, #tpu.memory_space<vmem>>
    %dma_wait3A_266 = arith.constant 0 : i32
    %dma_wait3A_267 = tpu.memref_slice %arg8[%dma_wait3A_262, %dma_wait3A_266] : memref<8x128xi32, #tpu.memory_space<vmem>> -> memref<1x128xi32, #tpu.memory_space<vmem>>
    %dma_wait3A_268 = tpu.memref_squeeze %dma_wait3A_267 : memref<1x128xi32, #tpu.memory_space<vmem>> -> memref<128xi32, #tpu.memory_space<vmem>>
    %dma_wait3A_269 = arith.constant 0 : i32
    %dma_wait3A_270 = tpu.memref_slice %arg2[%dma_wait3A_269, %multiple_of3A_168] : memref<131072x512xf32, #tpu.memory_space<hbm>> -> memref<131072x128xf32, #tpu.memory_space<hbm>>
    tpu.wait_indirect_dma semaphore(%arg11 : memref<!tpu.dma_semaphore, #tpu.memory_space<semaphore_mem>>) src(%dma_wait3A_270 : memref<131072x128xf32, #tpu.memory_space<hbm>>) dst(%dma_wait3A_265 : memref<128x128xf32, #tpu.memory_space<vmem>>)
    %dma_wait3A_271 = arith.constant 7 : i32
    %dma_wait3A_272 = arith.constant 128 : i32
    %dma_wait3A_273 = arith.constant 0 : i32
    %dma_wait3A_274 = tpu.memref_slice %arg9[%dma_wait3A_272, %dma_wait3A_273] : memref<768x128xf32, #tpu.memory_space<vmem>> -> memref<128x128xf32, #tpu.memory_space<vmem>>
    %dma_wait3A_275 = arith.constant 0 : i32
    %dma_wait3A_276 = tpu.memref_slice %arg8[%dma_wait3A_271, %dma_wait3A_275] : memref<8x128xi32, #tpu.memory_space<vmem>> -> memref<1x128xi32, #tpu.memory_space<vmem>>
    %dma_wait3A_277 = tpu.memref_squeeze %dma_wait3A_276 : memref<1x128xi32, #tpu.memory_space<vmem>> -> memref<128xi32, #tpu.memory_space<vmem>>
    %dma_wait3A_278 = arith.constant 0 : i32
    %dma_wait3A_279 = tpu.memref_slice %arg2[%dma_wait3A_278, %multiple_of3A_168] : memref<131072x512xf32, #tpu.memory_space<hbm>> -> memref<131072x128xf32, #tpu.memory_space<hbm>>
    tpu.wait_indirect_dma semaphore(%arg11 : memref<!tpu.dma_semaphore, #tpu.memory_space<semaphore_mem>>) src(%dma_wait3A_279 : memref<131072x128xf32, #tpu.memory_space<hbm>>) dst(%dma_wait3A_274 : memref<128x128xf32, #tpu.memory_space<vmem>>)
    %add3A_280 = arith.constant 3 : i32
    %add3A_281 = arith.addi %mul3A_2, %add3A_280 : i32
    %get3A_282 = arith.index_cast %add3A_281 : i32 to index
    %get3A_283 = tpu.vector_load %arg7[%get3A_282] {strides = array<i32>} : memref<144xi32, #tpu.memory_space<vmem>>, vector<16xi32>,
    %slice3A_284 = vector.extract_strided_slice %get3A_283 {offsets = [0], sizes = [1], strides = [1]} : vector<16xi32> to vector<1xi32>
    %squeeze3A_285 = vector.extract %slice3A_284[0] : i32 from vector<1xi32>
    %and3A_286 = arith.constant 127 : i32
    %and3A_287 = arith.andi %squeeze3A_285, %and3A_286 : i32
    %broadcast_in_dim3A_288 = vector.broadcast %and3A_287 : i32 to vector<16xi32>
    %scan3A_289 = arith.constant 0 : i32
    %scan3A_290 = arith.constant 0 : i32
    %scan3A_291 = arith.constant 16 : i32
    %scan3A_292 = arith.addi %scan3A_290, %scan3A_291 : i32
    %scan3A_293 = arith.constant 1 : i32
    %scan3A_294 = scf.for %scan3A_296 = %scan3A_290 to %scan3A_292 step %scan3A_293 iter_args(%scan3A_297 = %scan3A_289) -> (i32)  : i32 {
      %mul3A_298 = arith.constant 16 : i32
      %mul3A_299 = arith.muli %scan3A_296, %mul3A_298 : i32
      %add3A_300 = arith.constant 0 : i32
      %add3A_301 = arith.addi %add3A_300, %mul3A_299 : i32
      %add3A_302 = vector.broadcast %add3A_301 : i32 to vector<16xi32>
      %add3A_303 = arith.addi %iota3A, %add3A_302 : vector<16xi32>
      %gather3A = tpu.vector_load_idx %arg9[%add3A_303, %broadcast_in_dim3A_288] : memref<768x128xf32, #tpu.memory_space<vmem>>[vector<16xi32>, vector<16xi32>], vector<16xf32>,
      %mul3A_304 = arith.constant 16 : i32
      %mul3A_305 = arith.muli %scan3A_296, %mul3A_304 : i32
      %swap3A = arith.constant 3 : i32
      %swap3A_306 = arith.index_cast %swap3A : i32 to index
      %swap3A_307 = arith.index_cast %mul3A_305 : i32 to index
      %swap3A_308 = tpu.vector_load %arg10[%swap3A_306, %swap3A_307] {strides = array<i32>} : memref<4x256xf32, #tpu.memory_space<vmem>>, vector<16xf32>,
      tpu.vector_store %arg10[%swap3A_306, %swap3A_307], %gather3A {strides = array<i32>} : memref<4x256xf32, #tpu.memory_space<vmem>>, vector<16xf32>,
      %scan3A_309 = arith.constant 0 : i32
      scf.yield %scan3A_309 : i32
    }
    %scan3A_295 = arith.constant 16 : i32
    "tpu.region"() ({
      %run_scoped3A = tpu.sem_alloc : memref<!tpu.dma_semaphore, #tpu.memory_space<semaphore_mem>>
      %dma_start3A_296 = arith.constant 0 : i32
      %dma_start3A_297 = tpu.memref_slice %arg5[%mul3A_2, %dma_start3A_296] : memref<128x256xf32, #tpu.memory_space<hbm>> -> memref<4x256xf32, #tpu.memory_space<hbm>>
      %dma_start3A_298 = arith.constant 0 : i32
      %dma_start3A_299 = tpu.memref_slice %arg5[%mul3A_2, %dma_start3A_298] : memref<128x256xf32, #tpu.memory_space<hbm>> -> memref<4x256xf32, #tpu.memory_space<hbm>>
      tpu.enqueue_dma source(%arg10 : memref<4x256xf32, #tpu.memory_space<vmem>>) target(%dma_start3A_299 : memref<4x256xf32, #tpu.memory_space<hbm>>) target_semaphore(%run_scoped3A : memref<!tpu.dma_semaphore, #tpu.memory_space<semaphore_mem>>)
      %dma_wait3A_300 = arith.constant 0 : i32
      %dma_wait3A_301 = tpu.memref_slice %arg5[%mul3A_2, %dma_wait3A_300] : memref<128x256xf32, #tpu.memory_space<hbm>> -> memref<4x256xf32, #tpu.memory_space<hbm>>
      %dma_wait3A_302 = arith.constant 0 : i32
      %dma_wait3A_303 = tpu.memref_slice %arg5[%mul3A_2, %dma_wait3A_302] : memref<128x256xf32, #tpu.memory_space<hbm>> -> memref<4x256xf32, #tpu.memory_space<hbm>>
      tpu.wait_dma2 semaphore(%run_scoped3A : memref<!tpu.dma_semaphore, #tpu.memory_space<semaphore_mem>>) src(%arg10 : memref<4x256xf32, #tpu.memory_space<vmem>>) dst(%dma_wait3A_303 : memref<4x256xf32, #tpu.memory_space<hbm>>)
      tpu.yield
    }) : () -> ()
    return
  }
}

</mosaic_0001>

<sc_bundles>
// kernel: _probe_gather.3.cloned.1.call-start
scs
__scs_entry_jumppad:
0x0: {  	(pc) =	sbr.rel $0x88, $3  }
0x1: {  	(tag) =	ssettag $0x0;
	lr =	simm.s32 $0x1  }
0x2: {  	[smem:$0x3F9E] =	sst lr;
	_ =	strace $0xD0000000  }
0x3: {  	_ = 	snop  }
0x4: {  	_ = 	snop  }
0x5: {  	_ = 	snop  }
0x6: {  	_ = 	snop  }
0x7: {  	_ = 	snop  }
__scs_overlays_trampoline_lowered:
0x8: {  	[smem:$0x3FAD] =	sst s0  }
0x9: {  	[smem:$0x3FAE] =	sst s1  }
0xa: {  	[smem:$0x3FAF] =	sst s2  }
0xb: {  	[smem:$0x3FB0] =	sst s3  }
0xc: {  	[smem:$0x3FB1] =	sst s4  }
0xd: {  	[smem:$0x3FB2] =	sst s5  }
0xe: {  	[smem:$0x3FB3] =	sst s6  }
0xf: {  	[smem:$0x3FB4] =	sst s7  }
0x10: {  	[smem:$0x3FB5] =	sst s8  }
0x11: {  	[smem:$0x3FB6] =	sst s9;
	s0 =	simm.s32 @!p0 $0x0  }
0x12: {  	s1 =	sld [smem:$0x3F9C];
	s0 =	simm.s32 @p0 $0x1  }
0x13: {  	[smem:$0x3FB7] =	sst s0;
	s0 =	simm.s32 @!p1 $0x0  }
0x14: {  	s2 =	sld [smem:$0x3F9B];
	s0 =	simm.s32 @p1 $0x1  }
0x15: {  	[smem:$0x3FB8] =	sst s0;
	s0 =	simm.s32 @!p2 $0x0  }
0x16: {  	s3 =	sld [smem:$0x3FDB];
	s0 =	simm.s32 @p2 $0x1  }
0x17: {  	s4 =	simm.s32 $0x1BF5;
	[smem:$0x3FBA] =	sst s0  }
0x18: {  	s0 =	sld [smem:$0x3F9D];
	_ =	swait.ge [sflag:s4], $0x0  }
0x19: {  	s7 =	sld [smem:$0x3F9E]  }
0x1a: {  	s8 =	sadd.s32 $0xFFFFE003, lr  }
0x1b: {  	s9 =	sadd.s32 $0xFFFFFEF7, lr;
	s5 =	simm.s32 $0xFFFFFFFF;
	p2 =	slt.u32 s8, $0xFFFFF086  }
0x1c: {  	p1 =	slt.u32 s9, $0xF7A;
	s5 =	simm.s32 @!p2 $0x0  }
0x1d: {  	s5 =	simm.s32 @p1 $0x1;
	p0 =	seq.s32 s7, s2  }
0x1e: {  	s7 =	smul.u32 @!p0 $0xF7A, s2;
	p2 =	seq.s32 @!p0 s5, $0x0  }
0x1f: {  	s9 =	smul.u32 $0xF7A, s1;
	s8 =	simm.s32 @!p0 $0x1BF5;
	p2 =	por !p2, p0  }
0x20: {  	[sflag:s8] =	ssyncset.s32 @!p0 $0xFFFFF086;
	s6 =	sadd.s32 @!p0 s3, s7;
	s7 =	simm.s32 @!p0 $0x108  }
0x21: {  	s3 =	sadd.s32 s3, s9;
	s6 =	sadd.s32 @!p0 $0x88, s6;
	s7 =	simm.s32 @p2 $0x1082  }
0x22: {  	[simem:s7], [sflag:s8] =	dma.local @!p0 [hbm:s6], $0xF7A  }
0x23: {  	s9 =	sor.u32 $0xD0000000, s2;
	s6 =	simm.s32 $0x108;
	_ =	swait.ge @!p0 [sflag:s8], $0x0  }
0x24: {  	s3 =	sadd.s32 $0x88, s3;
	s6 =	simm.s32 @!p1 $0x1082;
	[sflag:s4] =	ssyncset.s32 $0xFFFFF086  }
0x25: {  	[simem:s6], [sflag:s4] =	dma.local [hbm:s3], $0xF7A  }
0x26: {  	[smem:$0x3F9E] =	sst s1;
	(tag) =	ssettag s2;
	_ =	strace s9  }
0x27: {  	s1 =	sld [smem:$0x3FAE]  }
0x28: {  	s2 =	sld [smem:$0x3FAF]  }
0x29: {  	s4 =	sld [smem:$0x3FB1]  }
0x2a: {  	p0 =	seq.s32 s5, $0x0;
	s5 =	sld [smem:$0x3FB2]  }
0x2b: {  	s6 =	sld [smem:$0x3FB3]  }
0x2c: {  	s7 =	sld [smem:$0x3FB4]  }
0x2d: {  	s3 =	simm.s32 $0x108;
	s8 =	sld [smem:$0x3FB5]  }
0x2e: {  	s3 =	simm.s32 @!p0 $0x1082;
	s9 =	sld [smem:$0x3FB6]  }
0x2f: {  	lr =	sadd.s32 s0, s3;
	s0 =	sld [smem:$0x3FAD]  }
0x30: {  	s3 =	sld [smem:$0x3FB0]  }
0x31: {  	[smem:$0x3FB9] =	sst s10  }
0x32: {  	s10 =	sld [smem:$0x3FB7];
	_ =	sdelay $0x3  }
0x33: {  	p0 =	seq.s32 s10, $0x1;
	s10 =	sld [smem:$0x3FB9];
	_ =	sdelay $0x3  }
0x34: {  	[smem:$0x3FB9] =	sst s10  }
0x35: {  	s10 =	sld [smem:$0x3FB8];
	_ =	sdelay $0x3  }
0x36: {  	p1 =	seq.s32 s10, $0x1;
	s10 =	sld [smem:$0x3FB9];
	_ =	sdelay $0x3  }
0x37: {  	[smem:$0x3FB9] =	sst s10  }
0x38: {  	s10 =	sld [smem:$0x3FBA]  }
0x39: {  	_ = 	snop;
	(pc) =	sbr.ind lr, $3  }
0x3a: {  	_ = 	snop  }
0x3b: {  	_ = 	snop  }
0x3c: {  	p2 =	seq.s32 s10, $0x1;
	s10 =	sld [smem:$0x3FB9]  }
0x3d: {  	_ =	shalt  }
0x3e: {  	_ =	shalt  }
0x3f: {  	_ =	shalt  }
0x40: {  	_ =	shalt  }
0x41: {  	_ =	shalt  }
0x42: {  	_ =	shalt  }
0x43: {  	_ =	shalt  }
0x44: {  	_ =	shalt  }
0x45: {  	_ =	shalt  }
0x46: {  	_ =	shalt  }
0x47: {  	_ =	shalt  }
0x48: {  	_ =	shalt  }
0x49: {  	_ =	shalt  }
0x4a: {  	_ =	shalt  }
0x4b: {  	_ =	shalt  }
0x4c: {  	_ =	shalt  }
0x4d: {  	_ =	shalt  }
0x4e: {  	_ =	shalt  }
0x4f: {  	_ =	shalt  }
0x50: {  	_ =	shalt  }
0x51: {  	_ =	shalt  }
0x52: {  	_ =	shalt  }
0x53: {  	_ =	shalt  }
0x54: {  	_ =	shalt  }
0x55: {  	_ =	shalt  }
0x56: {  	_ =	shalt  }
0x57: {  	_ =	shalt  }
0x58: {  	_ =	shalt  }
0x59: {  	_ =	shalt  }
0x5a: {  	_ =	shalt  }
0x5b: {  	_ =	shalt  }
0x5c: {  	_ =	shalt  }
0x5d: {  	_ =	shalt  }
0x5e: {  	_ =	shalt  }
0x5f: {  	_ =	shalt  }
0x60: {  	_ =	shalt  }
0x61: {  	_ =	shalt  }
0x62: {  	_ =	shalt  }
0x63: {  	_ =	shalt  }
0x64: {  	_ =	shalt  }
0x65: {  	_ =	shalt  }
0x66: {  	_ =	shalt  }
0x67: {  	_ =	shalt  }
0x68: {  	_ =	shalt  }
0x69: {  	_ =	shalt  }
0x6a: {  	_ =	shalt  }
0x6b: {  	_ =	shalt  }
0x6c: {  	_ =	shalt  }
0x6d: {  	_ =	shalt  }
0x6e: {  	_ =	shalt  }
0x6f: {  	_ =	shalt  }
0x70: {  	_ =	shalt  }
0x71: {  	_ =	shalt  }
0x72: {  	_ =	shalt  }
0x73: {  	_ =	shalt  }
0x74: {  	_ =	shalt  }
0x75: {  	_ =	shalt  }
0x76: {  	_ =	shalt  }
0x77: {  	_ =	shalt  }
0x78: {  	_ =	shalt  }
0x79: {  	_ =	shalt  }
0x7a: {  	_ =	shalt  }
0x7b: {  	_ =	shalt  }
0x7c: {  	_ =	shalt  }
0x7d: {  	_ =	shalt  }
0x7e: {  	_ =	shalt  }
0x7f: {  	_ =	shalt  }
0x80: {  	_ =	shalt  }
0x81: {  	_ =	shalt  }
0x82: {  	_ =	shalt  }
0x83: {  	_ =	shalt  }
0x84: {  	_ =	shalt  }
0x85: {  	_ =	shalt  }
0x86: {  	_ =	shalt  }
0x87: {  	_ =	shalt  }
.Lfunc_end0:
.L_simem_size_0:
called_computation_lowered:
.L_overlay_start_0:
0x88: {  	s2 =	sld [smem:$0x3FD9]  }
0x89: {  	s3 =	sld [smem:$0x3FFE];
	_ =	sdelay $0x1  }
0x8a: {  	s1 =	srdreg.scid  }
0x8b: {  	s0 =	sand.u32 $0x1, s1  }
0x8c: {  	s18 =	sshll.u32 s0, $0xA;
	s2 =	sadd.s32 s3, s2  }
0x8d: {  	s2 =	sadd.s32 s2, s18  }
0x8e: {  	[smem:$0x3FC5] =	sst s2  }
0x8f: {  	_ = 	snop  }
0x90: {  	s2 =	sld [smem:$0x3FC9]  }
0x91: {  	s19 =	sld [smem:$0x3FC8]  }
0x92: {  	s4 =	sld [smem:$0x3FC7]  }
0x93: {  	s5 =	sld [smem:$0x3FD0];
	(tm) =	ssettm $0x1  }
0x94: {  	s6 =	sld [smem:$0x3FFB];
	_ =	sdelay $0x3  }
0x95: {  	_ =	strace s6  }
0x96: {  	s6 =	sld [smem:$0x3FFC];
	_ =	sdelay $0x3  }
0x97: {  	_ =	strace s6  }
0x98: {  	s6 =	sld [smem:$0x3FFD];
	_ =	sdelay $0x3  }
0x99: {  	_ =	strace s6  }
0x9a: {  	_ =	strace $0x8FFFFFFF  }
0x9b: {  	s20 =	sld [smem:$0x3FDB];
	_ =	sdelay $0x1  }
0x9c: {  	s7 =	simm.s32 $_scs_section_size  }
0x9d: {  	s8 =	simm.s32 $_size__tile_overlayer_lowered;
	s9 =	simm.s32 $_tile_overlayer_lowered  }
0x9e: {  	s23 =	simm.s32 $0x1BFF;
	s22 =	sshll.u32 s9, $0x1;
	s6 =	sadd.s32 s7, s20  }
0x9f: {  	s10 =	simm.s32 $0x0;
	s21 =	sshll.u32 s8, $0x1;
	s8 =	sadd.s32 s22, s6  }
0xa0: {  	[timem:s10], [sflag:s23] =	dma.local [hbm:s8], s21  }
0xa1: {  	_ =	swait.ge [sflag:s23], s21  }
0xa2: {  	s7 =	ssub.s32 $0x0, s21;
	[sflag:s23] =	ssyncset.done $0x0  }
0xa3: {  	[sflag:s23] =	ssyncadd.s32 s7;
	_ =	sdelay $0x1  }
0xa4: {  	s24 =	simm.s32 $0x1B8B  }
0xa5: {  	_ =	swait.ge [sflag:s24], $0x1  }
0xa6: {  	[sflag:s24] =	ssyncset.done $0x0  }
0xa7: {  	s25 =	simm.s32 $0x1B8E;
	[sflag:s24] =	ssyncadd.s32 $0xFFFFFFFF  }
0xa8: {  	s26 =	simm.s32 $execute0_lowered;
	[smem:$0x3FD2] =	sst s25  }
0xa9: {  	s7 =	sshll.u32 s26, $0x1;
	_ =	strace $0x80000046;
	[dreg:$0x1] =	wrdreg $0xFFFFFFFF  }
0xaa: {  	s28 =	simm.s32 $_size_execute0_lowered;
	s6 =	sadd.s32 s6, s7;
	[dreg:$0x0] =	wrdreg $0x0  }
0xab: {  	s7 =	sshll.u32 s28, $0x1;
	[dreg:$0x2] =	wrdreg s6  }
0xac: {  	[dreg:$0x3] =	wrdreg s7  }
0xad: {  	[dreg:$0x4] =	wrdreg $0xC0  }
0xae: {  	_ =	task [dreg:s10], $0x5FFFF  }
0xaf: {  	[dreg:$0x1] =	wrdreg $0xFFFFFFFF  }
0xb0: {  	[dreg:$0x0] =	wrdreg $0x60  }
0xb1: {  	[dreg:$0x2] =	wrdreg s2  }
0xb2: {  	[dreg:$0x3] =	wrdreg s19  }
0xb3: {  	[dreg:$0x4] =	wrdreg s4  }
0xb4: {  	[dreg:$0x5] =	wrdreg s5  }
0xb5: {  	[dreg:$0x6] =	wrdreg $0x9  }
0xb6: {  	_ =	task.clear_ibuf [dreg:s10], $0x7FFFF;
	_ =	strace $0x90000046  }
0xb7: {  	s29 =	simm.s32 $0x9;
	_ =	strace $0x80000048  }
0xb8: {  	_ =	swait.ge [sflag:s29], $0x1  }
0xb9: {  	[sflag:s29] =	ssyncadd.s32 $0xFFFFFFFF  }
0xba: {  	_ =	strace $0x90000048  }
0xbb: {  	_ =	sfence  }
0xbc: {  	s30 =	sld [smem:$0x0];
	_ =	sdelay $0x2  }
0xbd: {  	s31 =	sshll.u32 s1, $0xD;
	s1 =	sshrl.u32 s1, $0x2  }
0xbe: {  	s3 =	sand.u32 $0x4000, s31;
	s1 =	sadd.s32 s1, s30  }
0xbf: {  	s0 =	sor.u32 s3, s0;
	s1 =	sshll.u32 s1, $0x11  }
0xc0: {  	s0 =	sor.u32 s1, s0  }
0xc1: {  	s0 =	sadd.s32 $0x8F2B, s0  }
0xc2: {  	[sflag:s0] =	ssyncadd.remote.s32 $0x1  }
0xc3: {  	_ =	sfence.sel $0xFFFF  }
0xc4: {  	[dreg:$0x0] =	wrdreg $0xFFFFFFFF;
	(pc) =	sbr.abs _section_cstart, $3  }
0xc5: {  	[dreg:$0x1] =	wrdreg $0xFFFFFFFF  }
0xc6: {  	_ =	task.clear_ibuf [dreg:s10], $0x2FFFF;
	_ =	strace $0x9FFFFFFF  }
0xc7: {  	(tm) =	ssettm $0x7FFFFFFF  }
tec
execute0_lowered:
.L_overlay_start_1:
0x0: {  	(tag) =	ssettag $0x1  }
0x1: {  	s1 =	rddreg [dreg:$0x0]  }
0x2: {  	s0 =	rddreg [dreg:$0x3];
	s5 =	simm.s32 $0x0  }
0x3: {  	s2 =	srdreg.scid;
	s9 =	stileid.u32;
	s12 =	simm.s32 $0x4  }
0x4: {  	s14 =	simm.s32 $0x600;
	s13 =	simm.s32 $0x8080;
	s15 =	simm.s32 $0x8100  }
0x5: {  	s16 =	simm.s32 $0x8580;
	s17 =	simm.s32 $0x8500;
	s10 =	simm.s32 $0x8480  }
0x6: {  	s18 =	simm.s32 $0x8400;
	s11 =	simm.s32 $0x8380;
	s19 =	simm.s32 $0x8300  }
0x7: {  	s20 =	simm.s32 $0x8280;
	s21 =	simm.s32 $0x8200;
	s22 =	simm.s32 $0x8180  }
0x8: {  	s23 =	simm.s32 $0x1;
	s24 =	simm.s32 $0x3;
	s25 =	simm.s32 $0x2  }
0x9: {  	v0 =	vlaneseq.u32;
	v2 =	vimm.s32 $0x7;
	s26 =	simm.s32 $0x0;
	[smem:$0x7FF] =	sst s5;
	s2 =	sand.u32 $0x1, s2  }
0xa: {  	v3 =	vimm.s32 $0x2;
	v4 =	vimm.s32 $0x0;
	vm0 =	vmmov $0x1;
	s4 =	sshll.u32 s9, $0x3;
	s30 =	sshll.u32 s9, $0x8;
	s3 =	ssub.s32 $0x2, s2  }
0xb: {  	v6 =	vimm.s32 $0x1;
	v7 =	vimm.s32 $0x3;
	v8 =	vimm.s32 $0x4;
	s6 =	sshll.u32 s2, $0x2;
	_ =	strace $0x80000047;
	s2 =	sshll.u32 s2, $0x6  }
0xc: {  	v9 =	vimm.s32 $0x5;
	v10 =	vimm.s32 $0x6;
	v11 =	vimm.s32 $0x8;
	s7 =	sshrl.u32 s3, $0x1;
	s6 =	sor.u32 s6, s4;
	s0 =	sadd.s32 s0, s2  }
0xd: {  	v12 =	vimm.s32 $0x9;
	v13 =	vimm.s32 $0xA;
	v14 =	vimm.s32 $0xB;
	s3 =	ssub.s32 s3, s7;
	s7 =	sor.u32 $0x1, s6;
	s0 =	sadd.s32 s30, s0  }
0xe: {  	v15 =	vimm.s32 $0xC;
	v16 =	vimm.s32 $0xD;
	v17 =	vimm.s32 $0xE;
	s8 =	sor.u32 $0x2, s6;
	[dreg:$0x5] =	wrdreg s0;
	s31 =	smax.u32 s3, $0x1  }
0xf: {  	v18 =	vimm.s32 $0xF;
	v1 =	vmul.u32 $0x200, v0;
	v5 =	vmul.u32 $0x8, v0;
	s9 =	sor.u32 $0x3, s6;
	s3 =	simm.s32 $0x8000;
	[dreg:$0x6] =	wrdreg s31  }
.LBB2_1:
0x10: {  	s0 =	rddreg [dreg:$0x1]  }
0x11: {  	[tilespmem:s5], [sflag:$0x4] =	stream.linear.gather [hbm4b:s0+s5], $0x80, $0x38;
	[tilespmem:$0x18A00] =	vst v63  }
0x12: {  	_ =	swait.ge [sflag:s12], $0x80  }
0x13: {  	[sflag:s12] =	ssyncset.done $0x0  }
0x14: {  	[sflag:s12] =	ssyncadd.s32 $0xFFFFFF80  }
0x15: {  	s2 =	simm.s32 $0x100;
	s30 =	rddreg [dreg:$0x2]  }
0x16: {  	[tilespmem:s2], [sflag:$0x4] =	stream.linear.gather [hbm4b:s30+s5], $0x80, $0x38;
	[tilespmem:$0x18A00] =	vst v63  }
0x17: {  	_ =	swait.ge [sflag:s12], $0x80  }
0x18: {  	[sflag:s12] =	ssyncset.done $0x0  }
0x19: {  	[sflag:s12] =	ssyncadd.s32 $0xFFFFFF80  }
0x1a: {  	v19 =	vld.msk [tilespmem:s6+$0x0 ss:$0x0], $0xffff;
	_ =	sdelay $0x1  }
0x1b: {  	v20 =	vmov s5  }
0x1c: {  	s31 =	sand.u32 $0x200, s5;
	v20 =	vshll.u32 v20, $0x9  }
0x1d: {  	s4 =	sand.u32 $0x70, s5;
	s0 =	sshrl.u32 s31, $0x2;
	v21 =	vor.u32 v1, v20  }
0x1e: {  	s28 =	simm.s32 $0x40;
	s29 =	simm.s32 $0x0;
	s0 =	sor.u32 s4, s0;
	v20 =	vld [tilespmem:s6+$0x100];
	v21 =	vadd.s32 v19, v21  }
.LBB2_2:
0x1f: {  	p0 =	sne.s32 s28, $0x3C0  }
0x20: {  	[tilespmem:s0+$0x200] =	vst v21;
	s29 =	sadd.s32 $0x10, s29;
	s0 =	smov.u32 s28;
	s28 =	sadd.s32 $0x40, s28  }
.Ltmp0:
0x21: {  	(pc) =	sbr.rel @p0 .LBB2_2-.Ltmp0, $4  }
0x22: {  	v21 =	vmov s29  }
0x23: {  	s0 =	sand.u32 $0x200, s0;
	v21 =	vshll.u32 v21, $0x9  }
0x24: {  	s4 =	sand.u32 $0x70, s29;
	s0 =	sshrl.u32 s0, $0x2;
	v21 =	vor.u32 v1, v21  }
0x25: {  	s0 =	sor.u32 s4, s0;
	v21 =	vadd.s32 v19, v21  }
0x26: {  	(v2sf) =	vpush v20, $0x0;
	_ =	sdelay $0x1  }
0x27: {  	[tilespmem:s0+$0x200] =	vst v21  }
0x28: {  	v19 =	vld [tilespmem:$0x200];
	_ =	sdelay $0x4  }
0x29: {  	v20 =	vshll.u32 v19, $0x2  }
0x2a: {  	v19 =	vand.u32 $0x7, v19;
	v20 =	vand.u32 $0xFFFFFFE0, v20  }
0x2b: {  	v19 =	vor.u32 v19, v20  }
0x2c: {  	v20 =	vperm.xlane v19, v4;
	_ =	sdelay $0x1  }
0x2d: {  	v21 =	vperm.xlane v19, v6;
	v20 =	vadd.s32 v5, v20;
	_ =	sdelay $0x1  }
0x2e: {  	v22 =	vperm.xlane v19, v3;
	v21 =	vadd.s32 v5, v21;
	s31 =	spop (v2sf)  }
0x2f: {  	s0 =	sand.u32 $0xFFFFF80, s31  }
0x30: {  	s28 =	simm.s32 $0x0;
	v23 =	vperm.xlane v19, v7;
	v22 =	vadd.s32 v5, v22;
	s29 =	sadd.s32 s1, s0  }
0x31: {  	[tilespmem:s14], [sflag:$0x1] =	stream.indirect_vreg.gather [hbm4b:s29+s28], $0x80, v20, vm0, $0xb8;
	[tilespmem:$0x18A00] =	vst v63  }
0x32: {  	s2 =	simm.s32 $0x680;
	v20 =	vadd.s32 v5, v23;
	v23 =	vperm.xlane v19, v8  }
0x33: {  	[tilespmem:s2], [sflag:$0x1] =	stream.indirect_vreg.gather [hbm4b:s29+s28], $0x80, v21, vm0, $0xb8;
	[tilespmem:$0x18A00] =	vst v63  }
0x34: {  	s4 =	simm.s32 $0x700;
	v21 =	vadd.s32 v5, v23;
	v23 =	vperm.xlane v19, v9  }
0x35: {  	[tilespmem:s4], [sflag:$0x1] =	stream.indirect_vreg.gather [hbm4b:s29+s28], $0x80, v22, vm0, $0xb8;
	[tilespmem:$0x18A00] =	vst v63  }
0x36: {  	s30 =	simm.s32 $0x780;
	v22 =	vadd.s32 v5, v23;
	v23 =	vperm.xlane v19, v10  }
0x37: {  	[tilespmem:s30], [sflag:$0x1] =	stream.indirect_vreg.gather [hbm4b:s29+s28], $0x80, v20, vm0, $0xb8;
	[tilespmem:$0x18A00] =	vst v63  }
0x38: {  	s31 =	simm.s32 $0x800;
	v20 =	vadd.s32 v5, v23;
	v23 =	vperm.xlane v19, v2  }
0x39: {  	[tilespmem:s31], [sflag:$0x1] =	stream.indirect_vreg.gather [hbm4b:s29+s28], $0x80, v21, vm0, $0xb8;
	[tilespmem:$0x18A00] =	vst v63  }
0x3a: {  	s2 =	simm.s32 $0x880;
	v21 =	vadd.s32 v5, v23;
	v23 =	vperm.xlane v19, v11  }
0x3b: {  	[tilespmem:s2], [sflag:$0x1] =	stream.indirect_vreg.gather [hbm4b:s29+s28], $0x80, v22, vm0, $0xb8;
	[tilespmem:$0x18A00] =	vst v63  }
0x3c: {  	s4 =	simm.s32 $0x900;
	v22 =	vadd.s32 v5, v23;
	v23 =	vperm.xlane v19, v12  }
0x3d: {  	[tilespmem:s4], [sflag:$0x1] =	stream.indirect_vreg.gather [hbm4b:s29+s28], $0x80, v20, vm0, $0xb8;
	[tilespmem:$0x18A00] =	vst v63  }
0x3e: {  	s30 =	simm.s32 $0x980;
	v20 =	vadd.s32 v5, v23;
	v23 =	vperm.xlane v19, v13  }
0x3f: {  	[tilespmem:s30], [sflag:$0x1] =	stream.indirect_vreg.gather [hbm4b:s29+s28], $0x80, v21, vm0, $0xb8;
	[tilespmem:$0x18A00] =	vst v63  }
0x40: {  	s31 =	simm.s32 $0xA00;
	v21 =	vadd.s32 v5, v23;
	v23 =	vperm.xlane v19, v14  }
0x41: {  	[tilespmem:s31], [sflag:$0x1] =	stream.indirect_vreg.gather [hbm4b:s29+s28], $0x80, v22, vm0, $0xb8;
	[tilespmem:$0x18A00] =	vst v63  }
0x42: {  	s2 =	simm.s32 $0xA80;
	v22 =	vadd.s32 v5, v23;
	v23 =	vperm.xlane v19, v15  }
0x43: {  	[tilespmem:s2], [sflag:$0x1] =	stream.indirect_vreg.gather [hbm4b:s29+s28], $0x80, v20, vm0, $0xb8;
	[tilespmem:$0x18A00] =	vst v63  }
0x44: {  	s4 =	simm.s32 $0xB00;
	v20 =	vadd.s32 v5, v23;
	v23 =	vperm.xlane v19, v16  }
0x45: {  	[tilespmem:s4], [sflag:$0x1] =	stream.indirect_vreg.gather [hbm4b:s29+s28], $0x80, v21, vm0, $0xb8;
	[tilespmem:$0x18A00] =	vst v63  }
0x46: {  	s30 =	simm.s32 $0xB80;
	v21 =	vadd.s32 v5, v23;
	v23 =	vperm.xlane v19, v17  }
0x47: {  	[tilespmem:s30], [sflag:$0x1] =	stream.indirect_vreg.gather [hbm4b:s29+s28], $0x80, v22, vm0, $0xb8;
	[tilespmem:$0x18A00] =	vst v63  }
0x48: {  	s31 =	simm.s32 $0xC00;
	v19 =	vperm.xlane v19, v18;
	v22 =	vadd.s32 v5, v23  }
0x49: {  	[tilespmem:s31], [sflag:$0x1] =	stream.indirect_vreg.gather [hbm4b:s29+s28], $0x80, v20, vm0, $0xb8;
	[tilespmem:$0x18A00] =	vst v63  }
0x4a: {  	s2 =	simm.s32 $0xC80;
	v19 =	vadd.s32 v5, v19  }
0x4b: {  	[tilespmem:s2], [sflag:$0x1] =	stream.indirect_vreg.gather [hbm4b:s29+s28], $0x80, v21, vm0, $0xb8;
	[tilespmem:$0x18A00] =	vst v63  }
0x4c: {  	s4 =	simm.s32 $0xD00  }
0x4d: {  	[tilespmem:s4], [sflag:$0x1] =	stream.indirect_vreg.gather [hbm4b:s29+s28], $0x80, v22, vm0, $0xb8;
	[tilespmem:$0x18A00] =	vst v63  }
0x4e: {  	s30 =	simm.s32 $0xD80  }
0x4f: {  	[tilespmem:s30], [sflag:$0x1] =	stream.indirect_vreg.gather [hbm4b:s29+s28], $0x80, v19, vm0, $0xb8;
	[tilespmem:$0x18A00] =	vst v63  }
0x50: {  	v19 =	vld [tilespmem:$0x210];
	_ =	sdelay $0x4  }
0x51: {  	v20 =	vshll.u32 v19, $0x2  }
0x52: {  	v19 =	vand.u32 $0x7, v19;
	v20 =	vand.u32 $0xFFFFFFE0, v20  }
0x53: {  	v19 =	vor.u32 v19, v20  }
0x54: {  	v20 =	vperm.xlane v19, v4;
	_ =	sdelay $0x1  }
0x55: {  	v21 =	vperm.xlane v19, v6;
	v20 =	vadd.s32 v5, v20;
	_ =	sdelay $0x1  }
0x56: {  	v22 =	vperm.xlane v19, v3;
	v21 =	vadd.s32 v5, v21;
	_ =	sdelay $0x1  }
0x57: {  	s31 =	simm.s32 $0xE00;
	v23 =	vperm.xlane v19, v7;
	v22 =	vadd.s32 v5, v22  }
0x58: {  	[tilespmem:s31], [sflag:$0x1] =	stream.indirect_vreg.gather [hbm4b:s29+s28], $0x80, v20, vm0, $0xb8;
	[tilespmem:$0x18A00] =	vst v63  }
0x59: {  	s2 =	simm.s32 $0xE80;
	v20 =	vadd.s32 v5, v23;
	v23 =	vperm.xlane v19, v8  }
0x5a: {  	[tilespmem:s2], [sflag:$0x1] =	stream.indirect_vreg.gather [hbm4b:s29+s28], $0x80, v21, vm0, $0xb8;
	[tilespmem:$0x18A00] =	vst v63  }
0x5b: {  	s4 =	simm.s32 $0xF00;
	v21 =	vadd.s32 v5, v23;
	v23 =	vperm.xlane v19, v9  }
0x5c: {  	[tilespmem:s4], [sflag:$0x1] =	stream.indirect_vreg.gather [hbm4b:s29+s28], $0x80, v22, vm0, $0xb8;
	[tilespmem:$0x18A00] =	vst v63  }
0x5d: {  	s30 =	simm.s32 $0xF80;
	v22 =	vadd.s32 v5, v23;
	v23 =	vperm.xlane v19, v10  }
0x5e: {  	[tilespmem:s30], [sflag:$0x1] =	stream.indirect_vreg.gather [hbm4b:s29+s28], $0x80, v20, vm0, $0xb8;
	[tilespmem:$0x18A00] =	vst v63  }
0x5f: {  	s31 =	simm.s32 $0x1000;
	v20 =	vadd.s32 v5, v23;
	v23 =	vperm.xlane v19, v2  }
0x60: {  	[tilespmem:s31], [sflag:$0x1] =	stream.indirect_vreg.gather [hbm4b:s29+s28], $0x80, v21, vm0, $0xb8;
	[tilespmem:$0x18A00] =	vst v63  }
0x61: {  	s2 =	simm.s32 $0x1080;
	v21 =	vadd.s32 v5, v23;
	v23 =	vperm.xlane v19, v11  }
0x62: {  	[tilespmem:s2], [sflag:$0x1] =	stream.indirect_vreg.gather [hbm4b:s29+s28], $0x80, v22, vm0, $0xb8;
	[tilespmem:$0x18A00] =	vst v63  }
0x63: {  	s4 =	simm.s32 $0x1100;
	v22 =	vadd.s32 v5, v23;
	v23 =	vperm.xlane v19, v12  }
0x64: {  	[tilespmem:s4], [sflag:$0x1] =	stream.indirect_vreg.gather [hbm4b:s29+s28], $0x80, v20, vm0, $0xb8;
	[tilespmem:$0x18A00] =	vst v63  }
0x65: {  	s30 =	simm.s32 $0x1180;
	v20 =	vadd.s32 v5, v23;
	v23 =	vperm.xlane v19, v13  }
0x66: {  	[tilespmem:s30], [sflag:$0x1] =	stream.indirect_vreg.gather [hbm4b:s29+s28], $0x80, v21, vm0, $0xb8;
	[tilespmem:$0x18A00] =	vst v63  }
0x67: {  	s31 =	simm.s32 $0x1200;
	v21 =	vadd.s32 v5, v23;
	v23 =	vperm.xlane v19, v14  }
0x68: {  	[tilespmem:s31], [sflag:$0x1] =	stream.indirect_vreg.gather [hbm4b:s29+s28], $0x80, v22, vm0, $0xb8;
	[tilespmem:$0x18A00] =	vst v63  }
0x69: {  	s2 =	simm.s32 $0x1280;
	v22 =	vadd.s32 v5, v23;
	v23 =	vperm.xlane v19, v15  }
0x6a: {  	[tilespmem:s2], [sflag:$0x1] =	stream.indirect_vreg.gather [hbm4b:s29+s28], $0x80, v20, vm0, $0xb8;
	[tilespmem:$0x18A00] =	vst v63  }
0x6b: {  	s4 =	simm.s32 $0x1300;
	v20 =	vadd.s32 v5, v23;
	v23 =	vperm.xlane v19, v16  }
0x6c: {  	[tilespmem:s4], [sflag:$0x1] =	stream.indirect_vreg.gather [hbm4b:s29+s28], $0x80, v21, vm0, $0xb8;
	[tilespmem:$0x18A00] =	vst v63  }
0x6d: {  	s30 =	simm.s32 $0x1380;
	v21 =	vadd.s32 v5, v23;
	v23 =	vperm.xlane v19, v17  }
0x6e: {  	[tilespmem:s30], [sflag:$0x1] =	stream.indirect_vreg.gather [hbm4b:s29+s28], $0x80, v22, vm0, $0xb8;
	[tilespmem:$0x18A00] =	vst v63  }
0x6f: {  	s31 =	simm.s32 $0x1400;
	v19 =	vperm.xlane v19, v18;
	v22 =	vadd.s32 v5, v23  }
0x70: {  	[tilespmem:s31], [sflag:$0x1] =	stream.indirect_vreg.gather [hbm4b:s29+s28], $0x80, v20, vm0, $0xb8;
	[tilespmem:$0x18A00] =	vst v63  }
0x71: {  	s2 =	simm.s32 $0x1480;
	v19 =	vadd.s32 v5, v19  }
0x72: {  	[tilespmem:s2], [sflag:$0x1] =	stream.indirect_vreg.gather [hbm4b:s29+s28], $0x80, v21, vm0, $0xb8;
	[tilespmem:$0x18A00] =	vst v63  }
0x73: {  	s4 =	simm.s32 $0x1500  }
0x74: {  	[tilespmem:s4], [sflag:$0x1] =	stream.indirect_vreg.gather [hbm4b:s29+s28], $0x80, v22, vm0, $0xb8;
	[tilespmem:$0x18A00] =	vst v63  }
0x75: {  	s30 =	simm.s32 $0x1580  }
0x76: {  	[tilespmem:s30], [sflag:$0x1] =	stream.indirect_vreg.gather [hbm4b:s29+s28], $0x80, v19, vm0, $0xb8;
	[tilespmem:$0x18A00] =	vst v63  }
0x77: {  	v19 =	vld [tilespmem:$0x220];
	_ =	sdelay $0x4  }
0x78: {  	v20 =	vshll.u32 v19, $0x2  }
0x79: {  	v19 =	vand.u32 $0x7, v19;
	v20 =	vand.u32 $0xFFFFFFE0, v20  }
0x7a: {  	v19 =	vor.u32 v19, v20  }
0x7b: {  	v20 =	vperm.xlane v19, v4;
	_ =	sdelay $0x1  }
0x7c: {  	v21 =	vperm.xlane v19, v6;
	v20 =	vadd.s32 v5, v20;
	_ =	sdelay $0x1  }
0x7d: {  	v22 =	vperm.xlane v19, v3;
	v21 =	vadd.s32 v5, v21;
	_ =	sdelay $0x1  }
0x7e: {  	s31 =	simm.s32 $0x1600;
	v23 =	vperm.xlane v19, v7;
	v22 =	vadd.s32 v5, v22  }
0x7f: {  	[tilespmem:s31], [sflag:$0x1] =	stream.indirect_vreg.gather [hbm4b:s29+s28], $0x80, v20, vm0, $0xb8;
	[tilespmem:$0x18A00] =	vst v63  }
0x80: {  	s2 =	simm.s32 $0x1680;
	v20 =	vadd.s32 v5, v23;
	v23 =	vperm.xlane v19, v8  }
0x81: {  	[tilespmem:s2], [sflag:$0x1] =	stream.indirect_vreg.gather [hbm4b:s29+s28], $0x80, v21, vm0, $0xb8;
	[tilespmem:$0x18A00] =	vst v63  }
0x82: {  	s4 =	simm.s32 $0x1700;
	v21 =	vadd.s32 v5, v23;
	v23 =	vperm.xlane v19, v9  }
0x83: {  	[tilespmem:s4], [sflag:$0x1] =	stream.indirect_vreg.gather [hbm4b:s29+s28], $0x80, v22, vm0, $0xb8;
	[tilespmem:$0x18A00] =	vst v63  }
0x84: {  	s30 =	simm.s32 $0x1780;
	v22 =	vadd.s32 v5, v23;
	v23 =	vperm.xlane v19, v10  }
0x85: {  	[tilespmem:s30], [sflag:$0x1] =	stream.indirect_vreg.gather [hbm4b:s29+s28], $0x80, v20, vm0, $0xb8;
	[tilespmem:$0x18A00] =	vst v63  }
0x86: {  	s31 =	simm.s32 $0x1800;
	v20 =	vadd.s32 v5, v23;
	v23 =	vperm.xlane v19, v2  }
0x87: {  	[tilespmem:s31], [sflag:$0x1] =	stream.indirect_vreg.gather [hbm4b:s29+s28], $0x80, v21, vm0, $0xb8;
	[tilespmem:$0x18A00] =	vst v63  }
0x88: {  	s2 =	simm.s32 $0x1880;
	v21 =	vadd.s32 v5, v23;
	v23 =	vperm.xlane v19, v11  }
0x89: {  	[tilespmem:s2], [sflag:$0x1] =	stream.indirect_vreg.gather [hbm4b:s29+s28], $0x80, v22, vm0, $0xb8;
	[tilespmem:$0x18A00] =	vst v63  }
0x8a: {  	s4 =	simm.s32 $0x1900;
	v22 =	vadd.s32 v5, v23;
	v23 =	vperm.xlane v19, v12  }
0x8b: {  	[tilespmem:s4], [sflag:$0x1] =	stream.indirect_vreg.gather [hbm4b:s29+s28], $0x80, v20, vm0, $0xb8;
	[tilespmem:$0x18A00] =	vst v63  }
0x8c: {  	s30 =	simm.s32 $0x1980;
	v20 =	vadd.s32 v5, v23;
	v23 =	vperm.xlane v19, v13  }
0x8d: {  	[tilespmem:s30], [sflag:$0x1] =	stream.indirect_vreg.gather [hbm4b:s29+s28], $0x80, v21, vm0, $0xb8;
	[tilespmem:$0x18A00] =	vst v63  }
0x8e: {  	s31 =	simm.s32 $0x1A00;
	v21 =	vadd.s32 v5, v23;
	v23 =	vperm.xlane v19, v14  }
0x8f: {  	[tilespmem:s31], [sflag:$0x1] =	stream.indirect_vreg.gather [hbm4b:s29+s28], $0x80, v22, vm0, $0xb8;
	[tilespmem:$0x18A00] =	vst v63  }
0x90: {  	s2 =	simm.s32 $0x1A80;
	v22 =	vadd.s32 v5, v23;
	v23 =	vperm.xlane v19, v15  }
0x91: {  	[tilespmem:s2], [sflag:$0x1] =	stream.indirect_vreg.gather [hbm4b:s29+s28], $0x80, v20, vm0, $0xb8;
	[tilespmem:$0x18A00] =	vst v63  }
0x92: {  	s4 =	simm.s32 $0x1B00;
	v20 =	vadd.s32 v5, v23;
	v23 =	vperm.xlane v19, v16  }
0x93: {  	[tilespmem:s4], [sflag:$0x1] =	stream.indirect_vreg.gather [hbm4b:s29+s28], $0x80, v21, vm0, $0xb8;
	[tilespmem:$0x18A00] =	vst v63  }
0x94: {  	s30 =	simm.s32 $0x1B80;
	v21 =	vadd.s32 v5, v23;
	v23 =	vperm.xlane v19, v17  }
0x95: {  	[tilespmem:s30], [sflag:$0x1] =	stream.indirect_vreg.gather [hbm4b:s29+s28], $0x80, v22, vm0, $0xb8;
	[tilespmem:$0x18A00] =	vst v63  }
0x96: {  	s31 =	simm.s32 $0x1C00;
	v19 =	vperm.xlane v19, v18;
	v22 =	vadd.s32 v5, v23  }
0x97: {  	[tilespmem:s31], [sflag:$0x1] =	stream.indirect_vreg.gather [hbm4b:s29+s28], $0x80, v20, vm0, $0xb8;
	[tilespmem:$0x18A00] =	vst v63  }
0x98: {  	s2 =	simm.s32 $0x1C80;
	v19 =	vadd.s32 v5, v19  }
0x99: {  	[tilespmem:s2], [sflag:$0x1] =	stream.indirect_vreg.gather [hbm4b:s29+s28], $0x80, v21, vm0, $0xb8;
	[tilespmem:$0x18A00] =	vst v63  }
0x9a: {  	s4 =	simm.s32 $0x1D00  }
0x9b: {  	[tilespmem:s4], [sflag:$0x1] =	stream.indirect_vreg.gather [hbm4b:s29+s28], $0x80, v22, vm0, $0xb8;
	[tilespmem:$0x18A00] =	vst v63  }
0x9c: {  	s30 =	simm.s32 $0x1D80  }
0x9d: {  	[tilespmem:s30], [sflag:$0x1] =	stream.indirect_vreg.gather [hbm4b:s29+s28], $0x80, v19, vm0, $0xb8;
	[tilespmem:$0x18A00] =	vst v63  }
0x9e: {  	v19 =	vld [tilespmem:$0x230];
	_ =	sdelay $0x4  }
0x9f: {  	v20 =	vshll.u32 v19, $0x2  }
0xa0: {  	v19 =	vand.u32 $0x7, v19;
	v20 =	vand.u32 $0xFFFFFFE0, v20  }
0xa1: {  	v19 =	vor.u32 v19, v20  }
0xa2: {  	v20 =	vperm.xlane v19, v4;
	_ =	sdelay $0x1  }
0xa3: {  	v21 =	vperm.xlane v19, v6;
	v20 =	vadd.s32 v5, v20;
	_ =	sdelay $0x1  }
0xa4: {  	v22 =	vperm.xlane v19, v3;
	v21 =	vadd.s32 v5, v21;
	_ =	sdelay $0x1  }
0xa5: {  	s31 =	simm.s32 $0x1E00;
	v23 =	vperm.xlane v19, v7;
	v22 =	vadd.s32 v5, v22  }
0xa6: {  	[tilespmem:s31], [sflag:$0x1] =	stream.indirect_vreg.gather [hbm4b:s29+s28], $0x80, v20, vm0, $0xb8;
	[tilespmem:$0x18A00] =	vst v63  }
0xa7: {  	s2 =	simm.s32 $0x1E80;
	v20 =	vadd.s32 v5, v23;
	v23 =	vperm.xlane v19, v8  }
0xa8: {  	[tilespmem:s2], [sflag:$0x1] =	stream.indirect_vreg.gather [hbm4b:s29+s28], $0x80, v21, vm0, $0xb8;
	[tilespmem:$0x18A00] =	vst v63  }
0xa9: {  	s4 =	simm.s32 $0x1F00;
	v21 =	vadd.s32 v5, v23;
	v23 =	vperm.xlane v19, v9  }
0xaa: {  	[tilespmem:s4], [sflag:$0x1] =	stream.indirect_vreg.gather [hbm4b:s29+s28], $0x80, v22, vm0, $0xb8;
	[tilespmem:$0x18A00] =	vst v63  }
0xab: {  	s30 =	simm.s32 $0x1F80;
	v22 =	vadd.s32 v5, v23;
	v23 =	vperm.xlane v19, v10  }
0xac: {  	[tilespmem:s30], [sflag:$0x1] =	stream.indirect_vreg.gather [hbm4b:s29+s28], $0x80, v20, vm0, $0xb8;
	[tilespmem:$0x18A00] =	vst v63  }
0xad: {  	s31 =	simm.s32 $0x2000;
	v20 =	vadd.s32 v5, v23;
	v23 =	vperm.xlane v19, v2  }
0xae: {  	[tilespmem:s31], [sflag:$0x1] =	stream.indirect_vreg.gather [hbm4b:s29+s28], $0x80, v21, vm0, $0xb8;
	[tilespmem:$0x18A00] =	vst v63  }
0xaf: {  	s2 =	simm.s32 $0x2080;
	v21 =	vadd.s32 v5, v23;
	v23 =	vperm.xlane v19, v11  }
0xb0: {  	[tilespmem:s2], [sflag:$0x1] =	stream.indirect_vreg.gather [hbm4b:s29+s28], $0x80, v22, vm0, $0xb8;
	[tilespmem:$0x18A00] =	vst v63  }
0xb1: {  	s4 =	simm.s32 $0x2100;
	v22 =	vadd.s32 v5, v23;
	v23 =	vperm.xlane v19, v12  }
0xb2: {  	[tilespmem:s4], [sflag:$0x1] =	stream.indirect_vreg.gather [hbm4b:s29+s28], $0x80, v20, vm0, $0xb8;
	[tilespmem:$0x18A00] =	vst v63  }
0xb3: {  	s30 =	simm.s32 $0x2180;
	v20 =	vadd.s32 v5, v23;
	v23 =	vperm.xlane v19, v13  }
0xb4: {  	[tilespmem:s30], [sflag:$0x1] =	stream.indirect_vreg.gather [hbm4b:s29+s28], $0x80, v21, vm0, $0xb8;
	[tilespmem:$0x18A00] =	vst v63  }
0xb5: {  	s31 =	simm.s32 $0x2200;
	v21 =	vadd.s32 v5, v23;
	v23 =	vperm.xlane v19, v14  }
0xb6: {  	[tilespmem:s31], [sflag:$0x1] =	stream.indirect_vreg.gather [hbm4b:s29+s28], $0x80, v22, vm0, $0xb8;
	[tilespmem:$0x18A00] =	vst v63  }
0xb7: {  	s2 =	simm.s32 $0x2280;
	v22 =	vadd.s32 v5, v23;
	v23 =	vperm.xlane v19, v15  }
0xb8: {  	[tilespmem:s2], [sflag:$0x1] =	stream.indirect_vreg.gather [hbm4b:s29+s28], $0x80, v20, vm0, $0xb8;
	[tilespmem:$0x18A00] =	vst v63  }
0xb9: {  	s4 =	simm.s32 $0x2300;
	v20 =	vadd.s32 v5, v23;
	v23 =	vperm.xlane v19, v16  }
0xba: {  	[tilespmem:s4], [sflag:$0x1] =	stream.indirect_vreg.gather [hbm4b:s29+s28], $0x80, v21, vm0, $0xb8;
	[tilespmem:$0x18A00] =	vst v63  }
0xbb: {  	s30 =	simm.s32 $0x2380;
	v21 =	vadd.s32 v5, v23;
	v23 =	vperm.xlane v19, v17  }
0xbc: {  	[tilespmem:s30], [sflag:$0x1] =	stream.indirect_vreg.gather [hbm4b:s29+s28], $0x80, v22, vm0, $0xb8;
	[tilespmem:$0x18A00] =	vst v63  }
0xbd: {  	s31 =	simm.s32 $0x2400;
	v19 =	vperm.xlane v19, v18;
	v22 =	vadd.s32 v5, v23  }
0xbe: {  	[tilespmem:s31], [sflag:$0x1] =	stream.indirect_vreg.gather [hbm4b:s29+s28], $0x80, v20, vm0, $0xb8;
	[tilespmem:$0x18A00] =	vst v63  }
0xbf: {  	s2 =	simm.s32 $0x2480;
	v19 =	vadd.s32 v5, v19  }
0xc0: {  	[tilespmem:s2], [sflag:$0x1] =	stream.indirect_vreg.gather [hbm4b:s29+s28], $0x80, v21, vm0, $0xb8;
	[tilespmem:$0x18A00] =	vst v63  }
0xc1: {  	s4 =	simm.s32 $0x2500  }
0xc2: {  	[tilespmem:s4], [sflag:$0x1] =	stream.indirect_vreg.gather [hbm4b:s29+s28], $0x80, v22, vm0, $0xb8;
	[tilespmem:$0x18A00] =	vst v63  }
0xc3: {  	s30 =	simm.s32 $0x2580  }
0xc4: {  	[tilespmem:s30], [sflag:$0x1] =	stream.indirect_vreg.gather [hbm4b:s29+s28], $0x80, v19, vm0, $0xb8;
	[tilespmem:$0x18A00] =	vst v63  }
0xc5: {  	v19 =	vld [tilespmem:$0x240];
	_ =	sdelay $0x4  }
0xc6: {  	v20 =	vshll.u32 v19, $0x2  }
0xc7: {  	v19 =	vand.u32 $0x7, v19;
	v20 =	vand.u32 $0xFFFFFFE0, v20  }
0xc8: {  	v19 =	vor.u32 v19, v20  }
0xc9: {  	v20 =	vperm.xlane v19, v4;
	_ =	sdelay $0x1  }
0xca: {  	v21 =	vperm.xlane v19, v6;
	v20 =	vadd.s32 v5, v20;
	_ =	sdelay $0x1  }
0xcb: {  	v22 =	vperm.xlane v19, v3;
	v21 =	vadd.s32 v5, v21;
	_ =	sdelay $0x1  }
0xcc: {  	s31 =	simm.s32 $0x2600;
	v23 =	vperm.xlane v19, v7;
	v22 =	vadd.s32 v5, v22  }
0xcd: {  	[tilespmem:s31], [sflag:$0x1] =	stream.indirect_vreg.gather [hbm4b:s29+s28], $0x80, v20, vm0, $0xb8;
	[tilespmem:$0x18A00] =	vst v63  }
0xce: {  	s2 =	simm.s32 $0x2680;
	v20 =	vadd.s32 v5, v23;
	v23 =	vperm.xlane v19, v8  }
0xcf: {  	[tilespmem:s2], [sflag:$0x1] =	stream.indirect_vreg.gather [hbm4b:s29+s28], $0x80, v21, vm0, $0xb8;
	[tilespmem:$0x18A00] =	vst v63  }
0xd0: {  	s4 =	simm.s32 $0x2700;
	v21 =	vadd.s32 v5, v23;
	v23 =	vperm.xlane v19, v9  }
0xd1: {  	[tilespmem:s4], [sflag:$0x1] =	stream.indirect_vreg.gather [hbm4b:s29+s28], $0x80, v22, vm0, $0xb8;
	[tilespmem:$0x18A00] =	vst v63  }
0xd2: {  	s30 =	simm.s32 $0x2780;
	v22 =	vadd.s32 v5, v23;
	v23 =	vperm.xlane v19, v10  }
0xd3: {  	[tilespmem:s30], [sflag:$0x1] =	stream.indirect_vreg.gather [hbm4b:s29+s28], $0x80, v20, vm0, $0xb8;
	[tilespmem:$0x18A00] =	vst v63  }
0xd4: {  	s31 =	simm.s32 $0x2800;
	v20 =	vadd.s32 v5, v23;
	v23 =	vperm.xlane v19, v2  }
0xd5: {  	[tilespmem:s31], [sflag:$0x1] =	stream.indirect_vreg.gather [hbm4b:s29+s28], $0x80, v21, vm0, $0xb8;
	[tilespmem:$0x18A00] =	vst v63  }
0xd6: {  	s2 =	simm.s32 $0x2880;
	v21 =	vadd.s32 v5, v23;
	v23 =	vperm.xlane v19, v11  }
0xd7: {  	[tilespmem:s2], [sflag:$0x1] =	stream.indirect_vreg.gather [hbm4b:s29+s28], $0x80, v22, vm0, $0xb8;
	[tilespmem:$0x18A00] =	vst v63  }
0xd8: {  	s4 =	simm.s32 $0x2900;
	v22 =	vadd.s32 v5, v23;
	v23 =	vperm.xlane v19, v12  }
0xd9: {  	[tilespmem:s4], [sflag:$0x1] =	stream.indirect_vreg.gather [hbm4b:s29+s28], $0x80, v20, vm0, $0xb8;
	[tilespmem:$0x18A00] =	vst v63  }
0xda: {  	s30 =	simm.s32 $0x2980;
	v20 =	vadd.s32 v5, v23;
	v23 =	vperm.xlane v19, v13  }
0xdb: {  	[tilespmem:s30], [sflag:$0x1] =	stream.indirect_vreg.gather [hbm4b:s29+s28], $0x80, v21, vm0, $0xb8;
	[tilespmem:$0x18A00] =	vst v63  }
0xdc: {  	s31 =	simm.s32 $0x2A00;
	v21 =	vadd.s32 v5, v23;
	v23 =	vperm.xlane v19, v14  }
0xdd: {  	[tilespmem:s31], [sflag:$0x1] =	stream.indirect_vreg.gather [hbm4b:s29+s28], $0x80, v22, vm0, $0xb8;
	[tilespmem:$0x18A00] =	vst v63  }
0xde: {  	s2 =	simm.s32 $0x2A80;
	v22 =	vadd.s32 v5, v23;
	v23 =	vperm.xlane v19, v15  }
0xdf: {  	[tilespmem:s2], [sflag:$0x1] =	stream.indirect_vreg.gather [hbm4b:s29+s28], $0x80, v20, vm0, $0xb8;
	[tilespmem:$0x18A00] =	vst v63  }
0xe0: {  	s4 =	simm.s32 $0x2B00;
	v20 =	vadd.s32 v5, v23;
	v23 =	vperm.xlane v19, v16  }
0xe1: {  	[tilespmem:s4], [sflag:$0x1] =	stream.indirect_vreg.gather [hbm4b:s29+s28], $0x80, v21, vm0, $0xb8;
	[tilespmem:$0x18A00] =	vst v63  }
0xe2: {  	s30 =	simm.s32 $0x2B80;
	v21 =	vadd.s32 v5, v23;
	v23 =	vperm.xlane v19, v17  }
0xe3: {  	[tilespmem:s30], [sflag:$0x1] =	stream.indirect_vreg.gather [hbm4b:s29+s28], $0x80, v22, vm0, $0xb8;
	[tilespmem:$0x18A00] =	vst v63  }
0xe4: {  	s31 =	simm.s32 $0x2C00;
	v19 =	vperm.xlane v19, v18;
	v22 =	vadd.s32 v5, v23  }
0xe5: {  	[tilespmem:s31], [sflag:$0x1] =	stream.indirect_vreg.gather [hbm4b:s29+s28], $0x80, v20, vm0, $0xb8;
	[tilespmem:$0x18A00] =	vst v63  }
0xe6: {  	s2 =	simm.s32 $0x2C80;
	v19 =	vadd.s32 v5, v19  }
0xe7: {  	[tilespmem:s2], [sflag:$0x1] =	stream.indirect_vreg.gather [hbm4b:s29+s28], $0x80, v21, vm0, $0xb8;
	[tilespmem:$0x18A00] =	vst v63  }
0xe8: {  	s4 =	simm.s32 $0x2D00  }
0xe9: {  	[tilespmem:s4], [sflag:$0x1] =	stream.indirect_vreg.gather [hbm4b:s29+s28], $0x80, v22, vm0, $0xb8;
	[tilespmem:$0x18A00] =	vst v63  }
0xea: {  	s30 =	simm.s32 $0x2D80  }
0xeb: {  	[tilespmem:s30], [sflag:$0x1] =	stream.indirect_vreg.gather [hbm4b:s29+s28], $0x80, v19, vm0, $0xb8;
	[tilespmem:$0x18A00] =	vst v63  }
0xec: {  	v19 =	vld [tilespmem:$0x250];
	_ =	sdelay $0x4  }
0xed: {  	v20 =	vshll.u32 v19, $0x2  }
0xee: {  	v19 =	vand.u32 $0x7, v19;
	v20 =	vand.u32 $0xFFFFFFE0, v20  }
0xef: {  	v19 =	vor.u32 v19, v20  }
0xf0: {  	v20 =	vperm.xlane v19, v4;
	_ =	sdelay $0x1  }
0xf1: {  	v21 =	vperm.xlane v19, v6;
	v20 =	vadd.s32 v5, v20;
	_ =	sdelay $0x1  }
0xf2: {  	v22 =	vperm.xlane v19, v3;
	v21 =	vadd.s32 v5, v21;
	_ =	sdelay $0x1  }
0xf3: {  	s31 =	simm.s32 $0x2E00;
	v23 =	vperm.xlane v19, v7;
	v22 =	vadd.s32 v5, v22  }
0xf4: {  	[tilespmem:s31], [sflag:$0x1] =	stream.indirect_vreg.gather [hbm4b:s29+s28], $0x80, v20, vm0, $0xb8;
	[tilespmem:$0x18A00] =	vst v63  }
0xf5: {  	s2 =	simm.s32 $0x2E80;
	v20 =	vadd.s32 v5, v23;
	v23 =	vperm.xlane v19, v8  }
0xf6: {  	[tilespmem:s2], [sflag:$0x1] =	stream.indirect_vreg.gather [hbm4b:s29+s28], $0x80, v21, vm0, $0xb8;
	[tilespmem:$0x18A00] =	vst v63  }
0xf7: {  	s4 =	simm.s32 $0x2F00;
	v21 =	vadd.s32 v5, v23;
	v23 =	vperm.xlane v19, v9  }
0xf8: {  	[tilespmem:s4], [sflag:$0x1] =	stream.indirect_vreg.gather [hbm4b:s29+s28], $0x80, v22, vm0, $0xb8;
	[tilespmem:$0x18A00] =	vst v63  }
0xf9: {  	s30 =	simm.s32 $0x2F80;
	v22 =	vadd.s32 v5, v23;
	v23 =	vperm.xlane v19, v10  }
0xfa: {  	[tilespmem:s30], [sflag:$0x1] =	stream.indirect_vreg.gather [hbm4b:s29+s28], $0x80, v20, vm0, $0xb8;
	[tilespmem:$0x18A00] =	vst v63  }
0xfb: {  	s31 =	simm.s32 $0x3000;
	v20 =	vadd.s32 v5, v23;
	v23 =	vperm.xlane v19, v2  }
0xfc: {  	[tilespmem:s31], [sflag:$0x1] =	stream.indirect_vreg.gather [hbm4b:s29+s28], $0x80, v21, vm0, $0xb8;
	[tilespmem:$0x18A00] =	vst v63  }
0xfd: {  	s2 =	simm.s32 $0x3080;
	v21 =	vadd.s32 v5, v23;
	v23 =	vperm.xlane v19, v11  }
0xfe: {  	[tilespmem:s2], [sflag:$0x1] =	stream.indirect_vreg.gather [hbm4b:s29+s28], $0x80, v22, vm0, $0xb8;
	[tilespmem:$0x18A00] =	vst v63  }
0xff: {  	s4 =	simm.s32 $0x3100;
	v22 =	vadd.s32 v5, v23;
	v23 =	vperm.xlane v19, v12  }
0x100: {  	[tilespmem:s4], [sflag:$0x1] =	stream.indirect_vreg.gather [hbm4b:s29+s28], $0x80, v20, vm0, $0xb8;
	[tilespmem:$0x18A00] =	vst v63  }
0x101: {  	s30 =	simm.s32 $0x3180;
	v20 =	vadd.s32 v5, v23;
	v23 =	vperm.xlane v19, v13  }
0x102: {  	[tilespmem:s30], [sflag:$0x1] =	stream.indirect_vreg.gather [hbm4b:s29+s28], $0x80, v21, vm0, $0xb8;
	[tilespmem:$0x18A00] =	vst v63  }
0x103: {  	s31 =	simm.s32 $0x3200;
	v21 =	vadd.s32 v5, v23;
	v23 =	vperm.xlane v19, v14  }
0x104: {  	[tilespmem:s31], [sflag:$0x1] =	stream.indirect_vreg.gather [hbm4b:s29+s28], $0x80, v22, vm0, $0xb8;
	[tilespmem:$0x18A00] =	vst v63  }
0x105: {  	s2 =	simm.s32 $0x3280;
	v22 =	vadd.s32 v5, v23;
	v23 =	vperm.xlane v19, v15  }
0x106: {  	[tilespmem:s2], [sflag:$0x1] =	stream.indirect_vreg.gather [hbm4b:s29+s28], $0x80, v20, vm0, $0xb8;
	[tilespmem:$0x18A00] =	vst v63  }
0x107: {  	s4 =	simm.s32 $0x3300;
	v20 =	vadd.s32 v5, v23;
	v23 =	vperm.xlane v19, v16  }
0x108: {  	[tilespmem:s4], [sflag:$0x1] =	stream.indirect_vreg.gather [hbm4b:s29+s28], $0x80, v21, vm0, $0xb8;
	[tilespmem:$0x18A00] =	vst v63  }
0x109: {  	s30 =	simm.s32 $0x3380;
	v21 =	vadd.s32 v5, v23;
	v23 =	vperm.xlane v19, v17  }
0x10a: {  	[tilespmem:s30], [sflag:$0x1] =	stream.indirect_vreg.gather [hbm4b:s29+s28], $0x80, v22, vm0, $0xb8;
	[tilespmem:$0x18A00] =	vst v63  }
0x10b: {  	s31 =	simm.s32 $0x3400;
	v19 =	vperm.xlane v19, v18;
	v22 =	vadd.s32 v5, v23  }
0x10c: {  	[tilespmem:s31], [sflag:$0x1] =	stream.indirect_vreg.gather [hbm4b:s29+s28], $0x80, v20, vm0, $0xb8;
	[tilespmem:$0x18A00] =	vst v63  }
0x10d: {  	s2 =	simm.s32 $0x3480;
	v19 =	vadd.s32 v5, v19  }
0x10e: {  	[tilespmem:s2], [sflag:$0x1] =	stream.indirect_vreg.gather [hbm4b:s29+s28], $0x80, v21, vm0, $0xb8;
	[tilespmem:$0x18A00] =	vst v63  }
0x10f: {  	s4 =	simm.s32 $0x3500  }
0x110: {  	[tilespmem:s4], [sflag:$0x1] =	stream.indirect_vreg.gather [hbm4b:s29+s28], $0x80, v22, vm0, $0xb8;
	[tilespmem:$0x18A00] =	vst v63  }
0x111: {  	s30 =	simm.s32 $0x3580  }
0x112: {  	[tilespmem:s30], [sflag:$0x1] =	stream.indirect_vreg.gather [hbm4b:s29+s28], $0x80, v19, vm0, $0xb8;
	[tilespmem:$0x18A00] =	vst v63  }
0x113: {  	v19 =	vld [tilespmem:$0x260];
	_ =	sdelay $0x4  }
0x114: {  	v20 =	vshll.u32 v19, $0x2  }
0x115: {  	v19 =	vand.u32 $0x7, v19;
	v20 =	vand.u32 $0xFFFFFFE0, v20  }
0x116: {  	v19 =	vor.u32 v19, v20  }
0x117: {  	v20 =	vperm.xlane v19, v4;
	_ =	sdelay $0x1  }
0x118: {  	v21 =	vperm.xlane v19, v6;
	v20 =	vadd.s32 v5, v20;
	_ =	sdelay $0x1  }
0x119: {  	v22 =	vperm.xlane v19, v3;
	v21 =	vadd.s32 v5, v21;
	_ =	sdelay $0x1  }
0x11a: {  	s31 =	simm.s32 $0x3600;
	v23 =	vperm.xlane v19, v7;
	v22 =	vadd.s32 v5, v22  }
0x11b: {  	[tilespmem:s31], [sflag:$0x1] =	stream.indirect_vreg.gather [hbm4b:s29+s28], $0x80, v20, vm0, $0xb8;
	[tilespmem:$0x18A00] =	vst v63  }
0x11c: {  	s2 =	simm.s32 $0x3680;
	v20 =	vadd.s32 v5, v23;
	v23 =	vperm.xlane v19, v8  }
0x11d: {  	[tilespmem:s2], [sflag:$0x1] =	stream.indirect_vreg.gather [hbm4b:s29+s28], $0x80, v21, vm0, $0xb8;
	[tilespmem:$0x18A00] =	vst v63  }
0x11e: {  	s4 =	simm.s32 $0x3700;
	v21 =	vadd.s32 v5, v23;
	v23 =	vperm.xlane v19, v9  }
0x11f: {  	[tilespmem:s4], [sflag:$0x1] =	stream.indirect_vreg.gather [hbm4b:s29+s28], $0x80, v22, vm0, $0xb8;
	[tilespmem:$0x18A00] =	vst v63  }
0x120: {  	s30 =	simm.s32 $0x3780;
	v22 =	vadd.s32 v5, v23;
	v23 =	vperm.xlane v19, v10  }
0x121: {  	[tilespmem:s30], [sflag:$0x1] =	stream.indirect_vreg.gather [hbm4b:s29+s28], $0x80, v20, vm0, $0xb8;
	[tilespmem:$0x18A00] =	vst v63  }
0x122: {  	s31 =	simm.s32 $0x3800;
	v20 =	vadd.s32 v5, v23;
	v23 =	vperm.xlane v19, v2  }
0x123: {  	[tilespmem:s31], [sflag:$0x1] =	stream.indirect_vreg.gather [hbm4b:s29+s28], $0x80, v21, vm0, $0xb8;
	[tilespmem:$0x18A00] =	vst v63  }
0x124: {  	s2 =	simm.s32 $0x3880;
	v21 =	vadd.s32 v5, v23;
	v23 =	vperm.xlane v19, v11  }
0x125: {  	[tilespmem:s2], [sflag:$0x1] =	stream.indirect_vreg.gather [hbm4b:s29+s28], $0x80, v22, vm0, $0xb8;
	[tilespmem:$0x18A00] =	vst v63  }
0x126: {  	s4 =	simm.s32 $0x3900;
	v22 =	vadd.s32 v5, v23;
	v23 =	vperm.xlane v19, v12  }
0x127: {  	[tilespmem:s4], [sflag:$0x1] =	stream.indirect_vreg.gather [hbm4b:s29+s28], $0x80, v20, vm0, $0xb8;
	[tilespmem:$0x18A00] =	vst v63  }
0x128: {  	s30 =	simm.s32 $0x3980;
	v20 =	vadd.s32 v5, v23;
	v23 =	vperm.xlane v19, v13  }
0x129: {  	[tilespmem:s30], [sflag:$0x1] =	stream.indirect_vreg.gather [hbm4b:s29+s28], $0x80, v21, vm0, $0xb8;
	[tilespmem:$0x18A00] =	vst v63  }
0x12a: {  	s31 =	simm.s32 $0x3A00;
	v21 =	vadd.s32 v5, v23;
	v23 =	vperm.xlane v19, v14  }
0x12b: {  	[tilespmem:s31], [sflag:$0x1] =	stream.indirect_vreg.gather [hbm4b:s29+s28], $0x80, v22, vm0, $0xb8;
	[tilespmem:$0x18A00] =	vst v63  }
0x12c: {  	s2 =	simm.s32 $0x3A80;
	v22 =	vadd.s32 v5, v23;
	v23 =	vperm.xlane v19, v15  }
0x12d: {  	[tilespmem:s2], [sflag:$0x1] =	stream.indirect_vreg.gather [hbm4b:s29+s28], $0x80, v20, vm0, $0xb8;
	[tilespmem:$0x18A00] =	vst v63  }
0x12e: {  	s4 =	simm.s32 $0x3B00;
	v20 =	vadd.s32 v5, v23;
	v23 =	vperm.xlane v19, v16  }
0x12f: {  	[tilespmem:s4], [sflag:$0x1] =	stream.indirect_vreg.gather [hbm4b:s29+s28], $0x80, v21, vm0, $0xb8;
	[tilespmem:$0x18A00] =	vst v63  }
0x130: {  	s30 =	simm.s32 $0x3B80;
	v21 =	vadd.s32 v5, v23;
	v23 =	vperm.xlane v19, v17  }
0x131: {  	[tilespmem:s30], [sflag:$0x1] =	stream.indirect_vreg.gather [hbm4b:s29+s28], $0x80, v22, vm0, $0xb8;
	[tilespmem:$0x18A00] =	vst v63  }
0x132: {  	s31 =	simm.s32 $0x3C00;
	v19 =	vperm.xlane v19, v18;
	v22 =	vadd.s32 v5, v23  }
0x133: {  	[tilespmem:s31], [sflag:$0x1] =	stream.indirect_vreg.gather [hbm4b:s29+s28], $0x80, v20, vm0, $0xb8;
	[tilespmem:$0x18A00] =	vst v63  }
0x134: {  	s2 =	simm.s32 $0x3C80;
	v19 =	vadd.s32 v5, v19  }
0x135: {  	[tilespmem:s2], [sflag:$0x1] =	stream.indirect_vreg.gather [hbm4b:s29+s28], $0x80, v21, vm0, $0xb8;
	[tilespmem:$0x18A00] =	vst v63  }
0x136: {  	s4 =	simm.s32 $0x3D00  }
0x137: {  	[tilespmem:s4], [sflag:$0x1] =	stream.indirect_vreg.gather [hbm4b:s29+s28], $0x80, v22, vm0, $0xb8;
	[tilespmem:$0x18A00] =	vst v63  }
0x138: {  	s30 =	simm.s32 $0x3D80  }
0x139: {  	[tilespmem:s30], [sflag:$0x1] =	stream.indirect_vreg.gather [hbm4b:s29+s28], $0x80, v19, vm0, $0xb8;
	[tilespmem:$0x18A00] =	vst v63  }
0x13a: {  	v19 =	vld [tilespmem:$0x270];
	_ =	sdelay $0x4  }
0x13b: {  	v20 =	vshll.u32 v19, $0x2  }
0x13c: {  	v19 =	vand.u32 $0x7, v19;
	v20 =	vand.u32 $0xFFFFFFE0, v20  }
0x13d: {  	v19 =	vor.u32 v19, v20  }
0x13e: {  	v20 =	vperm.xlane v19, v4;
	_ =	sdelay $0x1  }
0x13f: {  	v21 =	vperm.xlane v19, v6;
	v20 =	vadd.s32 v5, v20;
	_ =	sdelay $0x1  }
0x140: {  	v22 =	vperm.xlane v19, v3;
	v21 =	vadd.s32 v5, v21;
	_ =	sdelay $0x1  }
0x141: {  	s31 =	simm.s32 $0x3E00;
	v23 =	vperm.xlane v19, v7;
	v22 =	vadd.s32 v5, v22  }
0x142: {  	[tilespmem:s31], [sflag:$0x1] =	stream.indirect_vreg.gather [hbm4b:s29+s28], $0x80, v20, vm0, $0xb8;
	[tilespmem:$0x18A00] =	vst v63  }
0x143: {  	s2 =	simm.s32 $0x3E80;
	v20 =	vadd.s32 v5, v23;
	v23 =	vperm.xlane v19, v8  }
0x144: {  	[tilespmem:s2], [sflag:$0x1] =	stream.indirect_vreg.gather [hbm4b:s29+s28], $0x80, v21, vm0, $0xb8;
	[tilespmem:$0x18A00] =	vst v63  }
0x145: {  	s4 =	simm.s32 $0x3F00;
	v21 =	vadd.s32 v5, v23;
	v23 =	vperm.xlane v19, v9  }
0x146: {  	[tilespmem:s4], [sflag:$0x1] =	stream.indirect_vreg.gather [hbm4b:s29+s28], $0x80, v22, vm0, $0xb8;
	[tilespmem:$0x18A00] =	vst v63  }
0x147: {  	s30 =	simm.s32 $0x3F80;
	v22 =	vadd.s32 v5, v23;
	v23 =	vperm.xlane v19, v10  }
0x148: {  	[tilespmem:s30], [sflag:$0x1] =	stream.indirect_vreg.gather [hbm4b:s29+s28], $0x80, v20, vm0, $0xb8;
	[tilespmem:$0x18A00] =	vst v63  }
0x149: {  	s31 =	simm.s32 $0x4000;
	v20 =	vadd.s32 v5, v23;
	v23 =	vperm.xlane v19, v2  }
0x14a: {  	[tilespmem:s31], [sflag:$0x1] =	stream.indirect_vreg.gather [hbm4b:s29+s28], $0x80, v21, vm0, $0xb8;
	[tilespmem:$0x18A00] =	vst v63  }
0x14b: {  	s2 =	simm.s32 $0x4080;
	v21 =	vadd.s32 v5, v23;
	v23 =	vperm.xlane v19, v11  }
0x14c: {  	[tilespmem:s2], [sflag:$0x1] =	stream.indirect_vreg.gather [hbm4b:s29+s28], $0x80, v22, vm0, $0xb8;
	[tilespmem:$0x18A00] =	vst v63  }
0x14d: {  	s4 =	simm.s32 $0x4100;
	v22 =	vadd.s32 v5, v23;
	v23 =	vperm.xlane v19, v12  }
0x14e: {  	[tilespmem:s4], [sflag:$0x1] =	stream.indirect_vreg.gather [hbm4b:s29+s28], $0x80, v20, vm0, $0xb8;
	[tilespmem:$0x18A00] =	vst v63  }
0x14f: {  	s30 =	simm.s32 $0x4180;
	v20 =	vadd.s32 v5, v23;
	v23 =	vperm.xlane v19, v13  }
0x150: {  	[tilespmem:s30], [sflag:$0x1] =	stream.indirect_vreg.gather [hbm4b:s29+s28], $0x80, v21, vm0, $0xb8;
	[tilespmem:$0x18A00] =	vst v63  }
0x151: {  	s31 =	simm.s32 $0x4200;
	v21 =	vadd.s32 v5, v23;
	v23 =	vperm.xlane v19, v14  }
0x152: {  	[tilespmem:s31], [sflag:$0x1] =	stream.indirect_vreg.gather [hbm4b:s29+s28], $0x80, v22, vm0, $0xb8;
	[tilespmem:$0x18A00] =	vst v63  }
0x153: {  	s2 =	simm.s32 $0x4280;
	v22 =	vadd.s32 v5, v23;
	v23 =	vperm.xlane v19, v15  }
0x154: {  	[tilespmem:s2], [sflag:$0x1] =	stream.indirect_vreg.gather [hbm4b:s29+s28], $0x80, v20, vm0, $0xb8;
	[tilespmem:$0x18A00] =	vst v63  }
0x155: {  	s4 =	simm.s32 $0x4300;
	v20 =	vadd.s32 v5, v23;
	v23 =	vperm.xlane v19, v16  }
0x156: {  	[tilespmem:s4], [sflag:$0x1] =	stream.indirect_vreg.gather [hbm4b:s29+s28], $0x80, v21, vm0, $0xb8;
	[tilespmem:$0x18A00] =	vst v63  }
0x157: {  	s30 =	simm.s32 $0x4380;
	v21 =	vadd.s32 v5, v23;
	v23 =	vperm.xlane v19, v17  }
0x158: {  	[tilespmem:s30], [sflag:$0x1] =	stream.indirect_vreg.gather [hbm4b:s29+s28], $0x80, v22, vm0, $0xb8;
	[tilespmem:$0x18A00] =	vst v63  }
0x159: {  	s31 =	simm.s32 $0x4400;
	v19 =	vperm.xlane v19, v18;
	v22 =	vadd.s32 v5, v23  }
0x15a: {  	[tilespmem:s31], [sflag:$0x1] =	stream.indirect_vreg.gather [hbm4b:s29+s28], $0x80, v20, vm0, $0xb8;
	[tilespmem:$0x18A00] =	vst v63  }
0x15b: {  	s2 =	simm.s32 $0x4480;
	v19 =	vadd.s32 v5, v19  }
0x15c: {  	[tilespmem:s2], [sflag:$0x1] =	stream.indirect_vreg.gather [hbm4b:s29+s28], $0x80, v21, vm0, $0xb8;
	[tilespmem:$0x18A00] =	vst v63  }
0x15d: {  	s4 =	simm.s32 $0x4500  }
0x15e: {  	[tilespmem:s4], [sflag:$0x1] =	stream.indirect_vreg.gather [hbm4b:s29+s28], $0x80, v22, vm0, $0xb8;
	[tilespmem:$0x18A00] =	vst v63  }
0x15f: {  	s30 =	simm.s32 $0x4580  }
0x160: {  	[tilespmem:s30], [sflag:$0x1] =	stream.indirect_vreg.gather [hbm4b:s29+s28], $0x80, v19, vm0, $0xb8;
	[tilespmem:$0x18A00] =	vst v63  }
0x161: {  	v19 =	vld [tilespmem:$0x280];
	_ =	sdelay $0x4  }
0x162: {  	v20 =	vshll.u32 v19, $0x2  }
0x163: {  	v19 =	vand.u32 $0x7, v19;
	v20 =	vand.u32 $0xFFFFFFE0, v20  }
0x164: {  	v19 =	vor.u32 v19, v20  }
0x165: {  	v20 =	vperm.xlane v19, v4;
	_ =	sdelay $0x1  }
0x166: {  	v21 =	vperm.xlane v19, v6;
	v20 =	vadd.s32 v5, v20;
	_ =	sdelay $0x1  }
0x167: {  	v22 =	vperm.xlane v19, v3;
	v21 =	vadd.s32 v5, v21;
	_ =	sdelay $0x1  }
0x168: {  	s31 =	simm.s32 $0x4600;
	v23 =	vperm.xlane v19, v7;
	v22 =	vadd.s32 v5, v22  }
0x169: {  	[tilespmem:s31], [sflag:$0x1] =	stream.indirect_vreg.gather [hbm4b:s29+s28], $0x80, v20, vm0, $0xb8;
	[tilespmem:$0x18A00] =	vst v63  }
0x16a: {  	s2 =	simm.s32 $0x4680;
	v20 =	vadd.s32 v5, v23;
	v23 =	vperm.xlane v19, v8  }
0x16b: {  	[tilespmem:s2], [sflag:$0x1] =	stream.indirect_vreg.gather [hbm4b:s29+s28], $0x80, v21, vm0, $0xb8;
	[tilespmem:$0x18A00] =	vst v63  }
0x16c: {  	s4 =	simm.s32 $0x4700;
	v21 =	vadd.s32 v5, v23;
	v23 =	vperm.xlane v19, v9  }
0x16d: {  	[tilespmem:s4], [sflag:$0x1] =	stream.indirect_vreg.gather [hbm4b:s29+s28], $0x80, v22, vm0, $0xb8;
	[tilespmem:$0x18A00] =	vst v63  }
0x16e: {  	s30 =	simm.s32 $0x4780;
	v22 =	vadd.s32 v5, v23;
	v23 =	vperm.xlane v19, v10  }
0x16f: {  	[tilespmem:s30], [sflag:$0x1] =	stream.indirect_vreg.gather [hbm4b:s29+s28], $0x80, v20, vm0, $0xb8;
	[tilespmem:$0x18A00] =	vst v63  }
0x170: {  	s31 =	simm.s32 $0x4800;
	v20 =	vadd.s32 v5, v23;
	v23 =	vperm.xlane v19, v2  }
0x171: {  	[tilespmem:s31], [sflag:$0x1] =	stream.indirect_vreg.gather [hbm4b:s29+s28], $0x80, v21, vm0, $0xb8;
	[tilespmem:$0x18A00] =	vst v63  }
0x172: {  	s2 =	simm.s32 $0x4880;
	v21 =	vadd.s32 v5, v23;
	v23 =	vperm.xlane v19, v11  }
0x173: {  	[tilespmem:s2], [sflag:$0x1] =	stream.indirect_vreg.gather [hbm4b:s29+s28], $0x80, v22, vm0, $0xb8;
	[tilespmem:$0x18A00] =	vst v63  }
0x174: {  	s4 =	simm.s32 $0x4900;
	v22 =	vadd.s32 v5, v23;
	v23 =	vperm.xlane v19, v12  }
0x175: {  	[tilespmem:s4], [sflag:$0x1] =	stream.indirect_vreg.gather [hbm4b:s29+s28], $0x80, v20, vm0, $0xb8;
	[tilespmem:$0x18A00] =	vst v63  }
0x176: {  	s30 =	simm.s32 $0x4980;
	v20 =	vadd.s32 v5, v23;
	v23 =	vperm.xlane v19, v13  }
0x177: {  	[tilespmem:s30], [sflag:$0x1] =	stream.indirect_vreg.gather [hbm4b:s29+s28], $0x80, v21, vm0, $0xb8;
	[tilespmem:$0x18A00] =	vst v63  }
0x178: {  	s31 =	simm.s32 $0x4A00;
	v21 =	vadd.s32 v5, v23;
	v23 =	vperm.xlane v19, v14  }
0x179: {  	[tilespmem:s31], [sflag:$0x1] =	stream.indirect_vreg.gather [hbm4b:s29+s28], $0x80, v22, vm0, $0xb8;
	[tilespmem:$0x18A00] =	vst v63  }
0x17a: {  	s2 =	simm.s32 $0x4A80;
	v22 =	vadd.s32 v5, v23;
	v23 =	vperm.xlane v19, v15  }
0x17b: {  	[tilespmem:s2], [sflag:$0x1] =	stream.indirect_vreg.gather [hbm4b:s29+s28], $0x80, v20, vm0, $0xb8;
	[tilespmem:$0x18A00] =	vst v63  }
0x17c: {  	s4 =	simm.s32 $0x4B00;
	v20 =	vadd.s32 v5, v23;
	v23 =	vperm.xlane v19, v16  }
0x17d: {  	[tilespmem:s4], [sflag:$0x1] =	stream.indirect_vreg.gather [hbm4b:s29+s28], $0x80, v21, vm0, $0xb8;
	[tilespmem:$0x18A00] =	vst v63  }
0x17e: {  	s30 =	simm.s32 $0x4B80;
	v21 =	vadd.s32 v5, v23;
	v23 =	vperm.xlane v19, v17  }
0x17f: {  	[tilespmem:s30], [sflag:$0x1] =	stream.indirect_vreg.gather [hbm4b:s29+s28], $0x80, v22, vm0, $0xb8;
	[tilespmem:$0x18A00] =	vst v63  }
0x180: {  	s31 =	simm.s32 $0x4C00;
	v19 =	vperm.xlane v19, v18;
	v22 =	vadd.s32 v5, v23  }
0x181: {  	[tilespmem:s31], [sflag:$0x1] =	stream.indirect_vreg.gather [hbm4b:s29+s28], $0x80, v20, vm0, $0xb8;
	[tilespmem:$0x18A00] =	vst v63  }
0x182: {  	s2 =	simm.s32 $0x4C80;
	v19 =	vadd.s32 v5, v19  }
0x183: {  	[tilespmem:s2], [sflag:$0x1] =	stream.indirect_vreg.gather [hbm4b:s29+s28], $0x80, v21, vm0, $0xb8;
	[tilespmem:$0x18A00] =	vst v63  }
0x184: {  	s4 =	simm.s32 $0x4D00  }
0x185: {  	[tilespmem:s4], [sflag:$0x1] =	stream.indirect_vreg.gather [hbm4b:s29+s28], $0x80, v22, vm0, $0xb8;
	[tilespmem:$0x18A00] =	vst v63  }
0x186: {  	s30 =	simm.s32 $0x4D80  }
0x187: {  	[tilespmem:s30], [sflag:$0x1] =	stream.indirect_vreg.gather [hbm4b:s29+s28], $0x80, v19, vm0, $0xb8;
	[tilespmem:$0x18A00] =	vst v63  }
0x188: {  	v19 =	vld [tilespmem:$0x290];
	_ =	sdelay $0x4  }
0x189: {  	v20 =	vshll.u32 v19, $0x2  }
0x18a: {  	v19 =	vand.u32 $0x7, v19;
	v20 =	vand.u32 $0xFFFFFFE0, v20  }
0x18b: {  	v19 =	vor.u32 v19, v20  }
0x18c: {  	v20 =	vperm.xlane v19, v4;
	_ =	sdelay $0x1  }
0x18d: {  	v21 =	vperm.xlane v19, v6;
	v20 =	vadd.s32 v5, v20;
	_ =	sdelay $0x1  }
0x18e: {  	v22 =	vperm.xlane v19, v3;
	v21 =	vadd.s32 v5, v21;
	_ =	sdelay $0x1  }
0x18f: {  	s31 =	simm.s32 $0x4E00;
	v23 =	vperm.xlane v19, v7;
	v22 =	vadd.s32 v5, v22  }
0x190: {  	[tilespmem:s31], [sflag:$0x1] =	stream.indirect_vreg.gather [hbm4b:s29+s28], $0x80, v20, vm0, $0xb8;
	[tilespmem:$0x18A00] =	vst v63  }
0x191: {  	s2 =	simm.s32 $0x4E80;
	v20 =	vadd.s32 v5, v23;
	v23 =	vperm.xlane v19, v8  }
0x192: {  	[tilespmem:s2], [sflag:$0x1] =	stream.indirect_vreg.gather [hbm4b:s29+s28], $0x80, v21, vm0, $0xb8;
	[tilespmem:$0x18A00] =	vst v63  }
0x193: {  	s4 =	simm.s32 $0x4F00;
	v21 =	vadd.s32 v5, v23;
	v23 =	vperm.xlane v19, v9  }
0x194: {  	[tilespmem:s4], [sflag:$0x1] =	stream.indirect_vreg.gather [hbm4b:s29+s28], $0x80, v22, vm0, $0xb8;
	[tilespmem:$0x18A00] =	vst v63  }
0x195: {  	s30 =	simm.s32 $0x4F80;
	v22 =	vadd.s32 v5, v23;
	v23 =	vperm.xlane v19, v10  }
0x196: {  	[tilespmem:s30], [sflag:$0x1] =	stream.indirect_vreg.gather [hbm4b:s29+s28], $0x80, v20, vm0, $0xb8;
	[tilespmem:$0x18A00] =	vst v63  }
0x197: {  	s31 =	simm.s32 $0x5000;
	v20 =	vadd.s32 v5, v23;
	v23 =	vperm.xlane v19, v2  }
0x198: {  	[tilespmem:s31], [sflag:$0x1] =	stream.indirect_vreg.gather [hbm4b:s29+s28], $0x80, v21, vm0, $0xb8;
	[tilespmem:$0x18A00] =	vst v63  }
0x199: {  	s2 =	simm.s32 $0x5080;
	v21 =	vadd.s32 v5, v23;
	v23 =	vperm.xlane v19, v11  }
0x19a: {  	[tilespmem:s2], [sflag:$0x1] =	stream.indirect_vreg.gather [hbm4b:s29+s28], $0x80, v22, vm0, $0xb8;
	[tilespmem:$0x18A00] =	vst v63  }
0x19b: {  	s4 =	simm.s32 $0x5100;
	v22 =	vadd.s32 v5, v23;
	v23 =	vperm.xlane v19, v12  }
0x19c: {  	[tilespmem:s4], [sflag:$0x1] =	stream.indirect_vreg.gather [hbm4b:s29+s28], $0x80, v20, vm0, $0xb8;
	[tilespmem:$0x18A00] =	vst v63  }
0x19d: {  	s30 =	simm.s32 $0x5180;
	v20 =	vadd.s32 v5, v23;
	v23 =	vperm.xlane v19, v13  }
0x19e: {  	[tilespmem:s30], [sflag:$0x1] =	stream.indirect_vreg.gather [hbm4b:s29+s28], $0x80, v21, vm0, $0xb8;
	[tilespmem:$0x18A00] =	vst v63  }
0x19f: {  	s31 =	simm.s32 $0x5200;
	v21 =	vadd.s32 v5, v23;
	v23 =	vperm.xlane v19, v14  }
0x1a0: {  	[tilespmem:s31], [sflag:$0x1] =	stream.indirect_vreg.gather [hbm4b:s29+s28], $0x80, v22, vm0, $0xb8;
	[tilespmem:$0x18A00] =	vst v63  }
0x1a1: {  	s2 =	simm.s32 $0x5280;
	v22 =	vadd.s32 v5, v23;
	v23 =	vperm.xlane v19, v15  }
0x1a2: {  	[tilespmem:s2], [sflag:$0x1] =	stream.indirect_vreg.gather [hbm4b:s29+s28], $0x80, v20, vm0, $0xb8;
	[tilespmem:$0x18A00] =	vst v63  }
0x1a3: {  	s4 =	simm.s32 $0x5300;
	v20 =	vadd.s32 v5, v23;
	v23 =	vperm.xlane v19, v16  }
0x1a4: {  	[tilespmem:s4], [sflag:$0x1] =	stream.indirect_vreg.gather [hbm4b:s29+s28], $0x80, v21, vm0, $0xb8;
	[tilespmem:$0x18A00] =	vst v63  }
0x1a5: {  	s30 =	simm.s32 $0x5380;
	v21 =	vadd.s32 v5, v23;
	v23 =	vperm.xlane v19, v17  }
0x1a6: {  	[tilespmem:s30], [sflag:$0x1] =	stream.indirect_vreg.gather [hbm4b:s29+s28], $0x80, v22, vm0, $0xb8;
	[tilespmem:$0x18A00] =	vst v63  }
0x1a7: {  	s31 =	simm.s32 $0x5400;
	v19 =	vperm.xlane v19, v18;
	v22 =	vadd.s32 v5, v23  }
0x1a8: {  	[tilespmem:s31], [sflag:$0x1] =	stream.indirect_vreg.gather [hbm4b:s29+s28], $0x80, v20, vm0, $0xb8;
	[tilespmem:$0x18A00] =	vst v63  }
0x1a9: {  	s2 =	simm.s32 $0x5480;
	v19 =	vadd.s32 v5, v19  }
0x1aa: {  	[tilespmem:s2], [sflag:$0x1] =	stream.indirect_vreg.gather [hbm4b:s29+s28], $0x80, v21, vm0, $0xb8;
	[tilespmem:$0x18A00] =	vst v63  }
0x1ab: {  	s4 =	simm.s32 $0x5500  }
0x1ac: {  	[tilespmem:s4], [sflag:$0x1] =	stream.indirect_vreg.gather [hbm4b:s29+s28], $0x80, v22, vm0, $0xb8;
	[tilespmem:$0x18A00] =	vst v63  }
0x1ad: {  	s30 =	simm.s32 $0x5580  }
0x1ae: {  	[tilespmem:s30], [sflag:$0x1] =	stream.indirect_vreg.gather [hbm4b:s29+s28], $0x80, v19, vm0, $0xb8;
	[tilespmem:$0x18A00] =	vst v63  }
0x1af: {  	v19 =	vld [tilespmem:$0x2A0];
	_ =	sdelay $0x4  }
0x1b0: {  	v20 =	vshll.u32 v19, $0x2  }
0x1b1: {  	v19 =	vand.u32 $0x7, v19;
	v20 =	vand.u32 $0xFFFFFFE0, v20  }
0x1b2: {  	v19 =	vor.u32 v19, v20  }
0x1b3: {  	v20 =	vperm.xlane v19, v4;
	_ =	sdelay $0x1  }
0x1b4: {  	v21 =	vperm.xlane v19, v6;
	v20 =	vadd.s32 v5, v20;
	_ =	sdelay $0x1  }
0x1b5: {  	v22 =	vperm.xlane v19, v3;
	v21 =	vadd.s32 v5, v21;
	_ =	sdelay $0x1  }
0x1b6: {  	s31 =	simm.s32 $0x5600;
	v23 =	vperm.xlane v19, v7;
	v22 =	vadd.s32 v5, v22  }
0x1b7: {  	[tilespmem:s31], [sflag:$0x1] =	stream.indirect_vreg.gather [hbm4b:s29+s28], $0x80, v20, vm0, $0xb8;
	[tilespmem:$0x18A00] =	vst v63  }
0x1b8: {  	s2 =	simm.s32 $0x5680;
	v20 =	vadd.s32 v5, v23;
	v23 =	vperm.xlane v19, v8  }
0x1b9: {  	[tilespmem:s2], [sflag:$0x1] =	stream.indirect_vreg.gather [hbm4b:s29+s28], $0x80, v21, vm0, $0xb8;
	[tilespmem:$0x18A00] =	vst v63  }
0x1ba: {  	s4 =	simm.s32 $0x5700;
	v21 =	vadd.s32 v5, v23;
	v23 =	vperm.xlane v19, v9  }
0x1bb: {  	[tilespmem:s4], [sflag:$0x1] =	stream.indirect_vreg.gather [hbm4b:s29+s28], $0x80, v22, vm0, $0xb8;
	[tilespmem:$0x18A00] =	vst v63  }
0x1bc: {  	s30 =	simm.s32 $0x5780;
	v22 =	vadd.s32 v5, v23;
	v23 =	vperm.xlane v19, v10  }
0x1bd: {  	[tilespmem:s30], [sflag:$0x1] =	stream.indirect_vreg.gather [hbm4b:s29+s28], $0x80, v20, vm0, $0xb8;
	[tilespmem:$0x18A00] =	vst v63  }
0x1be: {  	s31 =	simm.s32 $0x5800;
	v20 =	vadd.s32 v5, v23;
	v23 =	vperm.xlane v19, v2  }
0x1bf: {  	[tilespmem:s31], [sflag:$0x1] =	stream.indirect_vreg.gather [hbm4b:s29+s28], $0x80, v21, vm0, $0xb8;
	[tilespmem:$0x18A00] =	vst v63  }
0x1c0: {  	s2 =	simm.s32 $0x5880;
	v21 =	vadd.s32 v5, v23;
	v23 =	vperm.xlane v19, v11  }
0x1c1: {  	[tilespmem:s2], [sflag:$0x1] =	stream.indirect_vreg.gather [hbm4b:s29+s28], $0x80, v22, vm0, $0xb8;
	[tilespmem:$0x18A00] =	vst v63  }
0x1c2: {  	s4 =	simm.s32 $0x5900;
	v22 =	vadd.s32 v5, v23;
	v23 =	vperm.xlane v19, v12  }
0x1c3: {  	[tilespmem:s4], [sflag:$0x1] =	stream.indirect_vreg.gather [hbm4b:s29+s28], $0x80, v20, vm0, $0xb8;
	[tilespmem:$0x18A00] =	vst v63  }
0x1c4: {  	s30 =	simm.s32 $0x5980;
	v20 =	vadd.s32 v5, v23;
	v23 =	vperm.xlane v19, v13  }
0x1c5: {  	[tilespmem:s30], [sflag:$0x1] =	stream.indirect_vreg.gather [hbm4b:s29+s28], $0x80, v21, vm0, $0xb8;
	[tilespmem:$0x18A00] =	vst v63  }
0x1c6: {  	s31 =	simm.s32 $0x5A00;
	v21 =	vadd.s32 v5, v23;
	v23 =	vperm.xlane v19, v14  }
0x1c7: {  	[tilespmem:s31], [sflag:$0x1] =	stream.indirect_vreg.gather [hbm4b:s29+s28], $0x80, v22, vm0, $0xb8;
	[tilespmem:$0x18A00] =	vst v63  }
0x1c8: {  	s2 =	simm.s32 $0x5A80;
	v22 =	vadd.s32 v5, v23;
	v23 =	vperm.xlane v19, v15  }
0x1c9: {  	[tilespmem:s2], [sflag:$0x1] =	stream.indirect_vreg.gather [hbm4b:s29+s28], $0x80, v20, vm0, $0xb8;
	[tilespmem:$0x18A00] =	vst v63  }
0x1ca: {  	s4 =	simm.s32 $0x5B00;
	v20 =	vadd.s32 v5, v23;
	v23 =	vperm.xlane v19, v16  }
0x1cb: {  	[tilespmem:s4], [sflag:$0x1] =	stream.indirect_vreg.gather [hbm4b:s29+s28], $0x80, v21, vm0, $0xb8;
	[tilespmem:$0x18A00] =	vst v63  }
0x1cc: {  	s30 =	simm.s32 $0x5B80;
	v21 =	vadd.s32 v5, v23;
	v23 =	vperm.xlane v19, v17  }
0x1cd: {  	[tilespmem:s30], [sflag:$0x1] =	stream.indirect_vreg.gather [hbm4b:s29+s28], $0x80, v22, vm0, $0xb8;
	[tilespmem:$0x18A00] =	vst v63  }
0x1ce: {  	s31 =	simm.s32 $0x5C00;
	v19 =	vperm.xlane v19, v18;
	v22 =	vadd.s32 v5, v23  }
0x1cf: {  	[tilespmem:s31], [sflag:$0x1] =	stream.indirect_vreg.gather [hbm4b:s29+s28], $0x80, v20, vm0, $0xb8;
	[tilespmem:$0x18A00] =	vst v63  }
0x1d0: {  	s2 =	simm.s32 $0x5C80;
	v19 =	vadd.s32 v5, v19  }
0x1d1: {  	[tilespmem:s2], [sflag:$0x1] =	stream.indirect_vreg.gather [hbm4b:s29+s28], $0x80, v21, vm0, $0xb8;
	[tilespmem:$0x18A00] =	vst v63  }
0x1d2: {  	s4 =	simm.s32 $0x5D00  }
0x1d3: {  	[tilespmem:s4], [sflag:$0x1] =	stream.indirect_vreg.gather [hbm4b:s29+s28], $0x80, v22, vm0, $0xb8;
	[tilespmem:$0x18A00] =	vst v63  }
0x1d4: {  	s30 =	simm.s32 $0x5D80  }
0x1d5: {  	[tilespmem:s30], [sflag:$0x1] =	stream.indirect_vreg.gather [hbm4b:s29+s28], $0x80, v19, vm0, $0xb8;
	[tilespmem:$0x18A00] =	vst v63  }
0x1d6: {  	v19 =	vld [tilespmem:$0x2B0];
	_ =	sdelay $0x4  }
0x1d7: {  	v20 =	vshll.u32 v19, $0x2  }
0x1d8: {  	v19 =	vand.u32 $0x7, v19;
	v20 =	vand.u32 $0xFFFFFFE0, v20  }
0x1d9: {  	v19 =	vor.u32 v19, v20  }
0x1da: {  	v20 =	vperm.xlane v19, v4;
	_ =	sdelay $0x1  }
0x1db: {  	v21 =	vperm.xlane v19, v6;
	v20 =	vadd.s32 v5, v20;
	_ =	sdelay $0x1  }
0x1dc: {  	v22 =	vperm.xlane v19, v3;
	v21 =	vadd.s32 v5, v21;
	_ =	sdelay $0x1  }
0x1dd: {  	s31 =	simm.s32 $0x5E00;
	v23 =	vperm.xlane v19, v7;
	v22 =	vadd.s32 v5, v22  }
0x1de: {  	[tilespmem:s31], [sflag:$0x1] =	stream.indirect_vreg.gather [hbm4b:s29+s28], $0x80, v20, vm0, $0xb8;
	[tilespmem:$0x18A00] =	vst v63  }
0x1df: {  	s2 =	simm.s32 $0x5E80;
	v20 =	vadd.s32 v5, v23;
	v23 =	vperm.xlane v19, v8  }
0x1e0: {  	[tilespmem:s2], [sflag:$0x1] =	stream.indirect_vreg.gather [hbm4b:s29+s28], $0x80, v21, vm0, $0xb8;
	[tilespmem:$0x18A00] =	vst v63  }
0x1e1: {  	s4 =	simm.s32 $0x5F00;
	v21 =	vadd.s32 v5, v23;
	v23 =	vperm.xlane v19, v9  }
0x1e2: {  	[tilespmem:s4], [sflag:$0x1] =	stream.indirect_vreg.gather [hbm4b:s29+s28], $0x80, v22, vm0, $0xb8;
	[tilespmem:$0x18A00] =	vst v63  }
0x1e3: {  	s30 =	simm.s32 $0x5F80;
	v22 =	vadd.s32 v5, v23;
	v23 =	vperm.xlane v19, v10  }
0x1e4: {  	[tilespmem:s30], [sflag:$0x1] =	stream.indirect_vreg.gather [hbm4b:s29+s28], $0x80, v20, vm0, $0xb8;
	[tilespmem:$0x18A00] =	vst v63  }
0x1e5: {  	s31 =	simm.s32 $0x6000;
	v20 =	vadd.s32 v5, v23;
	v23 =	vperm.xlane v19, v2  }
0x1e6: {  	[tilespmem:s31], [sflag:$0x1] =	stream.indirect_vreg.gather [hbm4b:s29+s28], $0x80, v21, vm0, $0xb8;
	[tilespmem:$0x18A00] =	vst v63  }
0x1e7: {  	s2 =	simm.s32 $0x6080;
	v21 =	vadd.s32 v5, v23;
	v23 =	vperm.xlane v19, v11  }
0x1e8: {  	[tilespmem:s2], [sflag:$0x1] =	stream.indirect_vreg.gather [hbm4b:s29+s28], $0x80, v22, vm0, $0xb8;
	[tilespmem:$0x18A00] =	vst v63  }
0x1e9: {  	s4 =	simm.s32 $0x6100;
	v22 =	vadd.s32 v5, v23;
	v23 =	vperm.xlane v19, v12  }
0x1ea: {  	[tilespmem:s4], [sflag:$0x1] =	stream.indirect_vreg.gather [hbm4b:s29+s28], $0x80, v20, vm0, $0xb8;
	[tilespmem:$0x18A00] =	vst v63  }
0x1eb: {  	s30 =	simm.s32 $0x6180;
	v20 =	vadd.s32 v5, v23;
	v23 =	vperm.xlane v19, v13  }
0x1ec: {  	[tilespmem:s30], [sflag:$0x1] =	stream.indirect_vreg.gather [hbm4b:s29+s28], $0x80, v21, vm0, $0xb8;
	[tilespmem:$0x18A00] =	vst v63  }
0x1ed: {  	s31 =	simm.s32 $0x6200;
	v21 =	vadd.s32 v5, v23;
	v23 =	vperm.xlane v19, v14  }
0x1ee: {  	[tilespmem:s31], [sflag:$0x1] =	stream.indirect_vreg.gather [hbm4b:s29+s28], $0x80, v22, vm0, $0xb8;
	[tilespmem:$0x18A00] =	vst v63  }
0x1ef: {  	s2 =	simm.s32 $0x6280;
	v22 =	vadd.s32 v5, v23;
	v23 =	vperm.xlane v19, v15  }
0x1f0: {  	[tilespmem:s2], [sflag:$0x1] =	stream.indirect_vreg.gather [hbm4b:s29+s28], $0x80, v20, vm0, $0xb8;
	[tilespmem:$0x18A00] =	vst v63  }
0x1f1: {  	s4 =	simm.s32 $0x6300;
	v20 =	vadd.s32 v5, v23;
	v23 =	vperm.xlane v19, v16  }
0x1f2: {  	[tilespmem:s4], [sflag:$0x1] =	stream.indirect_vreg.gather [hbm4b:s29+s28], $0x80, v21, vm0, $0xb8;
	[tilespmem:$0x18A00] =	vst v63  }
0x1f3: {  	s30 =	simm.s32 $0x6380;
	v21 =	vadd.s32 v5, v23;
	v23 =	vperm.xlane v19, v17  }
0x1f4: {  	[tilespmem:s30], [sflag:$0x1] =	stream.indirect_vreg.gather [hbm4b:s29+s28], $0x80, v22, vm0, $0xb8;
	[tilespmem:$0x18A00] =	vst v63  }
0x1f5: {  	s31 =	simm.s32 $0x6400;
	v19 =	vperm.xlane v19, v18;
	v22 =	vadd.s32 v5, v23  }
0x1f6: {  	[tilespmem:s31], [sflag:$0x1] =	stream.indirect_vreg.gather [hbm4b:s29+s28], $0x80, v20, vm0, $0xb8;
	[tilespmem:$0x18A00] =	vst v63  }
0x1f7: {  	s2 =	simm.s32 $0x6480;
	v19 =	vadd.s32 v5, v19  }
0x1f8: {  	[tilespmem:s2], [sflag:$0x1] =	stream.indirect_vreg.gather [hbm4b:s29+s28], $0x80, v21, vm0, $0xb8;
	[tilespmem:$0x18A00] =	vst v63  }
0x1f9: {  	s4 =	simm.s32 $0x6500  }
0x1fa: {  	[tilespmem:s4], [sflag:$0x1] =	stream.indirect_vreg.gather [hbm4b:s29+s28], $0x80, v22, vm0, $0xb8;
	[tilespmem:$0x18A00] =	vst v63  }
0x1fb: {  	s30 =	simm.s32 $0x6580  }
0x1fc: {  	[tilespmem:s30], [sflag:$0x1] =	stream.indirect_vreg.gather [hbm4b:s29+s28], $0x80, v19, vm0, $0xb8;
	[tilespmem:$0x18A00] =	vst v63  }
0x1fd: {  	v19 =	vld [tilespmem:$0x2C0];
	_ =	sdelay $0x4  }
0x1fe: {  	v20 =	vshll.u32 v19, $0x2  }
0x1ff: {  	v19 =	vand.u32 $0x7, v19;
	v20 =	vand.u32 $0xFFFFFFE0, v20  }
0x200: {  	v19 =	vor.u32 v19, v20  }
0x201: {  	v20 =	vperm.xlane v19, v4;
	_ =	sdelay $0x1  }
0x202: {  	v21 =	vperm.xlane v19, v6;
	v20 =	vadd.s32 v5, v20;
	_ =	sdelay $0x1  }
0x203: {  	v22 =	vperm.xlane v19, v3;
	v21 =	vadd.s32 v5, v21;
	_ =	sdelay $0x1  }
0x204: {  	s31 =	simm.s32 $0x6600;
	v23 =	vperm.xlane v19, v7;
	v22 =	vadd.s32 v5, v22  }
0x205: {  	[tilespmem:s31], [sflag:$0x1] =	stream.indirect_vreg.gather [hbm4b:s29+s28], $0x80, v20, vm0, $0xb8;
	[tilespmem:$0x18A00] =	vst v63  }
0x206: {  	s2 =	simm.s32 $0x6680;
	v20 =	vadd.s32 v5, v23;
	v23 =	vperm.xlane v19, v8  }
0x207: {  	[tilespmem:s2], [sflag:$0x1] =	stream.indirect_vreg.gather [hbm4b:s29+s28], $0x80, v21, vm0, $0xb8;
	[tilespmem:$0x18A00] =	vst v63  }
0x208: {  	s4 =	simm.s32 $0x6700;
	v21 =	vadd.s32 v5, v23;
	v23 =	vperm.xlane v19, v9  }
0x209: {  	[tilespmem:s4], [sflag:$0x1] =	stream.indirect_vreg.gather [hbm4b:s29+s28], $0x80, v22, vm0, $0xb8;
	[tilespmem:$0x18A00] =	vst v63  }
0x20a: {  	s30 =	simm.s32 $0x6780;
	v22 =	vadd.s32 v5, v23;
	v23 =	vperm.xlane v19, v10  }
0x20b: {  	[tilespmem:s30], [sflag:$0x1] =	stream.indirect_vreg.gather [hbm4b:s29+s28], $0x80, v20, vm0, $0xb8;
	[tilespmem:$0x18A00] =	vst v63  }
0x20c: {  	s31 =	simm.s32 $0x6800;
	v20 =	vadd.s32 v5, v23;
	v23 =	vperm.xlane v19, v2  }
0x20d: {  	[tilespmem:s31], [sflag:$0x1] =	stream.indirect_vreg.gather [hbm4b:s29+s28], $0x80, v21, vm0, $0xb8;
	[tilespmem:$0x18A00] =	vst v63  }
0x20e: {  	s2 =	simm.s32 $0x6880;
	v21 =	vadd.s32 v5, v23;
	v23 =	vperm.xlane v19, v11  }
0x20f: {  	[tilespmem:s2], [sflag:$0x1] =	stream.indirect_vreg.gather [hbm4b:s29+s28], $0x80, v22, vm0, $0xb8;
	[tilespmem:$0x18A00] =	vst v63  }
0x210: {  	s4 =	simm.s32 $0x6900;
	v22 =	vadd.s32 v5, v23;
	v23 =	vperm.xlane v19, v12  }
0x211: {  	[tilespmem:s4], [sflag:$0x1] =	stream.indirect_vreg.gather [hbm4b:s29+s28], $0x80, v20, vm0, $0xb8;
	[tilespmem:$0x18A00] =	vst v63  }
0x212: {  	s30 =	simm.s32 $0x6980;
	v20 =	vadd.s32 v5, v23;
	v23 =	vperm.xlane v19, v13  }
0x213: {  	[tilespmem:s30], [sflag:$0x1] =	stream.indirect_vreg.gather [hbm4b:s29+s28], $0x80, v21, vm0, $0xb8;
	[tilespmem:$0x18A00] =	vst v63  }
0x214: {  	s31 =	simm.s32 $0x6A00;
	v21 =	vadd.s32 v5, v23;
	v23 =	vperm.xlane v19, v14  }
0x215: {  	[tilespmem:s31], [sflag:$0x1] =	stream.indirect_vreg.gather [hbm4b:s29+s28], $0x80, v22, vm0, $0xb8;
	[tilespmem:$0x18A00] =	vst v63  }
0x216: {  	s2 =	simm.s32 $0x6A80;
	v22 =	vadd.s32 v5, v23;
	v23 =	vperm.xlane v19, v15  }
0x217: {  	[tilespmem:s2], [sflag:$0x1] =	stream.indirect_vreg.gather [hbm4b:s29+s28], $0x80, v20, vm0, $0xb8;
	[tilespmem:$0x18A00] =	vst v63  }
0x218: {  	s4 =	simm.s32 $0x6B00;
	v20 =	vadd.s32 v5, v23;
	v23 =	vperm.xlane v19, v16  }
0x219: {  	[tilespmem:s4], [sflag:$0x1] =	stream.indirect_vreg.gather [hbm4b:s29+s28], $0x80, v21, vm0, $0xb8;
	[tilespmem:$0x18A00] =	vst v63  }
0x21a: {  	s30 =	simm.s32 $0x6B80;
	v21 =	vadd.s32 v5, v23;
	v23 =	vperm.xlane v19, v17  }
0x21b: {  	[tilespmem:s30], [sflag:$0x1] =	stream.indirect_vreg.gather [hbm4b:s29+s28], $0x80, v22, vm0, $0xb8;
	[tilespmem:$0x18A00] =	vst v63  }
0x21c: {  	s31 =	simm.s32 $0x6C00;
	v19 =	vperm.xlane v19, v18;
	v22 =	vadd.s32 v5, v23  }
0x21d: {  	[tilespmem:s31], [sflag:$0x1] =	stream.indirect_vreg.gather [hbm4b:s29+s28], $0x80, v20, vm0, $0xb8;
	[tilespmem:$0x18A00] =	vst v63  }
0x21e: {  	s2 =	simm.s32 $0x6C80;
	v19 =	vadd.s32 v5, v19  }
0x21f: {  	[tilespmem:s2], [sflag:$0x1] =	stream.indirect_vreg.gather [hbm4b:s29+s28], $0x80, v21, vm0, $0xb8;
	[tilespmem:$0x18A00] =	vst v63  }
0x220: {  	s4 =	simm.s32 $0x6D00  }
0x221: {  	[tilespmem:s4], [sflag:$0x1] =	stream.indirect_vreg.gather [hbm4b:s29+s28], $0x80, v22, vm0, $0xb8;
	[tilespmem:$0x18A00] =	vst v63  }
0x222: {  	s30 =	simm.s32 $0x6D80  }
0x223: {  	[tilespmem:s30], [sflag:$0x1] =	stream.indirect_vreg.gather [hbm4b:s29+s28], $0x80, v19, vm0, $0xb8;
	[tilespmem:$0x18A00] =	vst v63  }
0x224: {  	v19 =	vld [tilespmem:$0x2D0];
	_ =	sdelay $0x4  }
0x225: {  	v20 =	vshll.u32 v19, $0x2  }
0x226: {  	v19 =	vand.u32 $0x7, v19;
	v20 =	vand.u32 $0xFFFFFFE0, v20  }
0x227: {  	v19 =	vor.u32 v19, v20  }
0x228: {  	v20 =	vperm.xlane v19, v4;
	_ =	sdelay $0x1  }
0x229: {  	v21 =	vperm.xlane v19, v6;
	v20 =	vadd.s32 v5, v20;
	_ =	sdelay $0x1  }
0x22a: {  	v22 =	vperm.xlane v19, v3;
	v21 =	vadd.s32 v5, v21;
	_ =	sdelay $0x1  }
0x22b: {  	s31 =	simm.s32 $0x6E00;
	v23 =	vperm.xlane v19, v7;
	v22 =	vadd.s32 v5, v22  }
0x22c: {  	[tilespmem:s31], [sflag:$0x1] =	stream.indirect_vreg.gather [hbm4b:s29+s28], $0x80, v20, vm0, $0xb8;
	[tilespmem:$0x18A00] =	vst v63  }
0x22d: {  	s2 =	simm.s32 $0x6E80;
	v20 =	vadd.s32 v5, v23;
	v23 =	vperm.xlane v19, v8  }
0x22e: {  	[tilespmem:s2], [sflag:$0x1] =	stream.indirect_vreg.gather [hbm4b:s29+s28], $0x80, v21, vm0, $0xb8;
	[tilespmem:$0x18A00] =	vst v63  }
0x22f: {  	s4 =	simm.s32 $0x6F00;
	v21 =	vadd.s32 v5, v23;
	v23 =	vperm.xlane v19, v9  }
0x230: {  	[tilespmem:s4], [sflag:$0x1] =	stream.indirect_vreg.gather [hbm4b:s29+s28], $0x80, v22, vm0, $0xb8;
	[tilespmem:$0x18A00] =	vst v63  }
0x231: {  	s30 =	simm.s32 $0x6F80;
	v22 =	vadd.s32 v5, v23;
	v23 =	vperm.xlane v19, v10  }
0x232: {  	[tilespmem:s30], [sflag:$0x1] =	stream.indirect_vreg.gather [hbm4b:s29+s28], $0x80, v20, vm0, $0xb8;
	[tilespmem:$0x18A00] =	vst v63  }
0x233: {  	s31 =	simm.s32 $0x7000;
	v20 =	vadd.s32 v5, v23;
	v23 =	vperm.xlane v19, v2  }
0x234: {  	[tilespmem:s31], [sflag:$0x1] =	stream.indirect_vreg.gather [hbm4b:s29+s28], $0x80, v21, vm0, $0xb8;
	[tilespmem:$0x18A00] =	vst v63  }
0x235: {  	s2 =	simm.s32 $0x7080;
	v21 =	vadd.s32 v5, v23;
	v23 =	vperm.xlane v19, v11  }
0x236: {  	[tilespmem:s2], [sflag:$0x1] =	stream.indirect_vreg.gather [hbm4b:s29+s28], $0x80, v22, vm0, $0xb8;
	[tilespmem:$0x18A00] =	vst v63  }
0x237: {  	s4 =	simm.s32 $0x7100;
	v22 =	vadd.s32 v5, v23;
	v23 =	vperm.xlane v19, v12  }
0x238: {  	[tilespmem:s4], [sflag:$0x1] =	stream.indirect_vreg.gather [hbm4b:s29+s28], $0x80, v20, vm0, $0xb8;
	[tilespmem:$0x18A00] =	vst v63  }
0x239: {  	s30 =	simm.s32 $0x7180;
	v20 =	vadd.s32 v5, v23;
	v23 =	vperm.xlane v19, v13  }
0x23a: {  	[tilespmem:s30], [sflag:$0x1] =	stream.indirect_vreg.gather [hbm4b:s29+s28], $0x80, v21, vm0, $0xb8;
	[tilespmem:$0x18A00] =	vst v63  }
0x23b: {  	s31 =	simm.s32 $0x7200;
	v21 =	vadd.s32 v5, v23;
	v23 =	vperm.xlane v19, v14  }
0x23c: {  	[tilespmem:s31], [sflag:$0x1] =	stream.indirect_vreg.gather [hbm4b:s29+s28], $0x80, v22, vm0, $0xb8;
	[tilespmem:$0x18A00] =	vst v63  }
0x23d: {  	s2 =	simm.s32 $0x7280;
	v22 =	vadd.s32 v5, v23;
	v23 =	vperm.xlane v19, v15  }
0x23e: {  	[tilespmem:s2], [sflag:$0x1] =	stream.indirect_vreg.gather [hbm4b:s29+s28], $0x80, v20, vm0, $0xb8;
	[tilespmem:$0x18A00] =	vst v63  }
0x23f: {  	s4 =	simm.s32 $0x7300;
	v20 =	vadd.s32 v5, v23;
	v23 =	vperm.xlane v19, v16  }
0x240: {  	[tilespmem:s4], [sflag:$0x1] =	stream.indirect_vreg.gather [hbm4b:s29+s28], $0x80, v21, vm0, $0xb8;
	[tilespmem:$0x18A00] =	vst v63  }
0x241: {  	s30 =	simm.s32 $0x7380;
	v21 =	vadd.s32 v5, v23;
	v23 =	vperm.xlane v19, v17  }
0x242: {  	[tilespmem:s30], [sflag:$0x1] =	stream.indirect_vreg.gather [hbm4b:s29+s28], $0x80, v22, vm0, $0xb8;
	[tilespmem:$0x18A00] =	vst v63  }
0x243: {  	s31 =	simm.s32 $0x7400;
	v19 =	vperm.xlane v19, v18;
	v22 =	vadd.s32 v5, v23  }
0x244: {  	[tilespmem:s31], [sflag:$0x1] =	stream.indirect_vreg.gather [hbm4b:s29+s28], $0x80, v20, vm0, $0xb8;
	[tilespmem:$0x18A00] =	vst v63  }
0x245: {  	s2 =	simm.s32 $0x7480;
	v19 =	vadd.s32 v5, v19  }
0x246: {  	[tilespmem:s2], [sflag:$0x1] =	stream.indirect_vreg.gather [hbm4b:s29+s28], $0x80, v21, vm0, $0xb8;
	[tilespmem:$0x18A00] =	vst v63  }
0x247: {  	s4 =	simm.s32 $0x7500  }
0x248: {  	[tilespmem:s4], [sflag:$0x1] =	stream.indirect_vreg.gather [hbm4b:s29+s28], $0x80, v22, vm0, $0xb8;
	[tilespmem:$0x18A00] =	vst v63  }
0x249: {  	s30 =	simm.s32 $0x7580  }
0x24a: {  	[tilespmem:s30], [sflag:$0x1] =	stream.indirect_vreg.gather [hbm4b:s29+s28], $0x80, v19, vm0, $0xb8;
	[tilespmem:$0x18A00] =	vst v63  }
0x24b: {  	v19 =	vld [tilespmem:$0x2E0];
	_ =	sdelay $0x4  }
0x24c: {  	v20 =	vshll.u32 v19, $0x2  }
0x24d: {  	v19 =	vand.u32 $0x7, v19;
	v20 =	vand.u32 $0xFFFFFFE0, v20  }
0x24e: {  	v19 =	vor.u32 v19, v20  }
0x24f: {  	v20 =	vperm.xlane v19, v4;
	_ =	sdelay $0x1  }
0x250: {  	v21 =	vperm.xlane v19, v6;
	v20 =	vadd.s32 v5, v20;
	_ =	sdelay $0x1  }
0x251: {  	v22 =	vperm.xlane v19, v3;
	v21 =	vadd.s32 v5, v21;
	_ =	sdelay $0x1  }
0x252: {  	s31 =	simm.s32 $0x7600;
	v23 =	vperm.xlane v19, v7;
	v22 =	vadd.s32 v5, v22  }
0x253: {  	[tilespmem:s31], [sflag:$0x1] =	stream.indirect_vreg.gather [hbm4b:s29+s28], $0x80, v20, vm0, $0xb8;
	[tilespmem:$0x18A00] =	vst v63  }
0x254: {  	s2 =	simm.s32 $0x7680;
	v20 =	vadd.s32 v5, v23;
	v23 =	vperm.xlane v19, v8  }
0x255: {  	[tilespmem:s2], [sflag:$0x1] =	stream.indirect_vreg.gather [hbm4b:s29+s28], $0x80, v21, vm0, $0xb8;
	[tilespmem:$0x18A00] =	vst v63  }
0x256: {  	s4 =	simm.s32 $0x7700;
	v21 =	vadd.s32 v5, v23;
	v23 =	vperm.xlane v19, v9  }
0x257: {  	[tilespmem:s4], [sflag:$0x1] =	stream.indirect_vreg.gather [hbm4b:s29+s28], $0x80, v22, vm0, $0xb8;
	[tilespmem:$0x18A00] =	vst v63  }
0x258: {  	s30 =	simm.s32 $0x7780;
	v22 =	vadd.s32 v5, v23;
	v23 =	vperm.xlane v19, v10  }
0x259: {  	[tilespmem:s30], [sflag:$0x1] =	stream.indirect_vreg.gather [hbm4b:s29+s28], $0x80, v20, vm0, $0xb8;
	[tilespmem:$0x18A00] =	vst v63  }
0x25a: {  	s31 =	simm.s32 $0x7800;
	v20 =	vadd.s32 v5, v23;
	v23 =	vperm.xlane v19, v2  }
0x25b: {  	[tilespmem:s31], [sflag:$0x1] =	stream.indirect_vreg.gather [hbm4b:s29+s28], $0x80, v21, vm0, $0xb8;
	[tilespmem:$0x18A00] =	vst v63  }
0x25c: {  	s2 =	simm.s32 $0x7880;
	v21 =	vadd.s32 v5, v23;
	v23 =	vperm.xlane v19, v11  }
0x25d: {  	[tilespmem:s2], [sflag:$0x1] =	stream.indirect_vreg.gather [hbm4b:s29+s28], $0x80, v22, vm0, $0xb8;
	[tilespmem:$0x18A00] =	vst v63  }
0x25e: {  	s4 =	simm.s32 $0x7900;
	v22 =	vadd.s32 v5, v23;
	v23 =	vperm.xlane v19, v12  }
0x25f: {  	[tilespmem:s4], [sflag:$0x1] =	stream.indirect_vreg.gather [hbm4b:s29+s28], $0x80, v20, vm0, $0xb8;
	[tilespmem:$0x18A00] =	vst v63  }
0x260: {  	s30 =	simm.s32 $0x7980;
	v20 =	vadd.s32 v5, v23;
	v23 =	vperm.xlane v19, v13  }
0x261: {  	[tilespmem:s30], [sflag:$0x1] =	stream.indirect_vreg.gather [hbm4b:s29+s28], $0x80, v21, vm0, $0xb8;
	[tilespmem:$0x18A00] =	vst v63  }
0x262: {  	s31 =	simm.s32 $0x7A00;
	v21 =	vadd.s32 v5, v23;
	v23 =	vperm.xlane v19, v14  }
0x263: {  	[tilespmem:s31], [sflag:$0x1] =	stream.indirect_vreg.gather [hbm4b:s29+s28], $0x80, v22, vm0, $0xb8;
	[tilespmem:$0x18A00] =	vst v63  }
0x264: {  	s2 =	simm.s32 $0x7A80;
	v22 =	vadd.s32 v5, v23;
	v23 =	vperm.xlane v19, v15  }
0x265: {  	[tilespmem:s2], [sflag:$0x1] =	stream.indirect_vreg.gather [hbm4b:s29+s28], $0x80, v20, vm0, $0xb8;
	[tilespmem:$0x18A00] =	vst v63  }
0x266: {  	s4 =	simm.s32 $0x7B00;
	v20 =	vadd.s32 v5, v23;
	v23 =	vperm.xlane v19, v16  }
0x267: {  	[tilespmem:s4], [sflag:$0x1] =	stream.indirect_vreg.gather [hbm4b:s29+s28], $0x80, v21, vm0, $0xb8;
	[tilespmem:$0x18A00] =	vst v63  }
0x268: {  	s30 =	simm.s32 $0x7B80;
	v21 =	vadd.s32 v5, v23;
	v23 =	vperm.xlane v19, v17  }
0x269: {  	[tilespmem:s30], [sflag:$0x1] =	stream.indirect_vreg.gather [hbm4b:s29+s28], $0x80, v22, vm0, $0xb8;
	[tilespmem:$0x18A00] =	vst v63  }
0x26a: {  	s31 =	simm.s32 $0x7C00;
	v19 =	vperm.xlane v19, v18;
	v22 =	vadd.s32 v5, v23  }
0x26b: {  	[tilespmem:s31], [sflag:$0x1] =	stream.indirect_vreg.gather [hbm4b:s29+s28], $0x80, v20, vm0, $0xb8;
	[tilespmem:$0x18A00] =	vst v63  }
0x26c: {  	s2 =	simm.s32 $0x7C80;
	v19 =	vadd.s32 v5, v19  }
0x26d: {  	[tilespmem:s2], [sflag:$0x1] =	stream.indirect_vreg.gather [hbm4b:s29+s28], $0x80, v21, vm0, $0xb8;
	[tilespmem:$0x18A00] =	vst v63  }
0x26e: {  	s4 =	simm.s32 $0x7D00  }
0x26f: {  	[tilespmem:s4], [sflag:$0x1] =	stream.indirect_vreg.gather [hbm4b:s29+s28], $0x80, v22, vm0, $0xb8;
	[tilespmem:$0x18A00] =	vst v63  }
0x270: {  	s30 =	simm.s32 $0x7D80  }
0x271: {  	[tilespmem:s30], [sflag:$0x1] =	stream.indirect_vreg.gather [hbm4b:s29+s28], $0x80, v19, vm0, $0xb8;
	[tilespmem:$0x18A00] =	vst v63  }
0x272: {  	v19 =	vld [tilespmem:$0x2F0];
	_ =	sdelay $0x4  }
0x273: {  	v20 =	vshll.u32 v19, $0x2  }
0x274: {  	v19 =	vand.u32 $0x7, v19;
	v20 =	vand.u32 $0xFFFFFFE0, v20  }
0x275: {  	v19 =	vor.u32 v19, v20  }
0x276: {  	v20 =	vperm.xlane v19, v4;
	_ =	sdelay $0x1  }
0x277: {  	v21 =	vperm.xlane v19, v6;
	v20 =	vadd.s32 v5, v20;
	_ =	sdelay $0x1  }
0x278: {  	v22 =	vperm.xlane v19, v3;
	v21 =	vadd.s32 v5, v21;
	_ =	sdelay $0x1  }
0x279: {  	s31 =	simm.s32 $0x7E00;
	v23 =	vperm.xlane v19, v7;
	v22 =	vadd.s32 v5, v22  }
0x27a: {  	[tilespmem:s31], [sflag:$0x1] =	stream.indirect_vreg.gather [hbm4b:s29+s28], $0x80, v20, vm0, $0xb8;
	[tilespmem:$0x18A00] =	vst v63  }
0x27b: {  	s2 =	simm.s32 $0x7E80;
	v20 =	vadd.s32 v5, v23;
	v23 =	vperm.xlane v19, v8  }
0x27c: {  	[tilespmem:s2], [sflag:$0x1] =	stream.indirect_vreg.gather [hbm4b:s29+s28], $0x80, v21, vm0, $0xb8;
	[tilespmem:$0x18A00] =	vst v63  }
0x27d: {  	s4 =	simm.s32 $0x7F00;
	v21 =	vadd.s32 v5, v23;
	v23 =	vperm.xlane v19, v9  }
0x27e: {  	[tilespmem:s4], [sflag:$0x1] =	stream.indirect_vreg.gather [hbm4b:s29+s28], $0x80, v22, vm0, $0xb8;
	[tilespmem:$0x18A00] =	vst v63  }
0x27f: {  	s30 =	simm.s32 $0x7F80;
	v22 =	vadd.s32 v5, v23;
	v23 =	vperm.xlane v19, v10  }
0x280: {  	[tilespmem:s30], [sflag:$0x1] =	stream.indirect_vreg.gather [hbm4b:s29+s28], $0x80, v20, vm0, $0xb8;
	[tilespmem:$0x18A00] =	vst v63  }
0x281: {  	v20 =	vadd.s32 v5, v23;
	v23 =	vperm.xlane v19, v2  }
0x282: {  	[tilespmem:s3], [sflag:$0x1] =	stream.indirect_vreg.gather [hbm4b:s29+s28], $0x80, v21, vm0, $0xb8;
	[tilespmem:$0x18A00] =	vst v63  }
0x283: {  	v21 =	vadd.s32 v5, v23;
	v23 =	vperm.xlane v19, v11  }
0x284: {  	[tilespmem:s13], [sflag:$0x1] =	stream.indirect_vreg.gather [hbm4b:s29+s28], $0x80, v22, vm0, $0xb8;
	[tilespmem:$0x18A00] =	vst v63  }
0x285: {  	v22 =	vadd.s32 v5, v23;
	v23 =	vperm.xlane v19, v12  }
0x286: {  	[tilespmem:s15], [sflag:$0x1] =	stream.indirect_vreg.gather [hbm4b:s29+s28], $0x80, v20, vm0, $0xb8;
	[tilespmem:$0x18A00] =	vst v63  }
0x287: {  	v20 =	vadd.s32 v5, v23;
	v23 =	vperm.xlane v19, v13  }
0x288: {  	[tilespmem:s22], [sflag:$0x1] =	stream.indirect_vreg.gather [hbm4b:s29+s28], $0x80, v21, vm0, $0xb8;
	[tilespmem:$0x18A00] =	vst v63  }
0x289: {  	v21 =	vadd.s32 v5, v23;
	v23 =	vperm.xlane v19, v14  }
0x28a: {  	[tilespmem:s21], [sflag:$0x1] =	stream.indirect_vreg.gather [hbm4b:s29+s28], $0x80, v22, vm0, $0xb8;
	[tilespmem:$0x18A00] =	vst v63  }
0x28b: {  	v22 =	vadd.s32 v5, v23;
	v23 =	vperm.xlane v19, v15  }
0x28c: {  	[tilespmem:s20], [sflag:$0x1] =	stream.indirect_vreg.gather [hbm4b:s29+s28], $0x80, v20, vm0, $0xb8;
	[tilespmem:$0x18A00] =	vst v63  }
0x28d: {  	v20 =	vadd.s32 v5, v23;
	v23 =	vperm.xlane v19, v16  }
0x28e: {  	[tilespmem:s19], [sflag:$0x1] =	stream.indirect_vreg.gather [hbm4b:s29+s28], $0x80, v21, vm0, $0xb8;
	[tilespmem:$0x18A00] =	vst v63  }
0x28f: {  	v21 =	vadd.s32 v5, v23;
	v23 =	vperm.xlane v19, v17  }
0x290: {  	[tilespmem:s11], [sflag:$0x1] =	stream.indirect_vreg.gather [hbm4b:s29+s28], $0x80, v22, vm0, $0xb8;
	[tilespmem:$0x18A00] =	vst v63  }
0x291: {  	v19 =	vperm.xlane v19, v18;
	v22 =	vadd.s32 v5, v23  }
0x292: {  	[tilespmem:s18], [sflag:$0x1] =	stream.indirect_vreg.gather [hbm4b:s29+s28], $0x80, v20, vm0, $0xb8;
	[tilespmem:$0x18A00] =	vst v63  }
0x293: {  	v19 =	vadd.s32 v5, v19  }
0x294: {  	[tilespmem:s10], [sflag:$0x1] =	stream.indirect_vreg.gather [hbm4b:s29+s28], $0x80, v21, vm0, $0xb8;
	[tilespmem:$0x18A00] =	vst v63  }
0x295: {  	_ = 	snop  }
0x296: {  	[tilespmem:s17], [sflag:$0x1] =	stream.indirect_vreg.gather [hbm4b:s29+s28], $0x80, v22, vm0, $0xb8;
	[tilespmem:$0x18A00] =	vst v63  }
0x297: {  	_ = 	snop  }
0x298: {  	[tilespmem:s16], [sflag:$0x1] =	stream.indirect_vreg.gather [hbm4b:s29+s28], $0x80, v19, vm0, $0xb8;
	[tilespmem:$0x18A00] =	vst v63  }
0x299: {  	v19 =	vld.msk [tilespmem:s7+$0x0 ss:$0x0], $0xffff;
	_ =	sdelay $0x1  }
0x29a: {  	v20 =	vmov s28  }
0x29b: {  	s31 =	sand.u32 $0x200, s28;
	v20 =	vshll.u32 v20, $0x9  }
0x29c: {  	s0 =	sshrl.u32 s31, $0x2;
	s4 =	sand.u32 $0x70, s28;
	v21 =	vor.u32 v1, v20  }
0x29d: {  	s0 =	sor.u32 s4, s0;
	s29 =	simm.s32 $0x40;
	v20 =	vld [tilespmem:s7+$0x100];
	v21 =	vadd.s32 v19, v21  }
.LBB2_4:
0x29e: {  	p0 =	sne.s32 s29, $0x3C0  }
0x29f: {  	[tilespmem:s0+$0x300] =	vst v21;
	s28 =	sadd.s32 $0x10, s28;
	s0 =	smov.u32 s29;
	s29 =	sadd.s32 $0x40, s29  }
.Ltmp1:
0x2a0: {  	(pc) =	sbr.rel @p0 .LBB2_4-.Ltmp1, $4  }
0x2a1: {  	v21 =	vmov s28  }
0x2a2: {  	s0 =	sand.u32 $0x200, s0;
	v21 =	vshll.u32 v21, $0x9  }
0x2a3: {  	s4 =	sand.u32 $0x70, s28;
	s0 =	sshrl.u32 s0, $0x2;
	v21 =	vor.u32 v1, v21  }
0x2a4: {  	s0 =	sor.u32 s4, s0;
	v21 =	vadd.s32 v19, v21  }
0x2a5: {  	(v2sf) =	vpush v20, $0x0;
	_ =	sdelay $0x1  }
0x2a6: {  	[tilespmem:s0+$0x300] =	vst v21  }
0x2a7: {  	v19 =	vld [tilespmem:$0x300];
	_ =	sdelay $0x4  }
0x2a8: {  	v20 =	vshll.u32 v19, $0x2  }
0x2a9: {  	v19 =	vand.u32 $0x7, v19;
	v20 =	vand.u32 $0xFFFFFFE0, v20  }
0x2aa: {  	v19 =	vor.u32 v19, v20  }
0x2ab: {  	v20 =	vperm.xlane v19, v4;
	_ =	sdelay $0x1  }
0x2ac: {  	v21 =	vperm.xlane v19, v6;
	v20 =	vadd.s32 v5, v20;
	_ =	sdelay $0x1  }
0x2ad: {  	v22 =	vperm.xlane v19, v3;
	v21 =	vadd.s32 v5, v21;
	s30 =	spop (v2sf)  }
0x2ae: {  	s0 =	sand.u32 $0xFFFFF80, s30  }
0x2af: {  	s28 =	simm.s32 $0x0;
	s31 =	simm.s32 $0x8600;
	v23 =	vperm.xlane v19, v7;
	v22 =	vadd.s32 v5, v22;
	s29 =	sadd.s32 s1, s0  }
0x2b0: {  	[tilespmem:s31], [sflag:$0x2] =	stream.indirect_vreg.gather [hbm4b:s29+s28], $0x80, v20, vm0, $0xb8;
	[tilespmem:$0x18A00] =	vst v63  }
0x2b1: {  	s2 =	simm.s32 $0x8680;
	v20 =	vadd.s32 v5, v23;
	v23 =	vperm.xlane v19, v8  }
0x2b2: {  	[tilespmem:s2], [sflag:$0x2] =	stream.indirect_vreg.gather [hbm4b:s29+s28], $0x80, v21, vm0, $0xb8;
	[tilespmem:$0x18A00] =	vst v63  }
0x2b3: {  	s4 =	simm.s32 $0x8700;
	v21 =	vadd.s32 v5, v23;
	v23 =	vperm.xlane v19, v9  }
0x2b4: {  	[tilespmem:s4], [sflag:$0x2] =	stream.indirect_vreg.gather [hbm4b:s29+s28], $0x80, v22, vm0, $0xb8;
	[tilespmem:$0x18A00] =	vst v63  }
0x2b5: {  	s30 =	simm.s32 $0x8780;
	v22 =	vadd.s32 v5, v23;
	v23 =	vperm.xlane v19, v10  }
0x2b6: {  	[tilespmem:s30], [sflag:$0x2] =	stream.indirect_vreg.gather [hbm4b:s29+s28], $0x80, v20, vm0, $0xb8;
	[tilespmem:$0x18A00] =	vst v63  }
0x2b7: {  	s31 =	simm.s32 $0x8800;
	v20 =	vadd.s32 v5, v23;
	v23 =	vperm.xlane v19, v2  }
0x2b8: {  	[tilespmem:s31], [sflag:$0x2] =	stream.indirect_vreg.gather [hbm4b:s29+s28], $0x80, v21, vm0, $0xb8;
	[tilespmem:$0x18A00] =	vst v63  }
0x2b9: {  	s2 =	simm.s32 $0x8880;
	v21 =	vadd.s32 v5, v23;
	v23 =	vperm.xlane v19, v11  }
0x2ba: {  	[tilespmem:s2], [sflag:$0x2] =	stream.indirect_vreg.gather [hbm4b:s29+s28], $0x80, v22, vm0, $0xb8;
	[tilespmem:$0x18A00] =	vst v63  }
0x2bb: {  	s4 =	simm.s32 $0x8900;
	v22 =	vadd.s32 v5, v23;
	v23 =	vperm.xlane v19, v12  }
0x2bc: {  	[tilespmem:s4], [sflag:$0x2] =	stream.indirect_vreg.gather [hbm4b:s29+s28], $0x80, v20, vm0, $0xb8;
	[tilespmem:$0x18A00] =	vst v63  }
0x2bd: {  	s30 =	simm.s32 $0x8980;
	v20 =	vadd.s32 v5, v23;
	v23 =	vperm.xlane v19, v13  }
0x2be: {  	[tilespmem:s30], [sflag:$0x2] =	stream.indirect_vreg.gather [hbm4b:s29+s28], $0x80, v21, vm0, $0xb8;
	[tilespmem:$0x18A00] =	vst v63  }
0x2bf: {  	s31 =	simm.s32 $0x8A00;
	v21 =	vadd.s32 v5, v23;
	v23 =	vperm.xlane v19, v14  }
0x2c0: {  	[tilespmem:s31], [sflag:$0x2] =	stream.indirect_vreg.gather [hbm4b:s29+s28], $0x80, v22, vm0, $0xb8;
	[tilespmem:$0x18A00] =	vst v63  }
0x2c1: {  	s2 =	simm.s32 $0x8A80;
	v22 =	vadd.s32 v5, v23;
	v23 =	vperm.xlane v19, v15  }
0x2c2: {  	[tilespmem:s2], [sflag:$0x2] =	stream.indirect_vreg.gather [hbm4b:s29+s28], $0x80, v20, vm0, $0xb8;
	[tilespmem:$0x18A00] =	vst v63  }
0x2c3: {  	s4 =	simm.s32 $0x8B00;
	v20 =	vadd.s32 v5, v23;
	v23 =	vperm.xlane v19, v16  }
0x2c4: {  	[tilespmem:s4], [sflag:$0x2] =	stream.indirect_vreg.gather [hbm4b:s29+s28], $0x80, v21, vm0, $0xb8;
	[tilespmem:$0x18A00] =	vst v63  }
0x2c5: {  	s30 =	simm.s32 $0x8B80;
	v21 =	vadd.s32 v5, v23;
	v23 =	vperm.xlane v19, v17  }
0x2c6: {  	[tilespmem:s30], [sflag:$0x2] =	stream.indirect_vreg.gather [hbm4b:s29+s28], $0x80, v22, vm0, $0xb8;
	[tilespmem:$0x18A00] =	vst v63  }
0x2c7: {  	s31 =	simm.s32 $0x8C00;
	v19 =	vperm.xlane v19, v18;
	v22 =	vadd.s32 v5, v23  }
0x2c8: {  	[tilespmem:s31], [sflag:$0x2] =	stream.indirect_vreg.gather [hbm4b:s29+s28], $0x80, v20, vm0, $0xb8;
	[tilespmem:$0x18A00] =	vst v63  }
0x2c9: {  	s2 =	simm.s32 $0x8C80;
	v19 =	vadd.s32 v5, v19  }
0x2ca: {  	[tilespmem:s2], [sflag:$0x2] =	stream.indirect_vreg.gather [hbm4b:s29+s28], $0x80, v21, vm0, $0xb8;
	[tilespmem:$0x18A00] =	vst v63  }
0x2cb: {  	s4 =	simm.s32 $0x8D00  }
0x2cc: {  	[tilespmem:s4], [sflag:$0x2] =	stream.indirect_vreg.gather [hbm4b:s29+s28], $0x80, v22, vm0, $0xb8;
	[tilespmem:$0x18A00] =	vst v63  }
0x2cd: {  	s30 =	simm.s32 $0x8D80  }
0x2ce: {  	[tilespmem:s30], [sflag:$0x2] =	stream.indirect_vreg.gather [hbm4b:s29+s28], $0x80, v19, vm0, $0xb8;
	[tilespmem:$0x18A00] =	vst v63  }
0x2cf: {  	v19 =	vld [tilespmem:$0x310];
	_ =	sdelay $0x4  }
0x2d0: {  	v20 =	vshll.u32 v19, $0x2  }
0x2d1: {  	v19 =	vand.u32 $0x7, v19;
	v20 =	vand.u32 $0xFFFFFFE0, v20  }
0x2d2: {  	v19 =	vor.u32 v19, v20  }
0x2d3: {  	v20 =	vperm.xlane v19, v4;
	_ =	sdelay $0x1  }
0x2d4: {  	v21 =	vperm.xlane v19, v6;
	v20 =	vadd.s32 v5, v20;
	_ =	sdelay $0x1  }
0x2d5: {  	v22 =	vperm.xlane v19, v3;
	v21 =	vadd.s32 v5, v21;
	_ =	sdelay $0x1  }
0x2d6: {  	s31 =	simm.s32 $0x8E00;
	v23 =	vperm.xlane v19, v7;
	v22 =	vadd.s32 v5, v22  }
0x2d7: {  	[tilespmem:s31], [sflag:$0x2] =	stream.indirect_vreg.gather [hbm4b:s29+s28], $0x80, v20, vm0, $0xb8;
	[tilespmem:$0x18A00] =	vst v63  }
0x2d8: {  	s2 =	simm.s32 $0x8E80;
	v20 =	vadd.s32 v5, v23;
	v23 =	vperm.xlane v19, v8  }
0x2d9: {  	[tilespmem:s2], [sflag:$0x2] =	stream.indirect_vreg.gather [hbm4b:s29+s28], $0x80, v21, vm0, $0xb8;
	[tilespmem:$0x18A00] =	vst v63  }
0x2da: {  	s4 =	simm.s32 $0x8F00;
	v21 =	vadd.s32 v5, v23;
	v23 =	vperm.xlane v19, v9  }
0x2db: {  	[tilespmem:s4], [sflag:$0x2] =	stream.indirect_vreg.gather [hbm4b:s29+s28], $0x80, v22, vm0, $0xb8;
	[tilespmem:$0x18A00] =	vst v63  }
0x2dc: {  	s30 =	simm.s32 $0x8F80;
	v22 =	vadd.s32 v5, v23;
	v23 =	vperm.xlane v19, v10  }
0x2dd: {  	[tilespmem:s30], [sflag:$0x2] =	stream.indirect_vreg.gather [hbm4b:s29+s28], $0x80, v20, vm0, $0xb8;
	[tilespmem:$0x18A00] =	vst v63  }
0x2de: {  	s31 =	simm.s32 $0x9000;
	v20 =	vadd.s32 v5, v23;
	v23 =	vperm.xlane v19, v2  }
0x2df: {  	[tilespmem:s31], [sflag:$0x2] =	stream.indirect_vreg.gather [hbm4b:s29+s28], $0x80, v21, vm0, $0xb8;
	[tilespmem:$0x18A00] =	vst v63  }
0x2e0: {  	s2 =	simm.s32 $0x9080;
	v21 =	vadd.s32 v5, v23;
	v23 =	vperm.xlane v19, v11  }
0x2e1: {  	[tilespmem:s2], [sflag:$0x2] =	stream.indirect_vreg.gather [hbm4b:s29+s28], $0x80, v22, vm0, $0xb8;
	[tilespmem:$0x18A00] =	vst v63  }
0x2e2: {  	s4 =	simm.s32 $0x9100;
	v22 =	vadd.s32 v5, v23;
	v23 =	vperm.xlane v19, v12  }
0x2e3: {  	[tilespmem:s4], [sflag:$0x2] =	stream.indirect_vreg.gather [hbm4b:s29+s28], $0x80, v20, vm0, $0xb8;
	[tilespmem:$0x18A00] =	vst v63  }
0x2e4: {  	s30 =	simm.s32 $0x9180;
	v20 =	vadd.s32 v5, v23;
	v23 =	vperm.xlane v19, v13  }
0x2e5: {  	[tilespmem:s30], [sflag:$0x2] =	stream.indirect_vreg.gather [hbm4b:s29+s28], $0x80, v21, vm0, $0xb8;
	[tilespmem:$0x18A00] =	vst v63  }
0x2e6: {  	s31 =	simm.s32 $0x9200;
	v21 =	vadd.s32 v5, v23;
	v23 =	vperm.xlane v19, v14  }
0x2e7: {  	[tilespmem:s31], [sflag:$0x2] =	stream.indirect_vreg.gather [hbm4b:s29+s28], $0x80, v22, vm0, $0xb8;
	[tilespmem:$0x18A00] =	vst v63  }
0x2e8: {  	s2 =	simm.s32 $0x9280;
	v22 =	vadd.s32 v5, v23;
	v23 =	vperm.xlane v19, v15  }
0x2e9: {  	[tilespmem:s2], [sflag:$0x2] =	stream.indirect_vreg.gather [hbm4b:s29+s28], $0x80, v20, vm0, $0xb8;
	[tilespmem:$0x18A00] =	vst v63  }
0x2ea: {  	s4 =	simm.s32 $0x9300;
	v20 =	vadd.s32 v5, v23;
	v23 =	vperm.xlane v19, v16  }
0x2eb: {  	[tilespmem:s4], [sflag:$0x2] =	stream.indirect_vreg.gather [hbm4b:s29+s28], $0x80, v21, vm0, $0xb8;
	[tilespmem:$0x18A00] =	vst v63  }
0x2ec: {  	s30 =	simm.s32 $0x9380;
	v21 =	vadd.s32 v5, v23;
	v23 =	vperm.xlane v19, v17  }
0x2ed: {  	[tilespmem:s30], [sflag:$0x2] =	stream.indirect_vreg.gather [hbm4b:s29+s28], $0x80, v22, vm0, $0xb8;
	[tilespmem:$0x18A00] =	vst v63  }
0x2ee: {  	s31 =	simm.s32 $0x9400;
	v19 =	vperm.xlane v19, v18;
	v22 =	vadd.s32 v5, v23  }
0x2ef: {  	[tilespmem:s31], [sflag:$0x2] =	stream.indirect_vreg.gather [hbm4b:s29+s28], $0x80, v20, vm0, $0xb8;
	[tilespmem:$0x18A00] =	vst v63  }
0x2f0: {  	s2 =	simm.s32 $0x9480;
	v19 =	vadd.s32 v5, v19  }
0x2f1: {  	[tilespmem:s2], [sflag:$0x2] =	stream.indirect_vreg.gather [hbm4b:s29+s28], $0x80, v21, vm0, $0xb8;
	[tilespmem:$0x18A00] =	vst v63  }
0x2f2: {  	s4 =	simm.s32 $0x9500  }
0x2f3: {  	[tilespmem:s4], [sflag:$0x2] =	stream.indirect_vreg.gather [hbm4b:s29+s28], $0x80, v22, vm0, $0xb8;
	[tilespmem:$0x18A00] =	vst v63  }
0x2f4: {  	s30 =	simm.s32 $0x9580  }
0x2f5: {  	[tilespmem:s30], [sflag:$0x2] =	stream.indirect_vreg.gather [hbm4b:s29+s28], $0x80, v19, vm0, $0xb8;
	[tilespmem:$0x18A00] =	vst v63  }
0x2f6: {  	v19 =	vld [tilespmem:$0x320];
	_ =	sdelay $0x4  }
0x2f7: {  	v20 =	vshll.u32 v19, $0x2  }
0x2f8: {  	v19 =	vand.u32 $0x7, v19;
	v20 =	vand.u32 $0xFFFFFFE0, v20  }
0x2f9: {  	v19 =	vor.u32 v19, v20  }
0x2fa: {  	v20 =	vperm.xlane v19, v4;
	_ =	sdelay $0x1  }
0x2fb: {  	v21 =	vperm.xlane v19, v6;
	v20 =	vadd.s32 v5, v20;
	_ =	sdelay $0x1  }
0x2fc: {  	v22 =	vperm.xlane v19, v3;
	v21 =	vadd.s32 v5, v21;
	_ =	sdelay $0x1  }
0x2fd: {  	s31 =	simm.s32 $0x9600;
	v23 =	vperm.xlane v19, v7;
	v22 =	vadd.s32 v5, v22  }
0x2fe: {  	[tilespmem:s31], [sflag:$0x2] =	stream.indirect_vreg.gather [hbm4b:s29+s28], $0x80, v20, vm0, $0xb8;
	[tilespmem:$0x18A00] =	vst v63  }
0x2ff: {  	s2 =	simm.s32 $0x9680;
	v20 =	vadd.s32 v5, v23;
	v23 =	vperm.xlane v19, v8  }
0x300: {  	[tilespmem:s2], [sflag:$0x2] =	stream.indirect_vreg.gather [hbm4b:s29+s28], $0x80, v21, vm0, $0xb8;
	[tilespmem:$0x18A00] =	vst v63  }
0x301: {  	s4 =	simm.s32 $0x9700;
	v21 =	vadd.s32 v5, v23;
	v23 =	vperm.xlane v19, v9  }
0x302: {  	[tilespmem:s4], [sflag:$0x2] =	stream.indirect_vreg.gather [hbm4b:s29+s28], $0x80, v22, vm0, $0xb8;
	[tilespmem:$0x18A00] =	vst v63  }
0x303: {  	s30 =	simm.s32 $0x9780;
	v22 =	vadd.s32 v5, v23;
	v23 =	vperm.xlane v19, v10  }
0x304: {  	[tilespmem:s30], [sflag:$0x2] =	stream.indirect_vreg.gather [hbm4b:s29+s28], $0x80, v20, vm0, $0xb8;
	[tilespmem:$0x18A00] =	vst v63  }
0x305: {  	s31 =	simm.s32 $0x9800;
	v20 =	vadd.s32 v5, v23;
	v23 =	vperm.xlane v19, v2  }
0x306: {  	[tilespmem:s31], [sflag:$0x2] =	stream.indirect_vreg.gather [hbm4b:s29+s28], $0x80, v21, vm0, $0xb8;
	[tilespmem:$0x18A00] =	vst v63  }
0x307: {  	s2 =	simm.s32 $0x9880;
	v21 =	vadd.s32 v5, v23;
	v23 =	vperm.xlane v19, v11  }
0x308: {  	[tilespmem:s2], [sflag:$0x2] =	stream.indirect_vreg.gather [hbm4b:s29+s28], $0x80, v22, vm0, $0xb8;
	[tilespmem:$0x18A00] =	vst v63  }
0x309: {  	s4 =	simm.s32 $0x9900;
	v22 =	vadd.s32 v5, v23;
	v23 =	vperm.xlane v19, v12  }
0x30a: {  	[tilespmem:s4], [sflag:$0x2] =	stream.indirect_vreg.gather [hbm4b:s29+s28], $0x80, v20, vm0, $0xb8;
	[tilespmem:$0x18A00] =	vst v63  }
0x30b: {  	s30 =	simm.s32 $0x9980;
	v20 =	vadd.s32 v5, v23;
	v23 =	vperm.xlane v19, v13  }
0x30c: {  	[tilespmem:s30], [sflag:$0x2] =	stream.indirect_vreg.gather [hbm4b:s29+s28], $0x80, v21, vm0, $0xb8;
	[tilespmem:$0x18A00] =	vst v63  }
0x30d: {  	s31 =	simm.s32 $0x9A00;
	v21 =	vadd.s32 v5, v23;
	v23 =	vperm.xlane v19, v14  }
0x30e: {  	[tilespmem:s31], [sflag:$0x2] =	stream.indirect_vreg.gather [hbm4b:s29+s28], $0x80, v22, vm0, $0xb8;
	[tilespmem:$0x18A00] =	vst v63  }
0x30f: {  	s2 =	simm.s32 $0x9A80;
	v22 =	vadd.s32 v5, v23;
	v23 =	vperm.xlane v19, v15  }
0x310: {  	[tilespmem:s2], [sflag:$0x2] =	stream.indirect_vreg.gather [hbm4b:s29+s28], $0x80, v20, vm0, $0xb8;
	[tilespmem:$0x18A00] =	vst v63  }
0x311: {  	s4 =	simm.s32 $0x9B00;
	v20 =	vadd.s32 v5, v23;
	v23 =	vperm.xlane v19, v16  }
0x312: {  	[tilespmem:s4], [sflag:$0x2] =	stream.indirect_vreg.gather [hbm4b:s29+s28], $0x80, v21, vm0, $0xb8;
	[tilespmem:$0x18A00] =	vst v63  }
0x313: {  	s30 =	simm.s32 $0x9B80;
	v21 =	vadd.s32 v5, v23;
	v23 =	vperm.xlane v19, v17  }
0x314: {  	[tilespmem:s30], [sflag:$0x2] =	stream.indirect_vreg.gather [hbm4b:s29+s28], $0x80, v22, vm0, $0xb8;
	[tilespmem:$0x18A00] =	vst v63  }
0x315: {  	s31 =	simm.s32 $0x9C00;
	v19 =	vperm.xlane v19, v18;
	v22 =	vadd.s32 v5, v23  }
0x316: {  	[tilespmem:s31], [sflag:$0x2] =	stream.indirect_vreg.gather [hbm4b:s29+s28], $0x80, v20, vm0, $0xb8;
	[tilespmem:$0x18A00] =	vst v63  }
0x317: {  	s2 =	simm.s32 $0x9C80;
	v19 =	vadd.s32 v5, v19  }
0x318: {  	[tilespmem:s2], [sflag:$0x2] =	stream.indirect_vreg.gather [hbm4b:s29+s28], $0x80, v21, vm0, $0xb8;
	[tilespmem:$0x18A00] =	vst v63  }
0x319: {  	s4 =	simm.s32 $0x9D00  }
0x31a: {  	[tilespmem:s4], [sflag:$0x2] =	stream.indirect_vreg.gather [hbm4b:s29+s28], $0x80, v22, vm0, $0xb8;
	[tilespmem:$0x18A00] =	vst v63  }
0x31b: {  	s30 =	simm.s32 $0x9D80  }
0x31c: {  	[tilespmem:s30], [sflag:$0x2] =	stream.indirect_vreg.gather [hbm4b:s29+s28], $0x80, v19, vm0, $0xb8;
	[tilespmem:$0x18A00] =	vst v63  }
0x31d: {  	v19 =	vld [tilespmem:$0x330];
	_ =	sdelay $0x4  }
0x31e: {  	v20 =	vshll.u32 v19, $0x2  }
0x31f: {  	v19 =	vand.u32 $0x7, v19;
	v20 =	vand.u32 $0xFFFFFFE0, v20  }
0x320: {  	v19 =	vor.u32 v19, v20  }
0x321: {  	v20 =	vperm.xlane v19, v4;
	_ =	sdelay $0x1  }
0x322: {  	v21 =	vperm.xlane v19, v6;
	v20 =	vadd.s32 v5, v20;
	_ =	sdelay $0x1  }
0x323: {  	v22 =	vperm.xlane v19, v3;
	v21 =	vadd.s32 v5, v21;
	_ =	sdelay $0x1  }
0x324: {  	s31 =	simm.s32 $0x9E00;
	v23 =	vperm.xlane v19, v7;
	v22 =	vadd.s32 v5, v22  }
0x325: {  	[tilespmem:s31], [sflag:$0x2] =	stream.indirect_vreg.gather [hbm4b:s29+s28], $0x80, v20, vm0, $0xb8;
	[tilespmem:$0x18A00] =	vst v63  }
0x326: {  	s2 =	simm.s32 $0x9E80;
	v20 =	vadd.s32 v5, v23;
	v23 =	vperm.xlane v19, v8  }
0x327: {  	[tilespmem:s2], [sflag:$0x2] =	stream.indirect_vreg.gather [hbm4b:s29+s28], $0x80, v21, vm0, $0xb8;
	[tilespmem:$0x18A00] =	vst v63  }
0x328: {  	s4 =	simm.s32 $0x9F00;
	v21 =	vadd.s32 v5, v23;
	v23 =	vperm.xlane v19, v9  }
0x329: {  	[tilespmem:s4], [sflag:$0x2] =	stream.indirect_vreg.gather [hbm4b:s29+s28], $0x80, v22, vm0, $0xb8;
	[tilespmem:$0x18A00] =	vst v63  }
0x32a: {  	s30 =	simm.s32 $0x9F80;
	v22 =	vadd.s32 v5, v23;
	v23 =	vperm.xlane v19, v10  }
0x32b: {  	[tilespmem:s30], [sflag:$0x2] =	stream.indirect_vreg.gather [hbm4b:s29+s28], $0x80, v20, vm0, $0xb8;
	[tilespmem:$0x18A00] =	vst v63  }
0x32c: {  	s31 =	simm.s32 $0xA000;
	v20 =	vadd.s32 v5, v23;
	v23 =	vperm.xlane v19, v2  }
0x32d: {  	[tilespmem:s31], [sflag:$0x2] =	stream.indirect_vreg.gather [hbm4b:s29+s28], $0x80, v21, vm0, $0xb8;
	[tilespmem:$0x18A00] =	vst v63  }
0x32e: {  	s2 =	simm.s32 $0xA080;
	v21 =	vadd.s32 v5, v23;
	v23 =	vperm.xlane v19, v11  }
0x32f: {  	[tilespmem:s2], [sflag:$0x2] =	stream.indirect_vreg.gather [hbm4b:s29+s28], $0x80, v22, vm0, $0xb8;
	[tilespmem:$0x18A00] =	vst v63  }
0x330: {  	s4 =	simm.s32 $0xA100;
	v22 =	vadd.s32 v5, v23;
	v23 =	vperm.xlane v19, v12  }
0x331: {  	[tilespmem:s4], [sflag:$0x2] =	stream.indirect_vreg.gather [hbm4b:s29+s28], $0x80, v20, vm0, $0xb8;
	[tilespmem:$0x18A00] =	vst v63  }
0x332: {  	s30 =	simm.s32 $0xA180;
	v20 =	vadd.s32 v5, v23;
	v23 =	vperm.xlane v19, v13  }
0x333: {  	[tilespmem:s30], [sflag:$0x2] =	stream.indirect_vreg.gather [hbm4b:s29+s28], $0x80, v21, vm0, $0xb8;
	[tilespmem:$0x18A00] =	vst v63  }
0x334: {  	s31 =	simm.s32 $0xA200;
	v21 =	vadd.s32 v5, v23;
	v23 =	vperm.xlane v19, v14  }
0x335: {  	[tilespmem:s31], [sflag:$0x2] =	stream.indirect_vreg.gather [hbm4b:s29+s28], $0x80, v22, vm0, $0xb8;
	[tilespmem:$0x18A00] =	vst v63  }
0x336: {  	s2 =	simm.s32 $0xA280;
	v22 =	vadd.s32 v5, v23;
	v23 =	vperm.xlane v19, v15  }
0x337: {  	[tilespmem:s2], [sflag:$0x2] =	stream.indirect_vreg.gather [hbm4b:s29+s28], $0x80, v20, vm0, $0xb8;
	[tilespmem:$0x18A00] =	vst v63  }
0x338: {  	s4 =	simm.s32 $0xA300;
	v20 =	vadd.s32 v5, v23;
	v23 =	vperm.xlane v19, v16  }
0x339: {  	[tilespmem:s4], [sflag:$0x2] =	stream.indirect_vreg.gather [hbm4b:s29+s28], $0x80, v21, vm0, $0xb8;
	[tilespmem:$0x18A00] =	vst v63  }
0x33a: {  	s30 =	simm.s32 $0xA380;
	v21 =	vadd.s32 v5, v23;
	v23 =	vperm.xlane v19, v17  }
0x33b: {  	[tilespmem:s30], [sflag:$0x2] =	stream.indirect_vreg.gather [hbm4b:s29+s28], $0x80, v22, vm0, $0xb8;
	[tilespmem:$0x18A00] =	vst v63  }
0x33c: {  	s31 =	simm.s32 $0xA400;
	v19 =	vperm.xlane v19, v18;
	v22 =	vadd.s32 v5, v23  }
0x33d: {  	[tilespmem:s31], [sflag:$0x2] =	stream.indirect_vreg.gather [hbm4b:s29+s28], $0x80, v20, vm0, $0xb8;
	[tilespmem:$0x18A00] =	vst v63  }
0x33e: {  	s2 =	simm.s32 $0xA480;
	v19 =	vadd.s32 v5, v19  }
0x33f: {  	[tilespmem:s2], [sflag:$0x2] =	stream.indirect_vreg.gather [hbm4b:s29+s28], $0x80, v21, vm0, $0xb8;
	[tilespmem:$0x18A00] =	vst v63  }
0x340: {  	s4 =	simm.s32 $0xA500  }
0x341: {  	[tilespmem:s4], [sflag:$0x2] =	stream.indirect_vreg.gather [hbm4b:s29+s28], $0x80, v22, vm0, $0xb8;
	[tilespmem:$0x18A00] =	vst v63  }
0x342: {  	s30 =	simm.s32 $0xA580  }
0x343: {  	[tilespmem:s30], [sflag:$0x2] =	stream.indirect_vreg.gather [hbm4b:s29+s28], $0x80, v19, vm0, $0xb8;
	[tilespmem:$0x18A00] =	vst v63  }
0x344: {  	v19 =	vld [tilespmem:$0x340];
	_ =	sdelay $0x4  }
0x345: {  	v20 =	vshll.u32 v19, $0x2  }
0x346: {  	v19 =	vand.u32 $0x7, v19;
	v20 =	vand.u32 $0xFFFFFFE0, v20  }
0x347: {  	v19 =	vor.u32 v19, v20  }
0x348: {  	v20 =	vperm.xlane v19, v4;
	_ =	sdelay $0x1  }
0x349: {  	v21 =	vperm.xlane v19, v6;
	v20 =	vadd.s32 v5, v20;
	_ =	sdelay $0x1  }
0x34a: {  	v22 =	vperm.xlane v19, v3;
	v21 =	vadd.s32 v5, v21;
	_ =	sdelay $0x1  }
0x34b: {  	s31 =	simm.s32 $0xA600;
	v23 =	vperm.xlane v19, v7;
	v22 =	vadd.s32 v5, v22  }
0x34c: {  	[tilespmem:s31], [sflag:$0x2] =	stream.indirect_vreg.gather [hbm4b:s29+s28], $0x80, v20, vm0, $0xb8;
	[tilespmem:$0x18A00] =	vst v63  }
0x34d: {  	s2 =	simm.s32 $0xA680;
	v20 =	vadd.s32 v5, v23;
	v23 =	vperm.xlane v19, v8  }
0x34e: {  	[tilespmem:s2], [sflag:$0x2] =	stream.indirect_vreg.gather [hbm4b:s29+s28], $0x80, v21, vm0, $0xb8;
	[tilespmem:$0x18A00] =	vst v63  }
0x34f: {  	s4 =	simm.s32 $0xA700;
	v21 =	vadd.s32 v5, v23;
	v23 =	vperm.xlane v19, v9  }
0x350: {  	[tilespmem:s4], [sflag:$0x2] =	stream.indirect_vreg.gather [hbm4b:s29+s28], $0x80, v22, vm0, $0xb8;
	[tilespmem:$0x18A00] =	vst v63  }
0x351: {  	s30 =	simm.s32 $0xA780;
	v22 =	vadd.s32 v5, v23;
	v23 =	vperm.xlane v19, v10  }
0x352: {  	[tilespmem:s30], [sflag:$0x2] =	stream.indirect_vreg.gather [hbm4b:s29+s28], $0x80, v20, vm0, $0xb8;
	[tilespmem:$0x18A00] =	vst v63  }
0x353: {  	s31 =	simm.s32 $0xA800;
	v20 =	vadd.s32 v5, v23;
	v23 =	vperm.xlane v19, v2  }
0x354: {  	[tilespmem:s31], [sflag:$0x2] =	stream.indirect_vreg.gather [hbm4b:s29+s28], $0x80, v21, vm0, $0xb8;
	[tilespmem:$0x18A00] =	vst v63  }
0x355: {  	s2 =	simm.s32 $0xA880;
	v21 =	vadd.s32 v5, v23;
	v23 =	vperm.xlane v19, v11  }
0x356: {  	[tilespmem:s2], [sflag:$0x2] =	stream.indirect_vreg.gather [hbm4b:s29+s28], $0x80, v22, vm0, $0xb8;
	[tilespmem:$0x18A00] =	vst v63  }
0x357: {  	s4 =	simm.s32 $0xA900;
	v22 =	vadd.s32 v5, v23;
	v23 =	vperm.xlane v19, v12  }
0x358: {  	[tilespmem:s4], [sflag:$0x2] =	stream.indirect_vreg.gather [hbm4b:s29+s28], $0x80, v20, vm0, $0xb8;
	[tilespmem:$0x18A00] =	vst v63  }
0x359: {  	s30 =	simm.s32 $0xA980;
	v20 =	vadd.s32 v5, v23;
	v23 =	vperm.xlane v19, v13  }
0x35a: {  	[tilespmem:s30], [sflag:$0x2] =	stream.indirect_vreg.gather [hbm4b:s29+s28], $0x80, v21, vm0, $0xb8;
	[tilespmem:$0x18A00] =	vst v63  }
0x35b: {  	s31 =	simm.s32 $0xAA00;
	v21 =	vadd.s32 v5, v23;
	v23 =	vperm.xlane v19, v14  }
0x35c: {  	[tilespmem:s31], [sflag:$0x2] =	stream.indirect_vreg.gather [hbm4b:s29+s28], $0x80, v22, vm0, $0xb8;
	[tilespmem:$0x18A00] =	vst v63  }
0x35d: {  	s2 =	simm.s32 $0xAA80;
	v22 =	vadd.s32 v5, v23;
	v23 =	vperm.xlane v19, v15  }
0x35e: {  	[tilespmem:s2], [sflag:$0x2] =	stream.indirect_vreg.gather [hbm4b:s29+s28], $0x80, v20, vm0, $0xb8;
	[tilespmem:$0x18A00] =	vst v63  }
0x35f: {  	s4 =	simm.s32 $0xAB00;
	v20 =	vadd.s32 v5, v23;
	v23 =	vperm.xlane v19, v16  }
0x360: {  	[tilespmem:s4], [sflag:$0x2] =	stream.indirect_vreg.gather [hbm4b:s29+s28], $0x80, v21, vm0, $0xb8;
	[tilespmem:$0x18A00] =	vst v63  }
0x361: {  	s30 =	simm.s32 $0xAB80;
	v21 =	vadd.s32 v5, v23;
	v23 =	vperm.xlane v19, v17  }
0x362: {  	[tilespmem:s30], [sflag:$0x2] =	stream.indirect_vreg.gather [hbm4b:s29+s28], $0x80, v22, vm0, $0xb8;
	[tilespmem:$0x18A00] =	vst v63  }
0x363: {  	s31 =	simm.s32 $0xAC00;
	v19 =	vperm.xlane v19, v18;
	v22 =	vadd.s32 v5, v23  }
0x364: {  	[tilespmem:s31], [sflag:$0x2] =	stream.indirect_vreg.gather [hbm4b:s29+s28], $0x80, v20, vm0, $0xb8;
	[tilespmem:$0x18A00] =	vst v63  }
0x365: {  	s2 =	simm.s32 $0xAC80;
	v19 =	vadd.s32 v5, v19  }
0x366: {  	[tilespmem:s2], [sflag:$0x2] =	stream.indirect_vreg.gather [hbm4b:s29+s28], $0x80, v21, vm0, $0xb8;
	[tilespmem:$0x18A00] =	vst v63  }
0x367: {  	s4 =	simm.s32 $0xAD00  }
0x368: {  	[tilespmem:s4], [sflag:$0x2] =	stream.indirect_vreg.gather [hbm4b:s29+s28], $0x80, v22, vm0, $0xb8;
	[tilespmem:$0x18A00] =	vst v63  }
0x369: {  	s30 =	simm.s32 $0xAD80  }
0x36a: {  	[tilespmem:s30], [sflag:$0x2] =	stream.indirect_vreg.gather [hbm4b:s29+s28], $0x80, v19, vm0, $0xb8;
	[tilespmem:$0x18A00] =	vst v63  }
0x36b: {  	v19 =	vld [tilespmem:$0x350];
	_ =	sdelay $0x4  }
0x36c: {  	v20 =	vshll.u32 v19, $0x2  }
0x36d: {  	v19 =	vand.u32 $0x7, v19;
	v20 =	vand.u32 $0xFFFFFFE0, v20  }
0x36e: {  	v19 =	vor.u32 v19, v20  }
0x36f: {  	v20 =	vperm.xlane v19, v4;
	_ =	sdelay $0x1  }
0x370: {  	v21 =	vperm.xlane v19, v6;
	v20 =	vadd.s32 v5, v20;
	_ =	sdelay $0x1  }
0x371: {  	v22 =	vperm.xlane v19, v3;
	v21 =	vadd.s32 v5, v21;
	_ =	sdelay $0x1  }
0x372: {  	s31 =	simm.s32 $0xAE00;
	v23 =	vperm.xlane v19, v7;
	v22 =	vadd.s32 v5, v22  }
0x373: {  	[tilespmem:s31], [sflag:$0x2] =	stream.indirect_vreg.gather [hbm4b:s29+s28], $0x80, v20, vm0, $0xb8;
	[tilespmem:$0x18A00] =	vst v63  }
0x374: {  	s2 =	simm.s32 $0xAE80;
	v20 =	vadd.s32 v5, v23;
	v23 =	vperm.xlane v19, v8  }
0x375: {  	[tilespmem:s2], [sflag:$0x2] =	stream.indirect_vreg.gather [hbm4b:s29+s28], $0x80, v21, vm0, $0xb8;
	[tilespmem:$0x18A00] =	vst v63  }
0x376: {  	s4 =	simm.s32 $0xAF00;
	v21 =	vadd.s32 v5, v23;
	v23 =	vperm.xlane v19, v9  }
0x377: {  	[tilespmem:s4], [sflag:$0x2] =	stream.indirect_vreg.gather [hbm4b:s29+s28], $0x80, v22, vm0, $0xb8;
	[tilespmem:$0x18A00] =	vst v63  }
0x378: {  	s30 =	simm.s32 $0xAF80;
	v22 =	vadd.s32 v5, v23;
	v23 =	vperm.xlane v19, v10  }
0x379: {  	[tilespmem:s30], [sflag:$0x2] =	stream.indirect_vreg.gather [hbm4b:s29+s28], $0x80, v20, vm0, $0xb8;
	[tilespmem:$0x18A00] =	vst v63  }
0x37a: {  	s31 =	simm.s32 $0xB000;
	v20 =	vadd.s32 v5, v23;
	v23 =	vperm.xlane v19, v2  }
0x37b: {  	[tilespmem:s31], [sflag:$0x2] =	stream.indirect_vreg.gather [hbm4b:s29+s28], $0x80, v21, vm0, $0xb8;
	[tilespmem:$0x18A00] =	vst v63  }
0x37c: {  	s2 =	simm.s32 $0xB080;
	v21 =	vadd.s32 v5, v23;
	v23 =	vperm.xlane v19, v11  }
0x37d: {  	[tilespmem:s2], [sflag:$0x2] =	stream.indirect_vreg.gather [hbm4b:s29+s28], $0x80, v22, vm0, $0xb8;
	[tilespmem:$0x18A00] =	vst v63  }
0x37e: {  	s4 =	simm.s32 $0xB100;
	v22 =	vadd.s32 v5, v23;
	v23 =	vperm.xlane v19, v12  }
0x37f: {  	[tilespmem:s4], [sflag:$0x2] =	stream.indirect_vreg.gather [hbm4b:s29+s28], $0x80, v20, vm0, $0xb8;
	[tilespmem:$0x18A00] =	vst v63  }
0x380: {  	s30 =	simm.s32 $0xB180;
	v20 =	vadd.s32 v5, v23;
	v23 =	vperm.xlane v19, v13  }
0x381: {  	[tilespmem:s30], [sflag:$0x2] =	stream.indirect_vreg.gather [hbm4b:s29+s28], $0x80, v21, vm0, $0xb8;
	[tilespmem:$0x18A00] =	vst v63  }
0x382: {  	s31 =	simm.s32 $0xB200;
	v21 =	vadd.s32 v5, v23;
	v23 =	vperm.xlane v19, v14  }
0x383: {  	[tilespmem:s31], [sflag:$0x2] =	stream.indirect_vreg.gather [hbm4b:s29+s28], $0x80, v22, vm0, $0xb8;
	[tilespmem:$0x18A00] =	vst v63  }
0x384: {  	s2 =	simm.s32 $0xB280;
	v22 =	vadd.s32 v5, v23;
	v23 =	vperm.xlane v19, v15  }
0x385: {  	[tilespmem:s2], [sflag:$0x2] =	stream.indirect_vreg.gather [hbm4b:s29+s28], $0x80, v20, vm0, $0xb8;
	[tilespmem:$0x18A00] =	vst v63  }
0x386: {  	s4 =	simm.s32 $0xB300;
	v20 =	vadd.s32 v5, v23;
	v23 =	vperm.xlane v19, v16  }
0x387: {  	[tilespmem:s4], [sflag:$0x2] =	stream.indirect_vreg.gather [hbm4b:s29+s28], $0x80, v21, vm0, $0xb8;
	[tilespmem:$0x18A00] =	vst v63  }
0x388: {  	s30 =	simm.s32 $0xB380;
	v21 =	vadd.s32 v5, v23;
	v23 =	vperm.xlane v19, v17  }
0x389: {  	[tilespmem:s30], [sflag:$0x2] =	stream.indirect_vreg.gather [hbm4b:s29+s28], $0x80, v22, vm0, $0xb8;
	[tilespmem:$0x18A00] =	vst v63  }
0x38a: {  	s31 =	simm.s32 $0xB400;
	v19 =	vperm.xlane v19, v18;
	v22 =	vadd.s32 v5, v23  }
0x38b: {  	[tilespmem:s31], [sflag:$0x2] =	stream.indirect_vreg.gather [hbm4b:s29+s28], $0x80, v20, vm0, $0xb8;
	[tilespmem:$0x18A00] =	vst v63  }
0x38c: {  	s2 =	simm.s32 $0xB480;
	v19 =	vadd.s32 v5, v19  }
0x38d: {  	[tilespmem:s2], [sflag:$0x2] =	stream.indirect_vreg.gather [hbm4b:s29+s28], $0x80, v21, vm0, $0xb8;
	[tilespmem:$0x18A00] =	vst v63  }
0x38e: {  	s4 =	simm.s32 $0xB500  }
0x38f: {  	[tilespmem:s4], [sflag:$0x2] =	stream.indirect_vreg.gather [hbm4b:s29+s28], $0x80, v22, vm0, $0xb8;
	[tilespmem:$0x18A00] =	vst v63  }
0x390: {  	s30 =	simm.s32 $0xB580  }
0x391: {  	[tilespmem:s30], [sflag:$0x2] =	stream.indirect_vreg.gather [hbm4b:s29+s28], $0x80, v19, vm0, $0xb8;
	[tilespmem:$0x18A00] =	vst v63  }
0x392: {  	v19 =	vld [tilespmem:$0x360];
	_ =	sdelay $0x4  }
0x393: {  	v20 =	vshll.u32 v19, $0x2  }
0x394: {  	v19 =	vand.u32 $0x7, v19;
	v20 =	vand.u32 $0xFFFFFFE0, v20  }
0x395: {  	v19 =	vor.u32 v19, v20  }
0x396: {  	v20 =	vperm.xlane v19, v4;
	_ =	sdelay $0x1  }
0x397: {  	v21 =	vperm.xlane v19, v6;
	v20 =	vadd.s32 v5, v20;
	_ =	sdelay $0x1  }
0x398: {  	v22 =	vperm.xlane v19, v3;
	v21 =	vadd.s32 v5, v21;
	_ =	sdelay $0x1  }
0x399: {  	s31 =	simm.s32 $0xB600;
	v23 =	vperm.xlane v19, v7;
	v22 =	vadd.s32 v5, v22  }
0x39a: {  	[tilespmem:s31], [sflag:$0x2] =	stream.indirect_vreg.gather [hbm4b:s29+s28], $0x80, v20, vm0, $0xb8;
	[tilespmem:$0x18A00] =	vst v63  }
0x39b: {  	s2 =	simm.s32 $0xB680;
	v20 =	vadd.s32 v5, v23;
	v23 =	vperm.xlane v19, v8  }
0x39c: {  	[tilespmem:s2], [sflag:$0x2] =	stream.indirect_vreg.gather [hbm4b:s29+s28], $0x80, v21, vm0, $0xb8;
	[tilespmem:$0x18A00] =	vst v63  }
0x39d: {  	s4 =	simm.s32 $0xB700;
	v21 =	vadd.s32 v5, v23;
	v23 =	vperm.xlane v19, v9  }
0x39e: {  	[tilespmem:s4], [sflag:$0x2] =	stream.indirect_vreg.gather [hbm4b:s29+s28], $0x80, v22, vm0, $0xb8;
	[tilespmem:$0x18A00] =	vst v63  }
0x39f: {  	s30 =	simm.s32 $0xB780;
	v22 =	vadd.s32 v5, v23;
	v23 =	vperm.xlane v19, v10  }
0x3a0: {  	[tilespmem:s30], [sflag:$0x2] =	stream.indirect_vreg.gather [hbm4b:s29+s28], $0x80, v20, vm0, $0xb8;
	[tilespmem:$0x18A00] =	vst v63  }
0x3a1: {  	s31 =	simm.s32 $0xB800;
	v20 =	vadd.s32 v5, v23;
	v23 =	vperm.xlane v19, v2  }
0x3a2: {  	[tilespmem:s31], [sflag:$0x2] =	stream.indirect_vreg.gather [hbm4b:s29+s28], $0x80, v21, vm0, $0xb8;
	[tilespmem:$0x18A00] =	vst v63  }
0x3a3: {  	s2 =	simm.s32 $0xB880;
	v21 =	vadd.s32 v5, v23;
	v23 =	vperm.xlane v19, v11  }
0x3a4: {  	[tilespmem:s2], [sflag:$0x2] =	stream.indirect_vreg.gather [hbm4b:s29+s28], $0x80, v22, vm0, $0xb8;
	[tilespmem:$0x18A00] =	vst v63  }
0x3a5: {  	s4 =	simm.s32 $0xB900;
	v22 =	vadd.s32 v5, v23;
	v23 =	vperm.xlane v19, v12  }
0x3a6: {  	[tilespmem:s4], [sflag:$0x2] =	stream.indirect_vreg.gather [hbm4b:s29+s28], $0x80, v20, vm0, $0xb8;
	[tilespmem:$0x18A00] =	vst v63  }
0x3a7: {  	s30 =	simm.s32 $0xB980;
	v20 =	vadd.s32 v5, v23;
	v23 =	vperm.xlane v19, v13  }
0x3a8: {  	[tilespmem:s30], [sflag:$0x2] =	stream.indirect_vreg.gather [hbm4b:s29+s28], $0x80, v21, vm0, $0xb8;
	[tilespmem:$0x18A00] =	vst v63  }
0x3a9: {  	s31 =	simm.s32 $0xBA00;
	v21 =	vadd.s32 v5, v23;
	v23 =	vperm.xlane v19, v14  }
0x3aa: {  	[tilespmem:s31], [sflag:$0x2] =	stream.indirect_vreg.gather [hbm4b:s29+s28], $0x80, v22, vm0, $0xb8;
	[tilespmem:$0x18A00] =	vst v63  }
0x3ab: {  	s2 =	simm.s32 $0xBA80;
	v22 =	vadd.s32 v5, v23;
	v23 =	vperm.xlane v19, v15  }
0x3ac: {  	[tilespmem:s2], [sflag:$0x2] =	stream.indirect_vreg.gather [hbm4b:s29+s28], $0x80, v20, vm0, $0xb8;
	[tilespmem:$0x18A00] =	vst v63  }
0x3ad: {  	s4 =	simm.s32 $0xBB00;
	v20 =	vadd.s32 v5, v23;
	v23 =	vperm.xlane v19, v16  }
0x3ae: {  	[tilespmem:s4], [sflag:$0x2] =	stream.indirect_vreg.gather [hbm4b:s29+s28], $0x80, v21, vm0, $0xb8;
	[tilespmem:$0x18A00] =	vst v63  }
0x3af: {  	s30 =	simm.s32 $0xBB80;
	v21 =	vadd.s32 v5, v23;
	v23 =	vperm.xlane v19, v17  }
0x3b0: {  	[tilespmem:s30], [sflag:$0x2] =	stream.indirect_vreg.gather [hbm4b:s29+s28], $0x80, v22, vm0, $0xb8;
	[tilespmem:$0x18A00] =	vst v63  }
0x3b1: {  	s31 =	simm.s32 $0xBC00;
	v19 =	vperm.xlane v19, v18;
	v22 =	vadd.s32 v5, v23  }
0x3b2: {  	[tilespmem:s31], [sflag:$0x2] =	stream.indirect_vreg.gather [hbm4b:s29+s28], $0x80, v20, vm0, $0xb8;
	[tilespmem:$0x18A00] =	vst v63  }
0x3b3: {  	s2 =	simm.s32 $0xBC80;
	v19 =	vadd.s32 v5, v19  }
0x3b4: {  	[tilespmem:s2], [sflag:$0x2] =	stream.indirect_vreg.gather [hbm4b:s29+s28], $0x80, v21, vm0, $0xb8;
	[tilespmem:$0x18A00] =	vst v63  }
0x3b5: {  	s4 =	simm.s32 $0xBD00  }
0x3b6: {  	[tilespmem:s4], [sflag:$0x2] =	stream.indirect_vreg.gather [hbm4b:s29+s28], $0x80, v22, vm0, $0xb8;
	[tilespmem:$0x18A00] =	vst v63  }
0x3b7: {  	s30 =	simm.s32 $0xBD80  }
0x3b8: {  	[tilespmem:s30], [sflag:$0x2] =	stream.indirect_vreg.gather [hbm4b:s29+s28], $0x80, v19, vm0, $0xb8;
	[tilespmem:$0x18A00] =	vst v63  }
0x3b9: {  	v19 =	vld [tilespmem:$0x370];
	_ =	sdelay $0x4  }
0x3ba: {  	v20 =	vshll.u32 v19, $0x2  }
0x3bb: {  	v19 =	vand.u32 $0x7, v19;
	v20 =	vand.u32 $0xFFFFFFE0, v20  }
0x3bc: {  	v19 =	vor.u32 v19, v20  }
0x3bd: {  	v20 =	vperm.xlane v19, v4;
	_ =	sdelay $0x1  }
0x3be: {  	v21 =	vperm.xlane v19, v6;
	v20 =	vadd.s32 v5, v20;
	_ =	sdelay $0x1  }
0x3bf: {  	v22 =	vperm.xlane v19, v3;
	v21 =	vadd.s32 v5, v21;
	_ =	sdelay $0x1  }
0x3c0: {  	s31 =	simm.s32 $0xBE00;
	v23 =	vperm.xlane v19, v7;
	v22 =	vadd.s32 v5, v22  }
0x3c1: {  	[tilespmem:s31], [sflag:$0x2] =	stream.indirect_vreg.gather [hbm4b:s29+s28], $0x80, v20, vm0, $0xb8;
	[tilespmem:$0x18A00] =	vst v63  }
0x3c2: {  	s2 =	simm.s32 $0xBE80;
	v20 =	vadd.s32 v5, v23;
	v23 =	vperm.xlane v19, v8  }
0x3c3: {  	[tilespmem:s2], [sflag:$0x2] =	stream.indirect_vreg.gather [hbm4b:s29+s28], $0x80, v21, vm0, $0xb8;
	[tilespmem:$0x18A00] =	vst v63  }
0x3c4: {  	s4 =	simm.s32 $0xBF00;
	v21 =	vadd.s32 v5, v23;
	v23 =	vperm.xlane v19, v9  }
0x3c5: {  	[tilespmem:s4], [sflag:$0x2] =	stream.indirect_vreg.gather [hbm4b:s29+s28], $0x80, v22, vm0, $0xb8;
	[tilespmem:$0x18A00] =	vst v63  }
0x3c6: {  	s30 =	simm.s32 $0xBF80;
	v22 =	vadd.s32 v5, v23;
	v23 =	vperm.xlane v19, v10  }
0x3c7: {  	[tilespmem:s30], [sflag:$0x2] =	stream.indirect_vreg.gather [hbm4b:s29+s28], $0x80, v20, vm0, $0xb8;
	[tilespmem:$0x18A00] =	vst v63  }
0x3c8: {  	s31 =	simm.s32 $0xC000;
	v20 =	vadd.s32 v5, v23;
	v23 =	vperm.xlane v19, v2  }
0x3c9: {  	[tilespmem:s31], [sflag:$0x2] =	stream.indirect_vreg.gather [hbm4b:s29+s28], $0x80, v21, vm0, $0xb8;
	[tilespmem:$0x18A00] =	vst v63  }
0x3ca: {  	s2 =	simm.s32 $0xC080;
	v21 =	vadd.s32 v5, v23;
	v23 =	vperm.xlane v19, v11  }
0x3cb: {  	[tilespmem:s2], [sflag:$0x2] =	stream.indirect_vreg.gather [hbm4b:s29+s28], $0x80, v22, vm0, $0xb8;
	[tilespmem:$0x18A00] =	vst v63  }
0x3cc: {  	s4 =	simm.s32 $0xC100;
	v22 =	vadd.s32 v5, v23;
	v23 =	vperm.xlane v19, v12  }
0x3cd: {  	[tilespmem:s4], [sflag:$0x2] =	stream.indirect_vreg.gather [hbm4b:s29+s28], $0x80, v20, vm0, $0xb8;
	[tilespmem:$0x18A00] =	vst v63  }
0x3ce: {  	s30 =	simm.s32 $0xC180;
	v20 =	vadd.s32 v5, v23;
	v23 =	vperm.xlane v19, v13  }
0x3cf: {  	[tilespmem:s30], [sflag:$0x2] =	stream.indirect_vreg.gather [hbm4b:s29+s28], $0x80, v21, vm0, $0xb8;
	[tilespmem:$0x18A00] =	vst v63  }
0x3d0: {  	s31 =	simm.s32 $0xC200;
	v21 =	vadd.s32 v5, v23;
	v23 =	vperm.xlane v19, v14  }
0x3d1: {  	[tilespmem:s31], [sflag:$0x2] =	stream.indirect_vreg.gather [hbm4b:s29+s28], $0x80, v22, vm0, $0xb8;
	[tilespmem:$0x18A00] =	vst v63  }
0x3d2: {  	s2 =	simm.s32 $0xC280;
	v22 =	vadd.s32 v5, v23;
	v23 =	vperm.xlane v19, v15  }
0x3d3: {  	[tilespmem:s2], [sflag:$0x2] =	stream.indirect_vreg.gather [hbm4b:s29+s28], $0x80, v20, vm0, $0xb8;
	[tilespmem:$0x18A00] =	vst v63  }
0x3d4: {  	s4 =	simm.s32 $0xC300;
	v20 =	vadd.s32 v5, v23;
	v23 =	vperm.xlane v19, v16  }
0x3d5: {  	[tilespmem:s4], [sflag:$0x2] =	stream.indirect_vreg.gather [hbm4b:s29+s28], $0x80, v21, vm0, $0xb8;
	[tilespmem:$0x18A00] =	vst v63  }
0x3d6: {  	s30 =	simm.s32 $0xC380;
	v21 =	vadd.s32 v5, v23;
	v23 =	vperm.xlane v19, v17  }
0x3d7: {  	[tilespmem:s30], [sflag:$0x2] =	stream.indirect_vreg.gather [hbm4b:s29+s28], $0x80, v22, vm0, $0xb8;
	[tilespmem:$0x18A00] =	vst v63  }
0x3d8: {  	s31 =	simm.s32 $0xC400;
	v19 =	vperm.xlane v19, v18;
	v22 =	vadd.s32 v5, v23  }
0x3d9: {  	[tilespmem:s31], [sflag:$0x2] =	stream.indirect_vreg.gather [hbm4b:s29+s28], $0x80, v20, vm0, $0xb8;
	[tilespmem:$0x18A00] =	vst v63  }
0x3da: {  	s2 =	simm.s32 $0xC480;
	v19 =	vadd.s32 v5, v19  }
0x3db: {  	[tilespmem:s2], [sflag:$0x2] =	stream.indirect_vreg.gather [hbm4b:s29+s28], $0x80, v21, vm0, $0xb8;
	[tilespmem:$0x18A00] =	vst v63  }
0x3dc: {  	s4 =	simm.s32 $0xC500  }
0x3dd: {  	[tilespmem:s4], [sflag:$0x2] =	stream.indirect_vreg.gather [hbm4b:s29+s28], $0x80, v22, vm0, $0xb8;
	[tilespmem:$0x18A00] =	vst v63  }
0x3de: {  	s30 =	simm.s32 $0xC580  }
0x3df: {  	[tilespmem:s30], [sflag:$0x2] =	stream.indirect_vreg.gather [hbm4b:s29+s28], $0x80, v19, vm0, $0xb8;
	[tilespmem:$0x18A00] =	vst v63  }
0x3e0: {  	v19 =	vld [tilespmem:$0x380];
	_ =	sdelay $0x4  }
0x3e1: {  	v20 =	vshll.u32 v19, $0x2  }
0x3e2: {  	v19 =	vand.u32 $0x7, v19;
	v20 =	vand.u32 $0xFFFFFFE0, v20  }
0x3e3: {  	v19 =	vor.u32 v19, v20  }
0x3e4: {  	v20 =	vperm.xlane v19, v4;
	_ =	sdelay $0x1  }
0x3e5: {  	v21 =	vperm.xlane v19, v6;
	v20 =	vadd.s32 v5, v20;
	_ =	sdelay $0x1  }
0x3e6: {  	v22 =	vperm.xlane v19, v3;
	v21 =	vadd.s32 v5, v21;
	_ =	sdelay $0x1  }
0x3e7: {  	s31 =	simm.s32 $0xC600;
	v23 =	vperm.xlane v19, v7;
	v22 =	vadd.s32 v5, v22  }
0x3e8: {  	[tilespmem:s31], [sflag:$0x2] =	stream.indirect_vreg.gather [hbm4b:s29+s28], $0x80, v20, vm0, $0xb8;
	[tilespmem:$0x18A00] =	vst v63  }
0x3e9: {  	s2 =	simm.s32 $0xC680;
	v20 =	vadd.s32 v5, v23;
	v23 =	vperm.xlane v19, v8  }
0x3ea: {  	[tilespmem:s2], [sflag:$0x2] =	stream.indirect_vreg.gather [hbm4b:s29+s28], $0x80, v21, vm0, $0xb8;
	[tilespmem:$0x18A00] =	vst v63  }
0x3eb: {  	s4 =	simm.s32 $0xC700;
	v21 =	vadd.s32 v5, v23;
	v23 =	vperm.xlane v19, v9  }
0x3ec: {  	[tilespmem:s4], [sflag:$0x2] =	stream.indirect_vreg.gather [hbm4b:s29+s28], $0x80, v22, vm0, $0xb8;
	[tilespmem:$0x18A00] =	vst v63  }
0x3ed: {  	s30 =	simm.s32 $0xC780;
	v22 =	vadd.s32 v5, v23;
	v23 =	vperm.xlane v19, v10  }
0x3ee: {  	[tilespmem:s30], [sflag:$0x2] =	stream.indirect_vreg.gather [hbm4b:s29+s28], $0x80, v20, vm0, $0xb8;
	[tilespmem:$0x18A00] =	vst v63  }
0x3ef: {  	s31 =	simm.s32 $0xC800;
	v20 =	vadd.s32 v5, v23;
	v23 =	vperm.xlane v19, v2  }
0x3f0: {  	[tilespmem:s31], [sflag:$0x2] =	stream.indirect_vreg.gather [hbm4b:s29+s28], $0x80, v21, vm0, $0xb8;
	[tilespmem:$0x18A00] =	vst v63  }
0x3f1: {  	s2 =	simm.s32 $0xC880;
	v21 =	vadd.s32 v5, v23;
	v23 =	vperm.xlane v19, v11  }
0x3f2: {  	[tilespmem:s2], [sflag:$0x2] =	stream.indirect_vreg.gather [hbm4b:s29+s28], $0x80, v22, vm0, $0xb8;
	[tilespmem:$0x18A00] =	vst v63  }
0x3f3: {  	s4 =	simm.s32 $0xC900;
	v22 =	vadd.s32 v5, v23;
	v23 =	vperm.xlane v19, v12  }
0x3f4: {  	[tilespmem:s4], [sflag:$0x2] =	stream.indirect_vreg.gather [hbm4b:s29+s28], $0x80, v20, vm0, $0xb8;
	[tilespmem:$0x18A00] =	vst v63  }
0x3f5: {  	s30 =	simm.s32 $0xC980;
	v20 =	vadd.s32 v5, v23;
	v23 =	vperm.xlane v19, v13  }
0x3f6: {  	[tilespmem:s30], [sflag:$0x2] =	stream.indirect_vreg.gather [hbm4b:s29+s28], $0x80, v21, vm0, $0xb8;
	[tilespmem:$0x18A00] =	vst v63  }
0x3f7: {  	s31 =	simm.s32 $0xCA00;
	v21 =	vadd.s32 v5, v23;
	v23 =	vperm.xlane v19, v14  }
0x3f8: {  	[tilespmem:s31], [sflag:$0x2] =	stream.indirect_vreg.gather [hbm4b:s29+s28], $0x80, v22, vm0, $0xb8;
	[tilespmem:$0x18A00] =	vst v63  }
0x3f9: {  	s2 =	simm.s32 $0xCA80;
	v22 =	vadd.s32 v5, v23;
	v23 =	vperm.xlane v19, v15  }
0x3fa: {  	[tilespmem:s2], [sflag:$0x2] =	stream.indirect_vreg.gather [hbm4b:s29+s28], $0x80, v20, vm0, $0xb8;
	[tilespmem:$0x18A00] =	vst v63  }
0x3fb: {  	s4 =	simm.s32 $0xCB00;
	v20 =	vadd.s32 v5, v23;
	v23 =	vperm.xlane v19, v16  }
0x3fc: {  	[tilespmem:s4], [sflag:$0x2] =	stream.indirect_vreg.gather [hbm4b:s29+s28], $0x80, v21, vm0, $0xb8;
	[tilespmem:$0x18A00] =	vst v63  }
0x3fd: {  	s30 =	simm.s32 $0xCB80;
	v21 =	vadd.s32 v5, v23;
	v23 =	vperm.xlane v19, v17  }
0x3fe: {  	[tilespmem:s30], [sflag:$0x2] =	stream.indirect_vreg.gather [hbm4b:s29+s28], $0x80, v22, vm0, $0xb8;
	[tilespmem:$0x18A00] =	vst v63  }
0x3ff: {  	s31 =	simm.s32 $0xCC00;
	v19 =	vperm.xlane v19, v18;
	v22 =	vadd.s32 v5, v23  }
0x400: {  	[tilespmem:s31], [sflag:$0x2] =	stream.indirect_vreg.gather [hbm4b:s29+s28], $0x80, v20, vm0, $0xb8;
	[tilespmem:$0x18A00] =	vst v63  }
0x401: {  	s2 =	simm.s32 $0xCC80;
	v19 =	vadd.s32 v5, v19  }
0x402: {  	[tilespmem:s2], [sflag:$0x2] =	stream.indirect_vreg.gather [hbm4b:s29+s28], $0x80, v21, vm0, $0xb8;
	[tilespmem:$0x18A00] =	vst v63  }
0x403: {  	s4 =	simm.s32 $0xCD00  }
0x404: {  	[tilespmem:s4], [sflag:$0x2] =	stream.indirect_vreg.gather [hbm4b:s29+s28], $0x80, v22, vm0, $0xb8;
	[tilespmem:$0x18A00] =	vst v63  }
0x405: {  	s30 =	simm.s32 $0xCD80  }
0x406: {  	[tilespmem:s30], [sflag:$0x2] =	stream.indirect_vreg.gather [hbm4b:s29+s28], $0x80, v19, vm0, $0xb8;
	[tilespmem:$0x18A00] =	vst v63  }
0x407: {  	v19 =	vld [tilespmem:$0x390];
	_ =	sdelay $0x4  }
0x408: {  	v20 =	vshll.u32 v19, $0x2  }
0x409: {  	v19 =	vand.u32 $0x7, v19;
	v20 =	vand.u32 $0xFFFFFFE0, v20  }
0x40a: {  	v19 =	vor.u32 v19, v20  }
0x40b: {  	v20 =	vperm.xlane v19, v4;
	_ =	sdelay $0x1  }
0x40c: {  	v21 =	vperm.xlane v19, v6;
	v20 =	vadd.s32 v5, v20;
	_ =	sdelay $0x1  }
0x40d: {  	v22 =	vperm.xlane v19, v3;
	v21 =	vadd.s32 v5, v21;
	_ =	sdelay $0x1  }
0x40e: {  	s31 =	simm.s32 $0xCE00;
	v23 =	vperm.xlane v19, v7;
	v22 =	vadd.s32 v5, v22  }
0x40f: {  	[tilespmem:s31], [sflag:$0x2] =	stream.indirect_vreg.gather [hbm4b:s29+s28], $0x80, v20, vm0, $0xb8;
	[tilespmem:$0x18A00] =	vst v63  }
0x410: {  	s2 =	simm.s32 $0xCE80;
	v20 =	vadd.s32 v5, v23;
	v23 =	vperm.xlane v19, v8  }
0x411: {  	[tilespmem:s2], [sflag:$0x2] =	stream.indirect_vreg.gather [hbm4b:s29+s28], $0x80, v21, vm0, $0xb8;
	[tilespmem:$0x18A00] =	vst v63  }
0x412: {  	s4 =	simm.s32 $0xCF00;
	v21 =	vadd.s32 v5, v23;
	v23 =	vperm.xlane v19, v9  }
0x413: {  	[tilespmem:s4], [sflag:$0x2] =	stream.indirect_vreg.gather [hbm4b:s29+s28], $0x80, v22, vm0, $0xb8;
	[tilespmem:$0x18A00] =	vst v63  }
0x414: {  	s30 =	simm.s32 $0xCF80;
	v22 =	vadd.s32 v5, v23;
	v23 =	vperm.xlane v19, v10  }
0x415: {  	[tilespmem:s30], [sflag:$0x2] =	stream.indirect_vreg.gather [hbm4b:s29+s28], $0x80, v20, vm0, $0xb8;
	[tilespmem:$0x18A00] =	vst v63  }
0x416: {  	s31 =	simm.s32 $0xD000;
	v20 =	vadd.s32 v5, v23;
	v23 =	vperm.xlane v19, v2  }
0x417: {  	[tilespmem:s31], [sflag:$0x2] =	stream.indirect_vreg.gather [hbm4b:s29+s28], $0x80, v21, vm0, $0xb8;
	[tilespmem:$0x18A00] =	vst v63  }
0x418: {  	s2 =	simm.s32 $0xD080;
	v21 =	vadd.s32 v5, v23;
	v23 =	vperm.xlane v19, v11  }
0x419: {  	[tilespmem:s2], [sflag:$0x2] =	stream.indirect_vreg.gather [hbm4b:s29+s28], $0x80, v22, vm0, $0xb8;
	[tilespmem:$0x18A00] =	vst v63  }
0x41a: {  	s4 =	simm.s32 $0xD100;
	v22 =	vadd.s32 v5, v23;
	v23 =	vperm.xlane v19, v12  }
0x41b: {  	[tilespmem:s4], [sflag:$0x2] =	stream.indirect_vreg.gather [hbm4b:s29+s28], $0x80, v20, vm0, $0xb8;
	[tilespmem:$0x18A00] =	vst v63  }
0x41c: {  	s30 =	simm.s32 $0xD180;
	v20 =	vadd.s32 v5, v23;
	v23 =	vperm.xlane v19, v13  }
0x41d: {  	[tilespmem:s30], [sflag:$0x2] =	stream.indirect_vreg.gather [hbm4b:s29+s28], $0x80, v21, vm0, $0xb8;
	[tilespmem:$0x18A00] =	vst v63  }
0x41e: {  	s31 =	simm.s32 $0xD200;
	v21 =	vadd.s32 v5, v23;
	v23 =	vperm.xlane v19, v14  }
0x41f: {  	[tilespmem:s31], [sflag:$0x2] =	stream.indirect_vreg.gather [hbm4b:s29+s28], $0x80, v22, vm0, $0xb8;
	[tilespmem:$0x18A00] =	vst v63  }
0x420: {  	s2 =	simm.s32 $0xD280;
	v22 =	vadd.s32 v5, v23;
	v23 =	vperm.xlane v19, v15  }
0x421: {  	[tilespmem:s2], [sflag:$0x2] =	stream.indirect_vreg.gather [hbm4b:s29+s28], $0x80, v20, vm0, $0xb8;
	[tilespmem:$0x18A00] =	vst v63  }
0x422: {  	s4 =	simm.s32 $0xD300;
	v20 =	vadd.s32 v5, v23;
	v23 =	vperm.xlane v19, v16  }
0x423: {  	[tilespmem:s4], [sflag:$0x2] =	stream.indirect_vreg.gather [hbm4b:s29+s28], $0x80, v21, vm0, $0xb8;
	[tilespmem:$0x18A00] =	vst v63  }
0x424: {  	s30 =	simm.s32 $0xD380;
	v21 =	vadd.s32 v5, v23;
	v23 =	vperm.xlane v19, v17  }
0x425: {  	[tilespmem:s30], [sflag:$0x2] =	stream.indirect_vreg.gather [hbm4b:s29+s28], $0x80, v22, vm0, $0xb8;
	[tilespmem:$0x18A00] =	vst v63  }
0x426: {  	s31 =	simm.s32 $0xD400;
	v19 =	vperm.xlane v19, v18;
	v22 =	vadd.s32 v5, v23  }
0x427: {  	[tilespmem:s31], [sflag:$0x2] =	stream.indirect_vreg.gather [hbm4b:s29+s28], $0x80, v20, vm0, $0xb8;
	[tilespmem:$0x18A00] =	vst v63  }
0x428: {  	s2 =	simm.s32 $0xD480;
	v19 =	vadd.s32 v5, v19  }
0x429: {  	[tilespmem:s2], [sflag:$0x2] =	stream.indirect_vreg.gather [hbm4b:s29+s28], $0x80, v21, vm0, $0xb8;
	[tilespmem:$0x18A00] =	vst v63  }
0x42a: {  	s4 =	simm.s32 $0xD500  }
0x42b: {  	[tilespmem:s4], [sflag:$0x2] =	stream.indirect_vreg.gather [hbm4b:s29+s28], $0x80, v22, vm0, $0xb8;
	[tilespmem:$0x18A00] =	vst v63  }
0x42c: {  	s30 =	simm.s32 $0xD580  }
0x42d: {  	[tilespmem:s30], [sflag:$0x2] =	stream.indirect_vreg.gather [hbm4b:s29+s28], $0x80, v19, vm0, $0xb8;
	[tilespmem:$0x18A00] =	vst v63  }
0x42e: {  	v19 =	vld [tilespmem:$0x3A0];
	_ =	sdelay $0x4  }
0x42f: {  	v20 =	vshll.u32 v19, $0x2  }
0x430: {  	v19 =	vand.u32 $0x7, v19;
	v20 =	vand.u32 $0xFFFFFFE0, v20  }
0x431: {  	v19 =	vor.u32 v19, v20  }
0x432: {  	v20 =	vperm.xlane v19, v4;
	_ =	sdelay $0x1  }
0x433: {  	v21 =	vperm.xlane v19, v6;
	v20 =	vadd.s32 v5, v20;
	_ =	sdelay $0x1  }
0x434: {  	v22 =	vperm.xlane v19, v3;
	v21 =	vadd.s32 v5, v21;
	_ =	sdelay $0x1  }
0x435: {  	s31 =	simm.s32 $0xD600;
	v23 =	vperm.xlane v19, v7;
	v22 =	vadd.s32 v5, v22  }
0x436: {  	[tilespmem:s31], [sflag:$0x2] =	stream.indirect_vreg.gather [hbm4b:s29+s28], $0x80, v20, vm0, $0xb8;
	[tilespmem:$0x18A00] =	vst v63  }
0x437: {  	s2 =	simm.s32 $0xD680;
	v20 =	vadd.s32 v5, v23;
	v23 =	vperm.xlane v19, v8  }
0x438: {  	[tilespmem:s2], [sflag:$0x2] =	stream.indirect_vreg.gather [hbm4b:s29+s28], $0x80, v21, vm0, $0xb8;
	[tilespmem:$0x18A00] =	vst v63  }
0x439: {  	s4 =	simm.s32 $0xD700;
	v21 =	vadd.s32 v5, v23;
	v23 =	vperm.xlane v19, v9  }
0x43a: {  	[tilespmem:s4], [sflag:$0x2] =	stream.indirect_vreg.gather [hbm4b:s29+s28], $0x80, v22, vm0, $0xb8;
	[tilespmem:$0x18A00] =	vst v63  }
0x43b: {  	s30 =	simm.s32 $0xD780;
	v22 =	vadd.s32 v5, v23;
	v23 =	vperm.xlane v19, v10  }
0x43c: {  	[tilespmem:s30], [sflag:$0x2] =	stream.indirect_vreg.gather [hbm4b:s29+s28], $0x80, v20, vm0, $0xb8;
	[tilespmem:$0x18A00] =	vst v63  }
0x43d: {  	s31 =	simm.s32 $0xD800;
	v20 =	vadd.s32 v5, v23;
	v23 =	vperm.xlane v19, v2  }
0x43e: {  	[tilespmem:s31], [sflag:$0x2] =	stream.indirect_vreg.gather [hbm4b:s29+s28], $0x80, v21, vm0, $0xb8;
	[tilespmem:$0x18A00] =	vst v63  }
0x43f: {  	s2 =	simm.s32 $0xD880;
	v21 =	vadd.s32 v5, v23;
	v23 =	vperm.xlane v19, v11  }
0x440: {  	[tilespmem:s2], [sflag:$0x2] =	stream.indirect_vreg.gather [hbm4b:s29+s28], $0x80, v22, vm0, $0xb8;
	[tilespmem:$0x18A00] =	vst v63  }
0x441: {  	s4 =	simm.s32 $0xD900;
	v22 =	vadd.s32 v5, v23;
	v23 =	vperm.xlane v19, v12  }
0x442: {  	[tilespmem:s4], [sflag:$0x2] =	stream.indirect_vreg.gather [hbm4b:s29+s28], $0x80, v20, vm0, $0xb8;
	[tilespmem:$0x18A00] =	vst v63  }
0x443: {  	s30 =	simm.s32 $0xD980;
	v20 =	vadd.s32 v5, v23;
	v23 =	vperm.xlane v19, v13  }
0x444: {  	[tilespmem:s30], [sflag:$0x2] =	stream.indirect_vreg.gather [hbm4b:s29+s28], $0x80, v21, vm0, $0xb8;
	[tilespmem:$0x18A00] =	vst v63  }
0x445: {  	s31 =	simm.s32 $0xDA00;
	v21 =	vadd.s32 v5, v23;
	v23 =	vperm.xlane v19, v14  }
0x446: {  	[tilespmem:s31], [sflag:$0x2] =	stream.indirect_vreg.gather [hbm4b:s29+s28], $0x80, v22, vm0, $0xb8;
	[tilespmem:$0x18A00] =	vst v63  }
0x447: {  	s2 =	simm.s32 $0xDA80;
	v22 =	vadd.s32 v5, v23;
	v23 =	vperm.xlane v19, v15  }
0x448: {  	[tilespmem:s2], [sflag:$0x2] =	stream.indirect_vreg.gather [hbm4b:s29+s28], $0x80, v20, vm0, $0xb8;
	[tilespmem:$0x18A00] =	vst v63  }
0x449: {  	s4 =	simm.s32 $0xDB00;
	v20 =	vadd.s32 v5, v23;
	v23 =	vperm.xlane v19, v16  }
0x44a: {  	[tilespmem:s4], [sflag:$0x2] =	stream.indirect_vreg.gather [hbm4b:s29+s28], $0x80, v21, vm0, $0xb8;
	[tilespmem:$0x18A00] =	vst v63  }
0x44b: {  	s30 =	simm.s32 $0xDB80;
	v21 =	vadd.s32 v5, v23;
	v23 =	vperm.xlane v19, v17  }
0x44c: {  	[tilespmem:s30], [sflag:$0x2] =	stream.indirect_vreg.gather [hbm4b:s29+s28], $0x80, v22, vm0, $0xb8;
	[tilespmem:$0x18A00] =	vst v63  }
0x44d: {  	s31 =	simm.s32 $0xDC00;
	v19 =	vperm.xlane v19, v18;
	v22 =	vadd.s32 v5, v23  }
0x44e: {  	[tilespmem:s31], [sflag:$0x2] =	stream.indirect_vreg.gather [hbm4b:s29+s28], $0x80, v20, vm0, $0xb8;
	[tilespmem:$0x18A00] =	vst v63  }
0x44f: {  	s2 =	simm.s32 $0xDC80;
	v19 =	vadd.s32 v5, v19  }
0x450: {  	[tilespmem:s2], [sflag:$0x2] =	stream.indirect_vreg.gather [hbm4b:s29+s28], $0x80, v21, vm0, $0xb8;
	[tilespmem:$0x18A00] =	vst v63  }
0x451: {  	s4 =	simm.s32 $0xDD00  }
0x452: {  	[tilespmem:s4], [sflag:$0x2] =	stream.indirect_vreg.gather [hbm4b:s29+s28], $0x80, v22, vm0, $0xb8;
	[tilespmem:$0x18A00] =	vst v63  }
0x453: {  	s30 =	simm.s32 $0xDD80  }
0x454: {  	[tilespmem:s30], [sflag:$0x2] =	stream.indirect_vreg.gather [hbm4b:s29+s28], $0x80, v19, vm0, $0xb8;
	[tilespmem:$0x18A00] =	vst v63  }
0x455: {  	v19 =	vld [tilespmem:$0x3B0];
	_ =	sdelay $0x4  }
0x456: {  	v20 =	vshll.u32 v19, $0x2  }
0x457: {  	v19 =	vand.u32 $0x7, v19;
	v20 =	vand.u32 $0xFFFFFFE0, v20  }
0x458: {  	v19 =	vor.u32 v19, v20  }
0x459: {  	v20 =	vperm.xlane v19, v4;
	_ =	sdelay $0x1  }
0x45a: {  	v21 =	vperm.xlane v19, v6;
	v20 =	vadd.s32 v5, v20;
	_ =	sdelay $0x1  }
0x45b: {  	v22 =	vperm.xlane v19, v3;
	v21 =	vadd.s32 v5, v21;
	_ =	sdelay $0x1  }
0x45c: {  	s31 =	simm.s32 $0xDE00;
	v23 =	vperm.xlane v19, v7;
	v22 =	vadd.s32 v5, v22  }
0x45d: {  	[tilespmem:s31], [sflag:$0x2] =	stream.indirect_vreg.gather [hbm4b:s29+s28], $0x80, v20, vm0, $0xb8;
	[tilespmem:$0x18A00] =	vst v63  }
0x45e: {  	s2 =	simm.s32 $0xDE80;
	v20 =	vadd.s32 v5, v23;
	v23 =	vperm.xlane v19, v8  }
0x45f: {  	[tilespmem:s2], [sflag:$0x2] =	stream.indirect_vreg.gather [hbm4b:s29+s28], $0x80, v21, vm0, $0xb8;
	[tilespmem:$0x18A00] =	vst v63  }
0x460: {  	s4 =	simm.s32 $0xDF00;
	v21 =	vadd.s32 v5, v23;
	v23 =	vperm.xlane v19, v9  }
0x461: {  	[tilespmem:s4], [sflag:$0x2] =	stream.indirect_vreg.gather [hbm4b:s29+s28], $0x80, v22, vm0, $0xb8;
	[tilespmem:$0x18A00] =	vst v63  }
0x462: {  	s30 =	simm.s32 $0xDF80;
	v22 =	vadd.s32 v5, v23;
	v23 =	vperm.xlane v19, v10  }
0x463: {  	[tilespmem:s30], [sflag:$0x2] =	stream.indirect_vreg.gather [hbm4b:s29+s28], $0x80, v20, vm0, $0xb8;
	[tilespmem:$0x18A00] =	vst v63  }
0x464: {  	s31 =	simm.s32 $0xE000;
	v20 =	vadd.s32 v5, v23;
	v23 =	vperm.xlane v19, v2  }
0x465: {  	[tilespmem:s31], [sflag:$0x2] =	stream.indirect_vreg.gather [hbm4b:s29+s28], $0x80, v21, vm0, $0xb8;
	[tilespmem:$0x18A00] =	vst v63  }
0x466: {  	s2 =	simm.s32 $0xE080;
	v21 =	vadd.s32 v5, v23;
	v23 =	vperm.xlane v19, v11  }
0x467: {  	[tilespmem:s2], [sflag:$0x2] =	stream.indirect_vreg.gather [hbm4b:s29+s28], $0x80, v22, vm0, $0xb8;
	[tilespmem:$0x18A00] =	vst v63  }
0x468: {  	s4 =	simm.s32 $0xE100;
	v22 =	vadd.s32 v5, v23;
	v23 =	vperm.xlane v19, v12  }
0x469: {  	[tilespmem:s4], [sflag:$0x2] =	stream.indirect_vreg.gather [hbm4b:s29+s28], $0x80, v20, vm0, $0xb8;
	[tilespmem:$0x18A00] =	vst v63  }
0x46a: {  	s30 =	simm.s32 $0xE180;
	v20 =	vadd.s32 v5, v23;
	v23 =	vperm.xlane v19, v13  }
0x46b: {  	[tilespmem:s30], [sflag:$0x2] =	stream.indirect_vreg.gather [hbm4b:s29+s28], $0x80, v21, vm0, $0xb8;
	[tilespmem:$0x18A00] =	vst v63  }
0x46c: {  	s31 =	simm.s32 $0xE200;
	v21 =	vadd.s32 v5, v23;
	v23 =	vperm.xlane v19, v14  }
0x46d: {  	[tilespmem:s31], [sflag:$0x2] =	stream.indirect_vreg.gather [hbm4b:s29+s28], $0x80, v22, vm0, $0xb8;
	[tilespmem:$0x18A00] =	vst v63  }
0x46e: {  	s2 =	simm.s32 $0xE280;
	v22 =	vadd.s32 v5, v23;
	v23 =	vperm.xlane v19, v15  }
0x46f: {  	[tilespmem:s2], [sflag:$0x2] =	stream.indirect_vreg.gather [hbm4b:s29+s28], $0x80, v20, vm0, $0xb8;
	[tilespmem:$0x18A00] =	vst v63  }
0x470: {  	s4 =	simm.s32 $0xE300;
	v20 =	vadd.s32 v5, v23;
	v23 =	vperm.xlane v19, v16  }
0x471: {  	[tilespmem:s4], [sflag:$0x2] =	stream.indirect_vreg.gather [hbm4b:s29+s28], $0x80, v21, vm0, $0xb8;
	[tilespmem:$0x18A00] =	vst v63  }
0x472: {  	s30 =	simm.s32 $0xE380;
	v21 =	vadd.s32 v5, v23;
	v23 =	vperm.xlane v19, v17  }
0x473: {  	[tilespmem:s30], [sflag:$0x2] =	stream.indirect_vreg.gather [hbm4b:s29+s28], $0x80, v22, vm0, $0xb8;
	[tilespmem:$0x18A00] =	vst v63  }
0x474: {  	s31 =	simm.s32 $0xE400;
	v19 =	vperm.xlane v19, v18;
	v22 =	vadd.s32 v5, v23  }
0x475: {  	[tilespmem:s31], [sflag:$0x2] =	stream.indirect_vreg.gather [hbm4b:s29+s28], $0x80, v20, vm0, $0xb8;
	[tilespmem:$0x18A00] =	vst v63  }
0x476: {  	s2 =	simm.s32 $0xE480;
	v19 =	vadd.s32 v5, v19  }
0x477: {  	[tilespmem:s2], [sflag:$0x2] =	stream.indirect_vreg.gather [hbm4b:s29+s28], $0x80, v21, vm0, $0xb8;
	[tilespmem:$0x18A00] =	vst v63  }
0x478: {  	s4 =	simm.s32 $0xE500  }
0x479: {  	[tilespmem:s4], [sflag:$0x2] =	stream.indirect_vreg.gather [hbm4b:s29+s28], $0x80, v22, vm0, $0xb8;
	[tilespmem:$0x18A00] =	vst v63  }
0x47a: {  	s30 =	simm.s32 $0xE580  }
0x47b: {  	[tilespmem:s30], [sflag:$0x2] =	stream.indirect_vreg.gather [hbm4b:s29+s28], $0x80, v19, vm0, $0xb8;
	[tilespmem:$0x18A00] =	vst v63  }
0x47c: {  	v19 =	vld [tilespmem:$0x3C0];
	_ =	sdelay $0x4  }
0x47d: {  	v20 =	vshll.u32 v19, $0x2  }
0x47e: {  	v19 =	vand.u32 $0x7, v19;
	v20 =	vand.u32 $0xFFFFFFE0, v20  }
0x47f: {  	v19 =	vor.u32 v19, v20  }
0x480: {  	v20 =	vperm.xlane v19, v4;
	_ =	sdelay $0x1  }
0x481: {  	v21 =	vperm.xlane v19, v6;
	v20 =	vadd.s32 v5, v20;
	_ =	sdelay $0x1  }
0x482: {  	v22 =	vperm.xlane v19, v3;
	v21 =	vadd.s32 v5, v21;
	_ =	sdelay $0x1  }
0x483: {  	s31 =	simm.s32 $0xE600;
	v23 =	vperm.xlane v19, v7;
	v22 =	vadd.s32 v5, v22  }
0x484: {  	[tilespmem:s31], [sflag:$0x2] =	stream.indirect_vreg.gather [hbm4b:s29+s28], $0x80, v20, vm0, $0xb8;
	[tilespmem:$0x18A00] =	vst v63  }
0x485: {  	s2 =	simm.s32 $0xE680;
	v20 =	vadd.s32 v5, v23;
	v23 =	vperm.xlane v19, v8  }
0x486: {  	[tilespmem:s2], [sflag:$0x2] =	stream.indirect_vreg.gather [hbm4b:s29+s28], $0x80, v21, vm0, $0xb8;
	[tilespmem:$0x18A00] =	vst v63  }
0x487: {  	s4 =	simm.s32 $0xE700;
	v21 =	vadd.s32 v5, v23;
	v23 =	vperm.xlane v19, v9  }
0x488: {  	[tilespmem:s4], [sflag:$0x2] =	stream.indirect_vreg.gather [hbm4b:s29+s28], $0x80, v22, vm0, $0xb8;
	[tilespmem:$0x18A00] =	vst v63  }
0x489: {  	s30 =	simm.s32 $0xE780;
	v22 =	vadd.s32 v5, v23;
	v23 =	vperm.xlane v19, v10  }
0x48a: {  	[tilespmem:s30], [sflag:$0x2] =	stream.indirect_vreg.gather [hbm4b:s29+s28], $0x80, v20, vm0, $0xb8;
	[tilespmem:$0x18A00] =	vst v63  }
0x48b: {  	s31 =	simm.s32 $0xE800;
	v20 =	vadd.s32 v5, v23;
	v23 =	vperm.xlane v19, v2  }
0x48c: {  	[tilespmem:s31], [sflag:$0x2] =	stream.indirect_vreg.gather [hbm4b:s29+s28], $0x80, v21, vm0, $0xb8;
	[tilespmem:$0x18A00] =	vst v63  }
0x48d: {  	s2 =	simm.s32 $0xE880;
	v21 =	vadd.s32 v5, v23;
	v23 =	vperm.xlane v19, v11  }
0x48e: {  	[tilespmem:s2], [sflag:$0x2] =	stream.indirect_vreg.gather [hbm4b:s29+s28], $0x80, v22, vm0, $0xb8;
	[tilespmem:$0x18A00] =	vst v63  }
0x48f: {  	s4 =	simm.s32 $0xE900;
	v22 =	vadd.s32 v5, v23;
	v23 =	vperm.xlane v19, v12  }
0x490: {  	[tilespmem:s4], [sflag:$0x2] =	stream.indirect_vreg.gather [hbm4b:s29+s28], $0x80, v20, vm0, $0xb8;
	[tilespmem:$0x18A00] =	vst v63  }
0x491: {  	s30 =	simm.s32 $0xE980;
	v20 =	vadd.s32 v5, v23;
	v23 =	vperm.xlane v19, v13  }
0x492: {  	[tilespmem:s30], [sflag:$0x2] =	stream.indirect_vreg.gather [hbm4b:s29+s28], $0x80, v21, vm0, $0xb8;
	[tilespmem:$0x18A00] =	vst v63  }
0x493: {  	s31 =	simm.s32 $0xEA00;
	v21 =	vadd.s32 v5, v23;
	v23 =	vperm.xlane v19, v14  }
0x494: {  	[tilespmem:s31], [sflag:$0x2] =	stream.indirect_vreg.gather [hbm4b:s29+s28], $0x80, v22, vm0, $0xb8;
	[tilespmem:$0x18A00] =	vst v63  }
0x495: {  	s2 =	simm.s32 $0xEA80;
	v22 =	vadd.s32 v5, v23;
	v23 =	vperm.xlane v19, v15  }
0x496: {  	[tilespmem:s2], [sflag:$0x2] =	stream.indirect_vreg.gather [hbm4b:s29+s28], $0x80, v20, vm0, $0xb8;
	[tilespmem:$0x18A00] =	vst v63  }
0x497: {  	s4 =	simm.s32 $0xEB00;
	v20 =	vadd.s32 v5, v23;
	v23 =	vperm.xlane v19, v16  }
0x498: {  	[tilespmem:s4], [sflag:$0x2] =	stream.indirect_vreg.gather [hbm4b:s29+s28], $0x80, v21, vm0, $0xb8;
	[tilespmem:$0x18A00] =	vst v63  }
0x499: {  	s30 =	simm.s32 $0xEB80;
	v21 =	vadd.s32 v5, v23;
	v23 =	vperm.xlane v19, v17  }
0x49a: {  	[tilespmem:s30], [sflag:$0x2] =	stream.indirect_vreg.gather [hbm4b:s29+s28], $0x80, v22, vm0, $0xb8;
	[tilespmem:$0x18A00] =	vst v63  }
0x49b: {  	s31 =	simm.s32 $0xEC00;
	v19 =	vperm.xlane v19, v18;
	v22 =	vadd.s32 v5, v23  }
0x49c: {  	[tilespmem:s31], [sflag:$0x2] =	stream.indirect_vreg.gather [hbm4b:s29+s28], $0x80, v20, vm0, $0xb8;
	[tilespmem:$0x18A00] =	vst v63  }
0x49d: {  	s2 =	simm.s32 $0xEC80;
	v19 =	vadd.s32 v5, v19  }
0x49e: {  	[tilespmem:s2], [sflag:$0x2] =	stream.indirect_vreg.gather [hbm4b:s29+s28], $0x80, v21, vm0, $0xb8;
	[tilespmem:$0x18A00] =	vst v63  }
0x49f: {  	s4 =	simm.s32 $0xED00  }
0x4a0: {  	[tilespmem:s4], [sflag:$0x2] =	stream.indirect_vreg.gather [hbm4b:s29+s28], $0x80, v22, vm0, $0xb8;
	[tilespmem:$0x18A00] =	vst v63  }
0x4a1: {  	s30 =	simm.s32 $0xED80  }
0x4a2: {  	[tilespmem:s30], [sflag:$0x2] =	stream.indirect_vreg.gather [hbm4b:s29+s28], $0x80, v19, vm0, $0xb8;
	[tilespmem:$0x18A00] =	vst v63  }
0x4a3: {  	v19 =	vld [tilespmem:$0x3D0];
	_ =	sdelay $0x4  }
0x4a4: {  	v20 =	vshll.u32 v19, $0x2  }
0x4a5: {  	v19 =	vand.u32 $0x7, v19;
	v20 =	vand.u32 $0xFFFFFFE0, v20  }
0x4a6: {  	v19 =	vor.u32 v19, v20  }
0x4a7: {  	v20 =	vperm.xlane v19, v4;
	_ =	sdelay $0x1  }
0x4a8: {  	v21 =	vperm.xlane v19, v6;
	v20 =	vadd.s32 v5, v20;
	_ =	sdelay $0x1  }
0x4a9: {  	v22 =	vperm.xlane v19, v3;
	v21 =	vadd.s32 v5, v21;
	_ =	sdelay $0x1  }
0x4aa: {  	s31 =	simm.s32 $0xEE00;
	v23 =	vperm.xlane v19, v7;
	v22 =	vadd.s32 v5, v22  }
0x4ab: {  	[tilespmem:s31], [sflag:$0x2] =	stream.indirect_vreg.gather [hbm4b:s29+s28], $0x80, v20, vm0, $0xb8;
	[tilespmem:$0x18A00] =	vst v63  }
0x4ac: {  	s2 =	simm.s32 $0xEE80;
	v20 =	vadd.s32 v5, v23;
	v23 =	vperm.xlane v19, v8  }
0x4ad: {  	[tilespmem:s2], [sflag:$0x2] =	stream.indirect_vreg.gather [hbm4b:s29+s28], $0x80, v21, vm0, $0xb8;
	[tilespmem:$0x18A00] =	vst v63  }
0x4ae: {  	s4 =	simm.s32 $0xEF00;
	v21 =	vadd.s32 v5, v23;
	v23 =	vperm.xlane v19, v9  }
0x4af: {  	[tilespmem:s4], [sflag:$0x2] =	stream.indirect_vreg.gather [hbm4b:s29+s28], $0x80, v22, vm0, $0xb8;
	[tilespmem:$0x18A00] =	vst v63  }
0x4b0: {  	s30 =	simm.s32 $0xEF80;
	v22 =	vadd.s32 v5, v23;
	v23 =	vperm.xlane v19, v10  }
0x4b1: {  	[tilespmem:s30], [sflag:$0x2] =	stream.indirect_vreg.gather [hbm4b:s29+s28], $0x80, v20, vm0, $0xb8;
	[tilespmem:$0x18A00] =	vst v63  }
0x4b2: {  	s31 =	simm.s32 $0xF000;
	v20 =	vadd.s32 v5, v23;
	v23 =	vperm.xlane v19, v2  }
0x4b3: {  	[tilespmem:s31], [sflag:$0x2] =	stream.indirect_vreg.gather [hbm4b:s29+s28], $0x80, v21, vm0, $0xb8;
	[tilespmem:$0x18A00] =	vst v63  }
0x4b4: {  	s2 =	simm.s32 $0xF080;
	v21 =	vadd.s32 v5, v23;
	v23 =	vperm.xlane v19, v11  }
0x4b5: {  	[tilespmem:s2], [sflag:$0x2] =	stream.indirect_vreg.gather [hbm4b:s29+s28], $0x80, v22, vm0, $0xb8;
	[tilespmem:$0x18A00] =	vst v63  }
0x4b6: {  	s4 =	simm.s32 $0xF100;
	v22 =	vadd.s32 v5, v23;
	v23 =	vperm.xlane v19, v12  }
0x4b7: {  	[tilespmem:s4], [sflag:$0x2] =	stream.indirect_vreg.gather [hbm4b:s29+s28], $0x80, v20, vm0, $0xb8;
	[tilespmem:$0x18A00] =	vst v63  }
0x4b8: {  	s30 =	simm.s32 $0xF180;
	v20 =	vadd.s32 v5, v23;
	v23 =	vperm.xlane v19, v13  }
0x4b9: {  	[tilespmem:s30], [sflag:$0x2] =	stream.indirect_vreg.gather [hbm4b:s29+s28], $0x80, v21, vm0, $0xb8;
	[tilespmem:$0x18A00] =	vst v63  }
0x4ba: {  	s31 =	simm.s32 $0xF200;
	v21 =	vadd.s32 v5, v23;
	v23 =	vperm.xlane v19, v14  }
0x4bb: {  	[tilespmem:s31], [sflag:$0x2] =	stream.indirect_vreg.gather [hbm4b:s29+s28], $0x80, v22, vm0, $0xb8;
	[tilespmem:$0x18A00] =	vst v63  }
0x4bc: {  	s2 =	simm.s32 $0xF280;
	v22 =	vadd.s32 v5, v23;
	v23 =	vperm.xlane v19, v15  }
0x4bd: {  	[tilespmem:s2], [sflag:$0x2] =	stream.indirect_vreg.gather [hbm4b:s29+s28], $0x80, v20, vm0, $0xb8;
	[tilespmem:$0x18A00] =	vst v63  }
0x4be: {  	s4 =	simm.s32 $0xF300;
	v20 =	vadd.s32 v5, v23;
	v23 =	vperm.xlane v19, v16  }
0x4bf: {  	[tilespmem:s4], [sflag:$0x2] =	stream.indirect_vreg.gather [hbm4b:s29+s28], $0x80, v21, vm0, $0xb8;
	[tilespmem:$0x18A00] =	vst v63  }
0x4c0: {  	s30 =	simm.s32 $0xF380;
	v21 =	vadd.s32 v5, v23;
	v23 =	vperm.xlane v19, v17  }
0x4c1: {  	[tilespmem:s30], [sflag:$0x2] =	stream.indirect_vreg.gather [hbm4b:s29+s28], $0x80, v22, vm0, $0xb8;
	[tilespmem:$0x18A00] =	vst v63  }
0x4c2: {  	s31 =	simm.s32 $0xF400;
	v19 =	vperm.xlane v19, v18;
	v22 =	vadd.s32 v5, v23  }
0x4c3: {  	[tilespmem:s31], [sflag:$0x2] =	stream.indirect_vreg.gather [hbm4b:s29+s28], $0x80, v20, vm0, $0xb8;
	[tilespmem:$0x18A00] =	vst v63  }
0x4c4: {  	s2 =	simm.s32 $0xF480;
	v19 =	vadd.s32 v5, v19  }
0x4c5: {  	[tilespmem:s2], [sflag:$0x2] =	stream.indirect_vreg.gather [hbm4b:s29+s28], $0x80, v21, vm0, $0xb8;
	[tilespmem:$0x18A00] =	vst v63  }
0x4c6: {  	s4 =	simm.s32 $0xF500  }
0x4c7: {  	[tilespmem:s4], [sflag:$0x2] =	stream.indirect_vreg.gather [hbm4b:s29+s28], $0x80, v22, vm0, $0xb8;
	[tilespmem:$0x18A00] =	vst v63  }
0x4c8: {  	s30 =	simm.s32 $0xF580  }
0x4c9: {  	[tilespmem:s30], [sflag:$0x2] =	stream.indirect_vreg.gather [hbm4b:s29+s28], $0x80, v19, vm0, $0xb8;
	[tilespmem:$0x18A00] =	vst v63  }
0x4ca: {  	v19 =	vld [tilespmem:$0x3E0];
	_ =	sdelay $0x4  }
0x4cb: {  	v20 =	vshll.u32 v19, $0x2  }
0x4cc: {  	v19 =	vand.u32 $0x7, v19;
	v20 =	vand.u32 $0xFFFFFFE0, v20  }
0x4cd: {  	v19 =	vor.u32 v19, v20  }
0x4ce: {  	v20 =	vperm.xlane v19, v4;
	_ =	sdelay $0x1  }
0x4cf: {  	v21 =	vperm.xlane v19, v6;
	v20 =	vadd.s32 v5, v20;
	_ =	sdelay $0x1  }
0x4d0: {  	v22 =	vperm.xlane v19, v3;
	v21 =	vadd.s32 v5, v21;
	_ =	sdelay $0x1  }
0x4d1: {  	s31 =	simm.s32 $0xF600;
	v23 =	vperm.xlane v19, v7;
	v22 =	vadd.s32 v5, v22  }
0x4d2: {  	[tilespmem:s31], [sflag:$0x2] =	stream.indirect_vreg.gather [hbm4b:s29+s28], $0x80, v20, vm0, $0xb8;
	[tilespmem:$0x18A00] =	vst v63  }
0x4d3: {  	s2 =	simm.s32 $0xF680;
	v20 =	vadd.s32 v5, v23;
	v23 =	vperm.xlane v19, v8  }
0x4d4: {  	[tilespmem:s2], [sflag:$0x2] =	stream.indirect_vreg.gather [hbm4b:s29+s28], $0x80, v21, vm0, $0xb8;
	[tilespmem:$0x18A00] =	vst v63  }
0x4d5: {  	s4 =	simm.s32 $0xF700;
	v21 =	vadd.s32 v5, v23;
	v23 =	vperm.xlane v19, v9  }
0x4d6: {  	[tilespmem:s4], [sflag:$0x2] =	stream.indirect_vreg.gather [hbm4b:s29+s28], $0x80, v22, vm0, $0xb8;
	[tilespmem:$0x18A00] =	vst v63  }
0x4d7: {  	s30 =	simm.s32 $0xF780;
	v22 =	vadd.s32 v5, v23;
	v23 =	vperm.xlane v19, v10  }
0x4d8: {  	[tilespmem:s30], [sflag:$0x2] =	stream.indirect_vreg.gather [hbm4b:s29+s28], $0x80, v20, vm0, $0xb8;
	[tilespmem:$0x18A00] =	vst v63  }
0x4d9: {  	s31 =	simm.s32 $0xF800;
	v20 =	vadd.s32 v5, v23;
	v23 =	vperm.xlane v19, v2  }
0x4da: {  	[tilespmem:s31], [sflag:$0x2] =	stream.indirect_vreg.gather [hbm4b:s29+s28], $0x80, v21, vm0, $0xb8;
	[tilespmem:$0x18A00] =	vst v63  }
0x4db: {  	s2 =	simm.s32 $0xF880;
	v21 =	vadd.s32 v5, v23;
	v23 =	vperm.xlane v19, v11  }
0x4dc: {  	[tilespmem:s2], [sflag:$0x2] =	stream.indirect_vreg.gather [hbm4b:s29+s28], $0x80, v22, vm0, $0xb8;
	[tilespmem:$0x18A00] =	vst v63  }
0x4dd: {  	s4 =	simm.s32 $0xF900;
	v22 =	vadd.s32 v5, v23;
	v23 =	vperm.xlane v19, v12  }
0x4de: {  	[tilespmem:s4], [sflag:$0x2] =	stream.indirect_vreg.gather [hbm4b:s29+s28], $0x80, v20, vm0, $0xb8;
	[tilespmem:$0x18A00] =	vst v63  }
0x4df: {  	s30 =	simm.s32 $0xF980;
	v20 =	vadd.s32 v5, v23;
	v23 =	vperm.xlane v19, v13  }
0x4e0: {  	[tilespmem:s30], [sflag:$0x2] =	stream.indirect_vreg.gather [hbm4b:s29+s28], $0x80, v21, vm0, $0xb8;
	[tilespmem:$0x18A00] =	vst v63  }
0x4e1: {  	s31 =	simm.s32 $0xFA00;
	v21 =	vadd.s32 v5, v23;
	v23 =	vperm.xlane v19, v14  }
0x4e2: {  	[tilespmem:s31], [sflag:$0x2] =	stream.indirect_vreg.gather [hbm4b:s29+s28], $0x80, v22, vm0, $0xb8;
	[tilespmem:$0x18A00] =	vst v63  }
0x4e3: {  	s2 =	simm.s32 $0xFA80;
	v22 =	vadd.s32 v5, v23;
	v23 =	vperm.xlane v19, v15  }
0x4e4: {  	[tilespmem:s2], [sflag:$0x2] =	stream.indirect_vreg.gather [hbm4b:s29+s28], $0x80, v20, vm0, $0xb8;
	[tilespmem:$0x18A00] =	vst v63  }
0x4e5: {  	s4 =	simm.s32 $0xFB00;
	v20 =	vadd.s32 v5, v23;
	v23 =	vperm.xlane v19, v16  }
0x4e6: {  	[tilespmem:s4], [sflag:$0x2] =	stream.indirect_vreg.gather [hbm4b:s29+s28], $0x80, v21, vm0, $0xb8;
	[tilespmem:$0x18A00] =	vst v63  }
0x4e7: {  	s30 =	simm.s32 $0xFB80;
	v21 =	vadd.s32 v5, v23;
	v23 =	vperm.xlane v19, v17  }
0x4e8: {  	[tilespmem:s30], [sflag:$0x2] =	stream.indirect_vreg.gather [hbm4b:s29+s28], $0x80, v22, vm0, $0xb8;
	[tilespmem:$0x18A00] =	vst v63  }
0x4e9: {  	s31 =	simm.s32 $0xFC00;
	v19 =	vperm.xlane v19, v18;
	v22 =	vadd.s32 v5, v23  }
0x4ea: {  	[tilespmem:s31], [sflag:$0x2] =	stream.indirect_vreg.gather [hbm4b:s29+s28], $0x80, v20, vm0, $0xb8;
	[tilespmem:$0x18A00] =	vst v63  }
0x4eb: {  	s2 =	simm.s32 $0xFC80;
	v19 =	vadd.s32 v5, v19  }
0x4ec: {  	[tilespmem:s2], [sflag:$0x2] =	stream.indirect_vreg.gather [hbm4b:s29+s28], $0x80, v21, vm0, $0xb8;
	[tilespmem:$0x18A00] =	vst v63  }
0x4ed: {  	s4 =	simm.s32 $0xFD00  }
0x4ee: {  	[tilespmem:s4], [sflag:$0x2] =	stream.indirect_vreg.gather [hbm4b:s29+s28], $0x80, v22, vm0, $0xb8;
	[tilespmem:$0x18A00] =	vst v63  }
0x4ef: {  	s30 =	simm.s32 $0xFD80  }
0x4f0: {  	[tilespmem:s30], [sflag:$0x2] =	stream.indirect_vreg.gather [hbm4b:s29+s28], $0x80, v19, vm0, $0xb8;
	[tilespmem:$0x18A00] =	vst v63  }
0x4f1: {  	v19 =	vld [tilespmem:$0x3F0];
	_ =	sdelay $0x4  }
0x4f2: {  	v20 =	vshll.u32 v19, $0x2  }
0x4f3: {  	v19 =	vand.u32 $0x7, v19;
	v20 =	vand.u32 $0xFFFFFFE0, v20  }
0x4f4: {  	v19 =	vor.u32 v19, v20  }
0x4f5: {  	v20 =	vperm.xlane v19, v4;
	_ =	sdelay $0x1  }
0x4f6: {  	v21 =	vperm.xlane v19, v6;
	v20 =	vadd.s32 v5, v20;
	_ =	sdelay $0x1  }
0x4f7: {  	v22 =	vperm.xlane v19, v3;
	v21 =	vadd.s32 v5, v21;
	_ =	sdelay $0x1  }
0x4f8: {  	s31 =	simm.s32 $0xFE00;
	v23 =	vperm.xlane v19, v7;
	v22 =	vadd.s32 v5, v22  }
0x4f9: {  	[tilespmem:s31], [sflag:$0x2] =	stream.indirect_vreg.gather [hbm4b:s29+s28], $0x80, v20, vm0, $0xb8;
	[tilespmem:$0x18A00] =	vst v63  }
0x4fa: {  	s2 =	simm.s32 $0xFE80;
	v20 =	vadd.s32 v5, v23;
	v23 =	vperm.xlane v19, v8  }
0x4fb: {  	[tilespmem:s2], [sflag:$0x2] =	stream.indirect_vreg.gather [hbm4b:s29+s28], $0x80, v21, vm0, $0xb8;
	[tilespmem:$0x18A00] =	vst v63  }
0x4fc: {  	s4 =	simm.s32 $0xFF00;
	v21 =	vadd.s32 v5, v23;
	v23 =	vperm.xlane v19, v9  }
0x4fd: {  	[tilespmem:s4], [sflag:$0x2] =	stream.indirect_vreg.gather [hbm4b:s29+s28], $0x80, v22, vm0, $0xb8;
	[tilespmem:$0x18A00] =	vst v63  }
0x4fe: {  	s30 =	simm.s32 $0xFF80;
	v22 =	vadd.s32 v5, v23;
	v23 =	vperm.xlane v19, v10  }
0x4ff: {  	[tilespmem:s30], [sflag:$0x2] =	stream.indirect_vreg.gather [hbm4b:s29+s28], $0x80, v20, vm0, $0xb8;
	[tilespmem:$0x18A00] =	vst v63  }
0x500: {  	s31 =	simm.s32 $0x10000;
	v20 =	vadd.s32 v5, v23;
	v23 =	vperm.xlane v19, v2  }
0x501: {  	[tilespmem:s31], [sflag:$0x2] =	stream.indirect_vreg.gather [hbm4b:s29+s28], $0x80, v21, vm0, $0xb8;
	[tilespmem:$0x18A00] =	vst v63  }
0x502: {  	s2 =	simm.s32 $0x10080;
	v21 =	vadd.s32 v5, v23;
	v23 =	vperm.xlane v19, v11  }
0x503: {  	[tilespmem:s2], [sflag:$0x2] =	stream.indirect_vreg.gather [hbm4b:s29+s28], $0x80, v22, vm0, $0xb8;
	[tilespmem:$0x18A00] =	vst v63  }
0x504: {  	s4 =	simm.s32 $0x10100;
	v22 =	vadd.s32 v5, v23;
	v23 =	vperm.xlane v19, v12  }
0x505: {  	[tilespmem:s4], [sflag:$0x2] =	stream.indirect_vreg.gather [hbm4b:s29+s28], $0x80, v20, vm0, $0xb8;
	[tilespmem:$0x18A00] =	vst v63  }
0x506: {  	s30 =	simm.s32 $0x10180;
	v20 =	vadd.s32 v5, v23;
	v23 =	vperm.xlane v19, v13  }
0x507: {  	[tilespmem:s30], [sflag:$0x2] =	stream.indirect_vreg.gather [hbm4b:s29+s28], $0x80, v21, vm0, $0xb8;
	[tilespmem:$0x18A00] =	vst v63  }
0x508: {  	s31 =	simm.s32 $0x10200;
	v21 =	vadd.s32 v5, v23;
	v23 =	vperm.xlane v19, v14  }
0x509: {  	[tilespmem:s31], [sflag:$0x2] =	stream.indirect_vreg.gather [hbm4b:s29+s28], $0x80, v22, vm0, $0xb8;
	[tilespmem:$0x18A00] =	vst v63  }
0x50a: {  	s2 =	simm.s32 $0x10280;
	v22 =	vadd.s32 v5, v23;
	v23 =	vperm.xlane v19, v15  }
0x50b: {  	[tilespmem:s2], [sflag:$0x2] =	stream.indirect_vreg.gather [hbm4b:s29+s28], $0x80, v20, vm0, $0xb8;
	[tilespmem:$0x18A00] =	vst v63  }
0x50c: {  	s4 =	simm.s32 $0x10300;
	v20 =	vadd.s32 v5, v23;
	v23 =	vperm.xlane v19, v16  }
0x50d: {  	[tilespmem:s4], [sflag:$0x2] =	stream.indirect_vreg.gather [hbm4b:s29+s28], $0x80, v21, vm0, $0xb8;
	[tilespmem:$0x18A00] =	vst v63  }
0x50e: {  	s30 =	simm.s32 $0x10380;
	v21 =	vadd.s32 v5, v23;
	v23 =	vperm.xlane v19, v17  }
0x50f: {  	[tilespmem:s30], [sflag:$0x2] =	stream.indirect_vreg.gather [hbm4b:s29+s28], $0x80, v22, vm0, $0xb8;
	[tilespmem:$0x18A00] =	vst v63  }
0x510: {  	s31 =	simm.s32 $0x10400;
	v19 =	vperm.xlane v19, v18;
	v22 =	vadd.s32 v5, v23  }
0x511: {  	[tilespmem:s31], [sflag:$0x2] =	stream.indirect_vreg.gather [hbm4b:s29+s28], $0x80, v20, vm0, $0xb8;
	[tilespmem:$0x18A00] =	vst v63  }
0x512: {  	s2 =	simm.s32 $0x10480;
	v19 =	vadd.s32 v5, v19  }
0x513: {  	[tilespmem:s2], [sflag:$0x2] =	stream.indirect_vreg.gather [hbm4b:s29+s28], $0x80, v21, vm0, $0xb8;
	[tilespmem:$0x18A00] =	vst v63  }
0x514: {  	s4 =	simm.s32 $0x10500  }
0x515: {  	[tilespmem:s4], [sflag:$0x2] =	stream.indirect_vreg.gather [hbm4b:s29+s28], $0x80, v22, vm0, $0xb8;
	[tilespmem:$0x18A00] =	vst v63  }
0x516: {  	s30 =	simm.s32 $0x10580  }
0x517: {  	[tilespmem:s30], [sflag:$0x2] =	stream.indirect_vreg.gather [hbm4b:s29+s28], $0x80, v19, vm0, $0xb8;
	[tilespmem:$0x18A00] =	vst v63  }
0x518: {  	v19 =	vld.msk [tilespmem:s8+$0x0 ss:$0x0], $0xffff;
	_ =	sdelay $0x1  }
0x519: {  	v20 =	vmov s28  }
0x51a: {  	s31 =	sand.u32 $0x200, s28;
	v20 =	vshll.u32 v20, $0x9  }
0x51b: {  	s0 =	sshrl.u32 s31, $0x2;
	v21 =	vor.u32 v1, v20;
	s4 =	sand.u32 $0x70, s28  }
0x51c: {  	s0 =	sor.u32 s4, s0;
	s29 =	simm.s32 $0x40;
	v20 =	vld [tilespmem:s8+$0x100];
	v21 =	vadd.s32 v19, v21  }
.LBB2_6:
0x51d: {  	p0 =	sne.s32 s29, $0x3C0  }
0x51e: {  	[tilespmem:s0+$0x400] =	vst v21;
	s28 =	sadd.s32 $0x10, s28;
	s0 =	smov.u32 s29;
	s29 =	sadd.s32 $0x40, s29  }
.Ltmp2:
0x51f: {  	(pc) =	sbr.rel @p0 .LBB2_6-.Ltmp2, $4  }
0x520: {  	v21 =	vmov s28  }
0x521: {  	s0 =	sand.u32 $0x200, s0;
	v21 =	vshll.u32 v21, $0x9  }
0x522: {  	s4 =	sand.u32 $0x70, s28;
	s0 =	sshrl.u32 s0, $0x2;
	v21 =	vor.u32 v1, v21  }
0x523: {  	s0 =	sor.u32 s4, s0;
	v21 =	vadd.s32 v19, v21  }
0x524: {  	(v2sf) =	vpush v20, $0x0;
	_ =	sdelay $0x1  }
0x525: {  	[tilespmem:s0+$0x400] =	vst v21  }
0x526: {  	v19 =	vld [tilespmem:$0x400];
	_ =	sdelay $0x4  }
0x527: {  	v20 =	vshll.u32 v19, $0x2  }
0x528: {  	v19 =	vand.u32 $0x7, v19;
	v20 =	vand.u32 $0xFFFFFFE0, v20  }
0x529: {  	v19 =	vor.u32 v19, v20  }
0x52a: {  	v20 =	vperm.xlane v19, v4;
	_ =	sdelay $0x1  }
0x52b: {  	v21 =	vperm.xlane v19, v6;
	v20 =	vadd.s32 v5, v20;
	_ =	sdelay $0x1  }
0x52c: {  	v22 =	vperm.xlane v19, v3;
	v21 =	vadd.s32 v5, v21;
	s2 =	spop (v2sf)  }
0x52d: {  	s0 =	sand.u32 $0xFFFFF80, s2  }
0x52e: {  	s28 =	simm.s32 $0x0;
	s4 =	simm.s32 $0x10600;
	v23 =	vperm.xlane v19, v7;
	v22 =	vadd.s32 v5, v22;
	s29 =	sadd.s32 s1, s0  }
0x52f: {  	[tilespmem:s4], [sflag:$0x3] =	stream.indirect_vreg.gather [hbm4b:s29+s28], $0x80, v20, vm0, $0xb8;
	[tilespmem:$0x18A00] =	vst v63  }
0x530: {  	s2 =	simm.s32 $0x10680;
	v20 =	vadd.s32 v5, v23;
	v23 =	vperm.xlane v19, v8  }
0x531: {  	[tilespmem:s2], [sflag:$0x3] =	stream.indirect_vreg.gather [hbm4b:s29+s28], $0x80, v21, vm0, $0xb8;
	[tilespmem:$0x18A00] =	vst v63  }
0x532: {  	s4 =	simm.s32 $0x10700;
	v21 =	vadd.s32 v5, v23;
	v23 =	vperm.xlane v19, v9  }
0x533: {  	[tilespmem:s4], [sflag:$0x3] =	stream.indirect_vreg.gather [hbm4b:s29+s28], $0x80, v22, vm0, $0xb8;
	[tilespmem:$0x18A00] =	vst v63  }
0x534: {  	s2 =	simm.s32 $0x10780;
	v22 =	vadd.s32 v5, v23;
	v23 =	vperm.xlane v19, v10  }
0x535: {  	[tilespmem:s2], [sflag:$0x3] =	stream.indirect_vreg.gather [hbm4b:s29+s28], $0x80, v20, vm0, $0xb8;
	[tilespmem:$0x18A00] =	vst v63  }
0x536: {  	s4 =	simm.s32 $0x10800;
	v20 =	vadd.s32 v5, v23;
	v23 =	vperm.xlane v19, v2  }
0x537: {  	[tilespmem:s4], [sflag:$0x3] =	stream.indirect_vreg.gather [hbm4b:s29+s28], $0x80, v21, vm0, $0xb8;
	[tilespmem:$0x18A00] =	vst v63  }
0x538: {  	s2 =	simm.s32 $0x10880;
	v21 =	vadd.s32 v5, v23;
	v23 =	vperm.xlane v19, v11  }
0x539: {  	[tilespmem:s2], [sflag:$0x3] =	stream.indirect_vreg.gather [hbm4b:s29+s28], $0x80, v22, vm0, $0xb8;
	[tilespmem:$0x18A00] =	vst v63  }
0x53a: {  	s4 =	simm.s32 $0x10900;
	v22 =	vadd.s32 v5, v23;
	v23 =	vperm.xlane v19, v12  }
0x53b: {  	[tilespmem:s4], [sflag:$0x3] =	stream.indirect_vreg.gather [hbm4b:s29+s28], $0x80, v20, vm0, $0xb8;
	[tilespmem:$0x18A00] =	vst v63  }
0x53c: {  	s2 =	simm.s32 $0x10980;
	v20 =	vadd.s32 v5, v23;
	v23 =	vperm.xlane v19, v13  }
0x53d: {  	[tilespmem:s2], [sflag:$0x3] =	stream.indirect_vreg.gather [hbm4b:s29+s28], $0x80, v21, vm0, $0xb8;
	[tilespmem:$0x18A00] =	vst v63  }
0x53e: {  	s4 =	simm.s32 $0x10A00;
	v21 =	vadd.s32 v5, v23;
	v23 =	vperm.xlane v19, v14  }
0x53f: {  	[tilespmem:s4], [sflag:$0x3] =	stream.indirect_vreg.gather [hbm4b:s29+s28], $0x80, v22, vm0, $0xb8;
	[tilespmem:$0x18A00] =	vst v63  }
0x540: {  	s2 =	simm.s32 $0x10A80;
	v22 =	vadd.s32 v5, v23;
	v23 =	vperm.xlane v19, v15  }
0x541: {  	[tilespmem:s2], [sflag:$0x3] =	stream.indirect_vreg.gather [hbm4b:s29+s28], $0x80, v20, vm0, $0xb8;
	[tilespmem:$0x18A00] =	vst v63  }
0x542: {  	s4 =	simm.s32 $0x10B00;
	v20 =	vadd.s32 v5, v23;
	v23 =	vperm.xlane v19, v16  }
0x543: {  	[tilespmem:s4], [sflag:$0x3] =	stream.indirect_vreg.gather [hbm4b:s29+s28], $0x80, v21, vm0, $0xb8;
	[tilespmem:$0x18A00] =	vst v63  }
0x544: {  	s2 =	simm.s32 $0x10B80;
	v21 =	vadd.s32 v5, v23;
	v23 =	vperm.xlane v19, v17  }
0x545: {  	[tilespmem:s2], [sflag:$0x3] =	stream.indirect_vreg.gather [hbm4b:s29+s28], $0x80, v22, vm0, $0xb8;
	[tilespmem:$0x18A00] =	vst v63  }
0x546: {  	v19 =	vperm.xlane v19, v18;
	s4 =	simm.s32 $0x10C00;
	v22 =	vadd.s32 v5, v23  }
0x547: {  	[tilespmem:s4], [sflag:$0x3] =	stream.indirect_vreg.gather [hbm4b:s29+s28], $0x80, v20, vm0, $0xb8;
	[tilespmem:$0x18A00] =	vst v63  }
0x548: {  	v19 =	vadd.s32 v5, v19;
	s2 =	simm.s32 $0x10C80  }
0x549: {  	[tilespmem:s2], [sflag:$0x3] =	stream.indirect_vreg.gather [hbm4b:s29+s28], $0x80, v21, vm0, $0xb8;
	[tilespmem:$0x18A00] =	vst v63  }
0x54a: {  	s4 =	simm.s32 $0x10D00  }
0x54b: {  	[tilespmem:s4], [sflag:$0x3] =	stream.indirect_vreg.gather [hbm4b:s29+s28], $0x80, v22, vm0, $0xb8;
	[tilespmem:$0x18A00] =	vst v63  }
0x54c: {  	s2 =	simm.s32 $0x10D80  }
0x54d: {  	[tilespmem:s2], [sflag:$0x3] =	stream.indirect_vreg.gather [hbm4b:s29+s28], $0x80, v19, vm0, $0xb8;
	[tilespmem:$0x18A00] =	vst v63  }
0x54e: {  	v19 =	vld [tilespmem:$0x410];
	_ =	sdelay $0x4  }
0x54f: {  	v20 =	vshll.u32 v19, $0x2  }
0x550: {  	v19 =	vand.u32 $0x7, v19;
	v20 =	vand.u32 $0xFFFFFFE0, v20  }
0x551: {  	v19 =	vor.u32 v19, v20  }
0x552: {  	v20 =	vperm.xlane v19, v4;
	_ =	sdelay $0x1  }
0x553: {  	v21 =	vperm.xlane v19, v6;
	v20 =	vadd.s32 v5, v20;
	_ =	sdelay $0x1  }
0x554: {  	v22 =	vperm.xlane v19, v3;
	v21 =	vadd.s32 v5, v21;
	_ =	sdelay $0x1  }
0x555: {  	s4 =	simm.s32 $0x10E00;
	v23 =	vperm.xlane v19, v7;
	v22 =	vadd.s32 v5, v22  }
0x556: {  	[tilespmem:s4], [sflag:$0x3] =	stream.indirect_vreg.gather [hbm4b:s29+s28], $0x80, v20, vm0, $0xb8;
	[tilespmem:$0x18A00] =	vst v63  }
0x557: {  	s2 =	simm.s32 $0x10E80;
	v20 =	vadd.s32 v5, v23;
	v23 =	vperm.xlane v19, v8  }
0x558: {  	[tilespmem:s2], [sflag:$0x3] =	stream.indirect_vreg.gather [hbm4b:s29+s28], $0x80, v21, vm0, $0xb8;
	[tilespmem:$0x18A00] =	vst v63  }
0x559: {  	s4 =	simm.s32 $0x10F00;
	v21 =	vadd.s32 v5, v23;
	v23 =	vperm.xlane v19, v9  }
0x55a: {  	[tilespmem:s4], [sflag:$0x3] =	stream.indirect_vreg.gather [hbm4b:s29+s28], $0x80, v22, vm0, $0xb8;
	[tilespmem:$0x18A00] =	vst v63  }
0x55b: {  	s2 =	simm.s32 $0x10F80;
	v22 =	vadd.s32 v5, v23;
	v23 =	vperm.xlane v19, v10  }
0x55c: {  	[tilespmem:s2], [sflag:$0x3] =	stream.indirect_vreg.gather [hbm4b:s29+s28], $0x80, v20, vm0, $0xb8;
	[tilespmem:$0x18A00] =	vst v63  }
0x55d: {  	s4 =	simm.s32 $0x11000;
	v20 =	vadd.s32 v5, v23;
	v23 =	vperm.xlane v19, v2  }
0x55e: {  	[tilespmem:s4], [sflag:$0x3] =	stream.indirect_vreg.gather [hbm4b:s29+s28], $0x80, v21, vm0, $0xb8;
	[tilespmem:$0x18A00] =	vst v63  }
0x55f: {  	s2 =	simm.s32 $0x11080;
	v21 =	vadd.s32 v5, v23;
	v23 =	vperm.xlane v19, v11  }
0x560: {  	[tilespmem:s2], [sflag:$0x3] =	stream.indirect_vreg.gather [hbm4b:s29+s28], $0x80, v22, vm0, $0xb8;
	[tilespmem:$0x18A00] =	vst v63  }
0x561: {  	s4 =	simm.s32 $0x11100;
	v22 =	vadd.s32 v5, v23;
	v23 =	vperm.xlane v19, v12  }
0x562: {  	[tilespmem:s4], [sflag:$0x3] =	stream.indirect_vreg.gather [hbm4b:s29+s28], $0x80, v20, vm0, $0xb8;
	[tilespmem:$0x18A00] =	vst v63  }
0x563: {  	s2 =	simm.s32 $0x11180;
	v20 =	vadd.s32 v5, v23;
	v23 =	vperm.xlane v19, v13  }
0x564: {  	[tilespmem:s2], [sflag:$0x3] =	stream.indirect_vreg.gather [hbm4b:s29+s28], $0x80, v21, vm0, $0xb8;
	[tilespmem:$0x18A00] =	vst v63  }
0x565: {  	s4 =	simm.s32 $0x11200;
	v21 =	vadd.s32 v5, v23;
	v23 =	vperm.xlane v19, v14  }
0x566: {  	[tilespmem:s4], [sflag:$0x3] =	stream.indirect_vreg.gather [hbm4b:s29+s28], $0x80, v22, vm0, $0xb8;
	[tilespmem:$0x18A00] =	vst v63  }
0x567: {  	s2 =	simm.s32 $0x11280;
	v22 =	vadd.s32 v5, v23;
	v23 =	vperm.xlane v19, v15  }
0x568: {  	[tilespmem:s2], [sflag:$0x3] =	stream.indirect_vreg.gather [hbm4b:s29+s28], $0x80, v20, vm0, $0xb8;
	[tilespmem:$0x18A00] =	vst v63  }
0x569: {  	s4 =	simm.s32 $0x11300;
	v20 =	vadd.s32 v5, v23;
	v23 =	vperm.xlane v19, v16  }
0x56a: {  	[tilespmem:s4], [sflag:$0x3] =	stream.indirect_vreg.gather [hbm4b:s29+s28], $0x80, v21, vm0, $0xb8;
	[tilespmem:$0x18A00] =	vst v63  }
0x56b: {  	s2 =	simm.s32 $0x11380;
	v21 =	vadd.s32 v5, v23;
	v23 =	vperm.xlane v19, v17  }
0x56c: {  	[tilespmem:s2], [sflag:$0x3] =	stream.indirect_vreg.gather [hbm4b:s29+s28], $0x80, v22, vm0, $0xb8;
	[tilespmem:$0x18A00] =	vst v63  }
0x56d: {  	v19 =	vperm.xlane v19, v18;
	s4 =	simm.s32 $0x11400;
	v22 =	vadd.s32 v5, v23  }
0x56e: {  	[tilespmem:s4], [sflag:$0x3] =	stream.indirect_vreg.gather [hbm4b:s29+s28], $0x80, v20, vm0, $0xb8;
	[tilespmem:$0x18A00] =	vst v63  }
0x56f: {  	v19 =	vadd.s32 v5, v19;
	s2 =	simm.s32 $0x11480  }
0x570: {  	[tilespmem:s2], [sflag:$0x3] =	stream.indirect_vreg.gather [hbm4b:s29+s28], $0x80, v21, vm0, $0xb8;
	[tilespmem:$0x18A00] =	vst v63  }
0x571: {  	s4 =	simm.s32 $0x11500  }
0x572: {  	[tilespmem:s4], [sflag:$0x3] =	stream.indirect_vreg.gather [hbm4b:s29+s28], $0x80, v22, vm0, $0xb8;
	[tilespmem:$0x18A00] =	vst v63  }
0x573: {  	s2 =	simm.s32 $0x11580  }
0x574: {  	[tilespmem:s2], [sflag:$0x3] =	stream.indirect_vreg.gather [hbm4b:s29+s28], $0x80, v19, vm0, $0xb8;
	[tilespmem:$0x18A00] =	vst v63  }
0x575: {  	v19 =	vld [tilespmem:$0x420];
	_ =	sdelay $0x4  }
0x576: {  	v20 =	vshll.u32 v19, $0x2  }
0x577: {  	v19 =	vand.u32 $0x7, v19;
	v20 =	vand.u32 $0xFFFFFFE0, v20  }
0x578: {  	v19 =	vor.u32 v19, v20  }
0x579: {  	v20 =	vperm.xlane v19, v4;
	_ =	sdelay $0x1  }
0x57a: {  	v21 =	vperm.xlane v19, v6;
	v20 =	vadd.s32 v5, v20;
	_ =	sdelay $0x1  }
0x57b: {  	v22 =	vperm.xlane v19, v3;
	v21 =	vadd.s32 v5, v21;
	_ =	sdelay $0x1  }
0x57c: {  	s4 =	simm.s32 $0x11600;
	v23 =	vperm.xlane v19, v7;
	v22 =	vadd.s32 v5, v22  }
0x57d: {  	[tilespmem:s4], [sflag:$0x3] =	stream.indirect_vreg.gather [hbm4b:s29+s28], $0x80, v20, vm0, $0xb8;
	[tilespmem:$0x18A00] =	vst v63  }
0x57e: {  	s2 =	simm.s32 $0x11680;
	v20 =	vadd.s32 v5, v23;
	v23 =	vperm.xlane v19, v8  }
0x57f: {  	[tilespmem:s2], [sflag:$0x3] =	stream.indirect_vreg.gather [hbm4b:s29+s28], $0x80, v21, vm0, $0xb8;
	[tilespmem:$0x18A00] =	vst v63  }
0x580: {  	s4 =	simm.s32 $0x11700;
	v21 =	vadd.s32 v5, v23;
	v23 =	vperm.xlane v19, v9  }
0x581: {  	[tilespmem:s4], [sflag:$0x3] =	stream.indirect_vreg.gather [hbm4b:s29+s28], $0x80, v22, vm0, $0xb8;
	[tilespmem:$0x18A00] =	vst v63  }
0x582: {  	s2 =	simm.s32 $0x11780;
	v22 =	vadd.s32 v5, v23;
	v23 =	vperm.xlane v19, v10  }
0x583: {  	[tilespmem:s2], [sflag:$0x3] =	stream.indirect_vreg.gather [hbm4b:s29+s28], $0x80, v20, vm0, $0xb8;
	[tilespmem:$0x18A00] =	vst v63  }
0x584: {  	s4 =	simm.s32 $0x11800;
	v20 =	vadd.s32 v5, v23;
	v23 =	vperm.xlane v19, v2  }
0x585: {  	[tilespmem:s4], [sflag:$0x3] =	stream.indirect_vreg.gather [hbm4b:s29+s28], $0x80, v21, vm0, $0xb8;
	[tilespmem:$0x18A00] =	vst v63  }
0x586: {  	s2 =	simm.s32 $0x11880;
	v21 =	vadd.s32 v5, v23;
	v23 =	vperm.xlane v19, v11  }
0x587: {  	[tilespmem:s2], [sflag:$0x3] =	stream.indirect_vreg.gather [hbm4b:s29+s28], $0x80, v22, vm0, $0xb8;
	[tilespmem:$0x18A00] =	vst v63  }
0x588: {  	s4 =	simm.s32 $0x11900;
	v22 =	vadd.s32 v5, v23;
	v23 =	vperm.xlane v19, v12  }
0x589: {  	[tilespmem:s4], [sflag:$0x3] =	stream.indirect_vreg.gather [hbm4b:s29+s28], $0x80, v20, vm0, $0xb8;
	[tilespmem:$0x18A00] =	vst v63  }
0x58a: {  	s2 =	simm.s32 $0x11980;
	v20 =	vadd.s32 v5, v23;
	v23 =	vperm.xlane v19, v13  }
0x58b: {  	[tilespmem:s2], [sflag:$0x3] =	stream.indirect_vreg.gather [hbm4b:s29+s28], $0x80, v21, vm0, $0xb8;
	[tilespmem:$0x18A00] =	vst v63  }
0x58c: {  	s4 =	simm.s32 $0x11A00;
	v21 =	vadd.s32 v5, v23;
	v23 =	vperm.xlane v19, v14  }
0x58d: {  	[tilespmem:s4], [sflag:$0x3] =	stream.indirect_vreg.gather [hbm4b:s29+s28], $0x80, v22, vm0, $0xb8;
	[tilespmem:$0x18A00] =	vst v63  }
0x58e: {  	s2 =	simm.s32 $0x11A80;
	v22 =	vadd.s32 v5, v23;
	v23 =	vperm.xlane v19, v15  }
0x58f: {  	[tilespmem:s2], [sflag:$0x3] =	stream.indirect_vreg.gather [hbm4b:s29+s28], $0x80, v20, vm0, $0xb8;
	[tilespmem:$0x18A00] =	vst v63  }
0x590: {  	s4 =	simm.s32 $0x11B00;
	v20 =	vadd.s32 v5, v23;
	v23 =	vperm.xlane v19, v16  }
0x591: {  	[tilespmem:s4], [sflag:$0x3] =	stream.indirect_vreg.gather [hbm4b:s29+s28], $0x80, v21, vm0, $0xb8;
	[tilespmem:$0x18A00] =	vst v63  }
0x592: {  	s2 =	simm.s32 $0x11B80;
	v21 =	vadd.s32 v5, v23;
	v23 =	vperm.xlane v19, v17  }
0x593: {  	[tilespmem:s2], [sflag:$0x3] =	stream.indirect_vreg.gather [hbm4b:s29+s28], $0x80, v22, vm0, $0xb8;
	[tilespmem:$0x18A00] =	vst v63  }
0x594: {  	v19 =	vperm.xlane v19, v18;
	s4 =	simm.s32 $0x11C00;
	v22 =	vadd.s32 v5, v23  }
0x595: {  	[tilespmem:s4], [sflag:$0x3] =	stream.indirect_vreg.gather [hbm4b:s29+s28], $0x80, v20, vm0, $0xb8;
	[tilespmem:$0x18A00] =	vst v63  }
0x596: {  	v19 =	vadd.s32 v5, v19;
	s2 =	simm.s32 $0x11C80  }
0x597: {  	[tilespmem:s2], [sflag:$0x3] =	stream.indirect_vreg.gather [hbm4b:s29+s28], $0x80, v21, vm0, $0xb8;
	[tilespmem:$0x18A00] =	vst v63  }
0x598: {  	s4 =	simm.s32 $0x11D00  }
0x599: {  	[tilespmem:s4], [sflag:$0x3] =	stream.indirect_vreg.gather [hbm4b:s29+s28], $0x80, v22, vm0, $0xb8;
	[tilespmem:$0x18A00] =	vst v63  }
0x59a: {  	s2 =	simm.s32 $0x11D80  }
0x59b: {  	[tilespmem:s2], [sflag:$0x3] =	stream.indirect_vreg.gather [hbm4b:s29+s28], $0x80, v19, vm0, $0xb8;
	[tilespmem:$0x18A00] =	vst v63  }
0x59c: {  	v19 =	vld [tilespmem:$0x430];
	_ =	sdelay $0x4  }
0x59d: {  	v20 =	vshll.u32 v19, $0x2  }
0x59e: {  	v19 =	vand.u32 $0x7, v19;
	v20 =	vand.u32 $0xFFFFFFE0, v20  }
0x59f: {  	v19 =	vor.u32 v19, v20  }
0x5a0: {  	v20 =	vperm.xlane v19, v4;
	_ =	sdelay $0x1  }
0x5a1: {  	v21 =	vperm.xlane v19, v6;
	v20 =	vadd.s32 v5, v20;
	_ =	sdelay $0x1  }
0x5a2: {  	v22 =	vperm.xlane v19, v3;
	v21 =	vadd.s32 v5, v21;
	_ =	sdelay $0x1  }
0x5a3: {  	s4 =	simm.s32 $0x11E00;
	v23 =	vperm.xlane v19, v7;
	v22 =	vadd.s32 v5, v22  }
0x5a4: {  	[tilespmem:s4], [sflag:$0x3] =	stream.indirect_vreg.gather [hbm4b:s29+s28], $0x80, v20, vm0, $0xb8;
	[tilespmem:$0x18A00] =	vst v63  }
0x5a5: {  	s2 =	simm.s32 $0x11E80;
	v20 =	vadd.s32 v5, v23;
	v23 =	vperm.xlane v19, v8  }
0x5a6: {  	[tilespmem:s2], [sflag:$0x3] =	stream.indirect_vreg.gather [hbm4b:s29+s28], $0x80, v21, vm0, $0xb8;
	[tilespmem:$0x18A00] =	vst v63  }
0x5a7: {  	s4 =	simm.s32 $0x11F00;
	v21 =	vadd.s32 v5, v23;
	v23 =	vperm.xlane v19, v9  }
0x5a8: {  	[tilespmem:s4], [sflag:$0x3] =	stream.indirect_vreg.gather [hbm4b:s29+s28], $0x80, v22, vm0, $0xb8;
	[tilespmem:$0x18A00] =	vst v63  }
0x5a9: {  	s2 =	simm.s32 $0x11F80;
	v22 =	vadd.s32 v5, v23;
	v23 =	vperm.xlane v19, v10  }
0x5aa: {  	[tilespmem:s2], [sflag:$0x3] =	stream.indirect_vreg.gather [hbm4b:s29+s28], $0x80, v20, vm0, $0xb8;
	[tilespmem:$0x18A00] =	vst v63  }
0x5ab: {  	s4 =	simm.s32 $0x12000;
	v20 =	vadd.s32 v5, v23;
	v23 =	vperm.xlane v19, v2  }
0x5ac: {  	[tilespmem:s4], [sflag:$0x3] =	stream.indirect_vreg.gather [hbm4b:s29+s28], $0x80, v21, vm0, $0xb8;
	[tilespmem:$0x18A00] =	vst v63  }
0x5ad: {  	s2 =	simm.s32 $0x12080;
	v21 =	vadd.s32 v5, v23;
	v23 =	vperm.xlane v19, v11  }
0x5ae: {  	[tilespmem:s2], [sflag:$0x3] =	stream.indirect_vreg.gather [hbm4b:s29+s28], $0x80, v22, vm0, $0xb8;
	[tilespmem:$0x18A00] =	vst v63  }
0x5af: {  	s4 =	simm.s32 $0x12100;
	v22 =	vadd.s32 v5, v23;
	v23 =	vperm.xlane v19, v12  }
0x5b0: {  	[tilespmem:s4], [sflag:$0x3] =	stream.indirect_vreg.gather [hbm4b:s29+s28], $0x80, v20, vm0, $0xb8;
	[tilespmem:$0x18A00] =	vst v63  }
0x5b1: {  	s2 =	simm.s32 $0x12180;
	v20 =	vadd.s32 v5, v23;
	v23 =	vperm.xlane v19, v13  }
0x5b2: {  	[tilespmem:s2], [sflag:$0x3] =	stream.indirect_vreg.gather [hbm4b:s29+s28], $0x80, v21, vm0, $0xb8;
	[tilespmem:$0x18A00] =	vst v63  }
0x5b3: {  	s4 =	simm.s32 $0x12200;
	v21 =	vadd.s32 v5, v23;
	v23 =	vperm.xlane v19, v14  }
0x5b4: {  	[tilespmem:s4], [sflag:$0x3] =	stream.indirect_vreg.gather [hbm4b:s29+s28], $0x80, v22, vm0, $0xb8;
	[tilespmem:$0x18A00] =	vst v63  }
0x5b5: {  	s2 =	simm.s32 $0x12280;
	v22 =	vadd.s32 v5, v23;
	v23 =	vperm.xlane v19, v15  }
0x5b6: {  	[tilespmem:s2], [sflag:$0x3] =	stream.indirect_vreg.gather [hbm4b:s29+s28], $0x80, v20, vm0, $0xb8;
	[tilespmem:$0x18A00] =	vst v63  }
0x5b7: {  	s4 =	simm.s32 $0x12300;
	v20 =	vadd.s32 v5, v23;
	v23 =	vperm.xlane v19, v16  }
0x5b8: {  	[tilespmem:s4], [sflag:$0x3] =	stream.indirect_vreg.gather [hbm4b:s29+s28], $0x80, v21, vm0, $0xb8;
	[tilespmem:$0x18A00] =	vst v63  }
0x5b9: {  	s2 =	simm.s32 $0x12380;
	v21 =	vadd.s32 v5, v23;
	v23 =	vperm.xlane v19, v17  }
0x5ba: {  	[tilespmem:s2], [sflag:$0x3] =	stream.indirect_vreg.gather [hbm4b:s29+s28], $0x80, v22, vm0, $0xb8;
	[tilespmem:$0x18A00] =	vst v63  }
0x5bb: {  	v19 =	vperm.xlane v19, v18;
	s4 =	simm.s32 $0x12400;
	v22 =	vadd.s32 v5, v23  }
0x5bc: {  	[tilespmem:s4], [sflag:$0x3] =	stream.indirect_vreg.gather [hbm4b:s29+s28], $0x80, v20, vm0, $0xb8;
	[tilespmem:$0x18A00] =	vst v63  }
0x5bd: {  	v19 =	vadd.s32 v5, v19;
	s2 =	simm.s32 $0x12480  }
0x5be: {  	[tilespmem:s2], [sflag:$0x3] =	stream.indirect_vreg.gather [hbm4b:s29+s28], $0x80, v21, vm0, $0xb8;
	[tilespmem:$0x18A00] =	vst v63  }
0x5bf: {  	s4 =	simm.s32 $0x12500  }
0x5c0: {  	[tilespmem:s4], [sflag:$0x3] =	stream.indirect_vreg.gather [hbm4b:s29+s28], $0x80, v22, vm0, $0xb8;
	[tilespmem:$0x18A00] =	vst v63  }
0x5c1: {  	s2 =	simm.s32 $0x12580  }
0x5c2: {  	[tilespmem:s2], [sflag:$0x3] =	stream.indirect_vreg.gather [hbm4b:s29+s28], $0x80, v19, vm0, $0xb8;
	[tilespmem:$0x18A00] =	vst v63  }
0x5c3: {  	v19 =	vld [tilespmem:$0x440];
	_ =	sdelay $0x4  }
0x5c4: {  	v20 =	vshll.u32 v19, $0x2  }
0x5c5: {  	v19 =	vand.u32 $0x7, v19;
	v20 =	vand.u32 $0xFFFFFFE0, v20  }
0x5c6: {  	v19 =	vor.u32 v19, v20  }
0x5c7: {  	v20 =	vperm.xlane v19, v4;
	_ =	sdelay $0x1  }
0x5c8: {  	v21 =	vperm.xlane v19, v6;
	v20 =	vadd.s32 v5, v20;
	_ =	sdelay $0x1  }
0x5c9: {  	v22 =	vperm.xlane v19, v3;
	v21 =	vadd.s32 v5, v21;
	_ =	sdelay $0x1  }
0x5ca: {  	s4 =	simm.s32 $0x12600;
	v23 =	vperm.xlane v19, v7;
	v22 =	vadd.s32 v5, v22  }
0x5cb: {  	[tilespmem:s4], [sflag:$0x3] =	stream.indirect_vreg.gather [hbm4b:s29+s28], $0x80, v20, vm0, $0xb8;
	[tilespmem:$0x18A00] =	vst v63  }
0x5cc: {  	s2 =	simm.s32 $0x12680;
	v20 =	vadd.s32 v5, v23;
	v23 =	vperm.xlane v19, v8  }
0x5cd: {  	[tilespmem:s2], [sflag:$0x3] =	stream.indirect_vreg.gather [hbm4b:s29+s28], $0x80, v21, vm0, $0xb8;
	[tilespmem:$0x18A00] =	vst v63  }
0x5ce: {  	s4 =	simm.s32 $0x12700;
	v21 =	vadd.s32 v5, v23;
	v23 =	vperm.xlane v19, v9  }
0x5cf: {  	[tilespmem:s4], [sflag:$0x3] =	stream.indirect_vreg.gather [hbm4b:s29+s28], $0x80, v22, vm0, $0xb8;
	[tilespmem:$0x18A00] =	vst v63  }
0x5d0: {  	s2 =	simm.s32 $0x12780;
	v22 =	vadd.s32 v5, v23;
	v23 =	vperm.xlane v19, v10  }
0x5d1: {  	[tilespmem:s2], [sflag:$0x3] =	stream.indirect_vreg.gather [hbm4b:s29+s28], $0x80, v20, vm0, $0xb8;
	[tilespmem:$0x18A00] =	vst v63  }
0x5d2: {  	s4 =	simm.s32 $0x12800;
	v20 =	vadd.s32 v5, v23;
	v23 =	vperm.xlane v19, v2  }
0x5d3: {  	[tilespmem:s4], [sflag:$0x3] =	stream.indirect_vreg.gather [hbm4b:s29+s28], $0x80, v21, vm0, $0xb8;
	[tilespmem:$0x18A00] =	vst v63  }
0x5d4: {  	s2 =	simm.s32 $0x12880;
	v21 =	vadd.s32 v5, v23;
	v23 =	vperm.xlane v19, v11  }
0x5d5: {  	[tilespmem:s2], [sflag:$0x3] =	stream.indirect_vreg.gather [hbm4b:s29+s28], $0x80, v22, vm0, $0xb8;
	[tilespmem:$0x18A00] =	vst v63  }
0x5d6: {  	s4 =	simm.s32 $0x12900;
	v22 =	vadd.s32 v5, v23;
	v23 =	vperm.xlane v19, v12  }
0x5d7: {  	[tilespmem:s4], [sflag:$0x3] =	stream.indirect_vreg.gather [hbm4b:s29+s28], $0x80, v20, vm0, $0xb8;
	[tilespmem:$0x18A00] =	vst v63  }
0x5d8: {  	s2 =	simm.s32 $0x12980;
	v20 =	vadd.s32 v5, v23;
	v23 =	vperm.xlane v19, v13  }
0x5d9: {  	[tilespmem:s2], [sflag:$0x3] =	stream.indirect_vreg.gather [hbm4b:s29+s28], $0x80, v21, vm0, $0xb8;
	[tilespmem:$0x18A00] =	vst v63  }
0x5da: {  	s4 =	simm.s32 $0x12A00;
	v21 =	vadd.s32 v5, v23;
	v23 =	vperm.xlane v19, v14  }
0x5db: {  	[tilespmem:s4], [sflag:$0x3] =	stream.indirect_vreg.gather [hbm4b:s29+s28], $0x80, v22, vm0, $0xb8;
	[tilespmem:$0x18A00] =	vst v63  }
0x5dc: {  	s2 =	simm.s32 $0x12A80;
	v22 =	vadd.s32 v5, v23;
	v23 =	vperm.xlane v19, v15  }
0x5dd: {  	[tilespmem:s2], [sflag:$0x3] =	stream.indirect_vreg.gather [hbm4b:s29+s28], $0x80, v20, vm0, $0xb8;
	[tilespmem:$0x18A00] =	vst v63  }
0x5de: {  	s4 =	simm.s32 $0x12B00;
	v20 =	vadd.s32 v5, v23;
	v23 =	vperm.xlane v19, v16  }
0x5df: {  	[tilespmem:s4], [sflag:$0x3] =	stream.indirect_vreg.gather [hbm4b:s29+s28], $0x80, v21, vm0, $0xb8;
	[tilespmem:$0x18A00] =	vst v63  }
0x5e0: {  	s2 =	simm.s32 $0x12B80;
	v21 =	vadd.s32 v5, v23;
	v23 =	vperm.xlane v19, v17  }
0x5e1: {  	[tilespmem:s2], [sflag:$0x3] =	stream.indirect_vreg.gather [hbm4b:s29+s28], $0x80, v22, vm0, $0xb8;
	[tilespmem:$0x18A00] =	vst v63  }
0x5e2: {  	v19 =	vperm.xlane v19, v18;
	s4 =	simm.s32 $0x12C00;
	v22 =	vadd.s32 v5, v23  }
0x5e3: {  	[tilespmem:s4], [sflag:$0x3] =	stream.indirect_vreg.gather [hbm4b:s29+s28], $0x80, v20, vm0, $0xb8;
	[tilespmem:$0x18A00] =	vst v63  }
0x5e4: {  	v19 =	vadd.s32 v5, v19;
	s2 =	simm.s32 $0x12C80  }
0x5e5: {  	[tilespmem:s2], [sflag:$0x3] =	stream.indirect_vreg.gather [hbm4b:s29+s28], $0x80, v21, vm0, $0xb8;
	[tilespmem:$0x18A00] =	vst v63  }
0x5e6: {  	s4 =	simm.s32 $0x12D00  }
0x5e7: {  	[tilespmem:s4], [sflag:$0x3] =	stream.indirect_vreg.gather [hbm4b:s29+s28], $0x80, v22, vm0, $0xb8;
	[tilespmem:$0x18A00] =	vst v63  }
0x5e8: {  	s2 =	simm.s32 $0x12D80  }
0x5e9: {  	[tilespmem:s2], [sflag:$0x3] =	stream.indirect_vreg.gather [hbm4b:s29+s28], $0x80, v19, vm0, $0xb8;
	[tilespmem:$0x18A00] =	vst v63  }
0x5ea: {  	v19 =	vld [tilespmem:$0x450];
	_ =	sdelay $0x4  }
0x5eb: {  	v20 =	vshll.u32 v19, $0x2  }
0x5ec: {  	v19 =	vand.u32 $0x7, v19;
	v20 =	vand.u32 $0xFFFFFFE0, v20  }
0x5ed: {  	v19 =	vor.u32 v19, v20  }
0x5ee: {  	v20 =	vperm.xlane v19, v4;
	_ =	sdelay $0x1  }
0x5ef: {  	v21 =	vperm.xlane v19, v6;
	v20 =	vadd.s32 v5, v20;
	_ =	sdelay $0x1  }
0x5f0: {  	v22 =	vperm.xlane v19, v3;
	v21 =	vadd.s32 v5, v21;
	_ =	sdelay $0x1  }
0x5f1: {  	s4 =	simm.s32 $0x12E00;
	v23 =	vperm.xlane v19, v7;
	v22 =	vadd.s32 v5, v22  }
0x5f2: {  	[tilespmem:s4], [sflag:$0x3] =	stream.indirect_vreg.gather [hbm4b:s29+s28], $0x80, v20, vm0, $0xb8;
	[tilespmem:$0x18A00] =	vst v63  }
0x5f3: {  	s2 =	simm.s32 $0x12E80;
	v20 =	vadd.s32 v5, v23;
	v23 =	vperm.xlane v19, v8  }
0x5f4: {  	[tilespmem:s2], [sflag:$0x3] =	stream.indirect_vreg.gather [hbm4b:s29+s28], $0x80, v21, vm0, $0xb8;
	[tilespmem:$0x18A00] =	vst v63  }
0x5f5: {  	s4 =	simm.s32 $0x12F00;
	v21 =	vadd.s32 v5, v23;
	v23 =	vperm.xlane v19, v9  }
0x5f6: {  	[tilespmem:s4], [sflag:$0x3] =	stream.indirect_vreg.gather [hbm4b:s29+s28], $0x80, v22, vm0, $0xb8;
	[tilespmem:$0x18A00] =	vst v63  }
0x5f7: {  	s2 =	simm.s32 $0x12F80;
	v22 =	vadd.s32 v5, v23;
	v23 =	vperm.xlane v19, v10  }
0x5f8: {  	[tilespmem:s2], [sflag:$0x3] =	stream.indirect_vreg.gather [hbm4b:s29+s28], $0x80, v20, vm0, $0xb8;
	[tilespmem:$0x18A00] =	vst v63  }
0x5f9: {  	s4 =	simm.s32 $0x13000;
	v20 =	vadd.s32 v5, v23;
	v23 =	vperm.xlane v19, v2  }
0x5fa: {  	[tilespmem:s4], [sflag:$0x3] =	stream.indirect_vreg.gather [hbm4b:s29+s28], $0x80, v21, vm0, $0xb8;
	[tilespmem:$0x18A00] =	vst v63  }
0x5fb: {  	s2 =	simm.s32 $0x13080;
	v21 =	vadd.s32 v5, v23;
	v23 =	vperm.xlane v19, v11  }
0x5fc: {  	[tilespmem:s2], [sflag:$0x3] =	stream.indirect_vreg.gather [hbm4b:s29+s28], $0x80, v22, vm0, $0xb8;
	[tilespmem:$0x18A00] =	vst v63  }
0x5fd: {  	s4 =	simm.s32 $0x13100;
	v22 =	vadd.s32 v5, v23;
	v23 =	vperm.xlane v19, v12  }
0x5fe: {  	[tilespmem:s4], [sflag:$0x3] =	stream.indirect_vreg.gather [hbm4b:s29+s28], $0x80, v20, vm0, $0xb8;
	[tilespmem:$0x18A00] =	vst v63  }
0x5ff: {  	s2 =	simm.s32 $0x13180;
	v20 =	vadd.s32 v5, v23;
	v23 =	vperm.xlane v19, v13  }
0x600: {  	[tilespmem:s2], [sflag:$0x3] =	stream.indirect_vreg.gather [hbm4b:s29+s28], $0x80, v21, vm0, $0xb8;
	[tilespmem:$0x18A00] =	vst v63  }
0x601: {  	s4 =	simm.s32 $0x13200;
	v21 =	vadd.s32 v5, v23;
	v23 =	vperm.xlane v19, v14  }
0x602: {  	[tilespmem:s4], [sflag:$0x3] =	stream.indirect_vreg.gather [hbm4b:s29+s28], $0x80, v22, vm0, $0xb8;
	[tilespmem:$0x18A00] =	vst v63  }
0x603: {  	s2 =	simm.s32 $0x13280;
	v22 =	vadd.s32 v5, v23;
	v23 =	vperm.xlane v19, v15  }
0x604: {  	[tilespmem:s2], [sflag:$0x3] =	stream.indirect_vreg.gather [hbm4b:s29+s28], $0x80, v20, vm0, $0xb8;
	[tilespmem:$0x18A00] =	vst v63  }
0x605: {  	s4 =	simm.s32 $0x13300;
	v20 =	vadd.s32 v5, v23;
	v23 =	vperm.xlane v19, v16  }
0x606: {  	[tilespmem:s4], [sflag:$0x3] =	stream.indirect_vreg.gather [hbm4b:s29+s28], $0x80, v21, vm0, $0xb8;
	[tilespmem:$0x18A00] =	vst v63  }
0x607: {  	s2 =	simm.s32 $0x13380;
	v21 =	vadd.s32 v5, v23;
	v23 =	vperm.xlane v19, v17  }
0x608: {  	[tilespmem:s2], [sflag:$0x3] =	stream.indirect_vreg.gather [hbm4b:s29+s28], $0x80, v22, vm0, $0xb8;
	[tilespmem:$0x18A00] =	vst v63  }
0x609: {  	v19 =	vperm.xlane v19, v18;
	s4 =	simm.s32 $0x13400;
	v22 =	vadd.s32 v5, v23  }
0x60a: {  	[tilespmem:s4], [sflag:$0x3] =	stream.indirect_vreg.gather [hbm4b:s29+s28], $0x80, v20, vm0, $0xb8;
	[tilespmem:$0x18A00] =	vst v63  }
0x60b: {  	v19 =	vadd.s32 v5, v19;
	s2 =	simm.s32 $0x13480  }
0x60c: {  	[tilespmem:s2], [sflag:$0x3] =	stream.indirect_vreg.gather [hbm4b:s29+s28], $0x80, v21, vm0, $0xb8;
	[tilespmem:$0x18A00] =	vst v63  }
0x60d: {  	s4 =	simm.s32 $0x13500  }
0x60e: {  	[tilespmem:s4], [sflag:$0x3] =	stream.indirect_vreg.gather [hbm4b:s29+s28], $0x80, v22, vm0, $0xb8;
	[tilespmem:$0x18A00] =	vst v63  }
0x60f: {  	s2 =	simm.s32 $0x13580  }
0x610: {  	[tilespmem:s2], [sflag:$0x3] =	stream.indirect_vreg.gather [hbm4b:s29+s28], $0x80, v19, vm0, $0xb8;
	[tilespmem:$0x18A00] =	vst v63  }
0x611: {  	v19 =	vld [tilespmem:$0x460];
	_ =	sdelay $0x4  }
0x612: {  	v20 =	vshll.u32 v19, $0x2  }
0x613: {  	v19 =	vand.u32 $0x7, v19;
	v20 =	vand.u32 $0xFFFFFFE0, v20  }
0x614: {  	v19 =	vor.u32 v19, v20  }
0x615: {  	v20 =	vperm.xlane v19, v4;
	_ =	sdelay $0x1  }
0x616: {  	v21 =	vperm.xlane v19, v6;
	v20 =	vadd.s32 v5, v20;
	_ =	sdelay $0x1  }
0x617: {  	v22 =	vperm.xlane v19, v3;
	v21 =	vadd.s32 v5, v21;
	_ =	sdelay $0x1  }
0x618: {  	s4 =	simm.s32 $0x13600;
	v23 =	vperm.xlane v19, v7;
	v22 =	vadd.s32 v5, v22  }
0x619: {  	[tilespmem:s4], [sflag:$0x3] =	stream.indirect_vreg.gather [hbm4b:s29+s28], $0x80, v20, vm0, $0xb8;
	[tilespmem:$0x18A00] =	vst v63  }
0x61a: {  	s2 =	simm.s32 $0x13680;
	v20 =	vadd.s32 v5, v23;
	v23 =	vperm.xlane v19, v8  }
0x61b: {  	[tilespmem:s2], [sflag:$0x3] =	stream.indirect_vreg.gather [hbm4b:s29+s28], $0x80, v21, vm0, $0xb8;
	[tilespmem:$0x18A00] =	vst v63  }
0x61c: {  	s4 =	simm.s32 $0x13700;
	v21 =	vadd.s32 v5, v23;
	v23 =	vperm.xlane v19, v9  }
0x61d: {  	[tilespmem:s4], [sflag:$0x3] =	stream.indirect_vreg.gather [hbm4b:s29+s28], $0x80, v22, vm0, $0xb8;
	[tilespmem:$0x18A00] =	vst v63  }
0x61e: {  	s2 =	simm.s32 $0x13780;
	v22 =	vadd.s32 v5, v23;
	v23 =	vperm.xlane v19, v10  }
0x61f: {  	[tilespmem:s2], [sflag:$0x3] =	stream.indirect_vreg.gather [hbm4b:s29+s28], $0x80, v20, vm0, $0xb8;
	[tilespmem:$0x18A00] =	vst v63  }
0x620: {  	s4 =	simm.s32 $0x13800;
	v20 =	vadd.s32 v5, v23;
	v23 =	vperm.xlane v19, v2  }
0x621: {  	[tilespmem:s4], [sflag:$0x3] =	stream.indirect_vreg.gather [hbm4b:s29+s28], $0x80, v21, vm0, $0xb8;
	[tilespmem:$0x18A00] =	vst v63  }
0x622: {  	s2 =	simm.s32 $0x13880;
	v21 =	vadd.s32 v5, v23;
	v23 =	vperm.xlane v19, v11  }
0x623: {  	[tilespmem:s2], [sflag:$0x3] =	stream.indirect_vreg.gather [hbm4b:s29+s28], $0x80, v22, vm0, $0xb8;
	[tilespmem:$0x18A00] =	vst v63  }
0x624: {  	s4 =	simm.s32 $0x13900;
	v22 =	vadd.s32 v5, v23;
	v23 =	vperm.xlane v19, v12  }
0x625: {  	[tilespmem:s4], [sflag:$0x3] =	stream.indirect_vreg.gather [hbm4b:s29+s28], $0x80, v20, vm0, $0xb8;
	[tilespmem:$0x18A00] =	vst v63  }
0x626: {  	s2 =	simm.s32 $0x13980;
	v20 =	vadd.s32 v5, v23;
	v23 =	vperm.xlane v19, v13  }
0x627: {  	[tilespmem:s2], [sflag:$0x3] =	stream.indirect_vreg.gather [hbm4b:s29+s28], $0x80, v21, vm0, $0xb8;
	[tilespmem:$0x18A00] =	vst v63  }
0x628: {  	s4 =	simm.s32 $0x13A00;
	v21 =	vadd.s32 v5, v23;
	v23 =	vperm.xlane v19, v14  }
0x629: {  	[tilespmem:s4], [sflag:$0x3] =	stream.indirect_vreg.gather [hbm4b:s29+s28], $0x80, v22, vm0, $0xb8;
	[tilespmem:$0x18A00] =	vst v63  }
0x62a: {  	s2 =	simm.s32 $0x13A80;
	v22 =	vadd.s32 v5, v23;
	v23 =	vperm.xlane v19, v15  }
0x62b: {  	[tilespmem:s2], [sflag:$0x3] =	stream.indirect_vreg.gather [hbm4b:s29+s28], $0x80, v20, vm0, $0xb8;
	[tilespmem:$0x18A00] =	vst v63  }
0x62c: {  	s4 =	simm.s32 $0x13B00;
	v20 =	vadd.s32 v5, v23;
	v23 =	vperm.xlane v19, v16  }
0x62d: {  	[tilespmem:s4], [sflag:$0x3] =	stream.indirect_vreg.gather [hbm4b:s29+s28], $0x80, v21, vm0, $0xb8;
	[tilespmem:$0x18A00] =	vst v63  }
0x62e: {  	s2 =	simm.s32 $0x13B80;
	v21 =	vadd.s32 v5, v23;
	v23 =	vperm.xlane v19, v17  }
0x62f: {  	[tilespmem:s2], [sflag:$0x3] =	stream.indirect_vreg.gather [hbm4b:s29+s28], $0x80, v22, vm0, $0xb8;
	[tilespmem:$0x18A00] =	vst v63  }
0x630: {  	v19 =	vperm.xlane v19, v18;
	s4 =	simm.s32 $0x13C00;
	v22 =	vadd.s32 v5, v23  }
0x631: {  	[tilespmem:s4], [sflag:$0x3] =	stream.indirect_vreg.gather [hbm4b:s29+s28], $0x80, v20, vm0, $0xb8;
	[tilespmem:$0x18A00] =	vst v63  }
0x632: {  	v19 =	vadd.s32 v5, v19;
	s2 =	simm.s32 $0x13C80  }
0x633: {  	[tilespmem:s2], [sflag:$0x3] =	stream.indirect_vreg.gather [hbm4b:s29+s28], $0x80, v21, vm0, $0xb8;
	[tilespmem:$0x18A00] =	vst v63  }
0x634: {  	s4 =	simm.s32 $0x13D00  }
0x635: {  	[tilespmem:s4], [sflag:$0x3] =	stream.indirect_vreg.gather [hbm4b:s29+s28], $0x80, v22, vm0, $0xb8;
	[tilespmem:$0x18A00] =	vst v63  }
0x636: {  	s2 =	simm.s32 $0x13D80  }
0x637: {  	[tilespmem:s2], [sflag:$0x3] =	stream.indirect_vreg.gather [hbm4b:s29+s28], $0x80, v19, vm0, $0xb8;
	[tilespmem:$0x18A00] =	vst v63  }
0x638: {  	v19 =	vld [tilespmem:$0x470];
	_ =	sdelay $0x4  }
0x639: {  	v20 =	vshll.u32 v19, $0x2  }
0x63a: {  	v19 =	vand.u32 $0x7, v19;
	v20 =	vand.u32 $0xFFFFFFE0, v20  }
0x63b: {  	v19 =	vor.u32 v19, v20  }
0x63c: {  	v20 =	vperm.xlane v19, v4;
	_ =	sdelay $0x1  }
0x63d: {  	v21 =	vperm.xlane v19, v6;
	v20 =	vadd.s32 v5, v20;
	_ =	sdelay $0x1  }
0x63e: {  	v22 =	vperm.xlane v19, v3;
	v21 =	vadd.s32 v5, v21;
	_ =	sdelay $0x1  }
0x63f: {  	s4 =	simm.s32 $0x13E00;
	v23 =	vperm.xlane v19, v7;
	v22 =	vadd.s32 v5, v22  }
0x640: {  	[tilespmem:s4], [sflag:$0x3] =	stream.indirect_vreg.gather [hbm4b:s29+s28], $0x80, v20, vm0, $0xb8;
	[tilespmem:$0x18A00] =	vst v63  }
0x641: {  	s2 =	simm.s32 $0x13E80;
	v20 =	vadd.s32 v5, v23;
	v23 =	vperm.xlane v19, v8  }
0x642: {  	[tilespmem:s2], [sflag:$0x3] =	stream.indirect_vreg.gather [hbm4b:s29+s28], $0x80, v21, vm0, $0xb8;
	[tilespmem:$0x18A00] =	vst v63  }
0x643: {  	s4 =	simm.s32 $0x13F00;
	v21 =	vadd.s32 v5, v23;
	v23 =	vperm.xlane v19, v9  }
0x644: {  	[tilespmem:s4], [sflag:$0x3] =	stream.indirect_vreg.gather [hbm4b:s29+s28], $0x80, v22, vm0, $0xb8;
	[tilespmem:$0x18A00] =	vst v63  }
0x645: {  	s2 =	simm.s32 $0x13F80;
	v22 =	vadd.s32 v5, v23;
	v23 =	vperm.xlane v19, v10  }
0x646: {  	[tilespmem:s2], [sflag:$0x3] =	stream.indirect_vreg.gather [hbm4b:s29+s28], $0x80, v20, vm0, $0xb8;
	[tilespmem:$0x18A00] =	vst v63  }
0x647: {  	s4 =	simm.s32 $0x14000;
	v20 =	vadd.s32 v5, v23;
	v23 =	vperm.xlane v19, v2  }
0x648: {  	[tilespmem:s4], [sflag:$0x3] =	stream.indirect_vreg.gather [hbm4b:s29+s28], $0x80, v21, vm0, $0xb8;
	[tilespmem:$0x18A00] =	vst v63  }
0x649: {  	s2 =	simm.s32 $0x14080;
	v21 =	vadd.s32 v5, v23;
	v23 =	vperm.xlane v19, v11  }
0x64a: {  	[tilespmem:s2], [sflag:$0x3] =	stream.indirect_vreg.gather [hbm4b:s29+s28], $0x80, v22, vm0, $0xb8;
	[tilespmem:$0x18A00] =	vst v63  }
0x64b: {  	s4 =	simm.s32 $0x14100;
	v22 =	vadd.s32 v5, v23;
	v23 =	vperm.xlane v19, v12  }
0x64c: {  	[tilespmem:s4], [sflag:$0x3] =	stream.indirect_vreg.gather [hbm4b:s29+s28], $0x80, v20, vm0, $0xb8;
	[tilespmem:$0x18A00] =	vst v63  }
0x64d: {  	s2 =	simm.s32 $0x14180;
	v20 =	vadd.s32 v5, v23;
	v23 =	vperm.xlane v19, v13  }
0x64e: {  	[tilespmem:s2], [sflag:$0x3] =	stream.indirect_vreg.gather [hbm4b:s29+s28], $0x80, v21, vm0, $0xb8;
	[tilespmem:$0x18A00] =	vst v63  }
0x64f: {  	s4 =	simm.s32 $0x14200;
	v21 =	vadd.s32 v5, v23;
	v23 =	vperm.xlane v19, v14  }
0x650: {  	[tilespmem:s4], [sflag:$0x3] =	stream.indirect_vreg.gather [hbm4b:s29+s28], $0x80, v22, vm0, $0xb8;
	[tilespmem:$0x18A00] =	vst v63  }
0x651: {  	s2 =	simm.s32 $0x14280;
	v22 =	vadd.s32 v5, v23;
	v23 =	vperm.xlane v19, v15  }
0x652: {  	[tilespmem:s2], [sflag:$0x3] =	stream.indirect_vreg.gather [hbm4b:s29+s28], $0x80, v20, vm0, $0xb8;
	[tilespmem:$0x18A00] =	vst v63  }
0x653: {  	s4 =	simm.s32 $0x14300;
	v20 =	vadd.s32 v5, v23;
	v23 =	vperm.xlane v19, v16  }
0x654: {  	[tilespmem:s4], [sflag:$0x3] =	stream.indirect_vreg.gather [hbm4b:s29+s28], $0x80, v21, vm0, $0xb8;
	[tilespmem:$0x18A00] =	vst v63  }
0x655: {  	s2 =	simm.s32 $0x14380;
	v21 =	vadd.s32 v5, v23;
	v23 =	vperm.xlane v19, v17  }
0x656: {  	[tilespmem:s2], [sflag:$0x3] =	stream.indirect_vreg.gather [hbm4b:s29+s28], $0x80, v22, vm0, $0xb8;
	[tilespmem:$0x18A00] =	vst v63  }
0x657: {  	v19 =	vperm.xlane v19, v18;
	s4 =	simm.s32 $0x14400;
	v22 =	vadd.s32 v5, v23  }
0x658: {  	[tilespmem:s4], [sflag:$0x3] =	stream.indirect_vreg.gather [hbm4b:s29+s28], $0x80, v20, vm0, $0xb8;
	[tilespmem:$0x18A00] =	vst v63  }
0x659: {  	v19 =	vadd.s32 v5, v19;
	s2 =	simm.s32 $0x14480  }
0x65a: {  	[tilespmem:s2], [sflag:$0x3] =	stream.indirect_vreg.gather [hbm4b:s29+s28], $0x80, v21, vm0, $0xb8;
	[tilespmem:$0x18A00] =	vst v63  }
0x65b: {  	s4 =	simm.s32 $0x14500  }
0x65c: {  	[tilespmem:s4], [sflag:$0x3] =	stream.indirect_vreg.gather [hbm4b:s29+s28], $0x80, v22, vm0, $0xb8;
	[tilespmem:$0x18A00] =	vst v63  }
0x65d: {  	s2 =	simm.s32 $0x14580  }
0x65e: {  	[tilespmem:s2], [sflag:$0x3] =	stream.indirect_vreg.gather [hbm4b:s29+s28], $0x80, v19, vm0, $0xb8;
	[tilespmem:$0x18A00] =	vst v63  }
0x65f: {  	v19 =	vld [tilespmem:$0x480];
	_ =	sdelay $0x4  }
0x660: {  	v20 =	vshll.u32 v19, $0x2  }
0x661: {  	v19 =	vand.u32 $0x7, v19;
	v20 =	vand.u32 $0xFFFFFFE0, v20  }
0x662: {  	v19 =	vor.u32 v19, v20  }
0x663: {  	v20 =	vperm.xlane v19, v4;
	_ =	sdelay $0x1  }
0x664: {  	v21 =	vperm.xlane v19, v6;
	v20 =	vadd.s32 v5, v20;
	_ =	sdelay $0x1  }
0x665: {  	v22 =	vperm.xlane v19, v3;
	v21 =	vadd.s32 v5, v21;
	_ =	sdelay $0x1  }
0x666: {  	s4 =	simm.s32 $0x14600;
	v23 =	vperm.xlane v19, v7;
	v22 =	vadd.s32 v5, v22  }
0x667: {  	[tilespmem:s4], [sflag:$0x3] =	stream.indirect_vreg.gather [hbm4b:s29+s28], $0x80, v20, vm0, $0xb8;
	[tilespmem:$0x18A00] =	vst v63  }
0x668: {  	s2 =	simm.s32 $0x14680;
	v20 =	vadd.s32 v5, v23;
	v23 =	vperm.xlane v19, v8  }
0x669: {  	[tilespmem:s2], [sflag:$0x3] =	stream.indirect_vreg.gather [hbm4b:s29+s28], $0x80, v21, vm0, $0xb8;
	[tilespmem:$0x18A00] =	vst v63  }
0x66a: {  	s4 =	simm.s32 $0x14700;
	v21 =	vadd.s32 v5, v23;
	v23 =	vperm.xlane v19, v9  }
0x66b: {  	[tilespmem:s4], [sflag:$0x3] =	stream.indirect_vreg.gather [hbm4b:s29+s28], $0x80, v22, vm0, $0xb8;
	[tilespmem:$0x18A00] =	vst v63  }
0x66c: {  	s2 =	simm.s32 $0x14780;
	v22 =	vadd.s32 v5, v23;
	v23 =	vperm.xlane v19, v10  }
0x66d: {  	[tilespmem:s2], [sflag:$0x3] =	stream.indirect_vreg.gather [hbm4b:s29+s28], $0x80, v20, vm0, $0xb8;
	[tilespmem:$0x18A00] =	vst v63  }
0x66e: {  	s4 =	simm.s32 $0x14800;
	v20 =	vadd.s32 v5, v23;
	v23 =	vperm.xlane v19, v2  }
0x66f: {  	[tilespmem:s4], [sflag:$0x3] =	stream.indirect_vreg.gather [hbm4b:s29+s28], $0x80, v21, vm0, $0xb8;
	[tilespmem:$0x18A00] =	vst v63  }
0x670: {  	s2 =	simm.s32 $0x14880;
	v21 =	vadd.s32 v5, v23;
	v23 =	vperm.xlane v19, v11  }
0x671: {  	[tilespmem:s2], [sflag:$0x3] =	stream.indirect_vreg.gather [hbm4b:s29+s28], $0x80, v22, vm0, $0xb8;
	[tilespmem:$0x18A00] =	vst v63  }
0x672: {  	s4 =	simm.s32 $0x14900;
	v22 =	vadd.s32 v5, v23;
	v23 =	vperm.xlane v19, v12  }
0x673: {  	[tilespmem:s4], [sflag:$0x3] =	stream.indirect_vreg.gather [hbm4b:s29+s28], $0x80, v20, vm0, $0xb8;
	[tilespmem:$0x18A00] =	vst v63  }
0x674: {  	s2 =	simm.s32 $0x14980;
	v20 =	vadd.s32 v5, v23;
	v23 =	vperm.xlane v19, v13  }
0x675: {  	[tilespmem:s2], [sflag:$0x3] =	stream.indirect_vreg.gather [hbm4b:s29+s28], $0x80, v21, vm0, $0xb8;
	[tilespmem:$0x18A00] =	vst v63  }
0x676: {  	s4 =	simm.s32 $0x14A00;
	v21 =	vadd.s32 v5, v23;
	v23 =	vperm.xlane v19, v14  }
0x677: {  	[tilespmem:s4], [sflag:$0x3] =	stream.indirect_vreg.gather [hbm4b:s29+s28], $0x80, v22, vm0, $0xb8;
	[tilespmem:$0x18A00] =	vst v63  }
0x678: {  	s2 =	simm.s32 $0x14A80;
	v22 =	vadd.s32 v5, v23;
	v23 =	vperm.xlane v19, v15  }
0x679: {  	[tilespmem:s2], [sflag:$0x3] =	stream.indirect_vreg.gather [hbm4b:s29+s28], $0x80, v20, vm0, $0xb8;
	[tilespmem:$0x18A00] =	vst v63  }
0x67a: {  	s4 =	simm.s32 $0x14B00;
	v20 =	vadd.s32 v5, v23;
	v23 =	vperm.xlane v19, v16  }
0x67b: {  	[tilespmem:s4], [sflag:$0x3] =	stream.indirect_vreg.gather [hbm4b:s29+s28], $0x80, v21, vm0, $0xb8;
	[tilespmem:$0x18A00] =	vst v63  }
0x67c: {  	s2 =	simm.s32 $0x14B80;
	v21 =	vadd.s32 v5, v23;
	v23 =	vperm.xlane v19, v17  }
0x67d: {  	[tilespmem:s2], [sflag:$0x3] =	stream.indirect_vreg.gather [hbm4b:s29+s28], $0x80, v22, vm0, $0xb8;
	[tilespmem:$0x18A00] =	vst v63  }
0x67e: {  	v19 =	vperm.xlane v19, v18;
	s4 =	simm.s32 $0x14C00;
	v22 =	vadd.s32 v5, v23  }
0x67f: {  	[tilespmem:s4], [sflag:$0x3] =	stream.indirect_vreg.gather [hbm4b:s29+s28], $0x80, v20, vm0, $0xb8;
	[tilespmem:$0x18A00] =	vst v63  }
0x680: {  	v19 =	vadd.s32 v5, v19;
	s2 =	simm.s32 $0x14C80  }
0x681: {  	[tilespmem:s2], [sflag:$0x3] =	stream.indirect_vreg.gather [hbm4b:s29+s28], $0x80, v21, vm0, $0xb8;
	[tilespmem:$0x18A00] =	vst v63  }
0x682: {  	s4 =	simm.s32 $0x14D00  }
0x683: {  	[tilespmem:s4], [sflag:$0x3] =	stream.indirect_vreg.gather [hbm4b:s29+s28], $0x80, v22, vm0, $0xb8;
	[tilespmem:$0x18A00] =	vst v63  }
0x684: {  	s2 =	simm.s32 $0x14D80  }
0x685: {  	[tilespmem:s2], [sflag:$0x3] =	stream.indirect_vreg.gather [hbm4b:s29+s28], $0x80, v19, vm0, $0xb8;
	[tilespmem:$0x18A00] =	vst v63  }
0x686: {  	v19 =	vld [tilespmem:$0x490];
	_ =	sdelay $0x4  }
0x687: {  	v20 =	vshll.u32 v19, $0x2  }
0x688: {  	v19 =	vand.u32 $0x7, v19;
	v20 =	vand.u32 $0xFFFFFFE0, v20  }
0x689: {  	v19 =	vor.u32 v19, v20  }
0x68a: {  	v20 =	vperm.xlane v19, v4;
	_ =	sdelay $0x1  }
0x68b: {  	v21 =	vperm.xlane v19, v6;
	v20 =	vadd.s32 v5, v20;
	_ =	sdelay $0x1  }
0x68c: {  	v22 =	vperm.xlane v19, v3;
	v21 =	vadd.s32 v5, v21;
	_ =	sdelay $0x1  }
0x68d: {  	s4 =	simm.s32 $0x14E00;
	v23 =	vperm.xlane v19, v7;
	v22 =	vadd.s32 v5, v22  }
0x68e: {  	[tilespmem:s4], [sflag:$0x3] =	stream.indirect_vreg.gather [hbm4b:s29+s28], $0x80, v20, vm0, $0xb8;
	[tilespmem:$0x18A00] =	vst v63  }
0x68f: {  	s2 =	simm.s32 $0x14E80;
	v20 =	vadd.s32 v5, v23;
	v23 =	vperm.xlane v19, v8  }
0x690: {  	[tilespmem:s2], [sflag:$0x3] =	stream.indirect_vreg.gather [hbm4b:s29+s28], $0x80, v21, vm0, $0xb8;
	[tilespmem:$0x18A00] =	vst v63  }
0x691: {  	s4 =	simm.s32 $0x14F00;
	v21 =	vadd.s32 v5, v23;
	v23 =	vperm.xlane v19, v9  }
0x692: {  	[tilespmem:s4], [sflag:$0x3] =	stream.indirect_vreg.gather [hbm4b:s29+s28], $0x80, v22, vm0, $0xb8;
	[tilespmem:$0x18A00] =	vst v63  }
0x693: {  	s2 =	simm.s32 $0x14F80;
	v22 =	vadd.s32 v5, v23;
	v23 =	vperm.xlane v19, v10  }
0x694: {  	[tilespmem:s2], [sflag:$0x3] =	stream.indirect_vreg.gather [hbm4b:s29+s28], $0x80, v20, vm0, $0xb8;
	[tilespmem:$0x18A00] =	vst v63  }
0x695: {  	s4 =	simm.s32 $0x15000;
	v20 =	vadd.s32 v5, v23;
	v23 =	vperm.xlane v19, v2  }
0x696: {  	[tilespmem:s4], [sflag:$0x3] =	stream.indirect_vreg.gather [hbm4b:s29+s28], $0x80, v21, vm0, $0xb8;
	[tilespmem:$0x18A00] =	vst v63  }
0x697: {  	s2 =	simm.s32 $0x15080;
	v21 =	vadd.s32 v5, v23;
	v23 =	vperm.xlane v19, v11  }
0x698: {  	[tilespmem:s2], [sflag:$0x3] =	stream.indirect_vreg.gather [hbm4b:s29+s28], $0x80, v22, vm0, $0xb8;
	[tilespmem:$0x18A00] =	vst v63  }
0x699: {  	s4 =	simm.s32 $0x15100;
	v22 =	vadd.s32 v5, v23;
	v23 =	vperm.xlane v19, v12  }
0x69a: {  	[tilespmem:s4], [sflag:$0x3] =	stream.indirect_vreg.gather [hbm4b:s29+s28], $0x80, v20, vm0, $0xb8;
	[tilespmem:$0x18A00] =	vst v63  }
0x69b: {  	s2 =	simm.s32 $0x15180;
	v20 =	vadd.s32 v5, v23;
	v23 =	vperm.xlane v19, v13  }
0x69c: {  	[tilespmem:s2], [sflag:$0x3] =	stream.indirect_vreg.gather [hbm4b:s29+s28], $0x80, v21, vm0, $0xb8;
	[tilespmem:$0x18A00] =	vst v63  }
0x69d: {  	s4 =	simm.s32 $0x15200;
	v21 =	vadd.s32 v5, v23;
	v23 =	vperm.xlane v19, v14  }
0x69e: {  	[tilespmem:s4], [sflag:$0x3] =	stream.indirect_vreg.gather [hbm4b:s29+s28], $0x80, v22, vm0, $0xb8;
	[tilespmem:$0x18A00] =	vst v63  }
0x69f: {  	s2 =	simm.s32 $0x15280;
	v22 =	vadd.s32 v5, v23;
	v23 =	vperm.xlane v19, v15  }
0x6a0: {  	[tilespmem:s2], [sflag:$0x3] =	stream.indirect_vreg.gather [hbm4b:s29+s28], $0x80, v20, vm0, $0xb8;
	[tilespmem:$0x18A00] =	vst v63  }
0x6a1: {  	s4 =	simm.s32 $0x15300;
	v20 =	vadd.s32 v5, v23;
	v23 =	vperm.xlane v19, v16  }
0x6a2: {  	[tilespmem:s4], [sflag:$0x3] =	stream.indirect_vreg.gather [hbm4b:s29+s28], $0x80, v21, vm0, $0xb8;
	[tilespmem:$0x18A00] =	vst v63  }
0x6a3: {  	s2 =	simm.s32 $0x15380;
	v21 =	vadd.s32 v5, v23;
	v23 =	vperm.xlane v19, v17  }
0x6a4: {  	[tilespmem:s2], [sflag:$0x3] =	stream.indirect_vreg.gather [hbm4b:s29+s28], $0x80, v22, vm0, $0xb8;
	[tilespmem:$0x18A00] =	vst v63  }
0x6a5: {  	v19 =	vperm.xlane v19, v18;
	s4 =	simm.s32 $0x15400;
	v22 =	vadd.s32 v5, v23  }
0x6a6: {  	[tilespmem:s4], [sflag:$0x3] =	stream.indirect_vreg.gather [hbm4b:s29+s28], $0x80, v20, vm0, $0xb8;
	[tilespmem:$0x18A00] =	vst v63  }
0x6a7: {  	v19 =	vadd.s32 v5, v19;
	s2 =	simm.s32 $0x15480  }
0x6a8: {  	[tilespmem:s2], [sflag:$0x3] =	stream.indirect_vreg.gather [hbm4b:s29+s28], $0x80, v21, vm0, $0xb8;
	[tilespmem:$0x18A00] =	vst v63  }
0x6a9: {  	s4 =	simm.s32 $0x15500  }
0x6aa: {  	[tilespmem:s4], [sflag:$0x3] =	stream.indirect_vreg.gather [hbm4b:s29+s28], $0x80, v22, vm0, $0xb8;
	[tilespmem:$0x18A00] =	vst v63  }
0x6ab: {  	s2 =	simm.s32 $0x15580  }
0x6ac: {  	[tilespmem:s2], [sflag:$0x3] =	stream.indirect_vreg.gather [hbm4b:s29+s28], $0x80, v19, vm0, $0xb8;
	[tilespmem:$0x18A00] =	vst v63  }
0x6ad: {  	v19 =	vld [tilespmem:$0x4A0];
	_ =	sdelay $0x4  }
0x6ae: {  	v20 =	vshll.u32 v19, $0x2  }
0x6af: {  	v19 =	vand.u32 $0x7, v19;
	v20 =	vand.u32 $0xFFFFFFE0, v20  }
0x6b0: {  	v19 =	vor.u32 v19, v20  }
0x6b1: {  	v20 =	vperm.xlane v19, v4;
	_ =	sdelay $0x1  }
0x6b2: {  	v21 =	vperm.xlane v19, v6;
	v20 =	vadd.s32 v5, v20;
	_ =	sdelay $0x1  }
0x6b3: {  	v22 =	vperm.xlane v19, v3;
	v21 =	vadd.s32 v5, v21;
	_ =	sdelay $0x1  }
0x6b4: {  	s4 =	simm.s32 $0x15600;
	v23 =	vperm.xlane v19, v7;
	v22 =	vadd.s32 v5, v22  }
0x6b5: {  	[tilespmem:s4], [sflag:$0x3] =	stream.indirect_vreg.gather [hbm4b:s29+s28], $0x80, v20, vm0, $0xb8;
	[tilespmem:$0x18A00] =	vst v63  }
0x6b6: {  	s2 =	simm.s32 $0x15680;
	v20 =	vadd.s32 v5, v23;
	v23 =	vperm.xlane v19, v8  }
0x6b7: {  	[tilespmem:s2], [sflag:$0x3] =	stream.indirect_vreg.gather [hbm4b:s29+s28], $0x80, v21, vm0, $0xb8;
	[tilespmem:$0x18A00] =	vst v63  }
0x6b8: {  	s4 =	simm.s32 $0x15700;
	v21 =	vadd.s32 v5, v23;
	v23 =	vperm.xlane v19, v9  }
0x6b9: {  	[tilespmem:s4], [sflag:$0x3] =	stream.indirect_vreg.gather [hbm4b:s29+s28], $0x80, v22, vm0, $0xb8;
	[tilespmem:$0x18A00] =	vst v63  }
0x6ba: {  	s2 =	simm.s32 $0x15780;
	v22 =	vadd.s32 v5, v23;
	v23 =	vperm.xlane v19, v10  }
0x6bb: {  	[tilespmem:s2], [sflag:$0x3] =	stream.indirect_vreg.gather [hbm4b:s29+s28], $0x80, v20, vm0, $0xb8;
	[tilespmem:$0x18A00] =	vst v63  }
0x6bc: {  	s4 =	simm.s32 $0x15800;
	v20 =	vadd.s32 v5, v23;
	v23 =	vperm.xlane v19, v2  }
0x6bd: {  	[tilespmem:s4], [sflag:$0x3] =	stream.indirect_vreg.gather [hbm4b:s29+s28], $0x80, v21, vm0, $0xb8;
	[tilespmem:$0x18A00] =	vst v63  }
0x6be: {  	s2 =	simm.s32 $0x15880;
	v21 =	vadd.s32 v5, v23;
	v23 =	vperm.xlane v19, v11  }
0x6bf: {  	[tilespmem:s2], [sflag:$0x3] =	stream.indirect_vreg.gather [hbm4b:s29+s28], $0x80, v22, vm0, $0xb8;
	[tilespmem:$0x18A00] =	vst v63  }
0x6c0: {  	s4 =	simm.s32 $0x15900;
	v22 =	vadd.s32 v5, v23;
	v23 =	vperm.xlane v19, v12  }
0x6c1: {  	[tilespmem:s4], [sflag:$0x3] =	stream.indirect_vreg.gather [hbm4b:s29+s28], $0x80, v20, vm0, $0xb8;
	[tilespmem:$0x18A00] =	vst v63  }
0x6c2: {  	s2 =	simm.s32 $0x15980;
	v20 =	vadd.s32 v5, v23;
	v23 =	vperm.xlane v19, v13  }
0x6c3: {  	[tilespmem:s2], [sflag:$0x3] =	stream.indirect_vreg.gather [hbm4b:s29+s28], $0x80, v21, vm0, $0xb8;
	[tilespmem:$0x18A00] =	vst v63  }
0x6c4: {  	s4 =	simm.s32 $0x15A00;
	v21 =	vadd.s32 v5, v23;
	v23 =	vperm.xlane v19, v14  }
0x6c5: {  	[tilespmem:s4], [sflag:$0x3] =	stream.indirect_vreg.gather [hbm4b:s29+s28], $0x80, v22, vm0, $0xb8;
	[tilespmem:$0x18A00] =	vst v63  }
0x6c6: {  	s2 =	simm.s32 $0x15A80;
	v22 =	vadd.s32 v5, v23;
	v23 =	vperm.xlane v19, v15  }
0x6c7: {  	[tilespmem:s2], [sflag:$0x3] =	stream.indirect_vreg.gather [hbm4b:s29+s28], $0x80, v20, vm0, $0xb8;
	[tilespmem:$0x18A00] =	vst v63  }
0x6c8: {  	s4 =	simm.s32 $0x15B00;
	v20 =	vadd.s32 v5, v23;
	v23 =	vperm.xlane v19, v16  }
0x6c9: {  	[tilespmem:s4], [sflag:$0x3] =	stream.indirect_vreg.gather [hbm4b:s29+s28], $0x80, v21, vm0, $0xb8;
	[tilespmem:$0x18A00] =	vst v63  }
0x6ca: {  	s2 =	simm.s32 $0x15B80;
	v21 =	vadd.s32 v5, v23;
	v23 =	vperm.xlane v19, v17  }
0x6cb: {  	[tilespmem:s2], [sflag:$0x3] =	stream.indirect_vreg.gather [hbm4b:s29+s28], $0x80, v22, vm0, $0xb8;
	[tilespmem:$0x18A00] =	vst v63  }
0x6cc: {  	v19 =	vperm.xlane v19, v18;
	s4 =	simm.s32 $0x15C00;
	v22 =	vadd.s32 v5, v23  }
0x6cd: {  	[tilespmem:s4], [sflag:$0x3] =	stream.indirect_vreg.gather [hbm4b:s29+s28], $0x80, v20, vm0, $0xb8;
	[tilespmem:$0x18A00] =	vst v63  }
0x6ce: {  	v19 =	vadd.s32 v5, v19;
	s2 =	simm.s32 $0x15C80  }
0x6cf: {  	[tilespmem:s2], [sflag:$0x3] =	stream.indirect_vreg.gather [hbm4b:s29+s28], $0x80, v21, vm0, $0xb8;
	[tilespmem:$0x18A00] =	vst v63  }
0x6d0: {  	s4 =	simm.s32 $0x15D00  }
0x6d1: {  	[tilespmem:s4], [sflag:$0x3] =	stream.indirect_vreg.gather [hbm4b:s29+s28], $0x80, v22, vm0, $0xb8;
	[tilespmem:$0x18A00] =	vst v63  }
0x6d2: {  	s2 =	simm.s32 $0x15D80  }
0x6d3: {  	[tilespmem:s2], [sflag:$0x3] =	stream.indirect_vreg.gather [hbm4b:s29+s28], $0x80, v19, vm0, $0xb8;
	[tilespmem:$0x18A00] =	vst v63  }
0x6d4: {  	v19 =	vld [tilespmem:$0x4B0];
	_ =	sdelay $0x4  }
0x6d5: {  	v20 =	vshll.u32 v19, $0x2  }
0x6d6: {  	v19 =	vand.u32 $0x7, v19;
	v20 =	vand.u32 $0xFFFFFFE0, v20  }
0x6d7: {  	v19 =	vor.u32 v19, v20  }
0x6d8: {  	v20 =	vperm.xlane v19, v4;
	_ =	sdelay $0x1  }
0x6d9: {  	v21 =	vperm.xlane v19, v6;
	v20 =	vadd.s32 v5, v20;
	_ =	sdelay $0x1  }
0x6da: {  	v22 =	vperm.xlane v19, v3;
	v21 =	vadd.s32 v5, v21;
	_ =	sdelay $0x1  }
0x6db: {  	s4 =	simm.s32 $0x15E00;
	v23 =	vperm.xlane v19, v7;
	v22 =	vadd.s32 v5, v22  }
0x6dc: {  	[tilespmem:s4], [sflag:$0x3] =	stream.indirect_vreg.gather [hbm4b:s29+s28], $0x80, v20, vm0, $0xb8;
	[tilespmem:$0x18A00] =	vst v63  }
0x6dd: {  	s2 =	simm.s32 $0x15E80;
	v20 =	vadd.s32 v5, v23;
	v23 =	vperm.xlane v19, v8  }
0x6de: {  	[tilespmem:s2], [sflag:$0x3] =	stream.indirect_vreg.gather [hbm4b:s29+s28], $0x80, v21, vm0, $0xb8;
	[tilespmem:$0x18A00] =	vst v63  }
0x6df: {  	s4 =	simm.s32 $0x15F00;
	v21 =	vadd.s32 v5, v23;
	v23 =	vperm.xlane v19, v9  }
0x6e0: {  	[tilespmem:s4], [sflag:$0x3] =	stream.indirect_vreg.gather [hbm4b:s29+s28], $0x80, v22, vm0, $0xb8;
	[tilespmem:$0x18A00] =	vst v63  }
0x6e1: {  	s2 =	simm.s32 $0x15F80;
	v22 =	vadd.s32 v5, v23;
	v23 =	vperm.xlane v19, v10  }
0x6e2: {  	[tilespmem:s2], [sflag:$0x3] =	stream.indirect_vreg.gather [hbm4b:s29+s28], $0x80, v20, vm0, $0xb8;
	[tilespmem:$0x18A00] =	vst v63  }
0x6e3: {  	s4 =	simm.s32 $0x16000;
	v20 =	vadd.s32 v5, v23;
	v23 =	vperm.xlane v19, v2  }
0x6e4: {  	[tilespmem:s4], [sflag:$0x3] =	stream.indirect_vreg.gather [hbm4b:s29+s28], $0x80, v21, vm0, $0xb8;
	[tilespmem:$0x18A00] =	vst v63  }
0x6e5: {  	s2 =	simm.s32 $0x16080;
	v21 =	vadd.s32 v5, v23;
	v23 =	vperm.xlane v19, v11  }
0x6e6: {  	[tilespmem:s2], [sflag:$0x3] =	stream.indirect_vreg.gather [hbm4b:s29+s28], $0x80, v22, vm0, $0xb8;
	[tilespmem:$0x18A00] =	vst v63  }
0x6e7: {  	s4 =	simm.s32 $0x16100;
	v22 =	vadd.s32 v5, v23;
	v23 =	vperm.xlane v19, v12  }
0x6e8: {  	[tilespmem:s4], [sflag:$0x3] =	stream.indirect_vreg.gather [hbm4b:s29+s28], $0x80, v20, vm0, $0xb8;
	[tilespmem:$0x18A00] =	vst v63  }
0x6e9: {  	s2 =	simm.s32 $0x16180;
	v20 =	vadd.s32 v5, v23;
	v23 =	vperm.xlane v19, v13  }
0x6ea: {  	[tilespmem:s2], [sflag:$0x3] =	stream.indirect_vreg.gather [hbm4b:s29+s28], $0x80, v21, vm0, $0xb8;
	[tilespmem:$0x18A00] =	vst v63  }
0x6eb: {  	s4 =	simm.s32 $0x16200;
	v21 =	vadd.s32 v5, v23;
	v23 =	vperm.xlane v19, v14  }
0x6ec: {  	[tilespmem:s4], [sflag:$0x3] =	stream.indirect_vreg.gather [hbm4b:s29+s28], $0x80, v22, vm0, $0xb8;
	[tilespmem:$0x18A00] =	vst v63  }
0x6ed: {  	s2 =	simm.s32 $0x16280;
	v22 =	vadd.s32 v5, v23;
	v23 =	vperm.xlane v19, v15  }
0x6ee: {  	[tilespmem:s2], [sflag:$0x3] =	stream.indirect_vreg.gather [hbm4b:s29+s28], $0x80, v20, vm0, $0xb8;
	[tilespmem:$0x18A00] =	vst v63  }
0x6ef: {  	s4 =	simm.s32 $0x16300;
	v20 =	vadd.s32 v5, v23;
	v23 =	vperm.xlane v19, v16  }
0x6f0: {  	[tilespmem:s4], [sflag:$0x3] =	stream.indirect_vreg.gather [hbm4b:s29+s28], $0x80, v21, vm0, $0xb8;
	[tilespmem:$0x18A00] =	vst v63  }
0x6f1: {  	s2 =	simm.s32 $0x16380;
	v21 =	vadd.s32 v5, v23;
	v23 =	vperm.xlane v19, v17  }
0x6f2: {  	[tilespmem:s2], [sflag:$0x3] =	stream.indirect_vreg.gather [hbm4b:s29+s28], $0x80, v22, vm0, $0xb8;
	[tilespmem:$0x18A00] =	vst v63  }
0x6f3: {  	v19 =	vperm.xlane v19, v18;
	s4 =	simm.s32 $0x16400;
	v22 =	vadd.s32 v5, v23  }
0x6f4: {  	[tilespmem:s4], [sflag:$0x3] =	stream.indirect_vreg.gather [hbm4b:s29+s28], $0x80, v20, vm0, $0xb8;
	[tilespmem:$0x18A00] =	vst v63  }
0x6f5: {  	v19 =	vadd.s32 v5, v19;
	s2 =	simm.s32 $0x16480  }
0x6f6: {  	[tilespmem:s2], [sflag:$0x3] =	stream.indirect_vreg.gather [hbm4b:s29+s28], $0x80, v21, vm0, $0xb8;
	[tilespmem:$0x18A00] =	vst v63  }
0x6f7: {  	s4 =	simm.s32 $0x16500  }
0x6f8: {  	[tilespmem:s4], [sflag:$0x3] =	stream.indirect_vreg.gather [hbm4b:s29+s28], $0x80, v22, vm0, $0xb8;
	[tilespmem:$0x18A00] =	vst v63  }
0x6f9: {  	s2 =	simm.s32 $0x16580  }
0x6fa: {  	[tilespmem:s2], [sflag:$0x3] =	stream.indirect_vreg.gather [hbm4b:s29+s28], $0x80, v19, vm0, $0xb8;
	[tilespmem:$0x18A00] =	vst v63  }
0x6fb: {  	v19 =	vld [tilespmem:$0x4C0];
	_ =	sdelay $0x4  }
0x6fc: {  	v20 =	vshll.u32 v19, $0x2  }
0x6fd: {  	v19 =	vand.u32 $0x7, v19;
	v20 =	vand.u32 $0xFFFFFFE0, v20  }
0x6fe: {  	v19 =	vor.u32 v19, v20  }
0x6ff: {  	v20 =	vperm.xlane v19, v4;
	_ =	sdelay $0x1  }
0x700: {  	v21 =	vperm.xlane v19, v6;
	v20 =	vadd.s32 v5, v20;
	_ =	sdelay $0x1  }
0x701: {  	v22 =	vperm.xlane v19, v3;
	v21 =	vadd.s32 v5, v21;
	_ =	sdelay $0x1  }
0x702: {  	s4 =	simm.s32 $0x16600;
	v23 =	vperm.xlane v19, v7;
	v22 =	vadd.s32 v5, v22  }
0x703: {  	[tilespmem:s4], [sflag:$0x3] =	stream.indirect_vreg.gather [hbm4b:s29+s28], $0x80, v20, vm0, $0xb8;
	[tilespmem:$0x18A00] =	vst v63  }
0x704: {  	s2 =	simm.s32 $0x16680;
	v20 =	vadd.s32 v5, v23;
	v23 =	vperm.xlane v19, v8  }
0x705: {  	[tilespmem:s2], [sflag:$0x3] =	stream.indirect_vreg.gather [hbm4b:s29+s28], $0x80, v21, vm0, $0xb8;
	[tilespmem:$0x18A00] =	vst v63  }
0x706: {  	s4 =	simm.s32 $0x16700;
	v21 =	vadd.s32 v5, v23;
	v23 =	vperm.xlane v19, v9  }
0x707: {  	[tilespmem:s4], [sflag:$0x3] =	stream.indirect_vreg.gather [hbm4b:s29+s28], $0x80, v22, vm0, $0xb8;
	[tilespmem:$0x18A00] =	vst v63  }
0x708: {  	s2 =	simm.s32 $0x16780;
	v22 =	vadd.s32 v5, v23;
	v23 =	vperm.xlane v19, v10  }
0x709: {  	[tilespmem:s2], [sflag:$0x3] =	stream.indirect_vreg.gather [hbm4b:s29+s28], $0x80, v20, vm0, $0xb8;
	[tilespmem:$0x18A00] =	vst v63  }
0x70a: {  	s4 =	simm.s32 $0x16800;
	v20 =	vadd.s32 v5, v23;
	v23 =	vperm.xlane v19, v2  }
0x70b: {  	[tilespmem:s4], [sflag:$0x3] =	stream.indirect_vreg.gather [hbm4b:s29+s28], $0x80, v21, vm0, $0xb8;
	[tilespmem:$0x18A00] =	vst v63  }
0x70c: {  	s2 =	simm.s32 $0x16880;
	v21 =	vadd.s32 v5, v23;
	v23 =	vperm.xlane v19, v11  }
0x70d: {  	[tilespmem:s2], [sflag:$0x3] =	stream.indirect_vreg.gather [hbm4b:s29+s28], $0x80, v22, vm0, $0xb8;
	[tilespmem:$0x18A00] =	vst v63  }
0x70e: {  	s4 =	simm.s32 $0x16900;
	v22 =	vadd.s32 v5, v23;
	v23 =	vperm.xlane v19, v12  }
0x70f: {  	[tilespmem:s4], [sflag:$0x3] =	stream.indirect_vreg.gather [hbm4b:s29+s28], $0x80, v20, vm0, $0xb8;
	[tilespmem:$0x18A00] =	vst v63  }
0x710: {  	s2 =	simm.s32 $0x16980;
	v20 =	vadd.s32 v5, v23;
	v23 =	vperm.xlane v19, v13  }
0x711: {  	[tilespmem:s2], [sflag:$0x3] =	stream.indirect_vreg.gather [hbm4b:s29+s28], $0x80, v21, vm0, $0xb8;
	[tilespmem:$0x18A00] =	vst v63  }
0x712: {  	s4 =	simm.s32 $0x16A00;
	v21 =	vadd.s32 v5, v23;
	v23 =	vperm.xlane v19, v14  }
0x713: {  	[tilespmem:s4], [sflag:$0x3] =	stream.indirect_vreg.gather [hbm4b:s29+s28], $0x80, v22, vm0, $0xb8;
	[tilespmem:$0x18A00] =	vst v63  }
0x714: {  	s2 =	simm.s32 $0x16A80;
	v22 =	vadd.s32 v5, v23;
	v23 =	vperm.xlane v19, v15  }
0x715: {  	[tilespmem:s2], [sflag:$0x3] =	stream.indirect_vreg.gather [hbm4b:s29+s28], $0x80, v20, vm0, $0xb8;
	[tilespmem:$0x18A00] =	vst v63  }
0x716: {  	s4 =	simm.s32 $0x16B00;
	v20 =	vadd.s32 v5, v23;
	v23 =	vperm.xlane v19, v16  }
0x717: {  	[tilespmem:s4], [sflag:$0x3] =	stream.indirect_vreg.gather [hbm4b:s29+s28], $0x80, v21, vm0, $0xb8;
	[tilespmem:$0x18A00] =	vst v63  }
0x718: {  	s2 =	simm.s32 $0x16B80;
	v21 =	vadd.s32 v5, v23;
	v23 =	vperm.xlane v19, v17  }
0x719: {  	[tilespmem:s2], [sflag:$0x3] =	stream.indirect_vreg.gather [hbm4b:s29+s28], $0x80, v22, vm0, $0xb8;
	[tilespmem:$0x18A00] =	vst v63  }
0x71a: {  	v19 =	vperm.xlane v19, v18;
	s4 =	simm.s32 $0x16C00;
	v22 =	vadd.s32 v5, v23  }
0x71b: {  	[tilespmem:s4], [sflag:$0x3] =	stream.indirect_vreg.gather [hbm4b:s29+s28], $0x80, v20, vm0, $0xb8;
	[tilespmem:$0x18A00] =	vst v63  }
0x71c: {  	v19 =	vadd.s32 v5, v19;
	s2 =	simm.s32 $0x16C80  }
0x71d: {  	[tilespmem:s2], [sflag:$0x3] =	stream.indirect_vreg.gather [hbm4b:s29+s28], $0x80, v21, vm0, $0xb8;
	[tilespmem:$0x18A00] =	vst v63  }
0x71e: {  	s4 =	simm.s32 $0x16D00  }
0x71f: {  	[tilespmem:s4], [sflag:$0x3] =	stream.indirect_vreg.gather [hbm4b:s29+s28], $0x80, v22, vm0, $0xb8;
	[tilespmem:$0x18A00] =	vst v63  }
0x720: {  	s2 =	simm.s32 $0x16D80  }
0x721: {  	[tilespmem:s2], [sflag:$0x3] =	stream.indirect_vreg.gather [hbm4b:s29+s28], $0x80, v19, vm0, $0xb8;
	[tilespmem:$0x18A00] =	vst v63  }
0x722: {  	v19 =	vld [tilespmem:$0x4D0];
	_ =	sdelay $0x4  }
0x723: {  	v20 =	vshll.u32 v19, $0x2  }
0x724: {  	v19 =	vand.u32 $0x7, v19;
	v20 =	vand.u32 $0xFFFFFFE0, v20  }
0x725: {  	v19 =	vor.u32 v19, v20  }
0x726: {  	v20 =	vperm.xlane v19, v4;
	_ =	sdelay $0x1  }
0x727: {  	v21 =	vperm.xlane v19, v6;
	v20 =	vadd.s32 v5, v20;
	_ =	sdelay $0x1  }
0x728: {  	v22 =	vperm.xlane v19, v3;
	v21 =	vadd.s32 v5, v21;
	_ =	sdelay $0x1  }
0x729: {  	s4 =	simm.s32 $0x16E00;
	v23 =	vperm.xlane v19, v7;
	v22 =	vadd.s32 v5, v22  }
0x72a: {  	[tilespmem:s4], [sflag:$0x3] =	stream.indirect_vreg.gather [hbm4b:s29+s28], $0x80, v20, vm0, $0xb8;
	[tilespmem:$0x18A00] =	vst v63  }
0x72b: {  	s2 =	simm.s32 $0x16E80;
	v20 =	vadd.s32 v5, v23;
	v23 =	vperm.xlane v19, v8  }
0x72c: {  	[tilespmem:s2], [sflag:$0x3] =	stream.indirect_vreg.gather [hbm4b:s29+s28], $0x80, v21, vm0, $0xb8;
	[tilespmem:$0x18A00] =	vst v63  }
0x72d: {  	s4 =	simm.s32 $0x16F00;
	v21 =	vadd.s32 v5, v23;
	v23 =	vperm.xlane v19, v9  }
0x72e: {  	[tilespmem:s4], [sflag:$0x3] =	stream.indirect_vreg.gather [hbm4b:s29+s28], $0x80, v22, vm0, $0xb8;
	[tilespmem:$0x18A00] =	vst v63  }
0x72f: {  	s2 =	simm.s32 $0x16F80;
	v22 =	vadd.s32 v5, v23;
	v23 =	vperm.xlane v19, v10  }
0x730: {  	[tilespmem:s2], [sflag:$0x3] =	stream.indirect_vreg.gather [hbm4b:s29+s28], $0x80, v20, vm0, $0xb8;
	[tilespmem:$0x18A00] =	vst v63  }
0x731: {  	s4 =	simm.s32 $0x17000;
	v20 =	vadd.s32 v5, v23;
	v23 =	vperm.xlane v19, v2  }
0x732: {  	[tilespmem:s4], [sflag:$0x3] =	stream.indirect_vreg.gather [hbm4b:s29+s28], $0x80, v21, vm0, $0xb8;
	[tilespmem:$0x18A00] =	vst v63  }
0x733: {  	s2 =	simm.s32 $0x17080;
	v21 =	vadd.s32 v5, v23;
	v23 =	vperm.xlane v19, v11  }
0x734: {  	[tilespmem:s2], [sflag:$0x3] =	stream.indirect_vreg.gather [hbm4b:s29+s28], $0x80, v22, vm0, $0xb8;
	[tilespmem:$0x18A00] =	vst v63  }
0x735: {  	s4 =	simm.s32 $0x17100;
	v22 =	vadd.s32 v5, v23;
	v23 =	vperm.xlane v19, v12  }
0x736: {  	[tilespmem:s4], [sflag:$0x3] =	stream.indirect_vreg.gather [hbm4b:s29+s28], $0x80, v20, vm0, $0xb8;
	[tilespmem:$0x18A00] =	vst v63  }
0x737: {  	s2 =	simm.s32 $0x17180;
	v20 =	vadd.s32 v5, v23;
	v23 =	vperm.xlane v19, v13  }
0x738: {  	[tilespmem:s2], [sflag:$0x3] =	stream.indirect_vreg.gather [hbm4b:s29+s28], $0x80, v21, vm0, $0xb8;
	[tilespmem:$0x18A00] =	vst v63  }
0x739: {  	s4 =	simm.s32 $0x17200;
	v21 =	vadd.s32 v5, v23;
	v23 =	vperm.xlane v19, v14  }
0x73a: {  	[tilespmem:s4], [sflag:$0x3] =	stream.indirect_vreg.gather [hbm4b:s29+s28], $0x80, v22, vm0, $0xb8;
	[tilespmem:$0x18A00] =	vst v63  }
0x73b: {  	s2 =	simm.s32 $0x17280;
	v22 =	vadd.s32 v5, v23;
	v23 =	vperm.xlane v19, v15  }
0x73c: {  	[tilespmem:s2], [sflag:$0x3] =	stream.indirect_vreg.gather [hbm4b:s29+s28], $0x80, v20, vm0, $0xb8;
	[tilespmem:$0x18A00] =	vst v63  }
0x73d: {  	s4 =	simm.s32 $0x17300;
	v20 =	vadd.s32 v5, v23;
	v23 =	vperm.xlane v19, v16  }
0x73e: {  	[tilespmem:s4], [sflag:$0x3] =	stream.indirect_vreg.gather [hbm4b:s29+s28], $0x80, v21, vm0, $0xb8;
	[tilespmem:$0x18A00] =	vst v63  }
0x73f: {  	s2 =	simm.s32 $0x17380;
	v21 =	vadd.s32 v5, v23;
	v23 =	vperm.xlane v19, v17  }
0x740: {  	[tilespmem:s2], [sflag:$0x3] =	stream.indirect_vreg.gather [hbm4b:s29+s28], $0x80, v22, vm0, $0xb8;
	[tilespmem:$0x18A00] =	vst v63  }
0x741: {  	v19 =	vperm.xlane v19, v18;
	s4 =	simm.s32 $0x17400;
	v22 =	vadd.s32 v5, v23  }
0x742: {  	[tilespmem:s4], [sflag:$0x3] =	stream.indirect_vreg.gather [hbm4b:s29+s28], $0x80, v20, vm0, $0xb8;
	[tilespmem:$0x18A00] =	vst v63  }
0x743: {  	v19 =	vadd.s32 v5, v19;
	s2 =	simm.s32 $0x17480  }
0x744: {  	[tilespmem:s2], [sflag:$0x3] =	stream.indirect_vreg.gather [hbm4b:s29+s28], $0x80, v21, vm0, $0xb8;
	[tilespmem:$0x18A00] =	vst v63  }
0x745: {  	s4 =	simm.s32 $0x17500  }
0x746: {  	[tilespmem:s4], [sflag:$0x3] =	stream.indirect_vreg.gather [hbm4b:s29+s28], $0x80, v22, vm0, $0xb8;
	[tilespmem:$0x18A00] =	vst v63  }
0x747: {  	s2 =	simm.s32 $0x17580  }
0x748: {  	[tilespmem:s2], [sflag:$0x3] =	stream.indirect_vreg.gather [hbm4b:s29+s28], $0x80, v19, vm0, $0xb8;
	[tilespmem:$0x18A00] =	vst v63  }
0x749: {  	v19 =	vld [tilespmem:$0x4E0];
	_ =	sdelay $0x4  }
0x74a: {  	v20 =	vshll.u32 v19, $0x2  }
0x74b: {  	v19 =	vand.u32 $0x7, v19;
	v20 =	vand.u32 $0xFFFFFFE0, v20  }
0x74c: {  	v19 =	vor.u32 v19, v20  }
0x74d: {  	v20 =	vperm.xlane v19, v4;
	_ =	sdelay $0x1  }
0x74e: {  	v21 =	vperm.xlane v19, v6;
	v20 =	vadd.s32 v5, v20;
	_ =	sdelay $0x1  }
0x74f: {  	v22 =	vperm.xlane v19, v3;
	v21 =	vadd.s32 v5, v21;
	_ =	sdelay $0x1  }
0x750: {  	s4 =	simm.s32 $0x17600;
	v23 =	vperm.xlane v19, v7;
	v22 =	vadd.s32 v5, v22  }
0x751: {  	[tilespmem:s4], [sflag:$0x3] =	stream.indirect_vreg.gather [hbm4b:s29+s28], $0x80, v20, vm0, $0xb8;
	[tilespmem:$0x18A00] =	vst v63  }
0x752: {  	s2 =	simm.s32 $0x17680;
	v20 =	vadd.s32 v5, v23;
	v23 =	vperm.xlane v19, v8  }
0x753: {  	[tilespmem:s2], [sflag:$0x3] =	stream.indirect_vreg.gather [hbm4b:s29+s28], $0x80, v21, vm0, $0xb8;
	[tilespmem:$0x18A00] =	vst v63  }
0x754: {  	s4 =	simm.s32 $0x17700;
	v21 =	vadd.s32 v5, v23;
	v23 =	vperm.xlane v19, v9  }
0x755: {  	[tilespmem:s4], [sflag:$0x3] =	stream.indirect_vreg.gather [hbm4b:s29+s28], $0x80, v22, vm0, $0xb8;
	[tilespmem:$0x18A00] =	vst v63  }
0x756: {  	s2 =	simm.s32 $0x17780;
	v22 =	vadd.s32 v5, v23;
	v23 =	vperm.xlane v19, v10  }
0x757: {  	[tilespmem:s2], [sflag:$0x3] =	stream.indirect_vreg.gather [hbm4b:s29+s28], $0x80, v20, vm0, $0xb8;
	[tilespmem:$0x18A00] =	vst v63  }
0x758: {  	s4 =	simm.s32 $0x17800;
	v20 =	vadd.s32 v5, v23;
	v23 =	vperm.xlane v19, v2  }
0x759: {  	[tilespmem:s4], [sflag:$0x3] =	stream.indirect_vreg.gather [hbm4b:s29+s28], $0x80, v21, vm0, $0xb8;
	[tilespmem:$0x18A00] =	vst v63  }
0x75a: {  	s2 =	simm.s32 $0x17880;
	v21 =	vadd.s32 v5, v23;
	v23 =	vperm.xlane v19, v11  }
0x75b: {  	[tilespmem:s2], [sflag:$0x3] =	stream.indirect_vreg.gather [hbm4b:s29+s28], $0x80, v22, vm0, $0xb8;
	[tilespmem:$0x18A00] =	vst v63  }
0x75c: {  	s4 =	simm.s32 $0x17900;
	v22 =	vadd.s32 v5, v23;
	v23 =	vperm.xlane v19, v12  }
0x75d: {  	[tilespmem:s4], [sflag:$0x3] =	stream.indirect_vreg.gather [hbm4b:s29+s28], $0x80, v20, vm0, $0xb8;
	[tilespmem:$0x18A00] =	vst v63  }
0x75e: {  	s2 =	simm.s32 $0x17980;
	v20 =	vadd.s32 v5, v23;
	v23 =	vperm.xlane v19, v13  }
0x75f: {  	[tilespmem:s2], [sflag:$0x3] =	stream.indirect_vreg.gather [hbm4b:s29+s28], $0x80, v21, vm0, $0xb8;
	[tilespmem:$0x18A00] =	vst v63  }
0x760: {  	s4 =	simm.s32 $0x17A00;
	v21 =	vadd.s32 v5, v23;
	v23 =	vperm.xlane v19, v14  }
0x761: {  	[tilespmem:s4], [sflag:$0x3] =	stream.indirect_vreg.gather [hbm4b:s29+s28], $0x80, v22, vm0, $0xb8;
	[tilespmem:$0x18A00] =	vst v63  }
0x762: {  	s2 =	simm.s32 $0x17A80;
	v22 =	vadd.s32 v5, v23;
	v23 =	vperm.xlane v19, v15  }
0x763: {  	[tilespmem:s2], [sflag:$0x3] =	stream.indirect_vreg.gather [hbm4b:s29+s28], $0x80, v20, vm0, $0xb8;
	[tilespmem:$0x18A00] =	vst v63  }
0x764: {  	s4 =	simm.s32 $0x17B00;
	v20 =	vadd.s32 v5, v23;
	v23 =	vperm.xlane v19, v16  }
0x765: {  	[tilespmem:s4], [sflag:$0x3] =	stream.indirect_vreg.gather [hbm4b:s29+s28], $0x80, v21, vm0, $0xb8;
	[tilespmem:$0x18A00] =	vst v63  }
0x766: {  	s2 =	simm.s32 $0x17B80;
	v21 =	vadd.s32 v5, v23;
	v23 =	vperm.xlane v19, v17  }
0x767: {  	[tilespmem:s2], [sflag:$0x3] =	stream.indirect_vreg.gather [hbm4b:s29+s28], $0x80, v22, vm0, $0xb8;
	[tilespmem:$0x18A00] =	vst v63  }
0x768: {  	v19 =	vperm.xlane v19, v18;
	s4 =	simm.s32 $0x17C00;
	v22 =	vadd.s32 v5, v23  }
0x769: {  	[tilespmem:s4], [sflag:$0x3] =	stream.indirect_vreg.gather [hbm4b:s29+s28], $0x80, v20, vm0, $0xb8;
	[tilespmem:$0x18A00] =	vst v63  }
0x76a: {  	v19 =	vadd.s32 v5, v19;
	s2 =	simm.s32 $0x17C80  }
0x76b: {  	[tilespmem:s2], [sflag:$0x3] =	stream.indirect_vreg.gather [hbm4b:s29+s28], $0x80, v21, vm0, $0xb8;
	[tilespmem:$0x18A00] =	vst v63  }
0x76c: {  	s4 =	simm.s32 $0x17D00  }
0x76d: {  	[tilespmem:s4], [sflag:$0x3] =	stream.indirect_vreg.gather [hbm4b:s29+s28], $0x80, v22, vm0, $0xb8;
	[tilespmem:$0x18A00] =	vst v63  }
0x76e: {  	s2 =	simm.s32 $0x17D80  }
0x76f: {  	[tilespmem:s2], [sflag:$0x3] =	stream.indirect_vreg.gather [hbm4b:s29+s28], $0x80, v19, vm0, $0xb8;
	[tilespmem:$0x18A00] =	vst v63  }
0x770: {  	v19 =	vld [tilespmem:$0x4F0];
	_ =	sdelay $0x4  }
0x771: {  	v20 =	vshll.u32 v19, $0x2  }
0x772: {  	v19 =	vand.u32 $0x7, v19;
	v20 =	vand.u32 $0xFFFFFFE0, v20  }
0x773: {  	v19 =	vor.u32 v19, v20  }
0x774: {  	v20 =	vperm.xlane v19, v4;
	_ =	sdelay $0x1  }
0x775: {  	v21 =	vperm.xlane v19, v6;
	v20 =	vadd.s32 v5, v20;
	_ =	sdelay $0x1  }
0x776: {  	v22 =	vperm.xlane v19, v3;
	v21 =	vadd.s32 v5, v21;
	_ =	sdelay $0x1  }
0x777: {  	s4 =	simm.s32 $0x17E00;
	v23 =	vperm.xlane v19, v7;
	v22 =	vadd.s32 v5, v22  }
0x778: {  	[tilespmem:s4], [sflag:$0x3] =	stream.indirect_vreg.gather [hbm4b:s29+s28], $0x80, v20, vm0, $0xb8;
	[tilespmem:$0x18A00] =	vst v63  }
0x779: {  	s2 =	simm.s32 $0x17E80;
	v20 =	vadd.s32 v5, v23;
	v23 =	vperm.xlane v19, v8  }
0x77a: {  	[tilespmem:s2], [sflag:$0x3] =	stream.indirect_vreg.gather [hbm4b:s29+s28], $0x80, v21, vm0, $0xb8;
	[tilespmem:$0x18A00] =	vst v63  }
0x77b: {  	s4 =	simm.s32 $0x17F00;
	v21 =	vadd.s32 v5, v23;
	v23 =	vperm.xlane v19, v9  }
0x77c: {  	[tilespmem:s4], [sflag:$0x3] =	stream.indirect_vreg.gather [hbm4b:s29+s28], $0x80, v22, vm0, $0xb8;
	[tilespmem:$0x18A00] =	vst v63  }
0x77d: {  	s2 =	simm.s32 $0x17F80;
	v22 =	vadd.s32 v5, v23;
	v23 =	vperm.xlane v19, v10  }
0x77e: {  	[tilespmem:s2], [sflag:$0x3] =	stream.indirect_vreg.gather [hbm4b:s29+s28], $0x80, v20, vm0, $0xb8;
	[tilespmem:$0x18A00] =	vst v63  }
0x77f: {  	s4 =	simm.s32 $0x18000;
	v20 =	vadd.s32 v5, v23;
	v23 =	vperm.xlane v19, v2  }
0x780: {  	[tilespmem:s4], [sflag:$0x3] =	stream.indirect_vreg.gather [hbm4b:s29+s28], $0x80, v21, vm0, $0xb8;
	[tilespmem:$0x18A00] =	vst v63  }
0x781: {  	s2 =	simm.s32 $0x18080;
	v21 =	vadd.s32 v5, v23;
	v23 =	vperm.xlane v19, v11  }
0x782: {  	[tilespmem:s2], [sflag:$0x3] =	stream.indirect_vreg.gather [hbm4b:s29+s28], $0x80, v22, vm0, $0xb8;
	[tilespmem:$0x18A00] =	vst v63  }
0x783: {  	s4 =	simm.s32 $0x18100;
	v22 =	vadd.s32 v5, v23;
	v23 =	vperm.xlane v19, v12  }
0x784: {  	[tilespmem:s4], [sflag:$0x3] =	stream.indirect_vreg.gather [hbm4b:s29+s28], $0x80, v20, vm0, $0xb8;
	[tilespmem:$0x18A00] =	vst v63  }
0x785: {  	s2 =	simm.s32 $0x18180;
	v20 =	vadd.s32 v5, v23;
	v23 =	vperm.xlane v19, v13  }
0x786: {  	[tilespmem:s2], [sflag:$0x3] =	stream.indirect_vreg.gather [hbm4b:s29+s28], $0x80, v21, vm0, $0xb8;
	[tilespmem:$0x18A00] =	vst v63  }
0x787: {  	s4 =	simm.s32 $0x18200;
	v21 =	vadd.s32 v5, v23;
	v23 =	vperm.xlane v19, v14  }
0x788: {  	[tilespmem:s4], [sflag:$0x3] =	stream.indirect_vreg.gather [hbm4b:s29+s28], $0x80, v22, vm0, $0xb8;
	[tilespmem:$0x18A00] =	vst v63  }
0x789: {  	s2 =	simm.s32 $0x18280;
	v22 =	vadd.s32 v5, v23;
	v23 =	vperm.xlane v19, v15  }
0x78a: {  	[tilespmem:s2], [sflag:$0x3] =	stream.indirect_vreg.gather [hbm4b:s29+s28], $0x80, v20, vm0, $0xb8;
	[tilespmem:$0x18A00] =	vst v63  }
0x78b: {  	s4 =	simm.s32 $0x18300;
	v20 =	vadd.s32 v5, v23;
	v23 =	vperm.xlane v19, v16  }
0x78c: {  	[tilespmem:s4], [sflag:$0x3] =	stream.indirect_vreg.gather [hbm4b:s29+s28], $0x80, v21, vm0, $0xb8;
	[tilespmem:$0x18A00] =	vst v63  }
0x78d: {  	s2 =	simm.s32 $0x18380;
	v21 =	vadd.s32 v5, v23;
	v23 =	vperm.xlane v19, v17  }
0x78e: {  	[tilespmem:s2], [sflag:$0x3] =	stream.indirect_vreg.gather [hbm4b:s29+s28], $0x80, v22, vm0, $0xb8;
	[tilespmem:$0x18A00] =	vst v63  }
0x78f: {  	v19 =	vperm.xlane v19, v18;
	s4 =	simm.s32 $0x18400;
	v22 =	vadd.s32 v5, v23  }
0x790: {  	[tilespmem:s4], [sflag:$0x3] =	stream.indirect_vreg.gather [hbm4b:s29+s28], $0x80, v20, vm0, $0xb8;
	[tilespmem:$0x18A00] =	vst v63  }
0x791: {  	v19 =	vadd.s32 v5, v19;
	s2 =	simm.s32 $0x18480  }
0x792: {  	[tilespmem:s2], [sflag:$0x3] =	stream.indirect_vreg.gather [hbm4b:s29+s28], $0x80, v21, vm0, $0xb8;
	[tilespmem:$0x18A00] =	vst v63  }
0x793: {  	s4 =	simm.s32 $0x18500  }
0x794: {  	[tilespmem:s4], [sflag:$0x3] =	stream.indirect_vreg.gather [hbm4b:s29+s28], $0x80, v22, vm0, $0xb8;
	[tilespmem:$0x18A00] =	vst v63  }
0x795: {  	s2 =	simm.s32 $0x18580  }
0x796: {  	[tilespmem:s2], [sflag:$0x3] =	stream.indirect_vreg.gather [hbm4b:s29+s28], $0x80, v19, vm0, $0xb8;
	[tilespmem:$0x18A00] =	vst v63  }
0x797: {  	_ =	swait.ge [sflag:s23], $0x4000  }
0x798: {  	[sflag:s23] =	ssyncset.done $0x0  }
0x799: {  	[sflag:s23] =	ssyncadd.s32 $0xFFFFC000  }
0x79a: {  	_ =	swait.ge [sflag:s23], $0x4000  }
0x79b: {  	[sflag:s23] =	ssyncset.done $0x0  }
0x79c: {  	[sflag:s23] =	ssyncadd.s32 $0xFFFFC000  }
0x79d: {  	v19 =	vld [tilespmem:s6+$0x100];
	_ =	sdelay $0x4  }
0x79e: {  	(v2sf) =	vpush v19, $0x0;
	_ =	sdelay $0xe  }
0x79f: {  	v20 =	vmov s28;
	v19 =	vmul.u32 $0x80, v0;
	s4 =	spop (v2sf)  }
0x7a0: {  	v21 =	vshll.u32 v20, $0x7;
	s0 =	sand.u32 $0x7F, s4  }
0x7a1: {  	v21 =	vor.u32 v19, v21;
	v20 =	vmov s0  }
0x7a2: {  	v21 =	vor.u32 v20, v21;
	_ =	sdelay $0x3  }
0x7a3: {  	s29 =	simm.s32 $0x10  }
0x7a4: {  	v23 =	vld.idx.msk [tilespmem:v21+s14+$0x0], $0xffff;
	v21 =	vmov s29  }
0x7a5: {  	v21 =	vshll.u32 v21, $0x7  }
0x7a6: {  	v21 =	vor.u32 v19, v21  }
0x7a7: {  	v21 =	vor.u32 v20, v21;
	_ =	sdelay $0x1  }
0x7a8: {  	s2 =	sand.u32 $0x70, s28;
	s4 =	sand.u32 $0x200, s28  }
0x7a9: {  	s30 =	simm.s32 $0x20;
	s0 =	sor.u32 s2, s4  }
0x7aa: {  	s31 =	simm.s32 $0x30;
	v22 =	vmov s30;
	[tilespmem:s0+$0x18600] =	vst v23  }
.LBB2_8:
0x7ab: {  	p0 =	sne.s32 s31, $0xF0;
	v22 =	vshll.u32 v22, $0x7;
	v23 =	vld.idx.msk [tilespmem:v21+s14+$0x0], $0xffff  }
0x7ac: {  	v21 =	vor.u32 v19, v22  }
.Ltmp3:
0x7ad: {  	v21 =	vor.u32 v20, v21;
	(pc) =	sbr.rel @p0 .LBB2_8-.Ltmp3, $4  }
0x7ae: {  	s28 =	sadd.s32 $0x40, s28  }
0x7af: {  	s0 =	sand.u32 $0x70, s29;
	s29 =	smov.u32 s30;
	s4 =	sand.u32 $0x200, s28  }
0x7b0: {  	s30 =	smov.u32 s31;
	s0 =	sor.u32 s0, s4  }
0x7b1: {  	s31 =	sadd.s32 $0x10, s31;
	v22 =	vmov s30;
	[tilespmem:s0+$0x18600] =	vst v23  }
0x7b2: {  	_ =	sdelay $0x2  }
0x7b3: {  	v22 =	vshll.u32 v22, $0x7  }
0x7b4: {  	v21 =	vld.idx.msk [tilespmem:v21+s14+$0x0], $0xffff;
	v22 =	vor.u32 v19, v22  }
0x7b5: {  	v20 =	vor.u32 v20, v22  }
0x7b6: {  	s0 =	sadd.s32 $0x40, s28  }
0x7b7: {  	s4 =	sand.u32 $0x70, s29;
	s28 =	sand.u32 $0x200, s0  }
0x7b8: {  	s4 =	sor.u32 s4, s28  }
0x7b9: {  	[tilespmem:s4+$0x18600] =	vst v21  }
0x7ba: {  	v20 =	vld.idx.msk [tilespmem:v20+s14+$0x0], $0xffff;
	_ =	sdelay $0x1  }
0x7bb: {  	s0 =	sadd.s32 $0x40, s0  }
0x7bc: {  	s2 =	sand.u32 $0x70, s30;
	s0 =	sand.u32 $0x200, s0  }
0x7bd: {  	s0 =	sor.u32 s2, s0  }
0x7be: {  	[tilespmem:s0+$0x18600] =	vst v20  }
0x7bf: {  	v20 =	vld.msk [tilespmem:s9+$0x0 ss:$0x0], $0xffff  }
0x7c0: {  	s28 =	simm.s32 $0x0  }
0x7c1: {  	v21 =	vmov s28  }
0x7c2: {  	s30 =	sand.u32 $0x200, s28;
	v21 =	vshll.u32 v21, $0x9  }
0x7c3: {  	s31 =	sand.u32 $0x70, s28;
	v22 =	vor.u32 v1, v21;
	s0 =	sshrl.u32 s30, $0x2  }
0x7c4: {  	s29 =	simm.s32 $0x40;
	v21 =	vld [tilespmem:s9+$0x100];
	s0 =	sor.u32 s31, s0;
	v22 =	vadd.s32 v20, v22  }
.LBB2_10:
0x7c5: {  	p0 =	sne.s32 s29, $0x3C0  }
0x7c6: {  	[tilespmem:s0+$0x500] =	vst v22;
	s28 =	sadd.s32 $0x10, s28;
	s0 =	smov.u32 s29;
	s29 =	sadd.s32 $0x40, s29  }
.Ltmp4:
0x7c7: {  	(pc) =	sbr.rel @p0 .LBB2_10-.Ltmp4, $4  }
0x7c8: {  	v22 =	vmov s28  }
0x7c9: {  	s0 =	sand.u32 $0x200, s0;
	v22 =	vshll.u32 v22, $0x9  }
0x7ca: {  	s4 =	sand.u32 $0x70, s28;
	s0 =	sshrl.u32 s0, $0x2;
	v22 =	vor.u32 v1, v22  }
0x7cb: {  	s0 =	sor.u32 s4, s0;
	v22 =	vadd.s32 v20, v22  }
0x7cc: {  	(v2sf) =	vpush v21, $0x0;
	_ =	sdelay $0x1  }
0x7cd: {  	[tilespmem:s0+$0x500] =	vst v22  }
0x7ce: {  	v20 =	vld [tilespmem:$0x500];
	_ =	sdelay $0x4  }
0x7cf: {  	v21 =	vshll.u32 v20, $0x2  }
0x7d0: {  	v20 =	vand.u32 $0x7, v20;
	v21 =	vand.u32 $0xFFFFFFE0, v21  }
0x7d1: {  	v20 =	vor.u32 v20, v21  }
0x7d2: {  	v21 =	vperm.xlane v20, v4;
	_ =	sdelay $0x1  }
0x7d3: {  	v22 =	vperm.xlane v20, v6;
	v21 =	vadd.s32 v5, v21;
	_ =	sdelay $0x1  }
0x7d4: {  	v23 =	vperm.xlane v20, v3;
	v22 =	vadd.s32 v5, v22;
	s2 =	spop (v2sf)  }
0x7d5: {  	s0 =	sand.u32 $0xFFFFF80, s2  }
0x7d6: {  	s28 =	simm.s32 $0x0;
	v24 =	vperm.xlane v20, v7;
	v23 =	vadd.s32 v5, v23;
	s29 =	sadd.s32 s1, s0  }
0x7d7: {  	[tilespmem:s14], [sflag:$0x1] =	stream.indirect_vreg.gather [hbm4b:s29+s28], $0x80, v21, vm0, $0xb8;
	[tilespmem:$0x18A00] =	vst v63  }
0x7d8: {  	s4 =	simm.s32 $0x680;
	v53 =	vperm.xlane v20, v8;
	v21 =	vadd.s32 v5, v24  }
0x7d9: {  	[tilespmem:s4], [sflag:$0x1] =	stream.indirect_vreg.gather [hbm4b:s29+s28], $0x80, v22, vm0, $0xb8;
	[tilespmem:$0x18A00] =	vst v63  }
0x7da: {  	v54 =	vperm.xlane v20, v9;
	s2 =	simm.s32 $0x700;
	v22 =	vadd.s32 v5, v53  }
0x7db: {  	[tilespmem:s2], [sflag:$0x1] =	stream.indirect_vreg.gather [hbm4b:s29+s28], $0x80, v23, vm0, $0xb8;
	[tilespmem:$0x18A00] =	vst v63  }
0x7dc: {  	v55 =	vperm.xlane v20, v10;
	s4 =	simm.s32 $0x780;
	v23 =	vadd.s32 v5, v54  }
0x7dd: {  	[tilespmem:s4], [sflag:$0x1] =	stream.indirect_vreg.gather [hbm4b:s29+s28], $0x80, v21, vm0, $0xb8;
	[tilespmem:$0x18A00] =	vst v63  }
0x7de: {  	v56 =	vperm.xlane v20, v2;
	s2 =	simm.s32 $0x800;
	v21 =	vadd.s32 v5, v55  }
0x7df: {  	[tilespmem:s2], [sflag:$0x1] =	stream.indirect_vreg.gather [hbm4b:s29+s28], $0x80, v22, vm0, $0xb8;
	[tilespmem:$0x18A00] =	vst v63  }
0x7e0: {  	v57 =	vperm.xlane v20, v11;
	s4 =	simm.s32 $0x880;
	v22 =	vadd.s32 v5, v56  }
0x7e1: {  	[tilespmem:s4], [sflag:$0x1] =	stream.indirect_vreg.gather [hbm4b:s29+s28], $0x80, v23, vm0, $0xb8;
	[tilespmem:$0x18A00] =	vst v63  }
0x7e2: {  	v58 =	vperm.xlane v20, v12;
	s2 =	simm.s32 $0x900;
	v23 =	vadd.s32 v5, v57  }
0x7e3: {  	[tilespmem:s2], [sflag:$0x1] =	stream.indirect_vreg.gather [hbm4b:s29+s28], $0x80, v21, vm0, $0xb8;
	[tilespmem:$0x18A00] =	vst v63  }
0x7e4: {  	v59 =	vperm.xlane v20, v13;
	s4 =	simm.s32 $0x980;
	v21 =	vadd.s32 v5, v58  }
0x7e5: {  	[tilespmem:s4], [sflag:$0x1] =	stream.indirect_vreg.gather [hbm4b:s29+s28], $0x80, v22, vm0, $0xb8;
	[tilespmem:$0x18A00] =	vst v63  }
0x7e6: {  	v60 =	vperm.xlane v20, v14;
	s2 =	simm.s32 $0xA00;
	v22 =	vadd.s32 v5, v59  }
0x7e7: {  	[tilespmem:s2], [sflag:$0x1] =	stream.indirect_vreg.gather [hbm4b:s29+s28], $0x80, v23, vm0, $0xb8;
	[tilespmem:$0x18A00] =	vst v63  }
0x7e8: {  	v61 =	vperm.xlane v20, v15;
	s4 =	simm.s32 $0xA80;
	v23 =	vadd.s32 v5, v60  }
0x7e9: {  	[tilespmem:s4], [sflag:$0x1] =	stream.indirect_vreg.gather [hbm4b:s29+s28], $0x80, v21, vm0, $0xb8;
	[tilespmem:$0x18A00] =	vst v63  }
0x7ea: {  	v62 =	vperm.xlane v20, v16;
	s2 =	simm.s32 $0xB00;
	v21 =	vadd.s32 v5, v61  }
0x7eb: {  	[tilespmem:s2], [sflag:$0x1] =	stream.indirect_vreg.gather [hbm4b:s29+s28], $0x80, v22, vm0, $0xb8;
	[tilespmem:$0x18A00] =	vst v63  }
0x7ec: {  	v63 =	vperm.xlane v20, v17;
	s4 =	simm.s32 $0xB80;
	v22 =	vadd.s32 v5, v62  }
0x7ed: {  	[tilespmem:s4], [sflag:$0x1] =	stream.indirect_vreg.gather [hbm4b:s29+s28], $0x80, v23, vm0, $0xb8;
	[tilespmem:$0x18A00] =	vst v63  }
0x7ee: {  	v20 =	vperm.xlane v20, v18;
	s2 =	simm.s32 $0xC00;
	v23 =	vadd.s32 v5, v63  }
0x7ef: {  	[tilespmem:s2], [sflag:$0x1] =	stream.indirect_vreg.gather [hbm4b:s29+s28], $0x80, v21, vm0, $0xb8;
	[tilespmem:$0x18A00] =	vst v63  }
0x7f0: {  	v20 =	vadd.s32 v5, v20;
	s4 =	simm.s32 $0xC80  }
0x7f1: {  	[tilespmem:s4], [sflag:$0x1] =	stream.indirect_vreg.gather [hbm4b:s29+s28], $0x80, v22, vm0, $0xb8;
	[tilespmem:$0x18A00] =	vst v63  }
0x7f2: {  	s2 =	simm.s32 $0xD00  }
0x7f3: {  	[tilespmem:s2], [sflag:$0x1] =	stream.indirect_vreg.gather [hbm4b:s29+s28], $0x80, v23, vm0, $0xb8;
	[tilespmem:$0x18A00] =	vst v63  }
0x7f4: {  	s4 =	simm.s32 $0xD80  }
0x7f5: {  	[tilespmem:s4], [sflag:$0x1] =	stream.indirect_vreg.gather [hbm4b:s29+s28], $0x80, v20, vm0, $0xb8;
	[tilespmem:$0x18A00] =	vst v63  }
0x7f6: {  	v20 =	vld [tilespmem:$0x510];
	_ =	sdelay $0x4  }
0x7f7: {  	v21 =	vshll.u32 v20, $0x2  }
0x7f8: {  	v20 =	vand.u32 $0x7, v20;
	v21 =	vand.u32 $0xFFFFFFE0, v21  }
0x7f9: {  	v20 =	vor.u32 v20, v21  }
0x7fa: {  	v21 =	vperm.xlane v20, v4;
	_ =	sdelay $0x1  }
0x7fb: {  	v22 =	vperm.xlane v20, v6;
	v21 =	vadd.s32 v5, v21;
	_ =	sdelay $0x1  }
0x7fc: {  	v23 =	vperm.xlane v20, v3;
	v22 =	vadd.s32 v5, v22;
	_ =	sdelay $0x1  }
0x7fd: {  	s2 =	simm.s32 $0xE00;
	v28 =	vperm.xlane v20, v7;
	v23 =	vadd.s32 v5, v23  }
0x7fe: {  	[tilespmem:s2], [sflag:$0x1] =	stream.indirect_vreg.gather [hbm4b:s29+s28], $0x80, v21, vm0, $0xb8;
	[tilespmem:$0x18A00] =	vst v63  }
0x7ff: {  	s4 =	simm.s32 $0xE80;
	v29 =	vperm.xlane v20, v8;
	v21 =	vadd.s32 v5, v28  }
0x800: {  	[tilespmem:s4], [sflag:$0x1] =	stream.indirect_vreg.gather [hbm4b:s29+s28], $0x80, v22, vm0, $0xb8;
	[tilespmem:$0x18A00] =	vst v63  }
0x801: {  	v30 =	vperm.xlane v20, v9;
	s2 =	simm.s32 $0xF00;
	v22 =	vadd.s32 v5, v29  }
0x802: {  	[tilespmem:s2], [sflag:$0x1] =	stream.indirect_vreg.gather [hbm4b:s29+s28], $0x80, v23, vm0, $0xb8;
	[tilespmem:$0x18A00] =	vst v63  }
0x803: {  	v31 =	vperm.xlane v20, v10;
	s4 =	simm.s32 $0xF80;
	v23 =	vadd.s32 v5, v30  }
0x804: {  	[tilespmem:s4], [sflag:$0x1] =	stream.indirect_vreg.gather [hbm4b:s29+s28], $0x80, v21, vm0, $0xb8;
	[tilespmem:$0x18A00] =	vst v63  }
0x805: {  	v32 =	vperm.xlane v20, v2;
	s2 =	simm.s32 $0x1000;
	v21 =	vadd.s32 v5, v31  }
0x806: {  	[tilespmem:s2], [sflag:$0x1] =	stream.indirect_vreg.gather [hbm4b:s29+s28], $0x80, v22, vm0, $0xb8;
	[tilespmem:$0x18A00] =	vst v63  }
0x807: {  	v33 =	vperm.xlane v20, v11;
	s4 =	simm.s32 $0x1080;
	v22 =	vadd.s32 v5, v32  }
0x808: {  	[tilespmem:s4], [sflag:$0x1] =	stream.indirect_vreg.gather [hbm4b:s29+s28], $0x80, v23, vm0, $0xb8;
	[tilespmem:$0x18A00] =	vst v63  }
0x809: {  	v34 =	vperm.xlane v20, v12;
	s2 =	simm.s32 $0x1100;
	v23 =	vadd.s32 v5, v33  }
0x80a: {  	[tilespmem:s2], [sflag:$0x1] =	stream.indirect_vreg.gather [hbm4b:s29+s28], $0x80, v21, vm0, $0xb8;
	[tilespmem:$0x18A00] =	vst v63  }
0x80b: {  	v35 =	vperm.xlane v20, v13;
	s4 =	simm.s32 $0x1180;
	v21 =	vadd.s32 v5, v34  }
0x80c: {  	[tilespmem:s4], [sflag:$0x1] =	stream.indirect_vreg.gather [hbm4b:s29+s28], $0x80, v22, vm0, $0xb8;
	[tilespmem:$0x18A00] =	vst v63  }
0x80d: {  	v36 =	vperm.xlane v20, v14;
	s2 =	simm.s32 $0x1200;
	v22 =	vadd.s32 v5, v35  }
0x80e: {  	[tilespmem:s2], [sflag:$0x1] =	stream.indirect_vreg.gather [hbm4b:s29+s28], $0x80, v23, vm0, $0xb8;
	[tilespmem:$0x18A00] =	vst v63  }
0x80f: {  	v37 =	vperm.xlane v20, v15;
	s4 =	simm.s32 $0x1280;
	v23 =	vadd.s32 v5, v36  }
0x810: {  	[tilespmem:s4], [sflag:$0x1] =	stream.indirect_vreg.gather [hbm4b:s29+s28], $0x80, v21, vm0, $0xb8;
	[tilespmem:$0x18A00] =	vst v63  }
0x811: {  	v38 =	vperm.xlane v20, v16;
	s2 =	simm.s32 $0x1300;
	v21 =	vadd.s32 v5, v37  }
0x812: {  	[tilespmem:s2], [sflag:$0x1] =	stream.indirect_vreg.gather [hbm4b:s29+s28], $0x80, v22, vm0, $0xb8;
	[tilespmem:$0x18A00] =	vst v63  }
0x813: {  	v39 =	vperm.xlane v20, v17;
	s4 =	simm.s32 $0x1380;
	v22 =	vadd.s32 v5, v38  }
0x814: {  	[tilespmem:s4], [sflag:$0x1] =	stream.indirect_vreg.gather [hbm4b:s29+s28], $0x80, v23, vm0, $0xb8;
	[tilespmem:$0x18A00] =	vst v63  }
0x815: {  	v20 =	vperm.xlane v20, v18;
	s2 =	simm.s32 $0x1400;
	v23 =	vadd.s32 v5, v39  }
0x816: {  	[tilespmem:s2], [sflag:$0x1] =	stream.indirect_vreg.gather [hbm4b:s29+s28], $0x80, v21, vm0, $0xb8;
	[tilespmem:$0x18A00] =	vst v63  }
0x817: {  	v20 =	vadd.s32 v5, v20;
	s4 =	simm.s32 $0x1480  }
0x818: {  	[tilespmem:s4], [sflag:$0x1] =	stream.indirect_vreg.gather [hbm4b:s29+s28], $0x80, v22, vm0, $0xb8;
	[tilespmem:$0x18A00] =	vst v63  }
0x819: {  	s2 =	simm.s32 $0x1500  }
0x81a: {  	[tilespmem:s2], [sflag:$0x1] =	stream.indirect_vreg.gather [hbm4b:s29+s28], $0x80, v23, vm0, $0xb8;
	[tilespmem:$0x18A00] =	vst v63  }
0x81b: {  	s4 =	simm.s32 $0x1580  }
0x81c: {  	[tilespmem:s4], [sflag:$0x1] =	stream.indirect_vreg.gather [hbm4b:s29+s28], $0x80, v20, vm0, $0xb8;
	[tilespmem:$0x18A00] =	vst v63  }
0x81d: {  	v20 =	vld [tilespmem:$0x520];
	_ =	sdelay $0x4  }
0x81e: {  	v21 =	vshll.u32 v20, $0x2  }
0x81f: {  	v20 =	vand.u32 $0x7, v20;
	v21 =	vand.u32 $0xFFFFFFE0, v21  }
0x820: {  	v20 =	vor.u32 v20, v21  }
0x821: {  	v21 =	vperm.xlane v20, v4;
	_ =	sdelay $0x1  }
0x822: {  	v22 =	vperm.xlane v20, v6;
	v21 =	vadd.s32 v5, v21;
	_ =	sdelay $0x1  }
0x823: {  	v23 =	vperm.xlane v20, v3;
	v22 =	vadd.s32 v5, v22;
	_ =	sdelay $0x1  }
0x824: {  	s2 =	simm.s32 $0x1600;
	v40 =	vperm.xlane v20, v7;
	v23 =	vadd.s32 v5, v23  }
0x825: {  	[tilespmem:s2], [sflag:$0x1] =	stream.indirect_vreg.gather [hbm4b:s29+s28], $0x80, v21, vm0, $0xb8;
	[tilespmem:$0x18A00] =	vst v63  }
0x826: {  	s4 =	simm.s32 $0x1680;
	v41 =	vperm.xlane v20, v8;
	v21 =	vadd.s32 v5, v40  }
0x827: {  	[tilespmem:s4], [sflag:$0x1] =	stream.indirect_vreg.gather [hbm4b:s29+s28], $0x80, v22, vm0, $0xb8;
	[tilespmem:$0x18A00] =	vst v63  }
0x828: {  	v42 =	vperm.xlane v20, v9;
	s2 =	simm.s32 $0x1700;
	v22 =	vadd.s32 v5, v41  }
0x829: {  	[tilespmem:s2], [sflag:$0x1] =	stream.indirect_vreg.gather [hbm4b:s29+s28], $0x80, v23, vm0, $0xb8;
	[tilespmem:$0x18A00] =	vst v63  }
0x82a: {  	v43 =	vperm.xlane v20, v10;
	s4 =	simm.s32 $0x1780;
	v23 =	vadd.s32 v5, v42  }
0x82b: {  	[tilespmem:s4], [sflag:$0x1] =	stream.indirect_vreg.gather [hbm4b:s29+s28], $0x80, v21, vm0, $0xb8;
	[tilespmem:$0x18A00] =	vst v63  }
0x82c: {  	v44 =	vperm.xlane v20, v2;
	s2 =	simm.s32 $0x1800;
	v21 =	vadd.s32 v5, v43  }
0x82d: {  	[tilespmem:s2], [sflag:$0x1] =	stream.indirect_vreg.gather [hbm4b:s29+s28], $0x80, v22, vm0, $0xb8;
	[tilespmem:$0x18A00] =	vst v63  }
0x82e: {  	v45 =	vperm.xlane v20, v11;
	s4 =	simm.s32 $0x1880;
	v22 =	vadd.s32 v5, v44  }
0x82f: {  	[tilespmem:s4], [sflag:$0x1] =	stream.indirect_vreg.gather [hbm4b:s29+s28], $0x80, v23, vm0, $0xb8;
	[tilespmem:$0x18A00] =	vst v63  }
0x830: {  	v46 =	vperm.xlane v20, v12;
	s2 =	simm.s32 $0x1900;
	v23 =	vadd.s32 v5, v45  }
0x831: {  	[tilespmem:s2], [sflag:$0x1] =	stream.indirect_vreg.gather [hbm4b:s29+s28], $0x80, v21, vm0, $0xb8;
	[tilespmem:$0x18A00] =	vst v63  }
0x832: {  	v47 =	vperm.xlane v20, v13;
	s4 =	simm.s32 $0x1980;
	v21 =	vadd.s32 v5, v46  }
0x833: {  	[tilespmem:s4], [sflag:$0x1] =	stream.indirect_vreg.gather [hbm4b:s29+s28], $0x80, v22, vm0, $0xb8;
	[tilespmem:$0x18A00] =	vst v63  }
0x834: {  	v48 =	vperm.xlane v20, v14;
	s2 =	simm.s32 $0x1A00;
	v22 =	vadd.s32 v5, v47  }
0x835: {  	[tilespmem:s2], [sflag:$0x1] =	stream.indirect_vreg.gather [hbm4b:s29+s28], $0x80, v23, vm0, $0xb8;
	[tilespmem:$0x18A00] =	vst v63  }
0x836: {  	v49 =	vperm.xlane v20, v15;
	s4 =	simm.s32 $0x1A80;
	v23 =	vadd.s32 v5, v48  }
0x837: {  	[tilespmem:s4], [sflag:$0x1] =	stream.indirect_vreg.gather [hbm4b:s29+s28], $0x80, v21, vm0, $0xb8;
	[tilespmem:$0x18A00] =	vst v63  }
0x838: {  	v50 =	vperm.xlane v20, v16;
	s2 =	simm.s32 $0x1B00;
	v21 =	vadd.s32 v5, v49  }
0x839: {  	[tilespmem:s2], [sflag:$0x1] =	stream.indirect_vreg.gather [hbm4b:s29+s28], $0x80, v22, vm0, $0xb8;
	[tilespmem:$0x18A00] =	vst v63  }
0x83a: {  	v51 =	vperm.xlane v20, v17;
	s4 =	simm.s32 $0x1B80;
	v22 =	vadd.s32 v5, v50  }
0x83b: {  	[tilespmem:s4], [sflag:$0x1] =	stream.indirect_vreg.gather [hbm4b:s29+s28], $0x80, v23, vm0, $0xb8;
	[tilespmem:$0x18A00] =	vst v63  }
0x83c: {  	v20 =	vperm.xlane v20, v18;
	s2 =	simm.s32 $0x1C00;
	v23 =	vadd.s32 v5, v51  }
0x83d: {  	[tilespmem:s2], [sflag:$0x1] =	stream.indirect_vreg.gather [hbm4b:s29+s28], $0x80, v21, vm0, $0xb8;
	[tilespmem:$0x18A00] =	vst v63  }
0x83e: {  	v20 =	vadd.s32 v5, v20;
	s4 =	simm.s32 $0x1C80  }
0x83f: {  	[tilespmem:s4], [sflag:$0x1] =	stream.indirect_vreg.gather [hbm4b:s29+s28], $0x80, v22, vm0, $0xb8;
	[tilespmem:$0x18A00] =	vst v63  }
0x840: {  	s2 =	simm.s32 $0x1D00  }
0x841: {  	[tilespmem:s2], [sflag:$0x1] =	stream.indirect_vreg.gather [hbm4b:s29+s28], $0x80, v23, vm0, $0xb8;
	[tilespmem:$0x18A00] =	vst v63  }
0x842: {  	s4 =	simm.s32 $0x1D80  }
0x843: {  	[tilespmem:s4], [sflag:$0x1] =	stream.indirect_vreg.gather [hbm4b:s29+s28], $0x80, v20, vm0, $0xb8;
	[tilespmem:$0x18A00] =	vst v63  }
0x844: {  	v20 =	vld [tilespmem:$0x530];
	_ =	sdelay $0x4  }
0x845: {  	v21 =	vshll.u32 v20, $0x2  }
0x846: {  	v20 =	vand.u32 $0x7, v20;
	v21 =	vand.u32 $0xFFFFFFE0, v21  }
0x847: {  	v20 =	vor.u32 v20, v21  }
0x848: {  	v21 =	vperm.xlane v20, v4;
	_ =	sdelay $0x1  }
0x849: {  	v22 =	vperm.xlane v20, v6;
	v21 =	vadd.s32 v5, v21;
	_ =	sdelay $0x1  }
0x84a: {  	v23 =	vperm.xlane v20, v3;
	v22 =	vadd.s32 v5, v22;
	_ =	sdelay $0x1  }
0x84b: {  	s2 =	simm.s32 $0x1E00;
	v52 =	vperm.xlane v20, v7;
	v23 =	vadd.s32 v5, v23  }
0x84c: {  	[tilespmem:s2], [sflag:$0x1] =	stream.indirect_vreg.gather [hbm4b:s29+s28], $0x80, v21, vm0, $0xb8;
	[tilespmem:$0x18A00] =	vst v63  }
0x84d: {  	s4 =	simm.s32 $0x1E80;
	v53 =	vperm.xlane v20, v8;
	v21 =	vadd.s32 v5, v52  }
0x84e: {  	[tilespmem:s4], [sflag:$0x1] =	stream.indirect_vreg.gather [hbm4b:s29+s28], $0x80, v22, vm0, $0xb8;
	[tilespmem:$0x18A00] =	vst v63  }
0x84f: {  	v54 =	vperm.xlane v20, v9;
	s2 =	simm.s32 $0x1F00;
	v22 =	vadd.s32 v5, v53  }
0x850: {  	[tilespmem:s2], [sflag:$0x1] =	stream.indirect_vreg.gather [hbm4b:s29+s28], $0x80, v23, vm0, $0xb8;
	[tilespmem:$0x18A00] =	vst v63  }
0x851: {  	v55 =	vperm.xlane v20, v10;
	s4 =	simm.s32 $0x1F80;
	v23 =	vadd.s32 v5, v54  }
0x852: {  	[tilespmem:s4], [sflag:$0x1] =	stream.indirect_vreg.gather [hbm4b:s29+s28], $0x80, v21, vm0, $0xb8;
	[tilespmem:$0x18A00] =	vst v63  }
0x853: {  	v56 =	vperm.xlane v20, v2;
	s2 =	simm.s32 $0x2000;
	v21 =	vadd.s32 v5, v55  }
0x854: {  	[tilespmem:s2], [sflag:$0x1] =	stream.indirect_vreg.gather [hbm4b:s29+s28], $0x80, v22, vm0, $0xb8;
	[tilespmem:$0x18A00] =	vst v63  }
0x855: {  	v57 =	vperm.xlane v20, v11;
	s4 =	simm.s32 $0x2080;
	v22 =	vadd.s32 v5, v56  }
0x856: {  	[tilespmem:s4], [sflag:$0x1] =	stream.indirect_vreg.gather [hbm4b:s29+s28], $0x80, v23, vm0, $0xb8;
	[tilespmem:$0x18A00] =	vst v63  }
0x857: {  	v58 =	vperm.xlane v20, v12;
	s2 =	simm.s32 $0x2100;
	v23 =	vadd.s32 v5, v57  }
0x858: {  	[tilespmem:s2], [sflag:$0x1] =	stream.indirect_vreg.gather [hbm4b:s29+s28], $0x80, v21, vm0, $0xb8;
	[tilespmem:$0x18A00] =	vst v63  }
0x859: {  	v59 =	vperm.xlane v20, v13;
	s4 =	simm.s32 $0x2180;
	v21 =	vadd.s32 v5, v58  }
0x85a: {  	[tilespmem:s4], [sflag:$0x1] =	stream.indirect_vreg.gather [hbm4b:s29+s28], $0x80, v22, vm0, $0xb8;
	[tilespmem:$0x18A00] =	vst v63  }
0x85b: {  	v60 =	vperm.xlane v20, v14;
	s2 =	simm.s32 $0x2200;
	v22 =	vadd.s32 v5, v59  }
0x85c: {  	[tilespmem:s2], [sflag:$0x1] =	stream.indirect_vreg.gather [hbm4b:s29+s28], $0x80, v23, vm0, $0xb8;
	[tilespmem:$0x18A00] =	vst v63  }
0x85d: {  	v61 =	vperm.xlane v20, v15;
	s4 =	simm.s32 $0x2280;
	v23 =	vadd.s32 v5, v60  }
0x85e: {  	[tilespmem:s4], [sflag:$0x1] =	stream.indirect_vreg.gather [hbm4b:s29+s28], $0x80, v21, vm0, $0xb8;
	[tilespmem:$0x18A00] =	vst v63  }
0x85f: {  	v62 =	vperm.xlane v20, v16;
	s2 =	simm.s32 $0x2300;
	v21 =	vadd.s32 v5, v61  }
0x860: {  	[tilespmem:s2], [sflag:$0x1] =	stream.indirect_vreg.gather [hbm4b:s29+s28], $0x80, v22, vm0, $0xb8;
	[tilespmem:$0x18A00] =	vst v63  }
0x861: {  	v63 =	vperm.xlane v20, v17;
	s4 =	simm.s32 $0x2380;
	v22 =	vadd.s32 v5, v62  }
0x862: {  	[tilespmem:s4], [sflag:$0x1] =	stream.indirect_vreg.gather [hbm4b:s29+s28], $0x80, v23, vm0, $0xb8;
	[tilespmem:$0x18A00] =	vst v63  }
0x863: {  	v20 =	vperm.xlane v20, v18;
	s2 =	simm.s32 $0x2400;
	v23 =	vadd.s32 v5, v63  }
0x864: {  	[tilespmem:s2], [sflag:$0x1] =	stream.indirect_vreg.gather [hbm4b:s29+s28], $0x80, v21, vm0, $0xb8;
	[tilespmem:$0x18A00] =	vst v63  }
0x865: {  	v20 =	vadd.s32 v5, v20;
	s4 =	simm.s32 $0x2480  }
0x866: {  	[tilespmem:s4], [sflag:$0x1] =	stream.indirect_vreg.gather [hbm4b:s29+s28], $0x80, v22, vm0, $0xb8;
	[tilespmem:$0x18A00] =	vst v63  }
0x867: {  	s2 =	simm.s32 $0x2500  }
0x868: {  	[tilespmem:s2], [sflag:$0x1] =	stream.indirect_vreg.gather [hbm4b:s29+s28], $0x80, v23, vm0, $0xb8;
	[tilespmem:$0x18A00] =	vst v63  }
0x869: {  	s4 =	simm.s32 $0x2580  }
0x86a: {  	[tilespmem:s4], [sflag:$0x1] =	stream.indirect_vreg.gather [hbm4b:s29+s28], $0x80, v20, vm0, $0xb8;
	[tilespmem:$0x18A00] =	vst v63  }
0x86b: {  	v20 =	vld [tilespmem:$0x540];
	_ =	sdelay $0x4  }
0x86c: {  	v21 =	vshll.u32 v20, $0x2  }
0x86d: {  	v20 =	vand.u32 $0x7, v20;
	v21 =	vand.u32 $0xFFFFFFE0, v21  }
0x86e: {  	v20 =	vor.u32 v20, v21  }
0x86f: {  	v21 =	vperm.xlane v20, v4;
	_ =	sdelay $0x1  }
0x870: {  	v22 =	vperm.xlane v20, v6;
	v21 =	vadd.s32 v5, v21;
	_ =	sdelay $0x1  }
0x871: {  	v23 =	vperm.xlane v20, v3;
	v22 =	vadd.s32 v5, v22;
	_ =	sdelay $0x1  }
0x872: {  	s2 =	simm.s32 $0x2600;
	v28 =	vperm.xlane v20, v7;
	v23 =	vadd.s32 v5, v23  }
0x873: {  	[tilespmem:s2], [sflag:$0x1] =	stream.indirect_vreg.gather [hbm4b:s29+s28], $0x80, v21, vm0, $0xb8;
	[tilespmem:$0x18A00] =	vst v63  }
0x874: {  	s4 =	simm.s32 $0x2680;
	v29 =	vperm.xlane v20, v8;
	v21 =	vadd.s32 v5, v28  }
0x875: {  	[tilespmem:s4], [sflag:$0x1] =	stream.indirect_vreg.gather [hbm4b:s29+s28], $0x80, v22, vm0, $0xb8;
	[tilespmem:$0x18A00] =	vst v63  }
0x876: {  	v30 =	vperm.xlane v20, v9;
	s2 =	simm.s32 $0x2700;
	v22 =	vadd.s32 v5, v29  }
0x877: {  	[tilespmem:s2], [sflag:$0x1] =	stream.indirect_vreg.gather [hbm4b:s29+s28], $0x80, v23, vm0, $0xb8;
	[tilespmem:$0x18A00] =	vst v63  }
0x878: {  	v31 =	vperm.xlane v20, v10;
	s4 =	simm.s32 $0x2780;
	v23 =	vadd.s32 v5, v30  }
0x879: {  	[tilespmem:s4], [sflag:$0x1] =	stream.indirect_vreg.gather [hbm4b:s29+s28], $0x80, v21, vm0, $0xb8;
	[tilespmem:$0x18A00] =	vst v63  }
0x87a: {  	v32 =	vperm.xlane v20, v2;
	s2 =	simm.s32 $0x2800;
	v21 =	vadd.s32 v5, v31  }
0x87b: {  	[tilespmem:s2], [sflag:$0x1] =	stream.indirect_vreg.gather [hbm4b:s29+s28], $0x80, v22, vm0, $0xb8;
	[tilespmem:$0x18A00] =	vst v63  }
0x87c: {  	v33 =	vperm.xlane v20, v11;
	s4 =	simm.s32 $0x2880;
	v22 =	vadd.s32 v5, v32  }
0x87d: {  	[tilespmem:s4], [sflag:$0x1] =	stream.indirect_vreg.gather [hbm4b:s29+s28], $0x80, v23, vm0, $0xb8;
	[tilespmem:$0x18A00] =	vst v63  }
0x87e: {  	v34 =	vperm.xlane v20, v12;
	s2 =	simm.s32 $0x2900;
	v23 =	vadd.s32 v5, v33  }
0x87f: {  	[tilespmem:s2], [sflag:$0x1] =	stream.indirect_vreg.gather [hbm4b:s29+s28], $0x80, v21, vm0, $0xb8;
	[tilespmem:$0x18A00] =	vst v63  }
0x880: {  	v35 =	vperm.xlane v20, v13;
	s4 =	simm.s32 $0x2980;
	v21 =	vadd.s32 v5, v34  }
0x881: {  	[tilespmem:s4], [sflag:$0x1] =	stream.indirect_vreg.gather [hbm4b:s29+s28], $0x80, v22, vm0, $0xb8;
	[tilespmem:$0x18A00] =	vst v63  }
0x882: {  	v36 =	vperm.xlane v20, v14;
	s2 =	simm.s32 $0x2A00;
	v22 =	vadd.s32 v5, v35  }
0x883: {  	[tilespmem:s2], [sflag:$0x1] =	stream.indirect_vreg.gather [hbm4b:s29+s28], $0x80, v23, vm0, $0xb8;
	[tilespmem:$0x18A00] =	vst v63  }
0x884: {  	v37 =	vperm.xlane v20, v15;
	s4 =	simm.s32 $0x2A80;
	v23 =	vadd.s32 v5, v36  }
0x885: {  	[tilespmem:s4], [sflag:$0x1] =	stream.indirect_vreg.gather [hbm4b:s29+s28], $0x80, v21, vm0, $0xb8;
	[tilespmem:$0x18A00] =	vst v63  }
0x886: {  	v38 =	vperm.xlane v20, v16;
	s2 =	simm.s32 $0x2B00;
	v21 =	vadd.s32 v5, v37  }
0x887: {  	[tilespmem:s2], [sflag:$0x1] =	stream.indirect_vreg.gather [hbm4b:s29+s28], $0x80, v22, vm0, $0xb8;
	[tilespmem:$0x18A00] =	vst v63  }
0x888: {  	v39 =	vperm.xlane v20, v17;
	s4 =	simm.s32 $0x2B80;
	v22 =	vadd.s32 v5, v38  }
0x889: {  	[tilespmem:s4], [sflag:$0x1] =	stream.indirect_vreg.gather [hbm4b:s29+s28], $0x80, v23, vm0, $0xb8;
	[tilespmem:$0x18A00] =	vst v63  }
0x88a: {  	v20 =	vperm.xlane v20, v18;
	s2 =	simm.s32 $0x2C00;
	v23 =	vadd.s32 v5, v39  }
0x88b: {  	[tilespmem:s2], [sflag:$0x1] =	stream.indirect_vreg.gather [hbm4b:s29+s28], $0x80, v21, vm0, $0xb8;
	[tilespmem:$0x18A00] =	vst v63  }
0x88c: {  	v20 =	vadd.s32 v5, v20;
	s4 =	simm.s32 $0x2C80  }
0x88d: {  	[tilespmem:s4], [sflag:$0x1] =	stream.indirect_vreg.gather [hbm4b:s29+s28], $0x80, v22, vm0, $0xb8;
	[tilespmem:$0x18A00] =	vst v63  }
0x88e: {  	s2 =	simm.s32 $0x2D00  }
0x88f: {  	[tilespmem:s2], [sflag:$0x1] =	stream.indirect_vreg.gather [hbm4b:s29+s28], $0x80, v23, vm0, $0xb8;
	[tilespmem:$0x18A00] =	vst v63  }
0x890: {  	s4 =	simm.s32 $0x2D80  }
0x891: {  	[tilespmem:s4], [sflag:$0x1] =	stream.indirect_vreg.gather [hbm4b:s29+s28], $0x80, v20, vm0, $0xb8;
	[tilespmem:$0x18A00] =	vst v63  }
0x892: {  	v20 =	vld [tilespmem:$0x550];
	_ =	sdelay $0x4  }
0x893: {  	v21 =	vshll.u32 v20, $0x2  }
0x894: {  	v20 =	vand.u32 $0x7, v20;
	v21 =	vand.u32 $0xFFFFFFE0, v21  }
0x895: {  	v20 =	vor.u32 v20, v21  }
0x896: {  	v21 =	vperm.xlane v20, v4;
	_ =	sdelay $0x1  }
0x897: {  	v22 =	vperm.xlane v20, v6;
	v21 =	vadd.s32 v5, v21;
	_ =	sdelay $0x1  }
0x898: {  	v23 =	vperm.xlane v20, v3;
	v22 =	vadd.s32 v5, v22;
	_ =	sdelay $0x1  }
0x899: {  	s2 =	simm.s32 $0x2E00;
	v40 =	vperm.xlane v20, v7;
	v23 =	vadd.s32 v5, v23  }
0x89a: {  	[tilespmem:s2], [sflag:$0x1] =	stream.indirect_vreg.gather [hbm4b:s29+s28], $0x80, v21, vm0, $0xb8;
	[tilespmem:$0x18A00] =	vst v63  }
0x89b: {  	s4 =	simm.s32 $0x2E80;
	v41 =	vperm.xlane v20, v8;
	v21 =	vadd.s32 v5, v40  }
0x89c: {  	[tilespmem:s4], [sflag:$0x1] =	stream.indirect_vreg.gather [hbm4b:s29+s28], $0x80, v22, vm0, $0xb8;
	[tilespmem:$0x18A00] =	vst v63  }
0x89d: {  	v42 =	vperm.xlane v20, v9;
	s2 =	simm.s32 $0x2F00;
	v22 =	vadd.s32 v5, v41  }
0x89e: {  	[tilespmem:s2], [sflag:$0x1] =	stream.indirect_vreg.gather [hbm4b:s29+s28], $0x80, v23, vm0, $0xb8;
	[tilespmem:$0x18A00] =	vst v63  }
0x89f: {  	v43 =	vperm.xlane v20, v10;
	s4 =	simm.s32 $0x2F80;
	v23 =	vadd.s32 v5, v42  }
0x8a0: {  	[tilespmem:s4], [sflag:$0x1] =	stream.indirect_vreg.gather [hbm4b:s29+s28], $0x80, v21, vm0, $0xb8;
	[tilespmem:$0x18A00] =	vst v63  }
0x8a1: {  	v44 =	vperm.xlane v20, v2;
	s2 =	simm.s32 $0x3000;
	v21 =	vadd.s32 v5, v43  }
0x8a2: {  	[tilespmem:s2], [sflag:$0x1] =	stream.indirect_vreg.gather [hbm4b:s29+s28], $0x80, v22, vm0, $0xb8;
	[tilespmem:$0x18A00] =	vst v63  }
0x8a3: {  	v45 =	vperm.xlane v20, v11;
	s4 =	simm.s32 $0x3080;
	v22 =	vadd.s32 v5, v44  }
0x8a4: {  	[tilespmem:s4], [sflag:$0x1] =	stream.indirect_vreg.gather [hbm4b:s29+s28], $0x80, v23, vm0, $0xb8;
	[tilespmem:$0x18A00] =	vst v63  }
0x8a5: {  	v46 =	vperm.xlane v20, v12;
	s2 =	simm.s32 $0x3100;
	v23 =	vadd.s32 v5, v45  }
0x8a6: {  	[tilespmem:s2], [sflag:$0x1] =	stream.indirect_vreg.gather [hbm4b:s29+s28], $0x80, v21, vm0, $0xb8;
	[tilespmem:$0x18A00] =	vst v63  }
0x8a7: {  	v47 =	vperm.xlane v20, v13;
	s4 =	simm.s32 $0x3180;
	v21 =	vadd.s32 v5, v46  }
0x8a8: {  	[tilespmem:s4], [sflag:$0x1] =	stream.indirect_vreg.gather [hbm4b:s29+s28], $0x80, v22, vm0, $0xb8;
	[tilespmem:$0x18A00] =	vst v63  }
0x8a9: {  	v48 =	vperm.xlane v20, v14;
	s2 =	simm.s32 $0x3200;
	v22 =	vadd.s32 v5, v47  }
0x8aa: {  	[tilespmem:s2], [sflag:$0x1] =	stream.indirect_vreg.gather [hbm4b:s29+s28], $0x80, v23, vm0, $0xb8;
	[tilespmem:$0x18A00] =	vst v63  }
0x8ab: {  	v49 =	vperm.xlane v20, v15;
	s4 =	simm.s32 $0x3280;
	v23 =	vadd.s32 v5, v48  }
0x8ac: {  	[tilespmem:s4], [sflag:$0x1] =	stream.indirect_vreg.gather [hbm4b:s29+s28], $0x80, v21, vm0, $0xb8;
	[tilespmem:$0x18A00] =	vst v63  }
0x8ad: {  	v50 =	vperm.xlane v20, v16;
	s2 =	simm.s32 $0x3300;
	v21 =	vadd.s32 v5, v49  }
0x8ae: {  	[tilespmem:s2], [sflag:$0x1] =	stream.indirect_vreg.gather [hbm4b:s29+s28], $0x80, v22, vm0, $0xb8;
	[tilespmem:$0x18A00] =	vst v63  }
0x8af: {  	v51 =	vperm.xlane v20, v17;
	s4 =	simm.s32 $0x3380;
	v22 =	vadd.s32 v5, v50  }
0x8b0: {  	[tilespmem:s4], [sflag:$0x1] =	stream.indirect_vreg.gather [hbm4b:s29+s28], $0x80, v23, vm0, $0xb8;
	[tilespmem:$0x18A00] =	vst v63  }
0x8b1: {  	v20 =	vperm.xlane v20, v18;
	s2 =	simm.s32 $0x3400;
	v23 =	vadd.s32 v5, v51  }
0x8b2: {  	[tilespmem:s2], [sflag:$0x1] =	stream.indirect_vreg.gather [hbm4b:s29+s28], $0x80, v21, vm0, $0xb8;
	[tilespmem:$0x18A00] =	vst v63  }
0x8b3: {  	v20 =	vadd.s32 v5, v20;
	s4 =	simm.s32 $0x3480  }
0x8b4: {  	[tilespmem:s4], [sflag:$0x1] =	stream.indirect_vreg.gather [hbm4b:s29+s28], $0x80, v22, vm0, $0xb8;
	[tilespmem:$0x18A00] =	vst v63  }
0x8b5: {  	s2 =	simm.s32 $0x3500  }
0x8b6: {  	[tilespmem:s2], [sflag:$0x1] =	stream.indirect_vreg.gather [hbm4b:s29+s28], $0x80, v23, vm0, $0xb8;
	[tilespmem:$0x18A00] =	vst v63  }
0x8b7: {  	s4 =	simm.s32 $0x3580  }
0x8b8: {  	[tilespmem:s4], [sflag:$0x1] =	stream.indirect_vreg.gather [hbm4b:s29+s28], $0x80, v20, vm0, $0xb8;
	[tilespmem:$0x18A00] =	vst v63  }
0x8b9: {  	v20 =	vld [tilespmem:$0x560];
	_ =	sdelay $0x4  }
0x8ba: {  	v21 =	vshll.u32 v20, $0x2  }
0x8bb: {  	v20 =	vand.u32 $0x7, v20;
	v21 =	vand.u32 $0xFFFFFFE0, v21  }
0x8bc: {  	v20 =	vor.u32 v20, v21  }
0x8bd: {  	v21 =	vperm.xlane v20, v4;
	_ =	sdelay $0x1  }
0x8be: {  	v22 =	vperm.xlane v20, v6;
	v21 =	vadd.s32 v5, v21;
	_ =	sdelay $0x1  }
0x8bf: {  	v23 =	vperm.xlane v20, v3;
	v22 =	vadd.s32 v5, v22;
	_ =	sdelay $0x1  }
0x8c0: {  	s2 =	simm.s32 $0x3600;
	v52 =	vperm.xlane v20, v7;
	v23 =	vadd.s32 v5, v23  }
0x8c1: {  	[tilespmem:s2], [sflag:$0x1] =	stream.indirect_vreg.gather [hbm4b:s29+s28], $0x80, v21, vm0, $0xb8;
	[tilespmem:$0x18A00] =	vst v63  }
0x8c2: {  	s4 =	simm.s32 $0x3680;
	v53 =	vperm.xlane v20, v8;
	v21 =	vadd.s32 v5, v52  }
0x8c3: {  	[tilespmem:s4], [sflag:$0x1] =	stream.indirect_vreg.gather [hbm4b:s29+s28], $0x80, v22, vm0, $0xb8;
	[tilespmem:$0x18A00] =	vst v63  }
0x8c4: {  	v54 =	vperm.xlane v20, v9;
	s2 =	simm.s32 $0x3700;
	v22 =	vadd.s32 v5, v53  }
0x8c5: {  	[tilespmem:s2], [sflag:$0x1] =	stream.indirect_vreg.gather [hbm4b:s29+s28], $0x80, v23, vm0, $0xb8;
	[tilespmem:$0x18A00] =	vst v63  }
0x8c6: {  	v55 =	vperm.xlane v20, v10;
	s4 =	simm.s32 $0x3780;
	v23 =	vadd.s32 v5, v54  }
0x8c7: {  	[tilespmem:s4], [sflag:$0x1] =	stream.indirect_vreg.gather [hbm4b:s29+s28], $0x80, v21, vm0, $0xb8;
	[tilespmem:$0x18A00] =	vst v63  }
0x8c8: {  	v56 =	vperm.xlane v20, v2;
	s2 =	simm.s32 $0x3800;
	v21 =	vadd.s32 v5, v55  }
0x8c9: {  	[tilespmem:s2], [sflag:$0x1] =	stream.indirect_vreg.gather [hbm4b:s29+s28], $0x80, v22, vm0, $0xb8;
	[tilespmem:$0x18A00] =	vst v63  }
0x8ca: {  	v57 =	vperm.xlane v20, v11;
	s4 =	simm.s32 $0x3880;
	v22 =	vadd.s32 v5, v56  }
0x8cb: {  	[tilespmem:s4], [sflag:$0x1] =	stream.indirect_vreg.gather [hbm4b:s29+s28], $0x80, v23, vm0, $0xb8;
	[tilespmem:$0x18A00] =	vst v63  }
0x8cc: {  	v58 =	vperm.xlane v20, v12;
	s2 =	simm.s32 $0x3900;
	v23 =	vadd.s32 v5, v57  }
0x8cd: {  	[tilespmem:s2], [sflag:$0x1] =	stream.indirect_vreg.gather [hbm4b:s29+s28], $0x80, v21, vm0, $0xb8;
	[tilespmem:$0x18A00] =	vst v63  }
0x8ce: {  	v59 =	vperm.xlane v20, v13;
	s4 =	simm.s32 $0x3980;
	v21 =	vadd.s32 v5, v58  }
0x8cf: {  	[tilespmem:s4], [sflag:$0x1] =	stream.indirect_vreg.gather [hbm4b:s29+s28], $0x80, v22, vm0, $0xb8;
	[tilespmem:$0x18A00] =	vst v63  }
0x8d0: {  	v60 =	vperm.xlane v20, v14;
	s2 =	simm.s32 $0x3A00;
	v22 =	vadd.s32 v5, v59  }
0x8d1: {  	[tilespmem:s2], [sflag:$0x1] =	stream.indirect_vreg.gather [hbm4b:s29+s28], $0x80, v23, vm0, $0xb8;
	[tilespmem:$0x18A00] =	vst v63  }
0x8d2: {  	v61 =	vperm.xlane v20, v15;
	s4 =	simm.s32 $0x3A80;
	v23 =	vadd.s32 v5, v60  }
0x8d3: {  	[tilespmem:s4], [sflag:$0x1] =	stream.indirect_vreg.gather [hbm4b:s29+s28], $0x80, v21, vm0, $0xb8;
	[tilespmem:$0x18A00] =	vst v63  }
0x8d4: {  	v62 =	vperm.xlane v20, v16;
	s2 =	simm.s32 $0x3B00;
	v21 =	vadd.s32 v5, v61  }
0x8d5: {  	[tilespmem:s2], [sflag:$0x1] =	stream.indirect_vreg.gather [hbm4b:s29+s28], $0x80, v22, vm0, $0xb8;
	[tilespmem:$0x18A00] =	vst v63  }
0x8d6: {  	v63 =	vperm.xlane v20, v17;
	s4 =	simm.s32 $0x3B80;
	v22 =	vadd.s32 v5, v62  }
0x8d7: {  	[tilespmem:s4], [sflag:$0x1] =	stream.indirect_vreg.gather [hbm4b:s29+s28], $0x80, v23, vm0, $0xb8;
	[tilespmem:$0x18A00] =	vst v63  }
0x8d8: {  	v20 =	vperm.xlane v20, v18;
	s2 =	simm.s32 $0x3C00;
	v23 =	vadd.s32 v5, v63  }
0x8d9: {  	[tilespmem:s2], [sflag:$0x1] =	stream.indirect_vreg.gather [hbm4b:s29+s28], $0x80, v21, vm0, $0xb8;
	[tilespmem:$0x18A00] =	vst v63  }
0x8da: {  	v20 =	vadd.s32 v5, v20;
	s4 =	simm.s32 $0x3C80  }
0x8db: {  	[tilespmem:s4], [sflag:$0x1] =	stream.indirect_vreg.gather [hbm4b:s29+s28], $0x80, v22, vm0, $0xb8;
	[tilespmem:$0x18A00] =	vst v63  }
0x8dc: {  	s2 =	simm.s32 $0x3D00  }
0x8dd: {  	[tilespmem:s2], [sflag:$0x1] =	stream.indirect_vreg.gather [hbm4b:s29+s28], $0x80, v23, vm0, $0xb8;
	[tilespmem:$0x18A00] =	vst v63  }
0x8de: {  	s4 =	simm.s32 $0x3D80  }
0x8df: {  	[tilespmem:s4], [sflag:$0x1] =	stream.indirect_vreg.gather [hbm4b:s29+s28], $0x80, v20, vm0, $0xb8;
	[tilespmem:$0x18A00] =	vst v63  }
0x8e0: {  	v20 =	vld [tilespmem:$0x570];
	_ =	sdelay $0x4  }
0x8e1: {  	v21 =	vshll.u32 v20, $0x2  }
0x8e2: {  	v20 =	vand.u32 $0x7, v20;
	v21 =	vand.u32 $0xFFFFFFE0, v21  }
0x8e3: {  	v20 =	vor.u32 v20, v21  }
0x8e4: {  	v21 =	vperm.xlane v20, v4;
	_ =	sdelay $0x1  }
0x8e5: {  	v22 =	vperm.xlane v20, v6;
	v21 =	vadd.s32 v5, v21;
	_ =	sdelay $0x1  }
0x8e6: {  	v23 =	vperm.xlane v20, v3;
	v22 =	vadd.s32 v5, v22;
	_ =	sdelay $0x1  }
0x8e7: {  	s2 =	simm.s32 $0x3E00;
	v28 =	vperm.xlane v20, v7;
	v23 =	vadd.s32 v5, v23  }
0x8e8: {  	[tilespmem:s2], [sflag:$0x1] =	stream.indirect_vreg.gather [hbm4b:s29+s28], $0x80, v21, vm0, $0xb8;
	[tilespmem:$0x18A00] =	vst v63  }
0x8e9: {  	s4 =	simm.s32 $0x3E80;
	v29 =	vperm.xlane v20, v8;
	v21 =	vadd.s32 v5, v28  }
0x8ea: {  	[tilespmem:s4], [sflag:$0x1] =	stream.indirect_vreg.gather [hbm4b:s29+s28], $0x80, v22, vm0, $0xb8;
	[tilespmem:$0x18A00] =	vst v63  }
0x8eb: {  	v30 =	vperm.xlane v20, v9;
	s2 =	simm.s32 $0x3F00;
	v22 =	vadd.s32 v5, v29  }
0x8ec: {  	[tilespmem:s2], [sflag:$0x1] =	stream.indirect_vreg.gather [hbm4b:s29+s28], $0x80, v23, vm0, $0xb8;
	[tilespmem:$0x18A00] =	vst v63  }
0x8ed: {  	v31 =	vperm.xlane v20, v10;
	s4 =	simm.s32 $0x3F80;
	v23 =	vadd.s32 v5, v30  }
0x8ee: {  	[tilespmem:s4], [sflag:$0x1] =	stream.indirect_vreg.gather [hbm4b:s29+s28], $0x80, v21, vm0, $0xb8;
	[tilespmem:$0x18A00] =	vst v63  }
0x8ef: {  	v32 =	vperm.xlane v20, v2;
	s2 =	simm.s32 $0x4000;
	v21 =	vadd.s32 v5, v31  }
0x8f0: {  	[tilespmem:s2], [sflag:$0x1] =	stream.indirect_vreg.gather [hbm4b:s29+s28], $0x80, v22, vm0, $0xb8;
	[tilespmem:$0x18A00] =	vst v63  }
0x8f1: {  	v33 =	vperm.xlane v20, v11;
	s4 =	simm.s32 $0x4080;
	v22 =	vadd.s32 v5, v32  }
0x8f2: {  	[tilespmem:s4], [sflag:$0x1] =	stream.indirect_vreg.gather [hbm4b:s29+s28], $0x80, v23, vm0, $0xb8;
	[tilespmem:$0x18A00] =	vst v63  }
0x8f3: {  	v34 =	vperm.xlane v20, v12;
	s2 =	simm.s32 $0x4100;
	v23 =	vadd.s32 v5, v33  }
0x8f4: {  	[tilespmem:s2], [sflag:$0x1] =	stream.indirect_vreg.gather [hbm4b:s29+s28], $0x80, v21, vm0, $0xb8;
	[tilespmem:$0x18A00] =	vst v63  }
0x8f5: {  	v35 =	vperm.xlane v20, v13;
	s4 =	simm.s32 $0x4180;
	v21 =	vadd.s32 v5, v34  }
0x8f6: {  	[tilespmem:s4], [sflag:$0x1] =	stream.indirect_vreg.gather [hbm4b:s29+s28], $0x80, v22, vm0, $0xb8;
	[tilespmem:$0x18A00] =	vst v63  }
0x8f7: {  	v36 =	vperm.xlane v20, v14;
	s2 =	simm.s32 $0x4200;
	v22 =	vadd.s32 v5, v35  }
0x8f8: {  	[tilespmem:s2], [sflag:$0x1] =	stream.indirect_vreg.gather [hbm4b:s29+s28], $0x80, v23, vm0, $0xb8;
	[tilespmem:$0x18A00] =	vst v63  }
0x8f9: {  	v37 =	vperm.xlane v20, v15;
	s4 =	simm.s32 $0x4280;
	v23 =	vadd.s32 v5, v36  }
0x8fa: {  	[tilespmem:s4], [sflag:$0x1] =	stream.indirect_vreg.gather [hbm4b:s29+s28], $0x80, v21, vm0, $0xb8;
	[tilespmem:$0x18A00] =	vst v63  }
0x8fb: {  	v38 =	vperm.xlane v20, v16;
	s2 =	simm.s32 $0x4300;
	v21 =	vadd.s32 v5, v37  }
0x8fc: {  	[tilespmem:s2], [sflag:$0x1] =	stream.indirect_vreg.gather [hbm4b:s29+s28], $0x80, v22, vm0, $0xb8;
	[tilespmem:$0x18A00] =	vst v63  }
0x8fd: {  	v39 =	vperm.xlane v20, v17;
	s4 =	simm.s32 $0x4380;
	v22 =	vadd.s32 v5, v38  }
0x8fe: {  	[tilespmem:s4], [sflag:$0x1] =	stream.indirect_vreg.gather [hbm4b:s29+s28], $0x80, v23, vm0, $0xb8;
	[tilespmem:$0x18A00] =	vst v63  }
0x8ff: {  	v20 =	vperm.xlane v20, v18;
	s2 =	simm.s32 $0x4400;
	v23 =	vadd.s32 v5, v39  }
0x900: {  	[tilespmem:s2], [sflag:$0x1] =	stream.indirect_vreg.gather [hbm4b:s29+s28], $0x80, v21, vm0, $0xb8;
	[tilespmem:$0x18A00] =	vst v63  }
0x901: {  	v20 =	vadd.s32 v5, v20;
	s4 =	simm.s32 $0x4480  }
0x902: {  	[tilespmem:s4], [sflag:$0x1] =	stream.indirect_vreg.gather [hbm4b:s29+s28], $0x80, v22, vm0, $0xb8;
	[tilespmem:$0x18A00] =	vst v63  }
0x903: {  	s2 =	simm.s32 $0x4500  }
0x904: {  	[tilespmem:s2], [sflag:$0x1] =	stream.indirect_vreg.gather [hbm4b:s29+s28], $0x80, v23, vm0, $0xb8;
	[tilespmem:$0x18A00] =	vst v63  }
0x905: {  	s4 =	simm.s32 $0x4580  }
0x906: {  	[tilespmem:s4], [sflag:$0x1] =	stream.indirect_vreg.gather [hbm4b:s29+s28], $0x80, v20, vm0, $0xb8;
	[tilespmem:$0x18A00] =	vst v63  }
0x907: {  	v20 =	vld [tilespmem:$0x580];
	_ =	sdelay $0x4  }
0x908: {  	v21 =	vshll.u32 v20, $0x2  }
0x909: {  	v20 =	vand.u32 $0x7, v20;
	v21 =	vand.u32 $0xFFFFFFE0, v21  }
0x90a: {  	v20 =	vor.u32 v20, v21  }
0x90b: {  	v21 =	vperm.xlane v20, v4;
	_ =	sdelay $0x1  }
0x90c: {  	v22 =	vperm.xlane v20, v6;
	v21 =	vadd.s32 v5, v21;
	_ =	sdelay $0x1  }
0x90d: {  	v23 =	vperm.xlane v20, v3;
	v22 =	vadd.s32 v5, v22;
	_ =	sdelay $0x1  }
0x90e: {  	s2 =	simm.s32 $0x4600;
	v40 =	vperm.xlane v20, v7;
	v23 =	vadd.s32 v5, v23  }
0x90f: {  	[tilespmem:s2], [sflag:$0x1] =	stream.indirect_vreg.gather [hbm4b:s29+s28], $0x80, v21, vm0, $0xb8;
	[tilespmem:$0x18A00] =	vst v63  }
0x910: {  	s4 =	simm.s32 $0x4680;
	v41 =	vperm.xlane v20, v8;
	v21 =	vadd.s32 v5, v40  }
0x911: {  	[tilespmem:s4], [sflag:$0x1] =	stream.indirect_vreg.gather [hbm4b:s29+s28], $0x80, v22, vm0, $0xb8;
	[tilespmem:$0x18A00] =	vst v63  }
0x912: {  	v42 =	vperm.xlane v20, v9;
	s2 =	simm.s32 $0x4700;
	v22 =	vadd.s32 v5, v41  }
0x913: {  	[tilespmem:s2], [sflag:$0x1] =	stream.indirect_vreg.gather [hbm4b:s29+s28], $0x80, v23, vm0, $0xb8;
	[tilespmem:$0x18A00] =	vst v63  }
0x914: {  	v43 =	vperm.xlane v20, v10;
	s4 =	simm.s32 $0x4780;
	v23 =	vadd.s32 v5, v42  }
0x915: {  	[tilespmem:s4], [sflag:$0x1] =	stream.indirect_vreg.gather [hbm4b:s29+s28], $0x80, v21, vm0, $0xb8;
	[tilespmem:$0x18A00] =	vst v63  }
0x916: {  	v44 =	vperm.xlane v20, v2;
	s2 =	simm.s32 $0x4800;
	v21 =	vadd.s32 v5, v43  }
0x917: {  	[tilespmem:s2], [sflag:$0x1] =	stream.indirect_vreg.gather [hbm4b:s29+s28], $0x80, v22, vm0, $0xb8;
	[tilespmem:$0x18A00] =	vst v63  }
0x918: {  	v45 =	vperm.xlane v20, v11;
	s4 =	simm.s32 $0x4880;
	v22 =	vadd.s32 v5, v44  }
0x919: {  	[tilespmem:s4], [sflag:$0x1] =	stream.indirect_vreg.gather [hbm4b:s29+s28], $0x80, v23, vm0, $0xb8;
	[tilespmem:$0x18A00] =	vst v63  }
0x91a: {  	v46 =	vperm.xlane v20, v12;
	s2 =	simm.s32 $0x4900;
	v23 =	vadd.s32 v5, v45  }
0x91b: {  	[tilespmem:s2], [sflag:$0x1] =	stream.indirect_vreg.gather [hbm4b:s29+s28], $0x80, v21, vm0, $0xb8;
	[tilespmem:$0x18A00] =	vst v63  }
0x91c: {  	v47 =	vperm.xlane v20, v13;
	s4 =	simm.s32 $0x4980;
	v21 =	vadd.s32 v5, v46  }
0x91d: {  	[tilespmem:s4], [sflag:$0x1] =	stream.indirect_vreg.gather [hbm4b:s29+s28], $0x80, v22, vm0, $0xb8;
	[tilespmem:$0x18A00] =	vst v63  }
0x91e: {  	v48 =	vperm.xlane v20, v14;
	s2 =	simm.s32 $0x4A00;
	v22 =	vadd.s32 v5, v47  }
0x91f: {  	[tilespmem:s2], [sflag:$0x1] =	stream.indirect_vreg.gather [hbm4b:s29+s28], $0x80, v23, vm0, $0xb8;
	[tilespmem:$0x18A00] =	vst v63  }
0x920: {  	v49 =	vperm.xlane v20, v15;
	s4 =	simm.s32 $0x4A80;
	v23 =	vadd.s32 v5, v48  }
0x921: {  	[tilespmem:s4], [sflag:$0x1] =	stream.indirect_vreg.gather [hbm4b:s29+s28], $0x80, v21, vm0, $0xb8;
	[tilespmem:$0x18A00] =	vst v63  }
0x922: {  	v50 =	vperm.xlane v20, v16;
	s2 =	simm.s32 $0x4B00;
	v21 =	vadd.s32 v5, v49  }
0x923: {  	[tilespmem:s2], [sflag:$0x1] =	stream.indirect_vreg.gather [hbm4b:s29+s28], $0x80, v22, vm0, $0xb8;
	[tilespmem:$0x18A00] =	vst v63  }
0x924: {  	v51 =	vperm.xlane v20, v17;
	s4 =	simm.s32 $0x4B80;
	v22 =	vadd.s32 v5, v50  }
0x925: {  	[tilespmem:s4], [sflag:$0x1] =	stream.indirect_vreg.gather [hbm4b:s29+s28], $0x80, v23, vm0, $0xb8;
	[tilespmem:$0x18A00] =	vst v63  }
0x926: {  	v20 =	vperm.xlane v20, v18;
	s2 =	simm.s32 $0x4C00;
	v23 =	vadd.s32 v5, v51  }
0x927: {  	[tilespmem:s2], [sflag:$0x1] =	stream.indirect_vreg.gather [hbm4b:s29+s28], $0x80, v21, vm0, $0xb8;
	[tilespmem:$0x18A00] =	vst v63  }
0x928: {  	v20 =	vadd.s32 v5, v20;
	s4 =	simm.s32 $0x4C80  }
0x929: {  	[tilespmem:s4], [sflag:$0x1] =	stream.indirect_vreg.gather [hbm4b:s29+s28], $0x80, v22, vm0, $0xb8;
	[tilespmem:$0x18A00] =	vst v63  }
0x92a: {  	s2 =	simm.s32 $0x4D00  }
0x92b: {  	[tilespmem:s2], [sflag:$0x1] =	stream.indirect_vreg.gather [hbm4b:s29+s28], $0x80, v23, vm0, $0xb8;
	[tilespmem:$0x18A00] =	vst v63  }
0x92c: {  	s4 =	simm.s32 $0x4D80  }
0x92d: {  	[tilespmem:s4], [sflag:$0x1] =	stream.indirect_vreg.gather [hbm4b:s29+s28], $0x80, v20, vm0, $0xb8;
	[tilespmem:$0x18A00] =	vst v63  }
0x92e: {  	v20 =	vld [tilespmem:$0x590];
	_ =	sdelay $0x4  }
0x92f: {  	v21 =	vshll.u32 v20, $0x2  }
0x930: {  	v20 =	vand.u32 $0x7, v20;
	v21 =	vand.u32 $0xFFFFFFE0, v21  }
0x931: {  	v20 =	vor.u32 v20, v21  }
0x932: {  	v21 =	vperm.xlane v20, v4;
	_ =	sdelay $0x1  }
0x933: {  	v22 =	vperm.xlane v20, v6;
	v21 =	vadd.s32 v5, v21;
	_ =	sdelay $0x1  }
0x934: {  	v23 =	vperm.xlane v20, v3;
	v22 =	vadd.s32 v5, v22;
	_ =	sdelay $0x1  }
0x935: {  	s2 =	simm.s32 $0x4E00;
	v52 =	vperm.xlane v20, v7;
	v23 =	vadd.s32 v5, v23  }
0x936: {  	[tilespmem:s2], [sflag:$0x1] =	stream.indirect_vreg.gather [hbm4b:s29+s28], $0x80, v21, vm0, $0xb8;
	[tilespmem:$0x18A00] =	vst v63  }
0x937: {  	s4 =	simm.s32 $0x4E80;
	v53 =	vperm.xlane v20, v8;
	v21 =	vadd.s32 v5, v52  }
0x938: {  	[tilespmem:s4], [sflag:$0x1] =	stream.indirect_vreg.gather [hbm4b:s29+s28], $0x80, v22, vm0, $0xb8;
	[tilespmem:$0x18A00] =	vst v63  }
0x939: {  	v54 =	vperm.xlane v20, v9;
	s2 =	simm.s32 $0x4F00;
	v22 =	vadd.s32 v5, v53  }
0x93a: {  	[tilespmem:s2], [sflag:$0x1] =	stream.indirect_vreg.gather [hbm4b:s29+s28], $0x80, v23, vm0, $0xb8;
	[tilespmem:$0x18A00] =	vst v63  }
0x93b: {  	v55 =	vperm.xlane v20, v10;
	s4 =	simm.s32 $0x4F80;
	v23 =	vadd.s32 v5, v54  }
0x93c: {  	[tilespmem:s4], [sflag:$0x1] =	stream.indirect_vreg.gather [hbm4b:s29+s28], $0x80, v21, vm0, $0xb8;
	[tilespmem:$0x18A00] =	vst v63  }
0x93d: {  	v56 =	vperm.xlane v20, v2;
	s2 =	simm.s32 $0x5000;
	v21 =	vadd.s32 v5, v55  }
0x93e: {  	[tilespmem:s2], [sflag:$0x1] =	stream.indirect_vreg.gather [hbm4b:s29+s28], $0x80, v22, vm0, $0xb8;
	[tilespmem:$0x18A00] =	vst v63  }
0x93f: {  	v57 =	vperm.xlane v20, v11;
	s4 =	simm.s32 $0x5080;
	v22 =	vadd.s32 v5, v56  }
0x940: {  	[tilespmem:s4], [sflag:$0x1] =	stream.indirect_vreg.gather [hbm4b:s29+s28], $0x80, v23, vm0, $0xb8;
	[tilespmem:$0x18A00] =	vst v63  }
0x941: {  	v58 =	vperm.xlane v20, v12;
	s2 =	simm.s32 $0x5100;
	v23 =	vadd.s32 v5, v57  }
0x942: {  	[tilespmem:s2], [sflag:$0x1] =	stream.indirect_vreg.gather [hbm4b:s29+s28], $0x80, v21, vm0, $0xb8;
	[tilespmem:$0x18A00] =	vst v63  }
0x943: {  	v59 =	vperm.xlane v20, v13;
	s4 =	simm.s32 $0x5180;
	v21 =	vadd.s32 v5, v58  }
0x944: {  	[tilespmem:s4], [sflag:$0x1] =	stream.indirect_vreg.gather [hbm4b:s29+s28], $0x80, v22, vm0, $0xb8;
	[tilespmem:$0x18A00] =	vst v63  }
0x945: {  	v60 =	vperm.xlane v20, v14;
	s2 =	simm.s32 $0x5200;
	v22 =	vadd.s32 v5, v59  }
0x946: {  	[tilespmem:s2], [sflag:$0x1] =	stream.indirect_vreg.gather [hbm4b:s29+s28], $0x80, v23, vm0, $0xb8;
	[tilespmem:$0x18A00] =	vst v63  }
0x947: {  	v61 =	vperm.xlane v20, v15;
	s4 =	simm.s32 $0x5280;
	v23 =	vadd.s32 v5, v60  }
0x948: {  	[tilespmem:s4], [sflag:$0x1] =	stream.indirect_vreg.gather [hbm4b:s29+s28], $0x80, v21, vm0, $0xb8;
	[tilespmem:$0x18A00] =	vst v63  }
0x949: {  	v62 =	vperm.xlane v20, v16;
	s2 =	simm.s32 $0x5300;
	v21 =	vadd.s32 v5, v61  }
0x94a: {  	[tilespmem:s2], [sflag:$0x1] =	stream.indirect_vreg.gather [hbm4b:s29+s28], $0x80, v22, vm0, $0xb8;
	[tilespmem:$0x18A00] =	vst v63  }
0x94b: {  	v63 =	vperm.xlane v20, v17;
	s4 =	simm.s32 $0x5380;
	v22 =	vadd.s32 v5, v62  }
0x94c: {  	[tilespmem:s4], [sflag:$0x1] =	stream.indirect_vreg.gather [hbm4b:s29+s28], $0x80, v23, vm0, $0xb8;
	[tilespmem:$0x18A00] =	vst v63  }
0x94d: {  	v20 =	vperm.xlane v20, v18;
	s2 =	simm.s32 $0x5400;
	v23 =	vadd.s32 v5, v63  }
0x94e: {  	[tilespmem:s2], [sflag:$0x1] =	stream.indirect_vreg.gather [hbm4b:s29+s28], $0x80, v21, vm0, $0xb8;
	[tilespmem:$0x18A00] =	vst v63  }
0x94f: {  	v20 =	vadd.s32 v5, v20;
	s4 =	simm.s32 $0x5480  }
0x950: {  	[tilespmem:s4], [sflag:$0x1] =	stream.indirect_vreg.gather [hbm4b:s29+s28], $0x80, v22, vm0, $0xb8;
	[tilespmem:$0x18A00] =	vst v63  }
0x951: {  	s2 =	simm.s32 $0x5500  }
0x952: {  	[tilespmem:s2], [sflag:$0x1] =	stream.indirect_vreg.gather [hbm4b:s29+s28], $0x80, v23, vm0, $0xb8;
	[tilespmem:$0x18A00] =	vst v63  }
0x953: {  	s4 =	simm.s32 $0x5580  }
0x954: {  	[tilespmem:s4], [sflag:$0x1] =	stream.indirect_vreg.gather [hbm4b:s29+s28], $0x80, v20, vm0, $0xb8;
	[tilespmem:$0x18A00] =	vst v63  }
0x955: {  	v20 =	vld [tilespmem:$0x5A0];
	_ =	sdelay $0x4  }
0x956: {  	v21 =	vshll.u32 v20, $0x2  }
0x957: {  	v20 =	vand.u32 $0x7, v20;
	v21 =	vand.u32 $0xFFFFFFE0, v21  }
0x958: {  	v20 =	vor.u32 v20, v21  }
0x959: {  	v21 =	vperm.xlane v20, v4;
	_ =	sdelay $0x1  }
0x95a: {  	v22 =	vperm.xlane v20, v6;
	v21 =	vadd.s32 v5, v21;
	_ =	sdelay $0x1  }
0x95b: {  	v23 =	vperm.xlane v20, v3;
	v22 =	vadd.s32 v5, v22;
	_ =	sdelay $0x1  }
0x95c: {  	s2 =	simm.s32 $0x5600;
	v28 =	vperm.xlane v20, v7;
	v23 =	vadd.s32 v5, v23  }
0x95d: {  	[tilespmem:s2], [sflag:$0x1] =	stream.indirect_vreg.gather [hbm4b:s29+s28], $0x80, v21, vm0, $0xb8;
	[tilespmem:$0x18A00] =	vst v63  }
0x95e: {  	s4 =	simm.s32 $0x5680;
	v29 =	vperm.xlane v20, v8;
	v21 =	vadd.s32 v5, v28  }
0x95f: {  	[tilespmem:s4], [sflag:$0x1] =	stream.indirect_vreg.gather [hbm4b:s29+s28], $0x80, v22, vm0, $0xb8;
	[tilespmem:$0x18A00] =	vst v63  }
0x960: {  	v30 =	vperm.xlane v20, v9;
	s2 =	simm.s32 $0x5700;
	v22 =	vadd.s32 v5, v29  }
0x961: {  	[tilespmem:s2], [sflag:$0x1] =	stream.indirect_vreg.gather [hbm4b:s29+s28], $0x80, v23, vm0, $0xb8;
	[tilespmem:$0x18A00] =	vst v63  }
0x962: {  	v31 =	vperm.xlane v20, v10;
	s4 =	simm.s32 $0x5780;
	v23 =	vadd.s32 v5, v30  }
0x963: {  	[tilespmem:s4], [sflag:$0x1] =	stream.indirect_vreg.gather [hbm4b:s29+s28], $0x80, v21, vm0, $0xb8;
	[tilespmem:$0x18A00] =	vst v63  }
0x964: {  	v32 =	vperm.xlane v20, v2;
	s2 =	simm.s32 $0x5800;
	v21 =	vadd.s32 v5, v31  }
0x965: {  	[tilespmem:s2], [sflag:$0x1] =	stream.indirect_vreg.gather [hbm4b:s29+s28], $0x80, v22, vm0, $0xb8;
	[tilespmem:$0x18A00] =	vst v63  }
0x966: {  	v33 =	vperm.xlane v20, v11;
	s4 =	simm.s32 $0x5880;
	v22 =	vadd.s32 v5, v32  }
0x967: {  	[tilespmem:s4], [sflag:$0x1] =	stream.indirect_vreg.gather [hbm4b:s29+s28], $0x80, v23, vm0, $0xb8;
	[tilespmem:$0x18A00] =	vst v63  }
0x968: {  	v34 =	vperm.xlane v20, v12;
	s2 =	simm.s32 $0x5900;
	v23 =	vadd.s32 v5, v33  }
0x969: {  	[tilespmem:s2], [sflag:$0x1] =	stream.indirect_vreg.gather [hbm4b:s29+s28], $0x80, v21, vm0, $0xb8;
	[tilespmem:$0x18A00] =	vst v63  }
0x96a: {  	v35 =	vperm.xlane v20, v13;
	s4 =	simm.s32 $0x5980;
	v21 =	vadd.s32 v5, v34  }
0x96b: {  	[tilespmem:s4], [sflag:$0x1] =	stream.indirect_vreg.gather [hbm4b:s29+s28], $0x80, v22, vm0, $0xb8;
	[tilespmem:$0x18A00] =	vst v63  }
0x96c: {  	v36 =	vperm.xlane v20, v14;
	s2 =	simm.s32 $0x5A00;
	v22 =	vadd.s32 v5, v35  }
0x96d: {  	[tilespmem:s2], [sflag:$0x1] =	stream.indirect_vreg.gather [hbm4b:s29+s28], $0x80, v23, vm0, $0xb8;
	[tilespmem:$0x18A00] =	vst v63  }
0x96e: {  	v37 =	vperm.xlane v20, v15;
	s4 =	simm.s32 $0x5A80;
	v23 =	vadd.s32 v5, v36  }
0x96f: {  	[tilespmem:s4], [sflag:$0x1] =	stream.indirect_vreg.gather [hbm4b:s29+s28], $0x80, v21, vm0, $0xb8;
	[tilespmem:$0x18A00] =	vst v63  }
0x970: {  	v38 =	vperm.xlane v20, v16;
	s2 =	simm.s32 $0x5B00;
	v21 =	vadd.s32 v5, v37  }
0x971: {  	[tilespmem:s2], [sflag:$0x1] =	stream.indirect_vreg.gather [hbm4b:s29+s28], $0x80, v22, vm0, $0xb8;
	[tilespmem:$0x18A00] =	vst v63  }
0x972: {  	v39 =	vperm.xlane v20, v17;
	s4 =	simm.s32 $0x5B80;
	v22 =	vadd.s32 v5, v38  }
0x973: {  	[tilespmem:s4], [sflag:$0x1] =	stream.indirect_vreg.gather [hbm4b:s29+s28], $0x80, v23, vm0, $0xb8;
	[tilespmem:$0x18A00] =	vst v63  }
0x974: {  	v20 =	vperm.xlane v20, v18;
	s2 =	simm.s32 $0x5C00;
	v23 =	vadd.s32 v5, v39  }
0x975: {  	[tilespmem:s2], [sflag:$0x1] =	stream.indirect_vreg.gather [hbm4b:s29+s28], $0x80, v21, vm0, $0xb8;
	[tilespmem:$0x18A00] =	vst v63  }
0x976: {  	v20 =	vadd.s32 v5, v20;
	s4 =	simm.s32 $0x5C80  }
0x977: {  	[tilespmem:s4], [sflag:$0x1] =	stream.indirect_vreg.gather [hbm4b:s29+s28], $0x80, v22, vm0, $0xb8;
	[tilespmem:$0x18A00] =	vst v63  }
0x978: {  	s2 =	simm.s32 $0x5D00  }
0x979: {  	[tilespmem:s2], [sflag:$0x1] =	stream.indirect_vreg.gather [hbm4b:s29+s28], $0x80, v23, vm0, $0xb8;
	[tilespmem:$0x18A00] =	vst v63  }
0x97a: {  	s4 =	simm.s32 $0x5D80  }
0x97b: {  	[tilespmem:s4], [sflag:$0x1] =	stream.indirect_vreg.gather [hbm4b:s29+s28], $0x80, v20, vm0, $0xb8;
	[tilespmem:$0x18A00] =	vst v63  }
0x97c: {  	v20 =	vld [tilespmem:$0x5B0];
	_ =	sdelay $0x4  }
0x97d: {  	v21 =	vshll.u32 v20, $0x2  }
0x97e: {  	v20 =	vand.u32 $0x7, v20;
	v21 =	vand.u32 $0xFFFFFFE0, v21  }
0x97f: {  	v20 =	vor.u32 v20, v21  }
0x980: {  	v21 =	vperm.xlane v20, v4;
	_ =	sdelay $0x1  }
0x981: {  	v22 =	vperm.xlane v20, v6;
	v21 =	vadd.s32 v5, v21;
	_ =	sdelay $0x1  }
0x982: {  	v23 =	vperm.xlane v20, v3;
	v22 =	vadd.s32 v5, v22;
	_ =	sdelay $0x1  }
0x983: {  	s2 =	simm.s32 $0x5E00;
	v40 =	vperm.xlane v20, v7;
	v23 =	vadd.s32 v5, v23  }
0x984: {  	[tilespmem:s2], [sflag:$0x1] =	stream.indirect_vreg.gather [hbm4b:s29+s28], $0x80, v21, vm0, $0xb8;
	[tilespmem:$0x18A00] =	vst v63  }
0x985: {  	s4 =	simm.s32 $0x5E80;
	v41 =	vperm.xlane v20, v8;
	v21 =	vadd.s32 v5, v40  }
0x986: {  	[tilespmem:s4], [sflag:$0x1] =	stream.indirect_vreg.gather [hbm4b:s29+s28], $0x80, v22, vm0, $0xb8;
	[tilespmem:$0x18A00] =	vst v63  }
0x987: {  	v42 =	vperm.xlane v20, v9;
	s2 =	simm.s32 $0x5F00;
	v22 =	vadd.s32 v5, v41  }
0x988: {  	[tilespmem:s2], [sflag:$0x1] =	stream.indirect_vreg.gather [hbm4b:s29+s28], $0x80, v23, vm0, $0xb8;
	[tilespmem:$0x18A00] =	vst v63  }
0x989: {  	v43 =	vperm.xlane v20, v10;
	s4 =	simm.s32 $0x5F80;
	v23 =	vadd.s32 v5, v42  }
0x98a: {  	[tilespmem:s4], [sflag:$0x1] =	stream.indirect_vreg.gather [hbm4b:s29+s28], $0x80, v21, vm0, $0xb8;
	[tilespmem:$0x18A00] =	vst v63  }
0x98b: {  	v44 =	vperm.xlane v20, v2;
	s2 =	simm.s32 $0x6000;
	v21 =	vadd.s32 v5, v43  }
0x98c: {  	[tilespmem:s2], [sflag:$0x1] =	stream.indirect_vreg.gather [hbm4b:s29+s28], $0x80, v22, vm0, $0xb8;
	[tilespmem:$0x18A00] =	vst v63  }
0x98d: {  	v45 =	vperm.xlane v20, v11;
	s4 =	simm.s32 $0x6080;
	v22 =	vadd.s32 v5, v44  }
0x98e: {  	[tilespmem:s4], [sflag:$0x1] =	stream.indirect_vreg.gather [hbm4b:s29+s28], $0x80, v23, vm0, $0xb8;
	[tilespmem:$0x18A00] =	vst v63  }
0x98f: {  	v46 =	vperm.xlane v20, v12;
	s2 =	simm.s32 $0x6100;
	v23 =	vadd.s32 v5, v45  }
0x990: {  	[tilespmem:s2], [sflag:$0x1] =	stream.indirect_vreg.gather [hbm4b:s29+s28], $0x80, v21, vm0, $0xb8;
	[tilespmem:$0x18A00] =	vst v63  }
0x991: {  	v47 =	vperm.xlane v20, v13;
	s4 =	simm.s32 $0x6180;
	v21 =	vadd.s32 v5, v46  }
0x992: {  	[tilespmem:s4], [sflag:$0x1] =	stream.indirect_vreg.gather [hbm4b:s29+s28], $0x80, v22, vm0, $0xb8;
	[tilespmem:$0x18A00] =	vst v63  }
0x993: {  	v48 =	vperm.xlane v20, v14;
	s2 =	simm.s32 $0x6200;
	v22 =	vadd.s32 v5, v47  }
0x994: {  	[tilespmem:s2], [sflag:$0x1] =	stream.indirect_vreg.gather [hbm4b:s29+s28], $0x80, v23, vm0, $0xb8;
	[tilespmem:$0x18A00] =	vst v63  }
0x995: {  	v49 =	vperm.xlane v20, v15;
	s4 =	simm.s32 $0x6280;
	v23 =	vadd.s32 v5, v48  }
0x996: {  	[tilespmem:s4], [sflag:$0x1] =	stream.indirect_vreg.gather [hbm4b:s29+s28], $0x80, v21, vm0, $0xb8;
	[tilespmem:$0x18A00] =	vst v63  }
0x997: {  	v50 =	vperm.xlane v20, v16;
	s2 =	simm.s32 $0x6300;
	v21 =	vadd.s32 v5, v49  }
0x998: {  	[tilespmem:s2], [sflag:$0x1] =	stream.indirect_vreg.gather [hbm4b:s29+s28], $0x80, v22, vm0, $0xb8;
	[tilespmem:$0x18A00] =	vst v63  }
0x999: {  	v51 =	vperm.xlane v20, v17;
	s4 =	simm.s32 $0x6380;
	v22 =	vadd.s32 v5, v50  }
0x99a: {  	[tilespmem:s4], [sflag:$0x1] =	stream.indirect_vreg.gather [hbm4b:s29+s28], $0x80, v23, vm0, $0xb8;
	[tilespmem:$0x18A00] =	vst v63  }
0x99b: {  	v20 =	vperm.xlane v20, v18;
	s2 =	simm.s32 $0x6400;
	v23 =	vadd.s32 v5, v51  }
0x99c: {  	[tilespmem:s2], [sflag:$0x1] =	stream.indirect_vreg.gather [hbm4b:s29+s28], $0x80, v21, vm0, $0xb8;
	[tilespmem:$0x18A00] =	vst v63  }
0x99d: {  	v20 =	vadd.s32 v5, v20;
	s4 =	simm.s32 $0x6480  }
0x99e: {  	[tilespmem:s4], [sflag:$0x1] =	stream.indirect_vreg.gather [hbm4b:s29+s28], $0x80, v22, vm0, $0xb8;
	[tilespmem:$0x18A00] =	vst v63  }
0x99f: {  	s2 =	simm.s32 $0x6500  }
0x9a0: {  	[tilespmem:s2], [sflag:$0x1] =	stream.indirect_vreg.gather [hbm4b:s29+s28], $0x80, v23, vm0, $0xb8;
	[tilespmem:$0x18A00] =	vst v63  }
0x9a1: {  	s4 =	simm.s32 $0x6580  }
0x9a2: {  	[tilespmem:s4], [sflag:$0x1] =	stream.indirect_vreg.gather [hbm4b:s29+s28], $0x80, v20, vm0, $0xb8;
	[tilespmem:$0x18A00] =	vst v63  }
0x9a3: {  	v20 =	vld [tilespmem:$0x5C0];
	_ =	sdelay $0x4  }
0x9a4: {  	v21 =	vshll.u32 v20, $0x2  }
0x9a5: {  	v20 =	vand.u32 $0x7, v20;
	v21 =	vand.u32 $0xFFFFFFE0, v21  }
0x9a6: {  	v20 =	vor.u32 v20, v21  }
0x9a7: {  	v21 =	vperm.xlane v20, v4;
	_ =	sdelay $0x1  }
0x9a8: {  	v22 =	vperm.xlane v20, v6;
	v21 =	vadd.s32 v5, v21;
	_ =	sdelay $0x1  }
0x9a9: {  	v23 =	vperm.xlane v20, v3;
	v22 =	vadd.s32 v5, v22;
	_ =	sdelay $0x1  }
0x9aa: {  	s2 =	simm.s32 $0x6600;
	v52 =	vperm.xlane v20, v7;
	v23 =	vadd.s32 v5, v23  }
0x9ab: {  	[tilespmem:s2], [sflag:$0x1] =	stream.indirect_vreg.gather [hbm4b:s29+s28], $0x80, v21, vm0, $0xb8;
	[tilespmem:$0x18A00] =	vst v63  }
0x9ac: {  	s4 =	simm.s32 $0x6680;
	v53 =	vperm.xlane v20, v8;
	v21 =	vadd.s32 v5, v52  }
0x9ad: {  	[tilespmem:s4], [sflag:$0x1] =	stream.indirect_vreg.gather [hbm4b:s29+s28], $0x80, v22, vm0, $0xb8;
	[tilespmem:$0x18A00] =	vst v63  }
0x9ae: {  	v54 =	vperm.xlane v20, v9;
	s2 =	simm.s32 $0x6700;
	v22 =	vadd.s32 v5, v53  }
0x9af: {  	[tilespmem:s2], [sflag:$0x1] =	stream.indirect_vreg.gather [hbm4b:s29+s28], $0x80, v23, vm0, $0xb8;
	[tilespmem:$0x18A00] =	vst v63  }
0x9b0: {  	v55 =	vperm.xlane v20, v10;
	s4 =	simm.s32 $0x6780;
	v23 =	vadd.s32 v5, v54  }
0x9b1: {  	[tilespmem:s4], [sflag:$0x1] =	stream.indirect_vreg.gather [hbm4b:s29+s28], $0x80, v21, vm0, $0xb8;
	[tilespmem:$0x18A00] =	vst v63  }
0x9b2: {  	v56 =	vperm.xlane v20, v2;
	s2 =	simm.s32 $0x6800;
	v21 =	vadd.s32 v5, v55  }
0x9b3: {  	[tilespmem:s2], [sflag:$0x1] =	stream.indirect_vreg.gather [hbm4b:s29+s28], $0x80, v22, vm0, $0xb8;
	[tilespmem:$0x18A00] =	vst v63  }
0x9b4: {  	v57 =	vperm.xlane v20, v11;
	s4 =	simm.s32 $0x6880;
	v22 =	vadd.s32 v5, v56  }
0x9b5: {  	[tilespmem:s4], [sflag:$0x1] =	stream.indirect_vreg.gather [hbm4b:s29+s28], $0x80, v23, vm0, $0xb8;
	[tilespmem:$0x18A00] =	vst v63  }
0x9b6: {  	v58 =	vperm.xlane v20, v12;
	s2 =	simm.s32 $0x6900;
	v23 =	vadd.s32 v5, v57  }
0x9b7: {  	[tilespmem:s2], [sflag:$0x1] =	stream.indirect_vreg.gather [hbm4b:s29+s28], $0x80, v21, vm0, $0xb8;
	[tilespmem:$0x18A00] =	vst v63  }
0x9b8: {  	v59 =	vperm.xlane v20, v13;
	s4 =	simm.s32 $0x6980;
	v21 =	vadd.s32 v5, v58  }
0x9b9: {  	[tilespmem:s4], [sflag:$0x1] =	stream.indirect_vreg.gather [hbm4b:s29+s28], $0x80, v22, vm0, $0xb8;
	[tilespmem:$0x18A00] =	vst v63  }
0x9ba: {  	v60 =	vperm.xlane v20, v14;
	s2 =	simm.s32 $0x6A00;
	v22 =	vadd.s32 v5, v59  }
0x9bb: {  	[tilespmem:s2], [sflag:$0x1] =	stream.indirect_vreg.gather [hbm4b:s29+s28], $0x80, v23, vm0, $0xb8;
	[tilespmem:$0x18A00] =	vst v63  }
0x9bc: {  	v61 =	vperm.xlane v20, v15;
	s4 =	simm.s32 $0x6A80;
	v23 =	vadd.s32 v5, v60  }
0x9bd: {  	[tilespmem:s4], [sflag:$0x1] =	stream.indirect_vreg.gather [hbm4b:s29+s28], $0x80, v21, vm0, $0xb8;
	[tilespmem:$0x18A00] =	vst v63  }
0x9be: {  	v62 =	vperm.xlane v20, v16;
	s2 =	simm.s32 $0x6B00;
	v21 =	vadd.s32 v5, v61  }
0x9bf: {  	[tilespmem:s2], [sflag:$0x1] =	stream.indirect_vreg.gather [hbm4b:s29+s28], $0x80, v22, vm0, $0xb8;
	[tilespmem:$0x18A00] =	vst v63  }
0x9c0: {  	v63 =	vperm.xlane v20, v17;
	s4 =	simm.s32 $0x6B80;
	v22 =	vadd.s32 v5, v62  }
0x9c1: {  	[tilespmem:s4], [sflag:$0x1] =	stream.indirect_vreg.gather [hbm4b:s29+s28], $0x80, v23, vm0, $0xb8;
	[tilespmem:$0x18A00] =	vst v63  }
0x9c2: {  	v20 =	vperm.xlane v20, v18;
	s2 =	simm.s32 $0x6C00;
	v23 =	vadd.s32 v5, v63  }
0x9c3: {  	[tilespmem:s2], [sflag:$0x1] =	stream.indirect_vreg.gather [hbm4b:s29+s28], $0x80, v21, vm0, $0xb8;
	[tilespmem:$0x18A00] =	vst v63  }
0x9c4: {  	v20 =	vadd.s32 v5, v20;
	s4 =	simm.s32 $0x6C80  }
0x9c5: {  	[tilespmem:s4], [sflag:$0x1] =	stream.indirect_vreg.gather [hbm4b:s29+s28], $0x80, v22, vm0, $0xb8;
	[tilespmem:$0x18A00] =	vst v63  }
0x9c6: {  	s2 =	simm.s32 $0x6D00  }
0x9c7: {  	[tilespmem:s2], [sflag:$0x1] =	stream.indirect_vreg.gather [hbm4b:s29+s28], $0x80, v23, vm0, $0xb8;
	[tilespmem:$0x18A00] =	vst v63  }
0x9c8: {  	s4 =	simm.s32 $0x6D80  }
0x9c9: {  	[tilespmem:s4], [sflag:$0x1] =	stream.indirect_vreg.gather [hbm4b:s29+s28], $0x80, v20, vm0, $0xb8;
	[tilespmem:$0x18A00] =	vst v63  }
0x9ca: {  	v20 =	vld [tilespmem:$0x5D0];
	_ =	sdelay $0x4  }
0x9cb: {  	v21 =	vshll.u32 v20, $0x2  }
0x9cc: {  	v20 =	vand.u32 $0x7, v20;
	v21 =	vand.u32 $0xFFFFFFE0, v21  }
0x9cd: {  	v20 =	vor.u32 v20, v21  }
0x9ce: {  	v21 =	vperm.xlane v20, v4;
	_ =	sdelay $0x1  }
0x9cf: {  	v22 =	vperm.xlane v20, v6;
	v21 =	vadd.s32 v5, v21;
	_ =	sdelay $0x1  }
0x9d0: {  	v23 =	vperm.xlane v20, v3;
	v22 =	vadd.s32 v5, v22;
	_ =	sdelay $0x1  }
0x9d1: {  	s2 =	simm.s32 $0x6E00;
	v28 =	vperm.xlane v20, v7;
	v23 =	vadd.s32 v5, v23  }
0x9d2: {  	[tilespmem:s2], [sflag:$0x1] =	stream.indirect_vreg.gather [hbm4b:s29+s28], $0x80, v21, vm0, $0xb8;
	[tilespmem:$0x18A00] =	vst v63  }
0x9d3: {  	s4 =	simm.s32 $0x6E80;
	v29 =	vperm.xlane v20, v8;
	v21 =	vadd.s32 v5, v28  }
0x9d4: {  	[tilespmem:s4], [sflag:$0x1] =	stream.indirect_vreg.gather [hbm4b:s29+s28], $0x80, v22, vm0, $0xb8;
	[tilespmem:$0x18A00] =	vst v63  }
0x9d5: {  	v30 =	vperm.xlane v20, v9;
	s2 =	simm.s32 $0x6F00;
	v22 =	vadd.s32 v5, v29  }
0x9d6: {  	[tilespmem:s2], [sflag:$0x1] =	stream.indirect_vreg.gather [hbm4b:s29+s28], $0x80, v23, vm0, $0xb8;
	[tilespmem:$0x18A00] =	vst v63  }
0x9d7: {  	v31 =	vperm.xlane v20, v10;
	s4 =	simm.s32 $0x6F80;
	v23 =	vadd.s32 v5, v30  }
0x9d8: {  	[tilespmem:s4], [sflag:$0x1] =	stream.indirect_vreg.gather [hbm4b:s29+s28], $0x80, v21, vm0, $0xb8;
	[tilespmem:$0x18A00] =	vst v63  }
0x9d9: {  	v32 =	vperm.xlane v20, v2;
	s2 =	simm.s32 $0x7000;
	v21 =	vadd.s32 v5, v31  }
0x9da: {  	[tilespmem:s2], [sflag:$0x1] =	stream.indirect_vreg.gather [hbm4b:s29+s28], $0x80, v22, vm0, $0xb8;
	[tilespmem:$0x18A00] =	vst v63  }
0x9db: {  	v33 =	vperm.xlane v20, v11;
	s4 =	simm.s32 $0x7080;
	v22 =	vadd.s32 v5, v32  }
0x9dc: {  	[tilespmem:s4], [sflag:$0x1] =	stream.indirect_vreg.gather [hbm4b:s29+s28], $0x80, v23, vm0, $0xb8;
	[tilespmem:$0x18A00] =	vst v63  }
0x9dd: {  	v34 =	vperm.xlane v20, v12;
	s2 =	simm.s32 $0x7100;
	v23 =	vadd.s32 v5, v33  }
0x9de: {  	[tilespmem:s2], [sflag:$0x1] =	stream.indirect_vreg.gather [hbm4b:s29+s28], $0x80, v21, vm0, $0xb8;
	[tilespmem:$0x18A00] =	vst v63  }
0x9df: {  	v35 =	vperm.xlane v20, v13;
	s4 =	simm.s32 $0x7180;
	v21 =	vadd.s32 v5, v34  }
0x9e0: {  	[tilespmem:s4], [sflag:$0x1] =	stream.indirect_vreg.gather [hbm4b:s29+s28], $0x80, v22, vm0, $0xb8;
	[tilespmem:$0x18A00] =	vst v63  }
0x9e1: {  	v36 =	vperm.xlane v20, v14;
	s2 =	simm.s32 $0x7200;
	v22 =	vadd.s32 v5, v35  }
0x9e2: {  	[tilespmem:s2], [sflag:$0x1] =	stream.indirect_vreg.gather [hbm4b:s29+s28], $0x80, v23, vm0, $0xb8;
	[tilespmem:$0x18A00] =	vst v63  }
0x9e3: {  	v37 =	vperm.xlane v20, v15;
	s4 =	simm.s32 $0x7280;
	v23 =	vadd.s32 v5, v36  }
0x9e4: {  	[tilespmem:s4], [sflag:$0x1] =	stream.indirect_vreg.gather [hbm4b:s29+s28], $0x80, v21, vm0, $0xb8;
	[tilespmem:$0x18A00] =	vst v63  }
0x9e5: {  	v38 =	vperm.xlane v20, v16;
	s2 =	simm.s32 $0x7300;
	v21 =	vadd.s32 v5, v37  }
0x9e6: {  	[tilespmem:s2], [sflag:$0x1] =	stream.indirect_vreg.gather [hbm4b:s29+s28], $0x80, v22, vm0, $0xb8;
	[tilespmem:$0x18A00] =	vst v63  }
0x9e7: {  	v39 =	vperm.xlane v20, v17;
	s4 =	simm.s32 $0x7380;
	v22 =	vadd.s32 v5, v38  }
0x9e8: {  	[tilespmem:s4], [sflag:$0x1] =	stream.indirect_vreg.gather [hbm4b:s29+s28], $0x80, v23, vm0, $0xb8;
	[tilespmem:$0x18A00] =	vst v63  }
0x9e9: {  	v20 =	vperm.xlane v20, v18;
	s2 =	simm.s32 $0x7400;
	v23 =	vadd.s32 v5, v39  }
0x9ea: {  	[tilespmem:s2], [sflag:$0x1] =	stream.indirect_vreg.gather [hbm4b:s29+s28], $0x80, v21, vm0, $0xb8;
	[tilespmem:$0x18A00] =	vst v63  }
0x9eb: {  	v20 =	vadd.s32 v5, v20;
	s4 =	simm.s32 $0x7480  }
0x9ec: {  	[tilespmem:s4], [sflag:$0x1] =	stream.indirect_vreg.gather [hbm4b:s29+s28], $0x80, v22, vm0, $0xb8;
	[tilespmem:$0x18A00] =	vst v63  }
0x9ed: {  	s2 =	simm.s32 $0x7500  }
0x9ee: {  	[tilespmem:s2], [sflag:$0x1] =	stream.indirect_vreg.gather [hbm4b:s29+s28], $0x80, v23, vm0, $0xb8;
	[tilespmem:$0x18A00] =	vst v63  }
0x9ef: {  	s4 =	simm.s32 $0x7580  }
0x9f0: {  	[tilespmem:s4], [sflag:$0x1] =	stream.indirect_vreg.gather [hbm4b:s29+s28], $0x80, v20, vm0, $0xb8;
	[tilespmem:$0x18A00] =	vst v63  }
0x9f1: {  	v20 =	vld [tilespmem:$0x5E0];
	_ =	sdelay $0x4  }
0x9f2: {  	v21 =	vshll.u32 v20, $0x2  }
0x9f3: {  	v20 =	vand.u32 $0x7, v20;
	v21 =	vand.u32 $0xFFFFFFE0, v21  }
0x9f4: {  	v20 =	vor.u32 v20, v21  }
0x9f5: {  	v21 =	vperm.xlane v20, v4;
	_ =	sdelay $0x1  }
0x9f6: {  	v22 =	vperm.xlane v20, v6;
	v21 =	vadd.s32 v5, v21;
	_ =	sdelay $0x1  }
0x9f7: {  	v23 =	vperm.xlane v20, v3;
	v22 =	vadd.s32 v5, v22;
	_ =	sdelay $0x1  }
0x9f8: {  	s2 =	simm.s32 $0x7600;
	v40 =	vperm.xlane v20, v7;
	v23 =	vadd.s32 v5, v23  }
0x9f9: {  	[tilespmem:s2], [sflag:$0x1] =	stream.indirect_vreg.gather [hbm4b:s29+s28], $0x80, v21, vm0, $0xb8;
	[tilespmem:$0x18A00] =	vst v63  }
0x9fa: {  	s4 =	simm.s32 $0x7680;
	v41 =	vperm.xlane v20, v8;
	v21 =	vadd.s32 v5, v40  }
0x9fb: {  	[tilespmem:s4], [sflag:$0x1] =	stream.indirect_vreg.gather [hbm4b:s29+s28], $0x80, v22, vm0, $0xb8;
	[tilespmem:$0x18A00] =	vst v63  }
0x9fc: {  	v42 =	vperm.xlane v20, v9;
	s2 =	simm.s32 $0x7700;
	v22 =	vadd.s32 v5, v41  }
0x9fd: {  	[tilespmem:s2], [sflag:$0x1] =	stream.indirect_vreg.gather [hbm4b:s29+s28], $0x80, v23, vm0, $0xb8;
	[tilespmem:$0x18A00] =	vst v63  }
0x9fe: {  	v43 =	vperm.xlane v20, v10;
	s4 =	simm.s32 $0x7780;
	v23 =	vadd.s32 v5, v42  }
0x9ff: {  	[tilespmem:s4], [sflag:$0x1] =	stream.indirect_vreg.gather [hbm4b:s29+s28], $0x80, v21, vm0, $0xb8;
	[tilespmem:$0x18A00] =	vst v63  }
0xa00: {  	v44 =	vperm.xlane v20, v2;
	s2 =	simm.s32 $0x7800;
	v21 =	vadd.s32 v5, v43  }
0xa01: {  	[tilespmem:s2], [sflag:$0x1] =	stream.indirect_vreg.gather [hbm4b:s29+s28], $0x80, v22, vm0, $0xb8;
	[tilespmem:$0x18A00] =	vst v63  }
0xa02: {  	v45 =	vperm.xlane v20, v11;
	s4 =	simm.s32 $0x7880;
	v22 =	vadd.s32 v5, v44  }
0xa03: {  	[tilespmem:s4], [sflag:$0x1] =	stream.indirect_vreg.gather [hbm4b:s29+s28], $0x80, v23, vm0, $0xb8;
	[tilespmem:$0x18A00] =	vst v63  }
0xa04: {  	v46 =	vperm.xlane v20, v12;
	s2 =	simm.s32 $0x7900;
	v23 =	vadd.s32 v5, v45  }
0xa05: {  	[tilespmem:s2], [sflag:$0x1] =	stream.indirect_vreg.gather [hbm4b:s29+s28], $0x80, v21, vm0, $0xb8;
	[tilespmem:$0x18A00] =	vst v63  }
0xa06: {  	v47 =	vperm.xlane v20, v13;
	s4 =	simm.s32 $0x7980;
	v21 =	vadd.s32 v5, v46  }
0xa07: {  	[tilespmem:s4], [sflag:$0x1] =	stream.indirect_vreg.gather [hbm4b:s29+s28], $0x80, v22, vm0, $0xb8;
	[tilespmem:$0x18A00] =	vst v63  }
0xa08: {  	v48 =	vperm.xlane v20, v14;
	s2 =	simm.s32 $0x7A00;
	v22 =	vadd.s32 v5, v47  }
0xa09: {  	[tilespmem:s2], [sflag:$0x1] =	stream.indirect_vreg.gather [hbm4b:s29+s28], $0x80, v23, vm0, $0xb8;
	[tilespmem:$0x18A00] =	vst v63  }
0xa0a: {  	v49 =	vperm.xlane v20, v15;
	s4 =	simm.s32 $0x7A80;
	v23 =	vadd.s32 v5, v48  }
0xa0b: {  	[tilespmem:s4], [sflag:$0x1] =	stream.indirect_vreg.gather [hbm4b:s29+s28], $0x80, v21, vm0, $0xb8;
	[tilespmem:$0x18A00] =	vst v63  }
0xa0c: {  	v50 =	vperm.xlane v20, v16;
	s2 =	simm.s32 $0x7B00;
	v21 =	vadd.s32 v5, v49  }
0xa0d: {  	[tilespmem:s2], [sflag:$0x1] =	stream.indirect_vreg.gather [hbm4b:s29+s28], $0x80, v22, vm0, $0xb8;
	[tilespmem:$0x18A00] =	vst v63  }
0xa0e: {  	v51 =	vperm.xlane v20, v17;
	s4 =	simm.s32 $0x7B80;
	v22 =	vadd.s32 v5, v50  }
0xa0f: {  	[tilespmem:s4], [sflag:$0x1] =	stream.indirect_vreg.gather [hbm4b:s29+s28], $0x80, v23, vm0, $0xb8;
	[tilespmem:$0x18A00] =	vst v63  }
0xa10: {  	v20 =	vperm.xlane v20, v18;
	s2 =	simm.s32 $0x7C00;
	v23 =	vadd.s32 v5, v51  }
0xa11: {  	[tilespmem:s2], [sflag:$0x1] =	stream.indirect_vreg.gather [hbm4b:s29+s28], $0x80, v21, vm0, $0xb8;
	[tilespmem:$0x18A00] =	vst v63  }
0xa12: {  	v20 =	vadd.s32 v5, v20;
	s4 =	simm.s32 $0x7C80  }
0xa13: {  	[tilespmem:s4], [sflag:$0x1] =	stream.indirect_vreg.gather [hbm4b:s29+s28], $0x80, v22, vm0, $0xb8;
	[tilespmem:$0x18A00] =	vst v63  }
0xa14: {  	s2 =	simm.s32 $0x7D00  }
0xa15: {  	[tilespmem:s2], [sflag:$0x1] =	stream.indirect_vreg.gather [hbm4b:s29+s28], $0x80, v23, vm0, $0xb8;
	[tilespmem:$0x18A00] =	vst v63  }
0xa16: {  	s4 =	simm.s32 $0x7D80  }
0xa17: {  	[tilespmem:s4], [sflag:$0x1] =	stream.indirect_vreg.gather [hbm4b:s29+s28], $0x80, v20, vm0, $0xb8;
	[tilespmem:$0x18A00] =	vst v63  }
0xa18: {  	v20 =	vld [tilespmem:$0x5F0];
	_ =	sdelay $0x4  }
0xa19: {  	v21 =	vshll.u32 v20, $0x2  }
0xa1a: {  	v20 =	vand.u32 $0x7, v20;
	v21 =	vand.u32 $0xFFFFFFE0, v21  }
0xa1b: {  	v20 =	vor.u32 v20, v21  }
0xa1c: {  	v21 =	vperm.xlane v20, v4;
	_ =	sdelay $0x1  }
0xa1d: {  	v22 =	vperm.xlane v20, v6;
	v21 =	vadd.s32 v5, v21;
	_ =	sdelay $0x1  }
0xa1e: {  	v23 =	vperm.xlane v20, v3;
	v22 =	vadd.s32 v5, v22;
	_ =	sdelay $0x1  }
0xa1f: {  	s2 =	simm.s32 $0x7E00;
	v52 =	vperm.xlane v20, v7;
	v23 =	vadd.s32 v5, v23  }
0xa20: {  	[tilespmem:s2], [sflag:$0x1] =	stream.indirect_vreg.gather [hbm4b:s29+s28], $0x80, v21, vm0, $0xb8;
	[tilespmem:$0x18A00] =	vst v63  }
0xa21: {  	s4 =	simm.s32 $0x7E80;
	v53 =	vperm.xlane v20, v8;
	v21 =	vadd.s32 v5, v52  }
0xa22: {  	[tilespmem:s4], [sflag:$0x1] =	stream.indirect_vreg.gather [hbm4b:s29+s28], $0x80, v22, vm0, $0xb8;
	[tilespmem:$0x18A00] =	vst v63  }
0xa23: {  	v54 =	vperm.xlane v20, v9;
	s2 =	simm.s32 $0x7F00;
	v22 =	vadd.s32 v5, v53  }
0xa24: {  	[tilespmem:s2], [sflag:$0x1] =	stream.indirect_vreg.gather [hbm4b:s29+s28], $0x80, v23, vm0, $0xb8;
	[tilespmem:$0x18A00] =	vst v63  }
0xa25: {  	v55 =	vperm.xlane v20, v10;
	s4 =	simm.s32 $0x7F80;
	v23 =	vadd.s32 v5, v54  }
0xa26: {  	[tilespmem:s4], [sflag:$0x1] =	stream.indirect_vreg.gather [hbm4b:s29+s28], $0x80, v21, vm0, $0xb8;
	[tilespmem:$0x18A00] =	vst v63  }
0xa27: {  	v56 =	vperm.xlane v20, v2;
	v21 =	vadd.s32 v5, v55  }
0xa28: {  	[tilespmem:s3], [sflag:$0x1] =	stream.indirect_vreg.gather [hbm4b:s29+s28], $0x80, v22, vm0, $0xb8;
	[tilespmem:$0x18A00] =	vst v63  }
0xa29: {  	v57 =	vperm.xlane v20, v11;
	v22 =	vadd.s32 v5, v56  }
0xa2a: {  	[tilespmem:s13], [sflag:$0x1] =	stream.indirect_vreg.gather [hbm4b:s29+s28], $0x80, v23, vm0, $0xb8;
	[tilespmem:$0x18A00] =	vst v63  }
0xa2b: {  	v58 =	vperm.xlane v20, v12;
	v23 =	vadd.s32 v5, v57  }
0xa2c: {  	[tilespmem:s15], [sflag:$0x1] =	stream.indirect_vreg.gather [hbm4b:s29+s28], $0x80, v21, vm0, $0xb8;
	[tilespmem:$0x18A00] =	vst v63  }
0xa2d: {  	v59 =	vperm.xlane v20, v13;
	v21 =	vadd.s32 v5, v58  }
0xa2e: {  	[tilespmem:s22], [sflag:$0x1] =	stream.indirect_vreg.gather [hbm4b:s29+s28], $0x80, v22, vm0, $0xb8;
	[tilespmem:$0x18A00] =	vst v63  }
0xa2f: {  	v60 =	vperm.xlane v20, v14;
	v22 =	vadd.s32 v5, v59  }
0xa30: {  	[tilespmem:s21], [sflag:$0x1] =	stream.indirect_vreg.gather [hbm4b:s29+s28], $0x80, v23, vm0, $0xb8;
	[tilespmem:$0x18A00] =	vst v63  }
0xa31: {  	v61 =	vperm.xlane v20, v15;
	v23 =	vadd.s32 v5, v60  }
0xa32: {  	[tilespmem:s20], [sflag:$0x1] =	stream.indirect_vreg.gather [hbm4b:s29+s28], $0x80, v21, vm0, $0xb8;
	[tilespmem:$0x18A00] =	vst v63  }
0xa33: {  	v62 =	vperm.xlane v20, v16;
	v21 =	vadd.s32 v5, v61  }
0xa34: {  	[tilespmem:s19], [sflag:$0x1] =	stream.indirect_vreg.gather [hbm4b:s29+s28], $0x80, v22, vm0, $0xb8;
	[tilespmem:$0x18A00] =	vst v63  }
0xa35: {  	v63 =	vperm.xlane v20, v17;
	v22 =	vadd.s32 v5, v62  }
0xa36: {  	[tilespmem:s11], [sflag:$0x1] =	stream.indirect_vreg.gather [hbm4b:s29+s28], $0x80, v23, vm0, $0xb8;
	[tilespmem:$0x18A00] =	vst v63  }
0xa37: {  	v20 =	vperm.xlane v20, v18;
	v23 =	vadd.s32 v5, v63  }
0xa38: {  	[tilespmem:s18], [sflag:$0x1] =	stream.indirect_vreg.gather [hbm4b:s29+s28], $0x80, v21, vm0, $0xb8;
	[tilespmem:$0x18A00] =	vst v63  }
0xa39: {  	v20 =	vadd.s32 v5, v20  }
0xa3a: {  	[tilespmem:s10], [sflag:$0x1] =	stream.indirect_vreg.gather [hbm4b:s29+s28], $0x80, v22, vm0, $0xb8;
	[tilespmem:$0x18A00] =	vst v63  }
0xa3b: {  	_ = 	snop  }
0xa3c: {  	[tilespmem:s17], [sflag:$0x1] =	stream.indirect_vreg.gather [hbm4b:s29+s28], $0x80, v23, vm0, $0xb8;
	[tilespmem:$0x18A00] =	vst v63  }
0xa3d: {  	_ = 	snop  }
0xa3e: {  	[tilespmem:s16], [sflag:$0x1] =	stream.indirect_vreg.gather [hbm4b:s29+s28], $0x80, v20, vm0, $0xb8;
	[tilespmem:$0x18A00] =	vst v63  }
0xa3f: {  	_ =	swait.ge [sflag:s25], $0x4000  }
0xa40: {  	[sflag:s25] =	ssyncset.done $0x0  }
0xa41: {  	[sflag:s25] =	ssyncadd.s32 $0xFFFFC000  }
0xa42: {  	_ =	swait.ge [sflag:s25], $0x4000  }
0xa43: {  	[sflag:s25] =	ssyncset.done $0x0  }
0xa44: {  	[sflag:s25] =	ssyncadd.s32 $0xFFFFC000  }
0xa45: {  	v20 =	vld [tilespmem:s7+$0x100];
	_ =	sdelay $0x4  }
0xa46: {  	(v2sf) =	vpush v20, $0x0;
	_ =	sdelay $0xd  }
0xa47: {  	s2 =	simm.s32 $0x100  }
0xa48: {  	v20 =	vmov s2;
	s4 =	spop (v2sf)  }
0xa49: {  	v21 =	vshll.u32 v20, $0x7;
	s2 =	sand.u32 $0x7F, s4  }
0xa4a: {  	v21 =	vor.u32 v19, v21;
	v20 =	vmov s2  }
0xa4b: {  	v21 =	vor.u32 v20, v21;
	_ =	sdelay $0x1  }
0xa4c: {  	s4 =	simm.s32 $0x110  }
0xa4d: {  	v22 =	vmov s4  }
0xa4e: {  	v22 =	vshll.u32 v22, $0x7  }
0xa4f: {  	v23 =	vor.u32 v19, v22;
	v22 =	vld.idx.msk [tilespmem:v21+s14+$0x0], $0xffff  }
0xa50: {  	v21 =	vor.u32 v20, v23  }
0xa51: {  	s30 =	simm.s32 $0x10  }
0xa52: {  	s31 =	sand.u32 $0x200, s28;
	s0 =	simm.s32 $0x120;
	s2 =	sand.u32 $0x70, s28  }
0xa53: {  	s29 =	simm.s32 $0x20;
	s4 =	sor.u32 s2, s31;
	s31 =	simm.s32 $0x30  }
.LBB2_12:
0xa54: {  	p0 =	sne.s32 s31, $0xF0;
	v23 =	vmov s0;
	[tilespmem:s4+$0x18680] =	vst v22;
	s0 =	smov.u32 s29;
	s29 =	smov.u32 s31  }
0xa55: {  	v23 =	vshll.u32 v23, $0x7;
	v22 =	vld.idx.msk [tilespmem:v21+s14+$0x0], $0xffff  }
.Ltmp5:
0xa56: {  	v21 =	vor.u32 v19, v23;
	(pc) =	sbr.rel @p0 .LBB2_12-.Ltmp5, $4  }
0xa57: {  	v21 =	vor.u32 v20, v21  }
0xa58: {  	s28 =	sadd.s32 $0x40, s28  }
0xa59: {  	s4 =	sand.u32 $0x70, s30;
	s2 =	sand.u32 $0x200, s28;
	s30 =	smov.u32 s0  }
0xa5a: {  	s31 =	sadd.s32 $0x10, s31;
	s0 =	sadd.s32 $0x100, s29;
	s4 =	sor.u32 s4, s2  }
0xa5b: {  	_ =	sdelay $0x1  }
0xa5c: {  	v23 =	vmov s0  }
0xa5d: {  	[tilespmem:s4+$0x18680] =	vst v22;
	v22 =	vshll.u32 v23, $0x7  }
0xa5e: {  	v21 =	vld.idx.msk [tilespmem:v21+s14+$0x0], $0xffff;
	v22 =	vor.u32 v19, v22  }
0xa5f: {  	v20 =	vor.u32 v20, v22  }
0xa60: {  	s0 =	sadd.s32 $0x40, s28  }
0xa61: {  	s2 =	sand.u32 $0x70, s30;
	s4 =	sand.u32 $0x200, s0  }
0xa62: {  	s2 =	sor.u32 s2, s4  }
0xa63: {  	[tilespmem:s2+$0x18680] =	vst v21  }
0xa64: {  	v20 =	vld.idx.msk [tilespmem:v20+s14+$0x0], $0xffff;
	_ =	sdelay $0x1  }
0xa65: {  	s0 =	sadd.s32 $0x40, s0  }
0xa66: {  	s4 =	sand.u32 $0x70, s29;
	s0 =	sand.u32 $0x200, s0  }
0xa67: {  	s0 =	sor.u32 s4, s0  }
0xa68: {  	[tilespmem:s0+$0x18680] =	vst v20  }
0xa69: {  	_ =	swait.ge [sflag:s24], $0x4000  }
0xa6a: {  	[sflag:s24] =	ssyncset.done $0x0  }
0xa6b: {  	[sflag:s24] =	ssyncadd.s32 $0xFFFFC000  }
0xa6c: {  	_ =	swait.ge [sflag:s24], $0x4000  }
0xa6d: {  	[sflag:s24] =	ssyncset.done $0x0  }
0xa6e: {  	[sflag:s24] =	ssyncadd.s32 $0xFFFFC000  }
0xa6f: {  	v20 =	vld [tilespmem:s8+$0x100];
	_ =	sdelay $0x4  }
0xa70: {  	(v2sf) =	vpush v20, $0x0;
	_ =	sdelay $0xd  }
0xa71: {  	s2 =	simm.s32 $0x200  }
0xa72: {  	v20 =	vmov s2;
	s4 =	spop (v2sf)  }
0xa73: {  	v21 =	vshll.u32 v20, $0x7;
	s2 =	sand.u32 $0x7F, s4  }
0xa74: {  	v21 =	vor.u32 v19, v21;
	v20 =	vmov s2  }
0xa75: {  	v21 =	vor.u32 v20, v21;
	_ =	sdelay $0x1  }
0xa76: {  	s4 =	simm.s32 $0x210  }
0xa77: {  	v22 =	vmov s4  }
0xa78: {  	v22 =	vshll.u32 v22, $0x7  }
0xa79: {  	v23 =	vor.u32 v19, v22;
	v22 =	vld.idx.msk [tilespmem:v21+s14+$0x0], $0xffff  }
0xa7a: {  	v21 =	vor.u32 v20, v23  }
0xa7b: {  	s30 =	simm.s32 $0x10;
	s29 =	simm.s32 $0x0  }
0xa7c: {  	s28 =	simm.s32 $0x20;
	s2 =	sand.u32 $0x70, s29;
	s4 =	sand.u32 $0x200, s29  }
0xa7d: {  	s31 =	simm.s32 $0x30;
	s0 =	simm.s32 $0x220;
	s4 =	sor.u32 s2, s4  }
.LBB2_14:
0xa7e: {  	p0 =	sne.s32 s31, $0xF0;
	v23 =	vmov s0;
	[tilespmem:s4+$0x18700] =	vst v22;
	s0 =	smov.u32 s28;
	s28 =	smov.u32 s31  }
0xa7f: {  	v23 =	vshll.u32 v23, $0x7;
	v22 =	vld.idx.msk [tilespmem:v21+s14+$0x0], $0xffff  }
.Ltmp6:
0xa80: {  	v21 =	vor.u32 v19, v23;
	(pc) =	sbr.rel @p0 .LBB2_14-.Ltmp6, $4  }
0xa81: {  	v21 =	vor.u32 v20, v21  }
0xa82: {  	s29 =	sadd.s32 $0x40, s29  }
0xa83: {  	s2 =	sand.u32 $0x70, s30;
	s4 =	sand.u32 $0x200, s29;
	s30 =	smov.u32 s0  }
0xa84: {  	s31 =	sadd.s32 $0x10, s31;
	s0 =	sadd.s32 $0x200, s28;
	s4 =	sor.u32 s2, s4  }
0xa85: {  	_ =	sdelay $0x1  }
0xa86: {  	v23 =	vmov s0  }
0xa87: {  	[tilespmem:s4+$0x18700] =	vst v22;
	v22 =	vshll.u32 v23, $0x7  }
0xa88: {  	v21 =	vld.idx.msk [tilespmem:v21+s14+$0x0], $0xffff;
	v22 =	vor.u32 v19, v22  }
0xa89: {  	v20 =	vor.u32 v20, v22  }
0xa8a: {  	s0 =	sadd.s32 $0x40, s29  }
0xa8b: {  	s2 =	sand.u32 $0x70, s30;
	s4 =	sand.u32 $0x200, s0  }
0xa8c: {  	s2 =	sor.u32 s2, s4  }
0xa8d: {  	[tilespmem:s2+$0x18700] =	vst v21  }
0xa8e: {  	v20 =	vld.idx.msk [tilespmem:v20+s14+$0x0], $0xffff;
	_ =	sdelay $0x1  }
0xa8f: {  	s0 =	sadd.s32 $0x40, s0  }
0xa90: {  	s4 =	sand.u32 $0x70, s28;
	s0 =	sand.u32 $0x200, s0  }
0xa91: {  	s0 =	sor.u32 s4, s0  }
0xa92: {  	[tilespmem:s0+$0x18700] =	vst v20  }
0xa93: {  	_ =	swait.ge [sflag:s23], $0x4000  }
0xa94: {  	[sflag:s23] =	ssyncset.done $0x0  }
0xa95: {  	[sflag:s23] =	ssyncadd.s32 $0xFFFFC000  }
0xa96: {  	_ =	swait.ge [sflag:s23], $0x4000  }
0xa97: {  	[sflag:s23] =	ssyncset.done $0x0  }
0xa98: {  	[sflag:s23] =	ssyncadd.s32 $0xFFFFC000  }
0xa99: {  	v20 =	vld [tilespmem:s9+$0x100];
	_ =	sdelay $0x4  }
0xa9a: {  	(v2sf) =	vpush v20, $0x0;
	_ =	sdelay $0xd  }
0xa9b: {  	s28 =	simm.s32 $0x0  }
0xa9c: {  	v20 =	vmov s28;
	s4 =	spop (v2sf)  }
0xa9d: {  	v21 =	vshll.u32 v20, $0x7;
	s0 =	sand.u32 $0x7F, s4  }
0xa9e: {  	v21 =	vor.u32 v19, v21;
	v20 =	vmov s0  }
0xa9f: {  	v21 =	vor.u32 v20, v21;
	_ =	sdelay $0x3  }
0xaa0: {  	s29 =	simm.s32 $0x10  }
0xaa1: {  	v23 =	vld.idx.msk [tilespmem:v21+s14+$0x0], $0xffff;
	v21 =	vmov s29  }
0xaa2: {  	v21 =	vshll.u32 v21, $0x7  }
0xaa3: {  	v21 =	vor.u32 v19, v21  }
0xaa4: {  	v21 =	vor.u32 v20, v21;
	_ =	sdelay $0x1  }
0xaa5: {  	s2 =	sand.u32 $0x70, s28;
	s4 =	sand.u32 $0x200, s28  }
0xaa6: {  	s30 =	simm.s32 $0x20;
	s0 =	sor.u32 s2, s4  }
0xaa7: {  	s31 =	simm.s32 $0x30;
	v22 =	vmov s30;
	[tilespmem:s0+$0x18780] =	vst v23  }
.LBB2_16:
0xaa8: {  	p0 =	sne.s32 s31, $0xF0;
	v22 =	vshll.u32 v22, $0x7;
	v23 =	vld.idx.msk [tilespmem:v21+s14+$0x0], $0xffff  }
0xaa9: {  	v21 =	vor.u32 v19, v22  }
.Ltmp7:
0xaaa: {  	v21 =	vor.u32 v20, v21;
	(pc) =	sbr.rel @p0 .LBB2_16-.Ltmp7, $4  }
0xaab: {  	s28 =	sadd.s32 $0x40, s28  }
0xaac: {  	s0 =	sand.u32 $0x70, s29;
	s29 =	smov.u32 s30;
	s2 =	sand.u32 $0x200, s28  }
0xaad: {  	s30 =	smov.u32 s31;
	s0 =	sor.u32 s0, s2  }
0xaae: {  	s31 =	sadd.s32 $0x10, s31;
	v22 =	vmov s30;
	[tilespmem:s0+$0x18780] =	vst v23  }
0xaaf: {  	_ =	sdelay $0x2  }
0xab0: {  	v22 =	vshll.u32 v22, $0x7  }
0xab1: {  	v21 =	vld.idx.msk [tilespmem:v21+s14+$0x0], $0xffff;
	v19 =	vor.u32 v19, v22  }
0xab2: {  	v19 =	vor.u32 v20, v19  }
0xab3: {  	s0 =	sadd.s32 $0x40, s28  }
0xab4: {  	s2 =	sand.u32 $0x70, s29;
	s4 =	sand.u32 $0x200, s0  }
0xab5: {  	s2 =	sor.u32 s2, s4  }
0xab6: {  	[tilespmem:s2+$0x18780] =	vst v21  }
0xab7: {  	v19 =	vld.idx.msk [tilespmem:v19+s14+$0x0], $0xffff;
	_ =	sdelay $0x1  }
0xab8: {  	s0 =	sadd.s32 $0x40, s0  }
0xab9: {  	s31 =	sand.u32 $0x70, s30;
	s0 =	sand.u32 $0x200, s0  }
0xaba: {  	s29 =	simm.s32 $0x400;
	s0 =	sor.u32 s31, s0  }
0xabb: {  	s30 =	simm.s32 $0x18600;
	s4 =	simm.s32 $0x200;
	s2 =	rddreg [dreg:$0x5];
	[tilespmem:s0+$0x18780] =	vst v19  }
0xabc: {  	[hbm4b:s2+s4] =	stream.strided.scatter [tilespmem:s30], [sflag:$0x4], $0x400, s29, s4, $0x38;
	[tilespmem:$0x18A00] =	vst v63  }
0xabd: {  	_ =	swait.ge [sflag:s12], $0x400  }
0xabe: {  	s26 =	sadd.s32 $0x1, s26;
	s31 =	rddreg [dreg:$0x6]  }
0xabf: {  	p0 =	sne.s32 s26, s31  }
.Ltmp8:
0xac0: {  	_ = 	snop;
	(pc) =	sbr.rel @p0 .LBB2_1-.Ltmp8, $3  }
0xac1: {  	_ =	sdelay $0x1  }
0xac2: {  	[sflag:s12] =	ssyncset.done $0x0  }
0xac3: {  	[sflag:s12] =	ssyncadd.s32 $0xFFFFFC00  }
0xac4: {  	_ =	sfence.sel $0x180000  }
0xac5: {  	[bflag:$0x0] =	sbarrier.arrive $0xFFFF  }
0xac6: {  	_ =	strace $0x90000047  }
0xac7: {  	s0 =	stileid.u32;
	[bflag:$0x2] =	sbarrier.arrive $0xFFFF  }
0xac8: {  	p0 =	sne.s32 s0, $0x0;
	s0 =	rddreg [dreg:$0x4]  }
0xac9: {  	s0 =	sadd.s32 @!p0 $0x100000, s0  }
0xaca: {  	[sflag:s0] =	ssyncadd.tile.s32 @!p0 $0x1;
	_ =	shalt  }
.Lfunc_end2:
_tile_overlayer_lowered:
.L_overlay_start_2:
0xacb: {  	(tag) =	ssettag $0x2  }
0xacc: {  	s0 =	rddreg [dreg:$0x0];
	s2 =	stileid.u32  }
0xacd: {  	s1 =	rddreg [dreg:$0x1];
	p0 =	sne.s32 s2, $0x0  }
0xace: {  	s3 =	rddreg [dreg:$0x2];
	[bflag:$0x3] =	sbarrier.arrive $0xFFFF;
	s2 =	simm.s32 @!p0 $0x1C04  }
0xacf: {  	[timem:s3], [sflag:s2] =	dma.local @!p0 [hbm:s0], s1  }
0xad0: {  	s0 =	simm.s32 @!p0 $0x4  }
0xad1: {  	_ =	swait.ge @!p0 [sflag:s0], s1  }
0xad2: {  	s1 =	ssub.s32 @!p0 $0x0, s1;
	[sflag:s0] =	ssyncset.done @!p0 $0x0  }
0xad3: {  	[sflag:s0] =	ssyncadd.s32 @!p0 s1  }
0xad4: {  	[bflag:$0x3] =	sbarrier.arrive $0xFFFF  }
0xad5: {  	_ =	shalt  }

</sc_bundles>
